<compile_context>
chip_gen: v7x
topology: tpu7x:2x2x1
jax: 0.10.2.dev20260603
libtpu: 0.0.44.dev20260713+nightly
codegen_flags: <defaults>
</compile_context>

<pallas_src>
import functools

import jax
import jax.numpy as jnp
from jax import lax
from jax.experimental import pallas as pl
from jax.experimental.pallas import tpu as pltpu
from jax.experimental.pallas import tpu_sc as plsc

KNN = 20
PW = 128
NEG_SLOPE = 0.2
SC_CORES = 2
SC_SUBCORES = 16


def _prep_body(cin, xt_ref, xa_ref):
    xt = xt_ref[...]
    xc = xt[:, :cin]
    ns = jnp.sum(xc * xc, axis=1, keepdims=True)
    rb = xt.shape[0]
    pad = jnp.zeros((rb, PW - cin - 1), jnp.float32)
    xa_ref[...] = jnp.concatenate([xc, -ns, pad], axis=1)


def _prep(xt, cin):
    bnt, cp = xt.shape
    rb = 2048
    return pl.pallas_call(
        functools.partial(_prep_body, cin),
        grid=(bnt // rb,),
        in_specs=[pl.BlockSpec((rb, cp), lambda i: (i, 0))],
        out_specs=pl.BlockSpec((rb, PW), lambda i: (i, 0)),
        out_shape=jax.ShapeDtypeStruct((bnt, PW), jnp.float32),
    )(xt)


def _knn_body(cin, n, xa_blk_ref, xa_full_ref, negns_ref, idx_ref):
    b = pl.program_id(0)
    xab = xa_blk_ref[...]
    bt = xab.shape[0]
    lane = lax.broadcasted_iota(jnp.int32, (1, PW), 1)
    mult = jnp.where(lane < cin, 1.0, 0.0).astype(jnp.float32)
    aug = xab * mult
    dotv = lax.dot_general(aug, xa_full_ref[...], (((1,), (1,)), ((), ())),
                           preferred_element_type=jnp.float32)
    inner = -2.0 * dotv
    dmat = (xab[:, cin:cin + 1] - inner) + negns_ref[0]
    colid = lax.broadcasted_iota(jnp.int32, (bt, n), 1)
    neg_inf = jnp.float32(-jnp.inf)
    vals = dmat
    cols = []
    for _ in range(KNN):
        m = jnp.max(vals, axis=1, keepdims=True)
        cand = jnp.where(vals == m, colid, n)
        j = jnp.min(cand, axis=1, keepdims=True)
        vals = jnp.where(cand == j, neg_inf, vals)
        cols.append(j)
    idx_ref[...] = jnp.concatenate(cols, axis=1) + b * n


def _knn(xa, cin, b, n):
    bt = 512
    nb = n // bt
    negns = xa[:, cin].reshape(b, 1, n)
    return pl.pallas_call(
        functools.partial(_knn_body, cin, n),
        grid=(b, nb),
        in_specs=[
            pl.BlockSpec((bt, PW), lambda bi, ni: (bi * nb + ni, 0)),
            pl.BlockSpec((n, PW), lambda bi, ni: (bi, 0)),
            pl.BlockSpec((1, 1, n), lambda bi, ni: (bi, 0, 0)),
        ],
        out_specs=pl.BlockSpec((bt, KNN), lambda bi, ni: (bi * nb + ni, 0)),
        out_shape=jax.ShapeDtypeStruct((b * n, KNN), jnp.int32),
    )(xa, xa, negns)


def _make_gather(rows_total, cp):
    nw = SC_CORES * SC_SUBCORES
    per_w = rows_total // nw
    glen = 128
    gpc = 2
    chunk_rows = glen * gpc
    nch = per_w // chunk_rows
    assert per_w % chunk_rows == 0
    mesh = plsc.VectorSubcoreMesh(core_axis_name="c", subcore_axis_name="s",
                                  num_cores=SC_CORES, num_subcores=SC_SUBCORES)

    def body(idx_hbm, xt_hbm, xg_hbm, idx_v0, idx_v1, rows_v0, rows_v1,
             gsem0, gsem1, osem):
        wid = lax.axis_index("s") * SC_CORES + lax.axis_index("c")
        base = wid * per_w
        idx_b = (idx_v0, idx_v1)
        rows_b = (rows_v0, rows_v1)
        gsem_b = (gsem0, gsem1)

        def start(ci, buf):
            r0 = base + ci * chunk_rows
            pltpu.sync_copy(idx_hbm.at[pl.ds(r0, chunk_rows)], idx_b[buf])
            for g in range(gpc):
                pltpu.async_copy(
                    xt_hbm.at[idx_b[buf].at[pl.ds(g * glen, glen)]],
                    rows_b[buf].at[pl.ds(g * glen, glen)], gsem_b[buf])

        start(0, 0)

        def pair(i, carry):
            for half in (0, 1):
                ci = 2 * i + half

                @pl.when(ci >= 1)
                def _():
                    pltpu.make_async_copy(
                        rows_b[1 - half],
                        xg_hbm.at[pl.ds(base, chunk_rows)], osem).wait()

                @pl.when(ci + 1 < nch)
                def _():
                    start(ci + 1, 1 - half)

                for g in range(gpc):
                    pltpu.make_async_copy(
                        xt_hbm.at[pl.ds(0, glen)],
                        rows_b[half].at[pl.ds(g * glen, glen)],
                        gsem_b[half]).wait()
                pltpu.async_copy(
                    rows_b[half],
                    xg_hbm.at[pl.ds(base + ci * chunk_rows, chunk_rows)],
                    osem)
            return carry

        lax.fori_loop(0, nch // 2, pair, 0, unroll=False)
        pltpu.make_async_copy(rows_b[(nch - 1) % 2],
                              xg_hbm.at[pl.ds(base, chunk_rows)], osem).wait()

    return pl.kernel(
        body,
        out_type=jax.ShapeDtypeStruct((rows_total, cp), jnp.float32),
        mesh=mesh,
        scratch_types=[
            pltpu.VMEM((chunk_rows,), jnp.int32),
            pltpu.VMEM((chunk_rows,), jnp.int32),
            pltpu.VMEM((chunk_rows, cp), jnp.float32),
            pltpu.VMEM((chunk_rows, cp), jnp.float32),
            pltpu.SemaphoreType.DMA,
            pltpu.SemaphoreType.DMA,
            pltpu.SemaphoreType.DMA,
        ],
    )


def _gather(idx_flat, xt):
    bnt, cp = xt.shape
    return _make_gather(idx_flat.shape[0], cp)(idx_flat, xt)




def _ymax_body(cin, ep, xg_ref, xt_ref, w_ref, ym_ref, st_ref):
    t = pl.program_id(1)
    xg = xg_ref[...]
    xt = xt_ref[...]
    rb = xg.shape[0]
    xj = xg[:, :cin]
    xi = xt[:, :cin]
    parts = [xj - xi, xi]
    if ep > 2 * cin:
        parts.append(jnp.zeros((rb, ep - 2 * cin), jnp.float32))
    e = jnp.concatenate(parts, axis=1)
    y = lax.dot_general(e, w_ref[...], (((1,), (1,)), ((), ())),
                        preferred_element_type=jnp.float32)
    co = y.shape[1]
    r0 = jnp.sum(y, axis=0, keepdims=True)
    r1 = jnp.sum(y * y, axis=0, keepdims=True)
    upd = jnp.concatenate([r0, r1, jnp.zeros((6, co), jnp.float32)], axis=0)

    @pl.when(t == 0)
    def _():
        ym_ref[...] = y

    @pl.when(t > 0)
    def _():
        ym_ref[...] = jnp.maximum(ym_ref[...], y)

    @pl.when((t == 0) & (pl.program_id(0) == 0))
    def _():
        st_ref[...] = jnp.zeros((8, co), jnp.float32)

    st_ref[...] += upd


def _ymax(xg, xt, w, cin, half):
    bnt, cp = xt.shape
    co, ep = w.shape
    rows = xg.shape[0] // KNN
    rb = 4096
    nc = rows // rb
    h0 = half * nc
    return pl.pallas_call(
        functools.partial(_ymax_body, cin, ep),
        grid=(nc, KNN),
        in_specs=[
            pl.BlockSpec((rb, cp), lambda ci, ti: (ti * nc + ci, 0)),
            pl.BlockSpec((rb, cp), lambda ci, ti: (h0 + ci, 0)),
            pl.BlockSpec((co, ep), lambda ci, ti: (0, 0)),
        ],
        out_specs=[
            pl.BlockSpec((rb, co), lambda ci, ti: (ci, 0)),
            pl.BlockSpec((8, co), lambda ci, ti: (0, 0)),
        ],
        out_shape=[
            jax.ShapeDtypeStruct((rows, co), jnp.float32),
            jax.ShapeDtypeStruct((8, co), jnp.float32),
        ],
    )(xg, xt, w)


def _bnapply_body(cnt, emit_xa, m_ref, st_ref, st2_ref, g_ref, b_ref, o_ref,
                  xa_ref=None):
    inv_cnt = jnp.float32(1.0 / cnt)
    st = st_ref[...] + st2_ref[...]
    mu = st[0:1, :] * inv_cnt
    var = st[1:2, :] * inv_cnt - mu * mu
    z = (m_ref[...] - mu) / jnp.sqrt(var + 1e-5) * g_ref[...] + b_ref[...]
    xc = jnp.where(z >= 0, z, NEG_SLOPE * z)
    rb, c = xc.shape
    if c < PW:
        o_ref[...] = jnp.concatenate(
            [xc, jnp.zeros((rb, PW - c), jnp.float32)], axis=1)
    else:
        o_ref[...] = xc
    if emit_xa:
        ns = jnp.sum(xc * xc, axis=1, keepdims=True)
        xa_ref[...] = jnp.concatenate(
            [xc, -ns, jnp.zeros((rb, PW - c - 1), jnp.float32)], axis=1)


def _bnapply(m, st, st2, g, bb, cnt, emit_xa):
    bnt, c = m.shape
    rb = 2048
    cp = max(c, PW)
    out_specs = [pl.BlockSpec((rb, cp), lambda i: (i, 0))]
    out_shape = [jax.ShapeDtypeStruct((bnt, cp), jnp.float32)]
    if emit_xa:
        out_specs.append(pl.BlockSpec((rb, PW), lambda i: (i, 0)))
        out_shape.append(jax.ShapeDtypeStruct((bnt, PW), jnp.float32))
    res = pl.pallas_call(
        functools.partial(_bnapply_body, cnt, emit_xa),
        grid=(bnt // rb,),
        in_specs=[
            pl.BlockSpec((rb, c), lambda i: (i, 0)),
            pl.BlockSpec((8, c), lambda i: (0, 0)),
            pl.BlockSpec((8, c), lambda i: (0, 0)),
            pl.BlockSpec((1, c), lambda i: (0, 0)),
            pl.BlockSpec((1, c), lambda i: (0, 0)),
        ],
        out_specs=out_specs,
        out_shape=out_shape,
    )(m, st, st2, g.reshape(1, c), bb.reshape(1, c))
    return res if emit_xa else (res[0], None)


def _f4_body(h1_ref, h2_ref, h3_ref, w_ref, st_ref, ym_ref):
    b = pl.program_id(0)
    q = pl.program_id(1)
    h = jnp.concatenate([h1_ref[:, :64], h2_ref[:, :64], h3_ref[...]],
                        axis=1)
    y = lax.dot_general(h, w_ref[...], (((1,), (1,)), ((), ())),
                        preferred_element_type=jnp.float32)
    co = y.shape[1]
    r0 = jnp.sum(y, axis=0, keepdims=True)
    r1 = jnp.sum(y * y, axis=0, keepdims=True)
    mx = jnp.max(y, axis=0, keepdims=True)

    @pl.when((b == 0) & (q == 0))
    def _():
        st_ref[...] = jnp.zeros((8, co), jnp.float32)
        ym_ref[...] = jnp.full((8, co), -jnp.inf, jnp.float32)

    st_ref[...] += jnp.concatenate(
        [r0, r1, jnp.zeros((6, co), jnp.float32)], axis=0)
    cur = ym_ref[pl.ds(b, 1), :]
    ym_ref[pl.ds(b, 1), :] = jnp.maximum(cur, mx)


def _f4(h1, h2, h3, w4, b, n):
    co = w4.shape[0]
    rq = 512
    nq = n // rq
    return pl.pallas_call(
        _f4_body,
        grid=(b, nq),
        in_specs=[
            pl.BlockSpec((rq, 128), lambda bi, qi: (bi * nq + qi, 0)),
            pl.BlockSpec((rq, 128), lambda bi, qi: (bi * nq + qi, 0)),
            pl.BlockSpec((rq, 256), lambda bi, qi: (bi * nq + qi, 0)),
            pl.BlockSpec((co, 384), lambda bi, qi: (0, 0)),
        ],
        out_specs=[
            pl.BlockSpec((8, co), lambda bi, qi: (0, 0)),
            pl.BlockSpec((8, co), lambda bi, qi: (0, 0)),
        ],
        out_shape=[
            jax.ShapeDtypeStruct((8, co), jnp.float32),
            jax.ShapeDtypeStruct((8, co), jnp.float32),
        ],
    )(h1, h2, h3, w4)


def _f4fin_body(cnt, st_ref, ym_ref, g_ref, b_ref, we_ref, o_ref):
    inv_cnt = jnp.float32(1.0 / cnt)
    mu = st_ref[0:1, :] * inv_cnt
    var = st_ref[1:2, :] * inv_cnt - mu * mu
    z = (ym_ref[...] - mu) / jnp.sqrt(var + 1e-5) * g_ref[...] + b_ref[...]
    z = jnp.where(z >= 0, z, NEG_SLOPE * z)
    o_ref[...] = lax.dot_general(z, we_ref[...], (((1,), (1,)), ((), ())),
                                 preferred_element_type=jnp.float32)


def _f4fin(st, ym, g4, b4, wemb, b, n):
    co, ci = wemb.shape
    return pl.pallas_call(
        functools.partial(_f4fin_body, b * n),
        in_specs=[
            pl.BlockSpec((8, ci), lambda: (0, 0)),
            pl.BlockSpec((8, ci), lambda: (0, 0)),
            pl.BlockSpec((1, ci), lambda: (0, 0)),
            pl.BlockSpec((1, ci), lambda: (0, 0)),
            pl.BlockSpec((co, ci), lambda: (0, 0)),
        ],
        out_specs=pl.BlockSpec((8, co), lambda: (0, 0)),
        out_shape=jax.ShapeDtypeStruct((8, co), jnp.float32),
    )(st, ym, g4.reshape(1, ci), b4.reshape(1, ci), wemb)


def kernel(x, W1, g1, b1, W2, g2, b2, W3, g3, b3, W4, g4, b4, Wemb):
    b, n, _ = x.shape
    bnt = b * n
    xcp = jnp.pad(x.reshape(bnt, 3), ((0, 0), (0, PW - 3)))
    w1p = jnp.pad(W1, ((0, 0), (0, 16 - 6)))
    layers = [
        (w1p, g1, b1, 3),
        (W2, g2, b2, 64),
        (W3, g3, b3, 64),
    ]
    outs = []
    xa = _prep(xcp, 3)
    hb = bnt // 2
    for li, (w, g, bb, cin) in enumerate(layers):
        idx = _knn(xa, cin, b, n)
        it0 = idx[:hb].T.reshape(hb * KNN)
        it1 = idx[hb:].T.reshape(hb * KNN)
        xg0 = _gather(it0, xcp)
        xg1 = _gather(it1, xcp)
        ym0, st0 = _ymax(xg0, xcp, w, cin, 0)
        ym1, st1 = _ymax(xg1, xcp, w, cin, 1)
        ym = jnp.concatenate([ym0, ym1], axis=0)
        xcp, xa = _bnapply(ym, st0, st1, g, bb, bnt * KNN, emit_xa=(li < 2))
        outs.append(xcp)
    st4, ym4 = _f4(outs[0], outs[1], outs[2], W4, b, n)
    return _f4fin(st4, ym4, g4, b4, Wemb, b, n)

# --- scband reference (transcript-rebuilt; emitter-appended) ---
"""Pipeline reference for scband-dgcnn-60868276519517 (READ-ONLY COPY).

The authoritative reference and input builder live on the scoring server;
editing this copy changes nothing except your own understanding.
"""

import jax, jax.numpy as jnp
import numpy as np

K = 20

def knn(x, k):
    # x: [B, C, N]
    inner = -2.0 * jnp.einsum('bcn,bcm->bnm', x, x)
    xx = jnp.sum(x * x, axis=1, keepdims=True)
    pairwise = -xx - inner - jnp.transpose(xx, (0, 2, 1))
    return jax.lax.top_k(pairwise, k)[1]  # [B, N, k]

def get_graph_features(x, k):
    # x: [B, C, N] -> edge features [B, 2C, N, k] = cat(neighbor - center, center)
    B, C, N = x.shape
    idx = knn(x, k)
    xt = jnp.transpose(x, (0, 2, 1))  # [B, N, C]
    feature = jax.vmap(lambda pts, ids: pts[ids])(xt, idx)  # [B, N, k, C]
    center = jnp.broadcast_to(xt[:, :, None, :], (B, N, k, C))
    feat = jnp.concatenate([feature - center, center], axis=-1)
    return jnp.transpose(feat, (0, 3, 1, 2))  # [B, 2C, N, k]

def bn(x, gamma, beta, axes):
    mean = jnp.mean(x, axis=axes, keepdims=True)
    var = jnp.var(x, axis=axes, keepdims=True)
    xn = (x - mean) / jnp.sqrt(var + 1e-5)
    shape = [1] * x.ndim
    shape[1] = -1
    return xn * gamma.reshape(shape) + beta.reshape(shape)

def conv_block2d(x, W, gamma, beta):
    y = jnp.einsum('oc,bcnk->bonk', W, x)
    y = bn(y, gamma, beta, (0, 2, 3))
    return jax.nn.leaky_relu(y, 0.2)

def conv_block1d(x, W, gamma, beta):
    y = jnp.einsum('oc,bcn->bon', W, x)
    y = bn(y, gamma, beta, (0, 2))
    return jax.nn.leaky_relu(y, 0.2)

def setup_inputs(seed: int = 0):
    key = jax.random.key(seed)
    ks = jax.random.split(key, 8)
    B, N = 8, 2048
    x = jax.random.normal(ks[0], (B, N, 3), dtype=jnp.float32)
    def w(k, o, i):
        return jax.random.normal(k, (o, i), dtype=jnp.float32) * (1.0 / np.sqrt(i))
    return {
        'x': x,
        'W1': w(ks[1], 64, 6),   'g1': jnp.ones((64,), jnp.float32),  'b1': jnp.zeros((64,), jnp.float32),
        'W2': w(ks[2], 64, 128), 'g2': jnp.ones((64,), jnp.float32),  'b2': jnp.zeros((64,), jnp.float32),
        'W3': w(ks[3], 256, 128),'g3': jnp.ones((256,), jnp.float32), 'b3': jnp.zeros((256,), jnp.float32),
        'W4': w(ks[4], 512, 384),'g4': jnp.ones((512,), jnp.float32), 'b4': jnp.zeros((512,), jnp.float32),
        'Wemb': w(ks[5], 256, 512),
    }

def reference(x, W1, g1, b1, W2, g2, b2, W3, g3, b3, W4, g4, b4, Wemb):
    xc = jnp.transpose(x, (0, 2, 1))  # [B, 3, N]
    outs = []
    for (W, g, b) in ((W1, g1, b1), (W2, g2, b2), (W3, g3, b3)):
        e = get_graph_features(xc, K)
        pre = conv_block2d(e, W, g, b)
        xc = jnp.max(pre, axis=-1)  # max-pool over k neighbors
        outs.append(xc)
    h = jnp.concatenate(outs, axis=1)  # [B, 384, N]
    h = conv_block1d(h, W4, g4, b4)    # [B, 512, N]
    h = jnp.max(h, axis=-1)            # [B, 512]
    return h @ Wemb.T                  # [B, 256]

if __name__ == "__main__":
    import jax
    _d = setup_inputs()
    print(jax.jit(kernel)(*tuple(_d.values())))

</pallas_src>

<mosaic_0001>
#map = affine_map<(d0, d1) -> (0)>
#map1 = affine_map<(d0, d1) -> (0, 0)>
module attributes {stable_mosaic.version = 14 : i64} {
  func.func @body(%arg0: i32, %arg1: i32, %arg2: memref<163840xi32, #tpu.memory_space<hbm>>, %arg3: memref<16384x128xf32, #tpu.memory_space<hbm>>, %arg4: memref<163840x128xf32, #tpu.memory_space<hbm>>, %arg5: memref<256xi32, #tpu.memory_space<vmem>>, %arg6: memref<256xi32, #tpu.memory_space<vmem>>, %arg7: memref<256x128xf32, #tpu.memory_space<vmem>>, %arg8: memref<256x128xf32, #tpu.memory_space<vmem>>, %arg9: memref<!tpu.dma_semaphore, #tpu.memory_space<semaphore_mem>>, %arg10: memref<!tpu.dma_semaphore, #tpu.memory_space<semaphore_mem>>, %arg11: memref<!tpu.dma_semaphore, #tpu.memory_space<semaphore_mem>>) attributes {dimension_semantics = [#tpu.dimension_semantics<core_parallel>, #tpu.dimension_semantics<subcore_parallel>], iteration_bounds = array<i64: 2, 16>, scalar_prefetch = 0 : i64, scratch_operands = 7 : i64, tpu.core_type = #tpu.core_type<sc_vector_subcore>, window_params = [{transform_indices = #map}, {transform_indices = #map1}, {transform_indices = #map1}]} {
    %mul3A = arith.constant 2 : i32
    %mul3A_0 = arith.muli %arg1, %mul3A : i32
    %add3A = arith.addi %mul3A_0, %arg0 : i32
    %mul3A_1 = arith.constant 5120 : i32
    %mul3A_2 = arith.muli %add3A, %mul3A_1 : i32
    %add3A_3 = arith.constant 0 : i32
    %add3A_4 = arith.addi %mul3A_2, %add3A_3 : i32
    "tpu.region"() ({
      %run_scoped3A = tpu.sem_alloc : memref<!tpu.dma_semaphore, #tpu.memory_space<semaphore_mem>>
      %dma_start3A_28 = tpu.memref_slice %arg2[%add3A_4] : memref<163840xi32, #tpu.memory_space<hbm>> -> memref<256xi32, #tpu.memory_space<hbm>>
      %dma_start3A_29 = tpu.memref_slice %arg2[%add3A_4] : memref<163840xi32, #tpu.memory_space<hbm>> -> memref<256xi32, #tpu.memory_space<hbm>>
      tpu.enqueue_dma source(%dma_start3A_29 : memref<256xi32, #tpu.memory_space<hbm>>) target(%arg5 : memref<256xi32, #tpu.memory_space<vmem>>) target_semaphore(%run_scoped3A : memref<!tpu.dma_semaphore, #tpu.memory_space<semaphore_mem>>)
      %dma_wait3A_30 = tpu.memref_slice %arg2[%add3A_4] : memref<163840xi32, #tpu.memory_space<hbm>> -> memref<256xi32, #tpu.memory_space<hbm>>
      %dma_wait3A_31 = tpu.memref_slice %arg2[%add3A_4] : memref<163840xi32, #tpu.memory_space<hbm>> -> memref<256xi32, #tpu.memory_space<hbm>>
      tpu.wait_dma2 semaphore(%run_scoped3A : memref<!tpu.dma_semaphore, #tpu.memory_space<semaphore_mem>>) src(%dma_wait3A_31 : memref<256xi32, #tpu.memory_space<hbm>>) dst(%arg5 : memref<256xi32, #tpu.memory_space<vmem>>)
      tpu.yield
    }) : () -> ()
    %dma_start3A = arith.constant 0 : i32
    %dma_start3A_5 = arith.constant 0 : i32
    %dma_start3A_6 = tpu.memref_slice %arg7[%dma_start3A, %dma_start3A_5] : memref<256x128xf32, #tpu.memory_space<vmem>> -> memref<128x128xf32, #tpu.memory_space<vmem>>
    %dma_start3A_7 = arith.constant 0 : i32
    %dma_start3A_8 = tpu.memref_slice %arg5[%dma_start3A_7] : memref<256xi32, #tpu.memory_space<vmem>> -> memref<128xi32, #tpu.memory_space<vmem>>
    %dma_start3A_9 = arith.constant 0 : i32
    %dma_start3A_10 = arith.constant 0 : i32
    %dma_start3A_11 = tpu.memref_slice %arg3[%dma_start3A_9, %dma_start3A_10] : memref<16384x128xf32, #tpu.memory_space<hbm>> -> memref<16384x128xf32, #tpu.memory_space<hbm>>
    tpu.enqueue_indirect_dma source(%dma_start3A_11 : memref<16384x128xf32, #tpu.memory_space<hbm>>) target(%dma_start3A_6 : memref<128x128xf32, #tpu.memory_space<vmem>>) offsets(%dma_start3A_8 : memref<128xi32, #tpu.memory_space<vmem>>) semaphore(%arg9 : memref<!tpu.dma_semaphore, #tpu.memory_space<semaphore_mem>>)
    %dma_start3A_12 = arith.constant 128 : i32
    %dma_start3A_13 = arith.constant 0 : i32
    %dma_start3A_14 = tpu.memref_slice %arg7[%dma_start3A_12, %dma_start3A_13] : memref<256x128xf32, #tpu.memory_space<vmem>> -> memref<128x128xf32, #tpu.memory_space<vmem>>
    %dma_start3A_15 = arith.constant 128 : i32
    %dma_start3A_16 = tpu.memref_slice %arg5[%dma_start3A_15] : memref<256xi32, #tpu.memory_space<vmem>> -> memref<128xi32, #tpu.memory_space<vmem>>
    %dma_start3A_17 = arith.constant 0 : i32
    %dma_start3A_18 = arith.constant 0 : i32
    %dma_start3A_19 = tpu.memref_slice %arg3[%dma_start3A_17, %dma_start3A_18] : memref<16384x128xf32, #tpu.memory_space<hbm>> -> memref<16384x128xf32, #tpu.memory_space<hbm>>
    tpu.enqueue_indirect_dma source(%dma_start3A_19 : memref<16384x128xf32, #tpu.memory_space<hbm>>) target(%dma_start3A_14 : memref<128x128xf32, #tpu.memory_space<vmem>>) offsets(%dma_start3A_16 : memref<128xi32, #tpu.memory_space<vmem>>) semaphore(%arg9 : memref<!tpu.dma_semaphore, #tpu.memory_space<semaphore_mem>>)
    %scan3A = arith.constant 0 : i32
    %scan3A_20 = arith.constant 0 : i32
    %scan3A_21 = arith.constant 10 : i32
    %scan3A_22 = arith.addi %scan3A_20, %scan3A_21 : i32
    %scan3A_23 = arith.constant 1 : i32
    scf.for %scan3A_28 = %scan3A_20 to %scan3A_22 step %scan3A_23  : i32 {
      %mul3A_29 = arith.constant 2 : i32
      %mul3A_30 = arith.muli %mul3A_29, %scan3A_28 : i32
      %add3A_31 = arith.constant 0 : i32
      %add3A_32 = arith.addi %mul3A_30, %add3A_31 : i32
      %ge3A = arith.constant 1 : i32
      %ge3A_33 = arith.cmpi sge, %add3A_32, %ge3A : i32
      %convert_element_type3A = arith.extui %ge3A_33 : i1 to i32
      %cond3A = arith.constant 0 : i32
      %cond3A_34 = arith.cmpi ne, %convert_element_type3A, %cond3A : i32
      scf.if %cond3A_34 {
        %dma_wait3A_119 = arith.constant 0 : i32
        %dma_wait3A_120 = tpu.memref_slice %arg4[%mul3A_2, %dma_wait3A_119] : memref<163840x128xf32, #tpu.memory_space<hbm>> -> memref<256x128xf32, #tpu.memory_space<hbm>>
        %dma_wait3A_121 = arith.constant 0 : i32
        %dma_wait3A_122 = tpu.memref_slice %arg4[%mul3A_2, %dma_wait3A_121] : memref<163840x128xf32, #tpu.memory_space<hbm>> -> memref<256x128xf32, #tpu.memory_space<hbm>>
        tpu.wait_dma2 semaphore(%arg11 : memref<!tpu.dma_semaphore, #tpu.memory_space<semaphore_mem>>) src(%arg8 : memref<256x128xf32, #tpu.memory_space<vmem>>) dst(%dma_wait3A_122 : memref<256x128xf32, #tpu.memory_space<hbm>>)
      } else {
      }
      %add3A_35 = arith.constant 1 : i32
      %add3A_36 = arith.addi %add3A_32, %add3A_35 : i32
      %lt3A = arith.constant 20 : i32
      %lt3A_37 = arith.cmpi slt, %add3A_36, %lt3A : i32
      %convert_element_type3A_38 = arith.extui %lt3A_37 : i1 to i32
      %cond3A_39 = arith.constant 0 : i32
      %cond3A_40 = arith.cmpi ne, %convert_element_type3A_38, %cond3A_39 : i32
      scf.if %cond3A_40 {
        %add3A_119 = arith.constant 1 : i32
        %add3A_120 = arith.addi %add3A_32, %add3A_119 : i32
        %mul3A_121 = arith.constant 256 : i32
        %mul3A_122 = arith.muli %add3A_120, %mul3A_121 : i32
        %add3A_123 = arith.addi %mul3A_2, %mul3A_122 : i32
        "tpu.region"() ({
          %run_scoped3A = tpu.sem_alloc : memref<!tpu.dma_semaphore, #tpu.memory_space<semaphore_mem>>
          %dma_start3A_140 = tpu.memref_slice %arg2[%add3A_123] : memref<163840xi32, #tpu.memory_space<hbm>> -> memref<256xi32, #tpu.memory_space<hbm>>
          %dma_start3A_141 = tpu.memref_slice %arg2[%add3A_123] : memref<163840xi32, #tpu.memory_space<hbm>> -> memref<256xi32, #tpu.memory_space<hbm>>
          tpu.enqueue_dma source(%dma_start3A_141 : memref<256xi32, #tpu.memory_space<hbm>>) target(%arg6 : memref<256xi32, #tpu.memory_space<vmem>>) target_semaphore(%run_scoped3A : memref<!tpu.dma_semaphore, #tpu.memory_space<semaphore_mem>>)
          %dma_wait3A_142 = tpu.memref_slice %arg2[%add3A_123] : memref<163840xi32, #tpu.memory_space<hbm>> -> memref<256xi32, #tpu.memory_space<hbm>>
          %dma_wait3A_143 = tpu.memref_slice %arg2[%add3A_123] : memref<163840xi32, #tpu.memory_space<hbm>> -> memref<256xi32, #tpu.memory_space<hbm>>
          tpu.wait_dma2 semaphore(%run_scoped3A : memref<!tpu.dma_semaphore, #tpu.memory_space<semaphore_mem>>) src(%dma_wait3A_143 : memref<256xi32, #tpu.memory_space<hbm>>) dst(%arg6 : memref<256xi32, #tpu.memory_space<vmem>>)
          tpu.yield
        }) : () -> ()
        %dma_start3A_124 = arith.constant 0 : i32
        %dma_start3A_125 = arith.constant 0 : i32
        %dma_start3A_126 = tpu.memref_slice %arg8[%dma_start3A_124, %dma_start3A_125] : memref<256x128xf32, #tpu.memory_space<vmem>> -> memref<128x128xf32, #tpu.memory_space<vmem>>
        %dma_start3A_127 = arith.constant 0 : i32
        %dma_start3A_128 = tpu.memref_slice %arg6[%dma_start3A_127] : memref<256xi32, #tpu.memory_space<vmem>> -> memref<128xi32, #tpu.memory_space<vmem>>
        %dma_start3A_129 = arith.constant 0 : i32
        %dma_start3A_130 = arith.constant 0 : i32
        %dma_start3A_131 = tpu.memref_slice %arg3[%dma_start3A_129, %dma_start3A_130] : memref<16384x128xf32, #tpu.memory_space<hbm>> -> memref<16384x128xf32, #tpu.memory_space<hbm>>
        tpu.enqueue_indirect_dma source(%dma_start3A_131 : memref<16384x128xf32, #tpu.memory_space<hbm>>) target(%dma_start3A_126 : memref<128x128xf32, #tpu.memory_space<vmem>>) offsets(%dma_start3A_128 : memref<128xi32, #tpu.memory_space<vmem>>) semaphore(%arg10 : memref<!tpu.dma_semaphore, #tpu.memory_space<semaphore_mem>>)
        %dma_start3A_132 = arith.constant 128 : i32
        %dma_start3A_133 = arith.constant 0 : i32
        %dma_start3A_134 = tpu.memref_slice %arg8[%dma_start3A_132, %dma_start3A_133] : memref<256x128xf32, #tpu.memory_space<vmem>> -> memref<128x128xf32, #tpu.memory_space<vmem>>
        %dma_start3A_135 = arith.constant 128 : i32
        %dma_start3A_136 = tpu.memref_slice %arg6[%dma_start3A_135] : memref<256xi32, #tpu.memory_space<vmem>> -> memref<128xi32, #tpu.memory_space<vmem>>
        %dma_start3A_137 = arith.constant 0 : i32
        %dma_start3A_138 = arith.constant 0 : i32
        %dma_start3A_139 = tpu.memref_slice %arg3[%dma_start3A_137, %dma_start3A_138] : memref<16384x128xf32, #tpu.memory_space<hbm>> -> memref<16384x128xf32, #tpu.memory_space<hbm>>
        tpu.enqueue_indirect_dma source(%dma_start3A_139 : memref<16384x128xf32, #tpu.memory_space<hbm>>) target(%dma_start3A_134 : memref<128x128xf32, #tpu.memory_space<vmem>>) offsets(%dma_start3A_136 : memref<128xi32, #tpu.memory_space<vmem>>) semaphore(%arg10 : memref<!tpu.dma_semaphore, #tpu.memory_space<semaphore_mem>>)
      } else {
      }
      %dma_wait3A_41 = arith.constant 0 : i32
      %dma_wait3A_42 = arith.constant 0 : i32
      %dma_wait3A_43 = tpu.memref_slice %arg7[%dma_wait3A_41, %dma_wait3A_42] : memref<256x128xf32, #tpu.memory_space<vmem>> -> memref<128x128xf32, #tpu.memory_space<vmem>>
      %dma_wait3A_44 = arith.constant 0 : i32
      %dma_wait3A_45 = arith.constant 0 : i32
      %dma_wait3A_46 = tpu.memref_slice %arg3[%dma_wait3A_44, %dma_wait3A_45] : memref<16384x128xf32, #tpu.memory_space<hbm>> -> memref<128x128xf32, #tpu.memory_space<hbm>>
      %dma_wait3A_47 = arith.constant 0 : i32
      %dma_wait3A_48 = arith.constant 0 : i32
      %dma_wait3A_49 = tpu.memref_slice %arg7[%dma_wait3A_47, %dma_wait3A_48] : memref<256x128xf32, #tpu.memory_space<vmem>> -> memref<128x128xf32, #tpu.memory_space<vmem>>
      %dma_wait3A_50 = arith.constant 0 : i32
      %dma_wait3A_51 = arith.constant 0 : i32
      %dma_wait3A_52 = tpu.memref_slice %arg3[%dma_wait3A_50, %dma_wait3A_51] : memref<16384x128xf32, #tpu.memory_space<hbm>> -> memref<128x128xf32, #tpu.memory_space<hbm>>
      tpu.wait_dma2 semaphore(%arg9 : memref<!tpu.dma_semaphore, #tpu.memory_space<semaphore_mem>>) src(%dma_wait3A_52 : memref<128x128xf32, #tpu.memory_space<hbm>>) dst(%dma_wait3A_49 : memref<128x128xf32, #tpu.memory_space<vmem>>)
      %dma_wait3A_53 = arith.constant 128 : i32
      %dma_wait3A_54 = arith.constant 0 : i32
      %dma_wait3A_55 = tpu.memref_slice %arg7[%dma_wait3A_53, %dma_wait3A_54] : memref<256x128xf32, #tpu.memory_space<vmem>> -> memref<128x128xf32, #tpu.memory_space<vmem>>
      %dma_wait3A_56 = arith.constant 0 : i32
      %dma_wait3A_57 = arith.constant 0 : i32
      %dma_wait3A_58 = tpu.memref_slice %arg3[%dma_wait3A_56, %dma_wait3A_57] : memref<16384x128xf32, #tpu.memory_space<hbm>> -> memref<128x128xf32, #tpu.memory_space<hbm>>
      %dma_wait3A_59 = arith.constant 128 : i32
      %dma_wait3A_60 = arith.constant 0 : i32
      %dma_wait3A_61 = tpu.memref_slice %arg7[%dma_wait3A_59, %dma_wait3A_60] : memref<256x128xf32, #tpu.memory_space<vmem>> -> memref<128x128xf32, #tpu.memory_space<vmem>>
      %dma_wait3A_62 = arith.constant 0 : i32
      %dma_wait3A_63 = arith.constant 0 : i32
      %dma_wait3A_64 = tpu.memref_slice %arg3[%dma_wait3A_62, %dma_wait3A_63] : memref<16384x128xf32, #tpu.memory_space<hbm>> -> memref<128x128xf32, #tpu.memory_space<hbm>>
      tpu.wait_dma2 semaphore(%arg9 : memref<!tpu.dma_semaphore, #tpu.memory_space<semaphore_mem>>) src(%dma_wait3A_64 : memref<128x128xf32, #tpu.memory_space<hbm>>) dst(%dma_wait3A_61 : memref<128x128xf32, #tpu.memory_space<vmem>>)
      %mul3A_65 = arith.constant 256 : i32
      %mul3A_66 = arith.muli %add3A_32, %mul3A_65 : i32
      %add3A_67 = arith.addi %mul3A_2, %mul3A_66 : i32
      %dma_start3A_68 = arith.constant 0 : i32
      %dma_start3A_69 = tpu.memref_slice %arg4[%add3A_67, %dma_start3A_68] : memref<163840x128xf32, #tpu.memory_space<hbm>> -> memref<256x128xf32, #tpu.memory_space<hbm>>
      %dma_start3A_70 = arith.constant 0 : i32
      %dma_start3A_71 = tpu.memref_slice %arg4[%add3A_67, %dma_start3A_70] : memref<163840x128xf32, #tpu.memory_space<hbm>> -> memref<256x128xf32, #tpu.memory_space<hbm>>
      tpu.enqueue_dma source(%arg7 : memref<256x128xf32, #tpu.memory_space<vmem>>) target(%dma_start3A_71 : memref<256x128xf32, #tpu.memory_space<hbm>>) target_semaphore(%arg11 : memref<!tpu.dma_semaphore, #tpu.memory_space<semaphore_mem>>)
      %mul3A_72 = arith.constant 2 : i32
      %mul3A_73 = arith.muli %mul3A_72, %scan3A_28 : i32
      %add3A_74 = arith.constant 1 : i32
      %add3A_75 = arith.addi %mul3A_73, %add3A_74 : i32
      %ge3A_76 = arith.constant 1 : i32
      %ge3A_77 = arith.cmpi sge, %add3A_75, %ge3A_76 : i32
      %convert_element_type3A_78 = arith.extui %ge3A_77 : i1 to i32
      %cond3A_79 = arith.constant 0 : i32
      %cond3A_80 = arith.cmpi ne, %convert_element_type3A_78, %cond3A_79 : i32
      scf.if %cond3A_80 {
        %dma_wait3A_119 = arith.constant 0 : i32
        %dma_wait3A_120 = tpu.memref_slice %arg4[%mul3A_2, %dma_wait3A_119] : memref<163840x128xf32, #tpu.memory_space<hbm>> -> memref<256x128xf32, #tpu.memory_space<hbm>>
        %dma_wait3A_121 = arith.constant 0 : i32
        %dma_wait3A_122 = tpu.memref_slice %arg4[%mul3A_2, %dma_wait3A_121] : memref<163840x128xf32, #tpu.memory_space<hbm>> -> memref<256x128xf32, #tpu.memory_space<hbm>>
        tpu.wait_dma2 semaphore(%arg11 : memref<!tpu.dma_semaphore, #tpu.memory_space<semaphore_mem>>) src(%arg7 : memref<256x128xf32, #tpu.memory_space<vmem>>) dst(%dma_wait3A_122 : memref<256x128xf32, #tpu.memory_space<hbm>>)
      } else {
      }
      %add3A_81 = arith.constant 1 : i32
      %add3A_82 = arith.addi %add3A_75, %add3A_81 : i32
      %lt3A_83 = arith.constant 20 : i32
      %lt3A_84 = arith.cmpi slt, %add3A_82, %lt3A_83 : i32
      %convert_element_type3A_85 = arith.extui %lt3A_84 : i1 to i32
      %cond3A_86 = arith.constant 0 : i32
      %cond3A_87 = arith.cmpi ne, %convert_element_type3A_85, %cond3A_86 : i32
      scf.if %cond3A_87 {
        %add3A_119 = arith.constant 1 : i32
        %add3A_120 = arith.addi %add3A_75, %add3A_119 : i32
        %mul3A_121 = arith.constant 256 : i32
        %mul3A_122 = arith.muli %add3A_120, %mul3A_121 : i32
        %add3A_123 = arith.addi %mul3A_2, %mul3A_122 : i32
        "tpu.region"() ({
          %run_scoped3A = tpu.sem_alloc : memref<!tpu.dma_semaphore, #tpu.memory_space<semaphore_mem>>
          %dma_start3A_140 = tpu.memref_slice %arg2[%add3A_123] : memref<163840xi32, #tpu.memory_space<hbm>> -> memref<256xi32, #tpu.memory_space<hbm>>
          %dma_start3A_141 = tpu.memref_slice %arg2[%add3A_123] : memref<163840xi32, #tpu.memory_space<hbm>> -> memref<256xi32, #tpu.memory_space<hbm>>
          tpu.enqueue_dma source(%dma_start3A_141 : memref<256xi32, #tpu.memory_space<hbm>>) target(%arg5 : memref<256xi32, #tpu.memory_space<vmem>>) target_semaphore(%run_scoped3A : memref<!tpu.dma_semaphore, #tpu.memory_space<semaphore_mem>>)
          %dma_wait3A_142 = tpu.memref_slice %arg2[%add3A_123] : memref<163840xi32, #tpu.memory_space<hbm>> -> memref<256xi32, #tpu.memory_space<hbm>>
          %dma_wait3A_143 = tpu.memref_slice %arg2[%add3A_123] : memref<163840xi32, #tpu.memory_space<hbm>> -> memref<256xi32, #tpu.memory_space<hbm>>
          tpu.wait_dma2 semaphore(%run_scoped3A : memref<!tpu.dma_semaphore, #tpu.memory_space<semaphore_mem>>) src(%dma_wait3A_143 : memref<256xi32, #tpu.memory_space<hbm>>) dst(%arg5 : memref<256xi32, #tpu.memory_space<vmem>>)
          tpu.yield
        }) : () -> ()
        %dma_start3A_124 = arith.constant 0 : i32
        %dma_start3A_125 = arith.constant 0 : i32
        %dma_start3A_126 = tpu.memref_slice %arg7[%dma_start3A_124, %dma_start3A_125] : memref<256x128xf32, #tpu.memory_space<vmem>> -> memref<128x128xf32, #tpu.memory_space<vmem>>
        %dma_start3A_127 = arith.constant 0 : i32
        %dma_start3A_128 = tpu.memref_slice %arg5[%dma_start3A_127] : memref<256xi32, #tpu.memory_space<vmem>> -> memref<128xi32, #tpu.memory_space<vmem>>
        %dma_start3A_129 = arith.constant 0 : i32
        %dma_start3A_130 = arith.constant 0 : i32
        %dma_start3A_131 = tpu.memref_slice %arg3[%dma_start3A_129, %dma_start3A_130] : memref<16384x128xf32, #tpu.memory_space<hbm>> -> memref<16384x128xf32, #tpu.memory_space<hbm>>
        tpu.enqueue_indirect_dma source(%dma_start3A_131 : memref<16384x128xf32, #tpu.memory_space<hbm>>) target(%dma_start3A_126 : memref<128x128xf32, #tpu.memory_space<vmem>>) offsets(%dma_start3A_128 : memref<128xi32, #tpu.memory_space<vmem>>) semaphore(%arg9 : memref<!tpu.dma_semaphore, #tpu.memory_space<semaphore_mem>>)
        %dma_start3A_132 = arith.constant 128 : i32
        %dma_start3A_133 = arith.constant 0 : i32
        %dma_start3A_134 = tpu.memref_slice %arg7[%dma_start3A_132, %dma_start3A_133] : memref<256x128xf32, #tpu.memory_space<vmem>> -> memref<128x128xf32, #tpu.memory_space<vmem>>
        %dma_start3A_135 = arith.constant 128 : i32
        %dma_start3A_136 = tpu.memref_slice %arg5[%dma_start3A_135] : memref<256xi32, #tpu.memory_space<vmem>> -> memref<128xi32, #tpu.memory_space<vmem>>
        %dma_start3A_137 = arith.constant 0 : i32
        %dma_start3A_138 = arith.constant 0 : i32
        %dma_start3A_139 = tpu.memref_slice %arg3[%dma_start3A_137, %dma_start3A_138] : memref<16384x128xf32, #tpu.memory_space<hbm>> -> memref<16384x128xf32, #tpu.memory_space<hbm>>
        tpu.enqueue_indirect_dma source(%dma_start3A_139 : memref<16384x128xf32, #tpu.memory_space<hbm>>) target(%dma_start3A_134 : memref<128x128xf32, #tpu.memory_space<vmem>>) offsets(%dma_start3A_136 : memref<128xi32, #tpu.memory_space<vmem>>) semaphore(%arg9 : memref<!tpu.dma_semaphore, #tpu.memory_space<semaphore_mem>>)
      } else {
      }
      %dma_wait3A_88 = arith.constant 0 : i32
      %dma_wait3A_89 = arith.constant 0 : i32
      %dma_wait3A_90 = tpu.memref_slice %arg8[%dma_wait3A_88, %dma_wait3A_89] : memref<256x128xf32, #tpu.memory_space<vmem>> -> memref<128x128xf32, #tpu.memory_space<vmem>>
      %dma_wait3A_91 = arith.constant 0 : i32
      %dma_wait3A_92 = arith.constant 0 : i32
      %dma_wait3A_93 = tpu.memref_slice %arg3[%dma_wait3A_91, %dma_wait3A_92] : memref<16384x128xf32, #tpu.memory_space<hbm>> -> memref<128x128xf32, #tpu.memory_space<hbm>>
      %dma_wait3A_94 = arith.constant 0 : i32
      %dma_wait3A_95 = arith.constant 0 : i32
      %dma_wait3A_96 = tpu.memref_slice %arg8[%dma_wait3A_94, %dma_wait3A_95] : memref<256x128xf32, #tpu.memory_space<vmem>> -> memref<128x128xf32, #tpu.memory_space<vmem>>
      %dma_wait3A_97 = arith.constant 0 : i32
      %dma_wait3A_98 = arith.constant 0 : i32
      %dma_wait3A_99 = tpu.memref_slice %arg3[%dma_wait3A_97, %dma_wait3A_98] : memref<16384x128xf32, #tpu.memory_space<hbm>> -> memref<128x128xf32, #tpu.memory_space<hbm>>
      tpu.wait_dma2 semaphore(%arg10 : memref<!tpu.dma_semaphore, #tpu.memory_space<semaphore_mem>>) src(%dma_wait3A_99 : memref<128x128xf32, #tpu.memory_space<hbm>>) dst(%dma_wait3A_96 : memref<128x128xf32, #tpu.memory_space<vmem>>)
      %dma_wait3A_100 = arith.constant 128 : i32
      %dma_wait3A_101 = arith.constant 0 : i32
      %dma_wait3A_102 = tpu.memref_slice %arg8[%dma_wait3A_100, %dma_wait3A_101] : memref<256x128xf32, #tpu.memory_space<vmem>> -> memref<128x128xf32, #tpu.memory_space<vmem>>
      %dma_wait3A_103 = arith.constant 0 : i32
      %dma_wait3A_104 = arith.constant 0 : i32
      %dma_wait3A_105 = tpu.memref_slice %arg3[%dma_wait3A_103, %dma_wait3A_104] : memref<16384x128xf32, #tpu.memory_space<hbm>> -> memref<128x128xf32, #tpu.memory_space<hbm>>
      %dma_wait3A_106 = arith.constant 128 : i32
      %dma_wait3A_107 = arith.constant 0 : i32
      %dma_wait3A_108 = tpu.memref_slice %arg8[%dma_wait3A_106, %dma_wait3A_107] : memref<256x128xf32, #tpu.memory_space<vmem>> -> memref<128x128xf32, #tpu.memory_space<vmem>>
      %dma_wait3A_109 = arith.constant 0 : i32
      %dma_wait3A_110 = arith.constant 0 : i32
      %dma_wait3A_111 = tpu.memref_slice %arg3[%dma_wait3A_109, %dma_wait3A_110] : memref<16384x128xf32, #tpu.memory_space<hbm>> -> memref<128x128xf32, #tpu.memory_space<hbm>>
      tpu.wait_dma2 semaphore(%arg10 : memref<!tpu.dma_semaphore, #tpu.memory_space<semaphore_mem>>) src(%dma_wait3A_111 : memref<128x128xf32, #tpu.memory_space<hbm>>) dst(%dma_wait3A_108 : memref<128x128xf32, #tpu.memory_space<vmem>>)
      %mul3A_112 = arith.constant 256 : i32
      %mul3A_113 = arith.muli %add3A_75, %mul3A_112 : i32
      %add3A_114 = arith.addi %mul3A_2, %mul3A_113 : i32
      %dma_start3A_115 = arith.constant 0 : i32
      %dma_start3A_116 = tpu.memref_slice %arg4[%add3A_114, %dma_start3A_115] : memref<163840x128xf32, #tpu.memory_space<hbm>> -> memref<256x128xf32, #tpu.memory_space<hbm>>
      %dma_start3A_117 = arith.constant 0 : i32
      %dma_start3A_118 = tpu.memref_slice %arg4[%add3A_114, %dma_start3A_117] : memref<163840x128xf32, #tpu.memory_space<hbm>> -> memref<256x128xf32, #tpu.memory_space<hbm>>
      tpu.enqueue_dma source(%arg8 : memref<256x128xf32, #tpu.memory_space<vmem>>) target(%dma_start3A_118 : memref<256x128xf32, #tpu.memory_space<hbm>>) target_semaphore(%arg11 : memref<!tpu.dma_semaphore, #tpu.memory_space<semaphore_mem>>)
    }
    %scan3A_24 = arith.constant 10 : i32
    %dma_wait3A = arith.constant 0 : i32
    %dma_wait3A_25 = tpu.memref_slice %arg4[%mul3A_2, %dma_wait3A] : memref<163840x128xf32, #tpu.memory_space<hbm>> -> memref<256x128xf32, #tpu.memory_space<hbm>>
    %dma_wait3A_26 = arith.constant 0 : i32
    %dma_wait3A_27 = tpu.memref_slice %arg4[%mul3A_2, %dma_wait3A_26] : memref<163840x128xf32, #tpu.memory_space<hbm>> -> memref<256x128xf32, #tpu.memory_space<hbm>>
    tpu.wait_dma2 semaphore(%arg11 : memref<!tpu.dma_semaphore, #tpu.memory_space<semaphore_mem>>) src(%arg8 : memref<256x128xf32, #tpu.memory_space<vmem>>) dst(%dma_wait3A_27 : memref<256x128xf32, #tpu.memory_space<hbm>>)
    return
  }
}

#map = affine_map<(d0, d1) -> (0)>
#map1 = affine_map<(d0, d1) -> (0, 0)>
module attributes {stable_mosaic.version = 14 : i64} {
  func.func @body(%arg0: i32, %arg1: i32, %arg2: memref<163840xi32, #tpu.memory_space<hbm>>, %arg3: memref<16384x128xf32, #tpu.memory_space<hbm>>, %arg4: memref<163840x128xf32, #tpu.memory_space<hbm>>, %arg5: memref<256xi32, #tpu.memory_space<vmem>>, %arg6: memref<256xi32, #tpu.memory_space<vmem>>, %arg7: memref<256x128xf32, #tpu.memory_space<vmem>>, %arg8: memref<256x128xf32, #tpu.memory_space<vmem>>, %arg9: memref<!tpu.dma_semaphore, #tpu.memory_space<semaphore_mem>>, %arg10: memref<!tpu.dma_semaphore, #tpu.memory_space<semaphore_mem>>, %arg11: memref<!tpu.dma_semaphore, #tpu.memory_space<semaphore_mem>>) attributes {dimension_semantics = [#tpu.dimension_semantics<core_parallel>, #tpu.dimension_semantics<subcore_parallel>], iteration_bounds = array<i64: 2, 16>, scalar_prefetch = 0 : i64, scratch_operands = 7 : i64, tpu.core_type = #tpu.core_type<sc_vector_subcore>, window_params = [{transform_indices = #map}, {transform_indices = #map1}, {transform_indices = #map1}]} {
    %mul3A = arith.constant 2 : i32
    %mul3A_0 = arith.muli %arg1, %mul3A : i32
    %add3A = arith.addi %mul3A_0, %arg0 : i32
    %mul3A_1 = arith.constant 5120 : i32
    %mul3A_2 = arith.muli %add3A, %mul3A_1 : i32
    %add3A_3 = arith.constant 0 : i32
    %add3A_4 = arith.addi %mul3A_2, %add3A_3 : i32
    "tpu.region"() ({
      %run_scoped3A = tpu.sem_alloc : memref<!tpu.dma_semaphore, #tpu.memory_space<semaphore_mem>>
      %dma_start3A_28 = tpu.memref_slice %arg2[%add3A_4] : memref<163840xi32, #tpu.memory_space<hbm>> -> memref<256xi32, #tpu.memory_space<hbm>>
      %dma_start3A_29 = tpu.memref_slice %arg2[%add3A_4] : memref<163840xi32, #tpu.memory_space<hbm>> -> memref<256xi32, #tpu.memory_space<hbm>>
      tpu.enqueue_dma source(%dma_start3A_29 : memref<256xi32, #tpu.memory_space<hbm>>) target(%arg5 : memref<256xi32, #tpu.memory_space<vmem>>) target_semaphore(%run_scoped3A : memref<!tpu.dma_semaphore, #tpu.memory_space<semaphore_mem>>)
      %dma_wait3A_30 = tpu.memref_slice %arg2[%add3A_4] : memref<163840xi32, #tpu.memory_space<hbm>> -> memref<256xi32, #tpu.memory_space<hbm>>
      %dma_wait3A_31 = tpu.memref_slice %arg2[%add3A_4] : memref<163840xi32, #tpu.memory_space<hbm>> -> memref<256xi32, #tpu.memory_space<hbm>>
      tpu.wait_dma2 semaphore(%run_scoped3A : memref<!tpu.dma_semaphore, #tpu.memory_space<semaphore_mem>>) src(%dma_wait3A_31 : memref<256xi32, #tpu.memory_space<hbm>>) dst(%arg5 : memref<256xi32, #tpu.memory_space<vmem>>)
      tpu.yield
    }) : () -> ()
    %dma_start3A = arith.constant 0 : i32
    %dma_start3A_5 = arith.constant 0 : i32
    %dma_start3A_6 = tpu.memref_slice %arg7[%dma_start3A, %dma_start3A_5] : memref<256x128xf32, #tpu.memory_space<vmem>> -> memref<128x128xf32, #tpu.memory_space<vmem>>
    %dma_start3A_7 = arith.constant 0 : i32
    %dma_start3A_8 = tpu.memref_slice %arg5[%dma_start3A_7] : memref<256xi32, #tpu.memory_space<vmem>> -> memref<128xi32, #tpu.memory_space<vmem>>
    %dma_start3A_9 = arith.constant 0 : i32
    %dma_start3A_10 = arith.constant 0 : i32
    %dma_start3A_11 = tpu.memref_slice %arg3[%dma_start3A_9, %dma_start3A_10] : memref<16384x128xf32, #tpu.memory_space<hbm>> -> memref<16384x128xf32, #tpu.memory_space<hbm>>
    tpu.enqueue_indirect_dma source(%dma_start3A_11 : memref<16384x128xf32, #tpu.memory_space<hbm>>) target(%dma_start3A_6 : memref<128x128xf32, #tpu.memory_space<vmem>>) offsets(%dma_start3A_8 : memref<128xi32, #tpu.memory_space<vmem>>) semaphore(%arg9 : memref<!tpu.dma_semaphore, #tpu.memory_space<semaphore_mem>>)
    %dma_start3A_12 = arith.constant 128 : i32
    %dma_start3A_13 = arith.constant 0 : i32
    %dma_start3A_14 = tpu.memref_slice %arg7[%dma_start3A_12, %dma_start3A_13] : memref<256x128xf32, #tpu.memory_space<vmem>> -> memref<128x128xf32, #tpu.memory_space<vmem>>
    %dma_start3A_15 = arith.constant 128 : i32
    %dma_start3A_16 = tpu.memref_slice %arg5[%dma_start3A_15] : memref<256xi32, #tpu.memory_space<vmem>> -> memref<128xi32, #tpu.memory_space<vmem>>
    %dma_start3A_17 = arith.constant 0 : i32
    %dma_start3A_18 = arith.constant 0 : i32
    %dma_start3A_19 = tpu.memref_slice %arg3[%dma_start3A_17, %dma_start3A_18] : memref<16384x128xf32, #tpu.memory_space<hbm>> -> memref<16384x128xf32, #tpu.memory_space<hbm>>
    tpu.enqueue_indirect_dma source(%dma_start3A_19 : memref<16384x128xf32, #tpu.memory_space<hbm>>) target(%dma_start3A_14 : memref<128x128xf32, #tpu.memory_space<vmem>>) offsets(%dma_start3A_16 : memref<128xi32, #tpu.memory_space<vmem>>) semaphore(%arg9 : memref<!tpu.dma_semaphore, #tpu.memory_space<semaphore_mem>>)
    %scan3A = arith.constant 0 : i32
    %scan3A_20 = arith.constant 0 : i32
    %scan3A_21 = arith.constant 10 : i32
    %scan3A_22 = arith.addi %scan3A_20, %scan3A_21 : i32
    %scan3A_23 = arith.constant 1 : i32
    scf.for %scan3A_28 = %scan3A_20 to %scan3A_22 step %scan3A_23  : i32 {
      %mul3A_29 = arith.constant 2 : i32
      %mul3A_30 = arith.muli %mul3A_29, %scan3A_28 : i32
      %add3A_31 = arith.constant 0 : i32
      %add3A_32 = arith.addi %mul3A_30, %add3A_31 : i32
      %ge3A = arith.constant 1 : i32
      %ge3A_33 = arith.cmpi sge, %add3A_32, %ge3A : i32
      %convert_element_type3A = arith.extui %ge3A_33 : i1 to i32
      %cond3A = arith.constant 0 : i32
      %cond3A_34 = arith.cmpi ne, %convert_element_type3A, %cond3A : i32
      scf.if %cond3A_34 {
        %dma_wait3A_119 = arith.constant 0 : i32
        %dma_wait3A_120 = tpu.memref_slice %arg4[%mul3A_2, %dma_wait3A_119] : memref<163840x128xf32, #tpu.memory_space<hbm>> -> memref<256x128xf32, #tpu.memory_space<hbm>>
        %dma_wait3A_121 = arith.constant 0 : i32
        %dma_wait3A_122 = tpu.memref_slice %arg4[%mul3A_2, %dma_wait3A_121] : memref<163840x128xf32, #tpu.memory_space<hbm>> -> memref<256x128xf32, #tpu.memory_space<hbm>>
        tpu.wait_dma2 semaphore(%arg11 : memref<!tpu.dma_semaphore, #tpu.memory_space<semaphore_mem>>) src(%arg8 : memref<256x128xf32, #tpu.memory_space<vmem>>) dst(%dma_wait3A_122 : memref<256x128xf32, #tpu.memory_space<hbm>>)
      } else {
      }
      %add3A_35 = arith.constant 1 : i32
      %add3A_36 = arith.addi %add3A_32, %add3A_35 : i32
      %lt3A = arith.constant 20 : i32
      %lt3A_37 = arith.cmpi slt, %add3A_36, %lt3A : i32
      %convert_element_type3A_38 = arith.extui %lt3A_37 : i1 to i32
      %cond3A_39 = arith.constant 0 : i32
      %cond3A_40 = arith.cmpi ne, %convert_element_type3A_38, %cond3A_39 : i32
      scf.if %cond3A_40 {
        %add3A_119 = arith.constant 1 : i32
        %add3A_120 = arith.addi %add3A_32, %add3A_119 : i32
        %mul3A_121 = arith.constant 256 : i32
        %mul3A_122 = arith.muli %add3A_120, %mul3A_121 : i32
        %add3A_123 = arith.addi %mul3A_2, %mul3A_122 : i32
        "tpu.region"() ({
          %run_scoped3A = tpu.sem_alloc : memref<!tpu.dma_semaphore, #tpu.memory_space<semaphore_mem>>
          %dma_start3A_140 = tpu.memref_slice %arg2[%add3A_123] : memref<163840xi32, #tpu.memory_space<hbm>> -> memref<256xi32, #tpu.memory_space<hbm>>
          %dma_start3A_141 = tpu.memref_slice %arg2[%add3A_123] : memref<163840xi32, #tpu.memory_space<hbm>> -> memref<256xi32, #tpu.memory_space<hbm>>
          tpu.enqueue_dma source(%dma_start3A_141 : memref<256xi32, #tpu.memory_space<hbm>>) target(%arg6 : memref<256xi32, #tpu.memory_space<vmem>>) target_semaphore(%run_scoped3A : memref<!tpu.dma_semaphore, #tpu.memory_space<semaphore_mem>>)
          %dma_wait3A_142 = tpu.memref_slice %arg2[%add3A_123] : memref<163840xi32, #tpu.memory_space<hbm>> -> memref<256xi32, #tpu.memory_space<hbm>>
          %dma_wait3A_143 = tpu.memref_slice %arg2[%add3A_123] : memref<163840xi32, #tpu.memory_space<hbm>> -> memref<256xi32, #tpu.memory_space<hbm>>
          tpu.wait_dma2 semaphore(%run_scoped3A : memref<!tpu.dma_semaphore, #tpu.memory_space<semaphore_mem>>) src(%dma_wait3A_143 : memref<256xi32, #tpu.memory_space<hbm>>) dst(%arg6 : memref<256xi32, #tpu.memory_space<vmem>>)
          tpu.yield
        }) : () -> ()
        %dma_start3A_124 = arith.constant 0 : i32
        %dma_start3A_125 = arith.constant 0 : i32
        %dma_start3A_126 = tpu.memref_slice %arg8[%dma_start3A_124, %dma_start3A_125] : memref<256x128xf32, #tpu.memory_space<vmem>> -> memref<128x128xf32, #tpu.memory_space<vmem>>
        %dma_start3A_127 = arith.constant 0 : i32
        %dma_start3A_128 = tpu.memref_slice %arg6[%dma_start3A_127] : memref<256xi32, #tpu.memory_space<vmem>> -> memref<128xi32, #tpu.memory_space<vmem>>
        %dma_start3A_129 = arith.constant 0 : i32
        %dma_start3A_130 = arith.constant 0 : i32
        %dma_start3A_131 = tpu.memref_slice %arg3[%dma_start3A_129, %dma_start3A_130] : memref<16384x128xf32, #tpu.memory_space<hbm>> -> memref<16384x128xf32, #tpu.memory_space<hbm>>
        tpu.enqueue_indirect_dma source(%dma_start3A_131 : memref<16384x128xf32, #tpu.memory_space<hbm>>) target(%dma_start3A_126 : memref<128x128xf32, #tpu.memory_space<vmem>>) offsets(%dma_start3A_128 : memref<128xi32, #tpu.memory_space<vmem>>) semaphore(%arg10 : memref<!tpu.dma_semaphore, #tpu.memory_space<semaphore_mem>>)
        %dma_start3A_132 = arith.constant 128 : i32
        %dma_start3A_133 = arith.constant 0 : i32
        %dma_start3A_134 = tpu.memref_slice %arg8[%dma_start3A_132, %dma_start3A_133] : memref<256x128xf32, #tpu.memory_space<vmem>> -> memref<128x128xf32, #tpu.memory_space<vmem>>
        %dma_start3A_135 = arith.constant 128 : i32
        %dma_start3A_136 = tpu.memref_slice %arg6[%dma_start3A_135] : memref<256xi32, #tpu.memory_space<vmem>> -> memref<128xi32, #tpu.memory_space<vmem>>
        %dma_start3A_137 = arith.constant 0 : i32
        %dma_start3A_138 = arith.constant 0 : i32
        %dma_start3A_139 = tpu.memref_slice %arg3[%dma_start3A_137, %dma_start3A_138] : memref<16384x128xf32, #tpu.memory_space<hbm>> -> memref<16384x128xf32, #tpu.memory_space<hbm>>
        tpu.enqueue_indirect_dma source(%dma_start3A_139 : memref<16384x128xf32, #tpu.memory_space<hbm>>) target(%dma_start3A_134 : memref<128x128xf32, #tpu.memory_space<vmem>>) offsets(%dma_start3A_136 : memref<128xi32, #tpu.memory_space<vmem>>) semaphore(%arg10 : memref<!tpu.dma_semaphore, #tpu.memory_space<semaphore_mem>>)
      } else {
      }
      %dma_wait3A_41 = arith.constant 0 : i32
      %dma_wait3A_42 = arith.constant 0 : i32
      %dma_wait3A_43 = tpu.memref_slice %arg7[%dma_wait3A_41, %dma_wait3A_42] : memref<256x128xf32, #tpu.memory_space<vmem>> -> memref<128x128xf32, #tpu.memory_space<vmem>>
      %dma_wait3A_44 = arith.constant 0 : i32
      %dma_wait3A_45 = arith.constant 0 : i32
      %dma_wait3A_46 = tpu.memref_slice %arg3[%dma_wait3A_44, %dma_wait3A_45] : memref<16384x128xf32, #tpu.memory_space<hbm>> -> memref<128x128xf32, #tpu.memory_space<hbm>>
      %dma_wait3A_47 = arith.constant 0 : i32
      %dma_wait3A_48 = arith.constant 0 : i32
      %dma_wait3A_49 = tpu.memref_slice %arg7[%dma_wait3A_47, %dma_wait3A_48] : memref<256x128xf32, #tpu.memory_space<vmem>> -> memref<128x128xf32, #tpu.memory_space<vmem>>
      %dma_wait3A_50 = arith.constant 0 : i32
      %dma_wait3A_51 = arith.constant 0 : i32
      %dma_wait3A_52 = tpu.memref_slice %arg3[%dma_wait3A_50, %dma_wait3A_51] : memref<16384x128xf32, #tpu.memory_space<hbm>> -> memref<128x128xf32, #tpu.memory_space<hbm>>
      tpu.wait_dma2 semaphore(%arg9 : memref<!tpu.dma_semaphore, #tpu.memory_space<semaphore_mem>>) src(%dma_wait3A_52 : memref<128x128xf32, #tpu.memory_space<hbm>>) dst(%dma_wait3A_49 : memref<128x128xf32, #tpu.memory_space<vmem>>)
      %dma_wait3A_53 = arith.constant 128 : i32
      %dma_wait3A_54 = arith.constant 0 : i32
      %dma_wait3A_55 = tpu.memref_slice %arg7[%dma_wait3A_53, %dma_wait3A_54] : memref<256x128xf32, #tpu.memory_space<vmem>> -> memref<128x128xf32, #tpu.memory_space<vmem>>
      %dma_wait3A_56 = arith.constant 0 : i32
      %dma_wait3A_57 = arith.constant 0 : i32
      %dma_wait3A_58 = tpu.memref_slice %arg3[%dma_wait3A_56, %dma_wait3A_57] : memref<16384x128xf32, #tpu.memory_space<hbm>> -> memref<128x128xf32, #tpu.memory_space<hbm>>
      %dma_wait3A_59 = arith.constant 128 : i32
      %dma_wait3A_60 = arith.constant 0 : i32
      %dma_wait3A_61 = tpu.memref_slice %arg7[%dma_wait3A_59, %dma_wait3A_60] : memref<256x128xf32, #tpu.memory_space<vmem>> -> memref<128x128xf32, #tpu.memory_space<vmem>>
      %dma_wait3A_62 = arith.constant 0 : i32
      %dma_wait3A_63 = arith.constant 0 : i32
      %dma_wait3A_64 = tpu.memref_slice %arg3[%dma_wait3A_62, %dma_wait3A_63] : memref<16384x128xf32, #tpu.memory_space<hbm>> -> memref<128x128xf32, #tpu.memory_space<hbm>>
      tpu.wait_dma2 semaphore(%arg9 : memref<!tpu.dma_semaphore, #tpu.memory_space<semaphore_mem>>) src(%dma_wait3A_64 : memref<128x128xf32, #tpu.memory_space<hbm>>) dst(%dma_wait3A_61 : memref<128x128xf32, #tpu.memory_space<vmem>>)
      %mul3A_65 = arith.constant 256 : i32
      %mul3A_66 = arith.muli %add3A_32, %mul3A_65 : i32
      %add3A_67 = arith.addi %mul3A_2, %mul3A_66 : i32
      %dma_start3A_68 = arith.constant 0 : i32
      %dma_start3A_69 = tpu.memref_slice %arg4[%add3A_67, %dma_start3A_68] : memref<163840x128xf32, #tpu.memory_space<hbm>> -> memref<256x128xf32, #tpu.memory_space<hbm>>
      %dma_start3A_70 = arith.constant 0 : i32
      %dma_start3A_71 = tpu.memref_slice %arg4[%add3A_67, %dma_start3A_70] : memref<163840x128xf32, #tpu.memory_space<hbm>> -> memref<256x128xf32, #tpu.memory_space<hbm>>
      tpu.enqueue_dma source(%arg7 : memref<256x128xf32, #tpu.memory_space<vmem>>) target(%dma_start3A_71 : memref<256x128xf32, #tpu.memory_space<hbm>>) target_semaphore(%arg11 : memref<!tpu.dma_semaphore, #tpu.memory_space<semaphore_mem>>)
      %mul3A_72 = arith.constant 2 : i32
      %mul3A_73 = arith.muli %mul3A_72, %scan3A_28 : i32
      %add3A_74 = arith.constant 1 : i32
      %add3A_75 = arith.addi %mul3A_73, %add3A_74 : i32
      %ge3A_76 = arith.constant 1 : i32
      %ge3A_77 = arith.cmpi sge, %add3A_75, %ge3A_76 : i32
      %convert_element_type3A_78 = arith.extui %ge3A_77 : i1 to i32
      %cond3A_79 = arith.constant 0 : i32
      %cond3A_80 = arith.cmpi ne, %convert_element_type3A_78, %cond3A_79 : i32
      scf.if %cond3A_80 {
        %dma_wait3A_119 = arith.constant 0 : i32
        %dma_wait3A_120 = tpu.memref_slice %arg4[%mul3A_2, %dma_wait3A_119] : memref<163840x128xf32, #tpu.memory_space<hbm>> -> memref<256x128xf32, #tpu.memory_space<hbm>>
        %dma_wait3A_121 = arith.constant 0 : i32
        %dma_wait3A_122 = tpu.memref_slice %arg4[%mul3A_2, %dma_wait3A_121] : memref<163840x128xf32, #tpu.memory_space<hbm>> -> memref<256x128xf32, #tpu.memory_space<hbm>>
        tpu.wait_dma2 semaphore(%arg11 : memref<!tpu.dma_semaphore, #tpu.memory_space<semaphore_mem>>) src(%arg7 : memref<256x128xf32, #tpu.memory_space<vmem>>) dst(%dma_wait3A_122 : memref<256x128xf32, #tpu.memory_space<hbm>>)
      } else {
      }
      %add3A_81 = arith.constant 1 : i32
      %add3A_82 = arith.addi %add3A_75, %add3A_81 : i32
      %lt3A_83 = arith.constant 20 : i32
      %lt3A_84 = arith.cmpi slt, %add3A_82, %lt3A_83 : i32
      %convert_element_type3A_85 = arith.extui %lt3A_84 : i1 to i32
      %cond3A_86 = arith.constant 0 : i32
      %cond3A_87 = arith.cmpi ne, %convert_element_type3A_85, %cond3A_86 : i32
      scf.if %cond3A_87 {
        %add3A_119 = arith.constant 1 : i32
        %add3A_120 = arith.addi %add3A_75, %add3A_119 : i32
        %mul3A_121 = arith.constant 256 : i32
        %mul3A_122 = arith.muli %add3A_120, %mul3A_121 : i32
        %add3A_123 = arith.addi %mul3A_2, %mul3A_122 : i32
        "tpu.region"() ({
          %run_scoped3A = tpu.sem_alloc : memref<!tpu.dma_semaphore, #tpu.memory_space<semaphore_mem>>
          %dma_start3A_140 = tpu.memref_slice %arg2[%add3A_123] : memref<163840xi32, #tpu.memory_space<hbm>> -> memref<256xi32, #tpu.memory_space<hbm>>
          %dma_start3A_141 = tpu.memref_slice %arg2[%add3A_123] : memref<163840xi32, #tpu.memory_space<hbm>> -> memref<256xi32, #tpu.memory_space<hbm>>
          tpu.enqueue_dma source(%dma_start3A_141 : memref<256xi32, #tpu.memory_space<hbm>>) target(%arg5 : memref<256xi32, #tpu.memory_space<vmem>>) target_semaphore(%run_scoped3A : memref<!tpu.dma_semaphore, #tpu.memory_space<semaphore_mem>>)
          %dma_wait3A_142 = tpu.memref_slice %arg2[%add3A_123] : memref<163840xi32, #tpu.memory_space<hbm>> -> memref<256xi32, #tpu.memory_space<hbm>>
          %dma_wait3A_143 = tpu.memref_slice %arg2[%add3A_123] : memref<163840xi32, #tpu.memory_space<hbm>> -> memref<256xi32, #tpu.memory_space<hbm>>
          tpu.wait_dma2 semaphore(%run_scoped3A : memref<!tpu.dma_semaphore, #tpu.memory_space<semaphore_mem>>) src(%dma_wait3A_143 : memref<256xi32, #tpu.memory_space<hbm>>) dst(%arg5 : memref<256xi32, #tpu.memory_space<vmem>>)
          tpu.yield
        }) : () -> ()
        %dma_start3A_124 = arith.constant 0 : i32
        %dma_start3A_125 = arith.constant 0 : i32
        %dma_start3A_126 = tpu.memref_slice %arg7[%dma_start3A_124, %dma_start3A_125] : memref<256x128xf32, #tpu.memory_space<vmem>> -> memref<128x128xf32, #tpu.memory_space<vmem>>
        %dma_start3A_127 = arith.constant 0 : i32
        %dma_start3A_128 = tpu.memref_slice %arg5[%dma_start3A_127] : memref<256xi32, #tpu.memory_space<vmem>> -> memref<128xi32, #tpu.memory_space<vmem>>
        %dma_start3A_129 = arith.constant 0 : i32
        %dma_start3A_130 = arith.constant 0 : i32
        %dma_start3A_131 = tpu.memref_slice %arg3[%dma_start3A_129, %dma_start3A_130] : memref<16384x128xf32, #tpu.memory_space<hbm>> -> memref<16384x128xf32, #tpu.memory_space<hbm>>
        tpu.enqueue_indirect_dma source(%dma_start3A_131 : memref<16384x128xf32, #tpu.memory_space<hbm>>) target(%dma_start3A_126 : memref<128x128xf32, #tpu.memory_space<vmem>>) offsets(%dma_start3A_128 : memref<128xi32, #tpu.memory_space<vmem>>) semaphore(%arg9 : memref<!tpu.dma_semaphore, #tpu.memory_space<semaphore_mem>>)
        %dma_start3A_132 = arith.constant 128 : i32
        %dma_start3A_133 = arith.constant 0 : i32
        %dma_start3A_134 = tpu.memref_slice %arg7[%dma_start3A_132, %dma_start3A_133] : memref<256x128xf32, #tpu.memory_space<vmem>> -> memref<128x128xf32, #tpu.memory_space<vmem>>
        %dma_start3A_135 = arith.constant 128 : i32
        %dma_start3A_136 = tpu.memref_slice %arg5[%dma_start3A_135] : memref<256xi32, #tpu.memory_space<vmem>> -> memref<128xi32, #tpu.memory_space<vmem>>
        %dma_start3A_137 = arith.constant 0 : i32
        %dma_start3A_138 = arith.constant 0 : i32
        %dma_start3A_139 = tpu.memref_slice %arg3[%dma_start3A_137, %dma_start3A_138] : memref<16384x128xf32, #tpu.memory_space<hbm>> -> memref<16384x128xf32, #tpu.memory_space<hbm>>
        tpu.enqueue_indirect_dma source(%dma_start3A_139 : memref<16384x128xf32, #tpu.memory_space<hbm>>) target(%dma_start3A_134 : memref<128x128xf32, #tpu.memory_space<vmem>>) offsets(%dma_start3A_136 : memref<128xi32, #tpu.memory_space<vmem>>) semaphore(%arg9 : memref<!tpu.dma_semaphore, #tpu.memory_space<semaphore_mem>>)
      } else {
      }
      %dma_wait3A_88 = arith.constant 0 : i32
      %dma_wait3A_89 = arith.constant 0 : i32
      %dma_wait3A_90 = tpu.memref_slice %arg8[%dma_wait3A_88, %dma_wait3A_89] : memref<256x128xf32, #tpu.memory_space<vmem>> -> memref<128x128xf32, #tpu.memory_space<vmem>>
      %dma_wait3A_91 = arith.constant 0 : i32
      %dma_wait3A_92 = arith.constant 0 : i32
      %dma_wait3A_93 = tpu.memref_slice %arg3[%dma_wait3A_91, %dma_wait3A_92] : memref<16384x128xf32, #tpu.memory_space<hbm>> -> memref<128x128xf32, #tpu.memory_space<hbm>>
      %dma_wait3A_94 = arith.constant 0 : i32
      %dma_wait3A_95 = arith.constant 0 : i32
      %dma_wait3A_96 = tpu.memref_slice %arg8[%dma_wait3A_94, %dma_wait3A_95] : memref<256x128xf32, #tpu.memory_space<vmem>> -> memref<128x128xf32, #tpu.memory_space<vmem>>
      %dma_wait3A_97 = arith.constant 0 : i32
      %dma_wait3A_98 = arith.constant 0 : i32
      %dma_wait3A_99 = tpu.memref_slice %arg3[%dma_wait3A_97, %dma_wait3A_98] : memref<16384x128xf32, #tpu.memory_space<hbm>> -> memref<128x128xf32, #tpu.memory_space<hbm>>
      tpu.wait_dma2 semaphore(%arg10 : memref<!tpu.dma_semaphore, #tpu.memory_space<semaphore_mem>>) src(%dma_wait3A_99 : memref<128x128xf32, #tpu.memory_space<hbm>>) dst(%dma_wait3A_96 : memref<128x128xf32, #tpu.memory_space<vmem>>)
      %dma_wait3A_100 = arith.constant 128 : i32
      %dma_wait3A_101 = arith.constant 0 : i32
      %dma_wait3A_102 = tpu.memref_slice %arg8[%dma_wait3A_100, %dma_wait3A_101] : memref<256x128xf32, #tpu.memory_space<vmem>> -> memref<128x128xf32, #tpu.memory_space<vmem>>
      %dma_wait3A_103 = arith.constant 0 : i32
      %dma_wait3A_104 = arith.constant 0 : i32
      %dma_wait3A_105 = tpu.memref_slice %arg3[%dma_wait3A_103, %dma_wait3A_104] : memref<16384x128xf32, #tpu.memory_space<hbm>> -> memref<128x128xf32, #tpu.memory_space<hbm>>
      %dma_wait3A_106 = arith.constant 128 : i32
      %dma_wait3A_107 = arith.constant 0 : i32
      %dma_wait3A_108 = tpu.memref_slice %arg8[%dma_wait3A_106, %dma_wait3A_107] : memref<256x128xf32, #tpu.memory_space<vmem>> -> memref<128x128xf32, #tpu.memory_space<vmem>>
      %dma_wait3A_109 = arith.constant 0 : i32
      %dma_wait3A_110 = arith.constant 0 : i32
      %dma_wait3A_111 = tpu.memref_slice %arg3[%dma_wait3A_109, %dma_wait3A_110] : memref<16384x128xf32, #tpu.memory_space<hbm>> -> memref<128x128xf32, #tpu.memory_space<hbm>>
      tpu.wait_dma2 semaphore(%arg10 : memref<!tpu.dma_semaphore, #tpu.memory_space<semaphore_mem>>) src(%dma_wait3A_111 : memref<128x128xf32, #tpu.memory_space<hbm>>) dst(%dma_wait3A_108 : memref<128x128xf32, #tpu.memory_space<vmem>>)
      %mul3A_112 = arith.constant 256 : i32
      %mul3A_113 = arith.muli %add3A_75, %mul3A_112 : i32
      %add3A_114 = arith.addi %mul3A_2, %mul3A_113 : i32
      %dma_start3A_115 = arith.constant 0 : i32
      %dma_start3A_116 = tpu.memref_slice %arg4[%add3A_114, %dma_start3A_115] : memref<163840x128xf32, #tpu.memory_space<hbm>> -> memref<256x128xf32, #tpu.memory_space<hbm>>
      %dma_start3A_117 = arith.constant 0 : i32
      %dma_start3A_118 = tpu.memref_slice %arg4[%add3A_114, %dma_start3A_117] : memref<163840x128xf32, #tpu.memory_space<hbm>> -> memref<256x128xf32, #tpu.memory_space<hbm>>
      tpu.enqueue_dma source(%arg8 : memref<256x128xf32, #tpu.memory_space<vmem>>) target(%dma_start3A_118 : memref<256x128xf32, #tpu.memory_space<hbm>>) target_semaphore(%arg11 : memref<!tpu.dma_semaphore, #tpu.memory_space<semaphore_mem>>)
    }
    %scan3A_24 = arith.constant 10 : i32
    %dma_wait3A = arith.constant 0 : i32
    %dma_wait3A_25 = tpu.memref_slice %arg4[%mul3A_2, %dma_wait3A] : memref<163840x128xf32, #tpu.memory_space<hbm>> -> memref<256x128xf32, #tpu.memory_space<hbm>>
    %dma_wait3A_26 = arith.constant 0 : i32
    %dma_wait3A_27 = tpu.memref_slice %arg4[%mul3A_2, %dma_wait3A_26] : memref<163840x128xf32, #tpu.memory_space<hbm>> -> memref<256x128xf32, #tpu.memory_space<hbm>>
    tpu.wait_dma2 semaphore(%arg11 : memref<!tpu.dma_semaphore, #tpu.memory_space<semaphore_mem>>) src(%arg8 : memref<256x128xf32, #tpu.memory_space<vmem>>) dst(%dma_wait3A_27 : memref<256x128xf32, #tpu.memory_space<hbm>>)
    return
  }
}

#map = affine_map<(d0, d1) -> (0)>
#map1 = affine_map<(d0, d1) -> (0, 0)>
module attributes {stable_mosaic.version = 14 : i64} {
  func.func @body(%arg0: i32, %arg1: i32, %arg2: memref<163840xi32, #tpu.memory_space<hbm>>, %arg3: memref<16384x128xf32, #tpu.memory_space<hbm>>, %arg4: memref<163840x128xf32, #tpu.memory_space<hbm>>, %arg5: memref<256xi32, #tpu.memory_space<vmem>>, %arg6: memref<256xi32, #tpu.memory_space<vmem>>, %arg7: memref<256x128xf32, #tpu.memory_space<vmem>>, %arg8: memref<256x128xf32, #tpu.memory_space<vmem>>, %arg9: memref<!tpu.dma_semaphore, #tpu.memory_space<semaphore_mem>>, %arg10: memref<!tpu.dma_semaphore, #tpu.memory_space<semaphore_mem>>, %arg11: memref<!tpu.dma_semaphore, #tpu.memory_space<semaphore_mem>>) attributes {dimension_semantics = [#tpu.dimension_semantics<core_parallel>, #tpu.dimension_semantics<subcore_parallel>], iteration_bounds = array<i64: 2, 16>, scalar_prefetch = 0 : i64, scratch_operands = 7 : i64, tpu.core_type = #tpu.core_type<sc_vector_subcore>, window_params = [{transform_indices = #map}, {transform_indices = #map1}, {transform_indices = #map1}]} {
    %mul3A = arith.constant 2 : i32
    %mul3A_0 = arith.muli %arg1, %mul3A : i32
    %add3A = arith.addi %mul3A_0, %arg0 : i32
    %mul3A_1 = arith.constant 5120 : i32
    %mul3A_2 = arith.muli %add3A, %mul3A_1 : i32
    %add3A_3 = arith.constant 0 : i32
    %add3A_4 = arith.addi %mul3A_2, %add3A_3 : i32
    "tpu.region"() ({
      %run_scoped3A = tpu.sem_alloc : memref<!tpu.dma_semaphore, #tpu.memory_space<semaphore_mem>>
      %dma_start3A_28 = tpu.memref_slice %arg2[%add3A_4] : memref<163840xi32, #tpu.memory_space<hbm>> -> memref<256xi32, #tpu.memory_space<hbm>>
      %dma_start3A_29 = tpu.memref_slice %arg2[%add3A_4] : memref<163840xi32, #tpu.memory_space<hbm>> -> memref<256xi32, #tpu.memory_space<hbm>>
      tpu.enqueue_dma source(%dma_start3A_29 : memref<256xi32, #tpu.memory_space<hbm>>) target(%arg5 : memref<256xi32, #tpu.memory_space<vmem>>) target_semaphore(%run_scoped3A : memref<!tpu.dma_semaphore, #tpu.memory_space<semaphore_mem>>)
      %dma_wait3A_30 = tpu.memref_slice %arg2[%add3A_4] : memref<163840xi32, #tpu.memory_space<hbm>> -> memref<256xi32, #tpu.memory_space<hbm>>
      %dma_wait3A_31 = tpu.memref_slice %arg2[%add3A_4] : memref<163840xi32, #tpu.memory_space<hbm>> -> memref<256xi32, #tpu.memory_space<hbm>>
      tpu.wait_dma2 semaphore(%run_scoped3A : memref<!tpu.dma_semaphore, #tpu.memory_space<semaphore_mem>>) src(%dma_wait3A_31 : memref<256xi32, #tpu.memory_space<hbm>>) dst(%arg5 : memref<256xi32, #tpu.memory_space<vmem>>)
      tpu.yield
    }) : () -> ()
    %dma_start3A = arith.constant 0 : i32
    %dma_start3A_5 = arith.constant 0 : i32
    %dma_start3A_6 = tpu.memref_slice %arg7[%dma_start3A, %dma_start3A_5] : memref<256x128xf32, #tpu.memory_space<vmem>> -> memref<128x128xf32, #tpu.memory_space<vmem>>
    %dma_start3A_7 = arith.constant 0 : i32
    %dma_start3A_8 = tpu.memref_slice %arg5[%dma_start3A_7] : memref<256xi32, #tpu.memory_space<vmem>> -> memref<128xi32, #tpu.memory_space<vmem>>
    %dma_start3A_9 = arith.constant 0 : i32
    %dma_start3A_10 = arith.constant 0 : i32
    %dma_start3A_11 = tpu.memref_slice %arg3[%dma_start3A_9, %dma_start3A_10] : memref<16384x128xf32, #tpu.memory_space<hbm>> -> memref<16384x128xf32, #tpu.memory_space<hbm>>
    tpu.enqueue_indirect_dma source(%dma_start3A_11 : memref<16384x128xf32, #tpu.memory_space<hbm>>) target(%dma_start3A_6 : memref<128x128xf32, #tpu.memory_space<vmem>>) offsets(%dma_start3A_8 : memref<128xi32, #tpu.memory_space<vmem>>) semaphore(%arg9 : memref<!tpu.dma_semaphore, #tpu.memory_space<semaphore_mem>>)
    %dma_start3A_12 = arith.constant 128 : i32
    %dma_start3A_13 = arith.constant 0 : i32
    %dma_start3A_14 = tpu.memref_slice %arg7[%dma_start3A_12, %dma_start3A_13] : memref<256x128xf32, #tpu.memory_space<vmem>> -> memref<128x128xf32, #tpu.memory_space<vmem>>
    %dma_start3A_15 = arith.constant 128 : i32
    %dma_start3A_16 = tpu.memref_slice %arg5[%dma_start3A_15] : memref<256xi32, #tpu.memory_space<vmem>> -> memref<128xi32, #tpu.memory_space<vmem>>
    %dma_start3A_17 = arith.constant 0 : i32
    %dma_start3A_18 = arith.constant 0 : i32
    %dma_start3A_19 = tpu.memref_slice %arg3[%dma_start3A_17, %dma_start3A_18] : memref<16384x128xf32, #tpu.memory_space<hbm>> -> memref<16384x128xf32, #tpu.memory_space<hbm>>
    tpu.enqueue_indirect_dma source(%dma_start3A_19 : memref<16384x128xf32, #tpu.memory_space<hbm>>) target(%dma_start3A_14 : memref<128x128xf32, #tpu.memory_space<vmem>>) offsets(%dma_start3A_16 : memref<128xi32, #tpu.memory_space<vmem>>) semaphore(%arg9 : memref<!tpu.dma_semaphore, #tpu.memory_space<semaphore_mem>>)
    %scan3A = arith.constant 0 : i32
    %scan3A_20 = arith.constant 0 : i32
    %scan3A_21 = arith.constant 10 : i32
    %scan3A_22 = arith.addi %scan3A_20, %scan3A_21 : i32
    %scan3A_23 = arith.constant 1 : i32
    scf.for %scan3A_28 = %scan3A_20 to %scan3A_22 step %scan3A_23  : i32 {
      %mul3A_29 = arith.constant 2 : i32
      %mul3A_30 = arith.muli %mul3A_29, %scan3A_28 : i32
      %add3A_31 = arith.constant 0 : i32
      %add3A_32 = arith.addi %mul3A_30, %add3A_31 : i32
      %ge3A = arith.constant 1 : i32
      %ge3A_33 = arith.cmpi sge, %add3A_32, %ge3A : i32
      %convert_element_type3A = arith.extui %ge3A_33 : i1 to i32
      %cond3A = arith.constant 0 : i32
      %cond3A_34 = arith.cmpi ne, %convert_element_type3A, %cond3A : i32
      scf.if %cond3A_34 {
        %dma_wait3A_119 = arith.constant 0 : i32
        %dma_wait3A_120 = tpu.memref_slice %arg4[%mul3A_2, %dma_wait3A_119] : memref<163840x128xf32, #tpu.memory_space<hbm>> -> memref<256x128xf32, #tpu.memory_space<hbm>>
        %dma_wait3A_121 = arith.constant 0 : i32
        %dma_wait3A_122 = tpu.memref_slice %arg4[%mul3A_2, %dma_wait3A_121] : memref<163840x128xf32, #tpu.memory_space<hbm>> -> memref<256x128xf32, #tpu.memory_space<hbm>>
        tpu.wait_dma2 semaphore(%arg11 : memref<!tpu.dma_semaphore, #tpu.memory_space<semaphore_mem>>) src(%arg8 : memref<256x128xf32, #tpu.memory_space<vmem>>) dst(%dma_wait3A_122 : memref<256x128xf32, #tpu.memory_space<hbm>>)
      } else {
      }
      %add3A_35 = arith.constant 1 : i32
      %add3A_36 = arith.addi %add3A_32, %add3A_35 : i32
      %lt3A = arith.constant 20 : i32
      %lt3A_37 = arith.cmpi slt, %add3A_36, %lt3A : i32
      %convert_element_type3A_38 = arith.extui %lt3A_37 : i1 to i32
      %cond3A_39 = arith.constant 0 : i32
      %cond3A_40 = arith.cmpi ne, %convert_element_type3A_38, %cond3A_39 : i32
      scf.if %cond3A_40 {
        %add3A_119 = arith.constant 1 : i32
        %add3A_120 = arith.addi %add3A_32, %add3A_119 : i32
        %mul3A_121 = arith.constant 256 : i32
        %mul3A_122 = arith.muli %add3A_120, %mul3A_121 : i32
        %add3A_123 = arith.addi %mul3A_2, %mul3A_122 : i32
        "tpu.region"() ({
          %run_scoped3A = tpu.sem_alloc : memref<!tpu.dma_semaphore, #tpu.memory_space<semaphore_mem>>
          %dma_start3A_140 = tpu.memref_slice %arg2[%add3A_123] : memref<163840xi32, #tpu.memory_space<hbm>> -> memref<256xi32, #tpu.memory_space<hbm>>
          %dma_start3A_141 = tpu.memref_slice %arg2[%add3A_123] : memref<163840xi32, #tpu.memory_space<hbm>> -> memref<256xi32, #tpu.memory_space<hbm>>
          tpu.enqueue_dma source(%dma_start3A_141 : memref<256xi32, #tpu.memory_space<hbm>>) target(%arg6 : memref<256xi32, #tpu.memory_space<vmem>>) target_semaphore(%run_scoped3A : memref<!tpu.dma_semaphore, #tpu.memory_space<semaphore_mem>>)
          %dma_wait3A_142 = tpu.memref_slice %arg2[%add3A_123] : memref<163840xi32, #tpu.memory_space<hbm>> -> memref<256xi32, #tpu.memory_space<hbm>>
          %dma_wait3A_143 = tpu.memref_slice %arg2[%add3A_123] : memref<163840xi32, #tpu.memory_space<hbm>> -> memref<256xi32, #tpu.memory_space<hbm>>
          tpu.wait_dma2 semaphore(%run_scoped3A : memref<!tpu.dma_semaphore, #tpu.memory_space<semaphore_mem>>) src(%dma_wait3A_143 : memref<256xi32, #tpu.memory_space<hbm>>) dst(%arg6 : memref<256xi32, #tpu.memory_space<vmem>>)
          tpu.yield
        }) : () -> ()
        %dma_start3A_124 = arith.constant 0 : i32
        %dma_start3A_125 = arith.constant 0 : i32
        %dma_start3A_126 = tpu.memref_slice %arg8[%dma_start3A_124, %dma_start3A_125] : memref<256x128xf32, #tpu.memory_space<vmem>> -> memref<128x128xf32, #tpu.memory_space<vmem>>
        %dma_start3A_127 = arith.constant 0 : i32
        %dma_start3A_128 = tpu.memref_slice %arg6[%dma_start3A_127] : memref<256xi32, #tpu.memory_space<vmem>> -> memref<128xi32, #tpu.memory_space<vmem>>
        %dma_start3A_129 = arith.constant 0 : i32
        %dma_start3A_130 = arith.constant 0 : i32
        %dma_start3A_131 = tpu.memref_slice %arg3[%dma_start3A_129, %dma_start3A_130] : memref<16384x128xf32, #tpu.memory_space<hbm>> -> memref<16384x128xf32, #tpu.memory_space<hbm>>
        tpu.enqueue_indirect_dma source(%dma_start3A_131 : memref<16384x128xf32, #tpu.memory_space<hbm>>) target(%dma_start3A_126 : memref<128x128xf32, #tpu.memory_space<vmem>>) offsets(%dma_start3A_128 : memref<128xi32, #tpu.memory_space<vmem>>) semaphore(%arg10 : memref<!tpu.dma_semaphore, #tpu.memory_space<semaphore_mem>>)
        %dma_start3A_132 = arith.constant 128 : i32
        %dma_start3A_133 = arith.constant 0 : i32
        %dma_start3A_134 = tpu.memref_slice %arg8[%dma_start3A_132, %dma_start3A_133] : memref<256x128xf32, #tpu.memory_space<vmem>> -> memref<128x128xf32, #tpu.memory_space<vmem>>
        %dma_start3A_135 = arith.constant 128 : i32
        %dma_start3A_136 = tpu.memref_slice %arg6[%dma_start3A_135] : memref<256xi32, #tpu.memory_space<vmem>> -> memref<128xi32, #tpu.memory_space<vmem>>
        %dma_start3A_137 = arith.constant 0 : i32
        %dma_start3A_138 = arith.constant 0 : i32
        %dma_start3A_139 = tpu.memref_slice %arg3[%dma_start3A_137, %dma_start3A_138] : memref<16384x128xf32, #tpu.memory_space<hbm>> -> memref<16384x128xf32, #tpu.memory_space<hbm>>
        tpu.enqueue_indirect_dma source(%dma_start3A_139 : memref<16384x128xf32, #tpu.memory_space<hbm>>) target(%dma_start3A_134 : memref<128x128xf32, #tpu.memory_space<vmem>>) offsets(%dma_start3A_136 : memref<128xi32, #tpu.memory_space<vmem>>) semaphore(%arg10 : memref<!tpu.dma_semaphore, #tpu.memory_space<semaphore_mem>>)
      } else {
      }
      %dma_wait3A_41 = arith.constant 0 : i32
      %dma_wait3A_42 = arith.constant 0 : i32
      %dma_wait3A_43 = tpu.memref_slice %arg7[%dma_wait3A_41, %dma_wait3A_42] : memref<256x128xf32, #tpu.memory_space<vmem>> -> memref<128x128xf32, #tpu.memory_space<vmem>>
      %dma_wait3A_44 = arith.constant 0 : i32
      %dma_wait3A_45 = arith.constant 0 : i32
      %dma_wait3A_46 = tpu.memref_slice %arg3[%dma_wait3A_44, %dma_wait3A_45] : memref<16384x128xf32, #tpu.memory_space<hbm>> -> memref<128x128xf32, #tpu.memory_space<hbm>>
      %dma_wait3A_47 = arith.constant 0 : i32
      %dma_wait3A_48 = arith.constant 0 : i32
      %dma_wait3A_49 = tpu.memref_slice %arg7[%dma_wait3A_47, %dma_wait3A_48] : memref<256x128xf32, #tpu.memory_space<vmem>> -> memref<128x128xf32, #tpu.memory_space<vmem>>
      %dma_wait3A_50 = arith.constant 0 : i32
      %dma_wait3A_51 = arith.constant 0 : i32
      %dma_wait3A_52 = tpu.memref_slice %arg3[%dma_wait3A_50, %dma_wait3A_51] : memref<16384x128xf32, #tpu.memory_space<hbm>> -> memref<128x128xf32, #tpu.memory_space<hbm>>
      tpu.wait_dma2 semaphore(%arg9 : memref<!tpu.dma_semaphore, #tpu.memory_space<semaphore_mem>>) src(%dma_wait3A_52 : memref<128x128xf32, #tpu.memory_space<hbm>>) dst(%dma_wait3A_49 : memref<128x128xf32, #tpu.memory_space<vmem>>)
      %dma_wait3A_53 = arith.constant 128 : i32
      %dma_wait3A_54 = arith.constant 0 : i32
      %dma_wait3A_55 = tpu.memref_slice %arg7[%dma_wait3A_53, %dma_wait3A_54] : memref<256x128xf32, #tpu.memory_space<vmem>> -> memref<128x128xf32, #tpu.memory_space<vmem>>
      %dma_wait3A_56 = arith.constant 0 : i32
      %dma_wait3A_57 = arith.constant 0 : i32
      %dma_wait3A_58 = tpu.memref_slice %arg3[%dma_wait3A_56, %dma_wait3A_57] : memref<16384x128xf32, #tpu.memory_space<hbm>> -> memref<128x128xf32, #tpu.memory_space<hbm>>
      %dma_wait3A_59 = arith.constant 128 : i32
      %dma_wait3A_60 = arith.constant 0 : i32
      %dma_wait3A_61 = tpu.memref_slice %arg7[%dma_wait3A_59, %dma_wait3A_60] : memref<256x128xf32, #tpu.memory_space<vmem>> -> memref<128x128xf32, #tpu.memory_space<vmem>>
      %dma_wait3A_62 = arith.constant 0 : i32
      %dma_wait3A_63 = arith.constant 0 : i32
      %dma_wait3A_64 = tpu.memref_slice %arg3[%dma_wait3A_62, %dma_wait3A_63] : memref<16384x128xf32, #tpu.memory_space<hbm>> -> memref<128x128xf32, #tpu.memory_space<hbm>>
      tpu.wait_dma2 semaphore(%arg9 : memref<!tpu.dma_semaphore, #tpu.memory_space<semaphore_mem>>) src(%dma_wait3A_64 : memref<128x128xf32, #tpu.memory_space<hbm>>) dst(%dma_wait3A_61 : memref<128x128xf32, #tpu.memory_space<vmem>>)
      %mul3A_65 = arith.constant 256 : i32
      %mul3A_66 = arith.muli %add3A_32, %mul3A_65 : i32
      %add3A_67 = arith.addi %mul3A_2, %mul3A_66 : i32
      %dma_start3A_68 = arith.constant 0 : i32
      %dma_start3A_69 = tpu.memref_slice %arg4[%add3A_67, %dma_start3A_68] : memref<163840x128xf32, #tpu.memory_space<hbm>> -> memref<256x128xf32, #tpu.memory_space<hbm>>
      %dma_start3A_70 = arith.constant 0 : i32
      %dma_start3A_71 = tpu.memref_slice %arg4[%add3A_67, %dma_start3A_70] : memref<163840x128xf32, #tpu.memory_space<hbm>> -> memref<256x128xf32, #tpu.memory_space<hbm>>
      tpu.enqueue_dma source(%arg7 : memref<256x128xf32, #tpu.memory_space<vmem>>) target(%dma_start3A_71 : memref<256x128xf32, #tpu.memory_space<hbm>>) target_semaphore(%arg11 : memref<!tpu.dma_semaphore, #tpu.memory_space<semaphore_mem>>)
      %mul3A_72 = arith.constant 2 : i32
      %mul3A_73 = arith.muli %mul3A_72, %scan3A_28 : i32
      %add3A_74 = arith.constant 1 : i32
      %add3A_75 = arith.addi %mul3A_73, %add3A_74 : i32
      %ge3A_76 = arith.constant 1 : i32
      %ge3A_77 = arith.cmpi sge, %add3A_75, %ge3A_76 : i32
      %convert_element_type3A_78 = arith.extui %ge3A_77 : i1 to i32
      %cond3A_79 = arith.constant 0 : i32
      %cond3A_80 = arith.cmpi ne, %convert_element_type3A_78, %cond3A_79 : i32
      scf.if %cond3A_80 {
        %dma_wait3A_119 = arith.constant 0 : i32
        %dma_wait3A_120 = tpu.memref_slice %arg4[%mul3A_2, %dma_wait3A_119] : memref<163840x128xf32, #tpu.memory_space<hbm>> -> memref<256x128xf32, #tpu.memory_space<hbm>>
        %dma_wait3A_121 = arith.constant 0 : i32
        %dma_wait3A_122 = tpu.memref_slice %arg4[%mul3A_2, %dma_wait3A_121] : memref<163840x128xf32, #tpu.memory_space<hbm>> -> memref<256x128xf32, #tpu.memory_space<hbm>>
        tpu.wait_dma2 semaphore(%arg11 : memref<!tpu.dma_semaphore, #tpu.memory_space<semaphore_mem>>) src(%arg7 : memref<256x128xf32, #tpu.memory_space<vmem>>) dst(%dma_wait3A_122 : memref<256x128xf32, #tpu.memory_space<hbm>>)
      } else {
      }
      %add3A_81 = arith.constant 1 : i32
      %add3A_82 = arith.addi %add3A_75, %add3A_81 : i32
      %lt3A_83 = arith.constant 20 : i32
      %lt3A_84 = arith.cmpi slt, %add3A_82, %lt3A_83 : i32
      %convert_element_type3A_85 = arith.extui %lt3A_84 : i1 to i32
      %cond3A_86 = arith.constant 0 : i32
      %cond3A_87 = arith.cmpi ne, %convert_element_type3A_85, %cond3A_86 : i32
      scf.if %cond3A_87 {
        %add3A_119 = arith.constant 1 : i32
        %add3A_120 = arith.addi %add3A_75, %add3A_119 : i32
        %mul3A_121 = arith.constant 256 : i32
        %mul3A_122 = arith.muli %add3A_120, %mul3A_121 : i32
        %add3A_123 = arith.addi %mul3A_2, %mul3A_122 : i32
        "tpu.region"() ({
          %run_scoped3A = tpu.sem_alloc : memref<!tpu.dma_semaphore, #tpu.memory_space<semaphore_mem>>
          %dma_start3A_140 = tpu.memref_slice %arg2[%add3A_123] : memref<163840xi32, #tpu.memory_space<hbm>> -> memref<256xi32, #tpu.memory_space<hbm>>
          %dma_start3A_141 = tpu.memref_slice %arg2[%add3A_123] : memref<163840xi32, #tpu.memory_space<hbm>> -> memref<256xi32, #tpu.memory_space<hbm>>
          tpu.enqueue_dma source(%dma_start3A_141 : memref<256xi32, #tpu.memory_space<hbm>>) target(%arg5 : memref<256xi32, #tpu.memory_space<vmem>>) target_semaphore(%run_scoped3A : memref<!tpu.dma_semaphore, #tpu.memory_space<semaphore_mem>>)
          %dma_wait3A_142 = tpu.memref_slice %arg2[%add3A_123] : memref<163840xi32, #tpu.memory_space<hbm>> -> memref<256xi32, #tpu.memory_space<hbm>>
          %dma_wait3A_143 = tpu.memref_slice %arg2[%add3A_123] : memref<163840xi32, #tpu.memory_space<hbm>> -> memref<256xi32, #tpu.memory_space<hbm>>
          tpu.wait_dma2 semaphore(%run_scoped3A : memref<!tpu.dma_semaphore, #tpu.memory_space<semaphore_mem>>) src(%dma_wait3A_143 : memref<256xi32, #tpu.memory_space<hbm>>) dst(%arg5 : memref<256xi32, #tpu.memory_space<vmem>>)
          tpu.yield
        }) : () -> ()
        %dma_start3A_124 = arith.constant 0 : i32
        %dma_start3A_125 = arith.constant 0 : i32
        %dma_start3A_126 = tpu.memref_slice %arg7[%dma_start3A_124, %dma_start3A_125] : memref<256x128xf32, #tpu.memory_space<vmem>> -> memref<128x128xf32, #tpu.memory_space<vmem>>
        %dma_start3A_127 = arith.constant 0 : i32
        %dma_start3A_128 = tpu.memref_slice %arg5[%dma_start3A_127] : memref<256xi32, #tpu.memory_space<vmem>> -> memref<128xi32, #tpu.memory_space<vmem>>
        %dma_start3A_129 = arith.constant 0 : i32
        %dma_start3A_130 = arith.constant 0 : i32
        %dma_start3A_131 = tpu.memref_slice %arg3[%dma_start3A_129, %dma_start3A_130] : memref<16384x128xf32, #tpu.memory_space<hbm>> -> memref<16384x128xf32, #tpu.memory_space<hbm>>
        tpu.enqueue_indirect_dma source(%dma_start3A_131 : memref<16384x128xf32, #tpu.memory_space<hbm>>) target(%dma_start3A_126 : memref<128x128xf32, #tpu.memory_space<vmem>>) offsets(%dma_start3A_128 : memref<128xi32, #tpu.memory_space<vmem>>) semaphore(%arg9 : memref<!tpu.dma_semaphore, #tpu.memory_space<semaphore_mem>>)
        %dma_start3A_132 = arith.constant 128 : i32
        %dma_start3A_133 = arith.constant 0 : i32
        %dma_start3A_134 = tpu.memref_slice %arg7[%dma_start3A_132, %dma_start3A_133] : memref<256x128xf32, #tpu.memory_space<vmem>> -> memref<128x128xf32, #tpu.memory_space<vmem>>
        %dma_start3A_135 = arith.constant 128 : i32
        %dma_start3A_136 = tpu.memref_slice %arg5[%dma_start3A_135] : memref<256xi32, #tpu.memory_space<vmem>> -> memref<128xi32, #tpu.memory_space<vmem>>
        %dma_start3A_137 = arith.constant 0 : i32
        %dma_start3A_138 = arith.constant 0 : i32
        %dma_start3A_139 = tpu.memref_slice %arg3[%dma_start3A_137, %dma_start3A_138] : memref<16384x128xf32, #tpu.memory_space<hbm>> -> memref<16384x128xf32, #tpu.memory_space<hbm>>
        tpu.enqueue_indirect_dma source(%dma_start3A_139 : memref<16384x128xf32, #tpu.memory_space<hbm>>) target(%dma_start3A_134 : memref<128x128xf32, #tpu.memory_space<vmem>>) offsets(%dma_start3A_136 : memref<128xi32, #tpu.memory_space<vmem>>) semaphore(%arg9 : memref<!tpu.dma_semaphore, #tpu.memory_space<semaphore_mem>>)
      } else {
      }
      %dma_wait3A_88 = arith.constant 0 : i32
      %dma_wait3A_89 = arith.constant 0 : i32
      %dma_wait3A_90 = tpu.memref_slice %arg8[%dma_wait3A_88, %dma_wait3A_89] : memref<256x128xf32, #tpu.memory_space<vmem>> -> memref<128x128xf32, #tpu.memory_space<vmem>>
      %dma_wait3A_91 = arith.constant 0 : i32
      %dma_wait3A_92 = arith.constant 0 : i32
      %dma_wait3A_93 = tpu.memref_slice %arg3[%dma_wait3A_91, %dma_wait3A_92] : memref<16384x128xf32, #tpu.memory_space<hbm>> -> memref<128x128xf32, #tpu.memory_space<hbm>>
      %dma_wait3A_94 = arith.constant 0 : i32
      %dma_wait3A_95 = arith.constant 0 : i32
      %dma_wait3A_96 = tpu.memref_slice %arg8[%dma_wait3A_94, %dma_wait3A_95] : memref<256x128xf32, #tpu.memory_space<vmem>> -> memref<128x128xf32, #tpu.memory_space<vmem>>
      %dma_wait3A_97 = arith.constant 0 : i32
      %dma_wait3A_98 = arith.constant 0 : i32
      %dma_wait3A_99 = tpu.memref_slice %arg3[%dma_wait3A_97, %dma_wait3A_98] : memref<16384x128xf32, #tpu.memory_space<hbm>> -> memref<128x128xf32, #tpu.memory_space<hbm>>
      tpu.wait_dma2 semaphore(%arg10 : memref<!tpu.dma_semaphore, #tpu.memory_space<semaphore_mem>>) src(%dma_wait3A_99 : memref<128x128xf32, #tpu.memory_space<hbm>>) dst(%dma_wait3A_96 : memref<128x128xf32, #tpu.memory_space<vmem>>)
      %dma_wait3A_100 = arith.constant 128 : i32
      %dma_wait3A_101 = arith.constant 0 : i32
      %dma_wait3A_102 = tpu.memref_slice %arg8[%dma_wait3A_100, %dma_wait3A_101] : memref<256x128xf32, #tpu.memory_space<vmem>> -> memref<128x128xf32, #tpu.memory_space<vmem>>
      %dma_wait3A_103 = arith.constant 0 : i32
      %dma_wait3A_104 = arith.constant 0 : i32
      %dma_wait3A_105 = tpu.memref_slice %arg3[%dma_wait3A_103, %dma_wait3A_104] : memref<16384x128xf32, #tpu.memory_space<hbm>> -> memref<128x128xf32, #tpu.memory_space<hbm>>
      %dma_wait3A_106 = arith.constant 128 : i32
      %dma_wait3A_107 = arith.constant 0 : i32
      %dma_wait3A_108 = tpu.memref_slice %arg8[%dma_wait3A_106, %dma_wait3A_107] : memref<256x128xf32, #tpu.memory_space<vmem>> -> memref<128x128xf32, #tpu.memory_space<vmem>>
      %dma_wait3A_109 = arith.constant 0 : i32
      %dma_wait3A_110 = arith.constant 0 : i32
      %dma_wait3A_111 = tpu.memref_slice %arg3[%dma_wait3A_109, %dma_wait3A_110] : memref<16384x128xf32, #tpu.memory_space<hbm>> -> memref<128x128xf32, #tpu.memory_space<hbm>>
      tpu.wait_dma2 semaphore(%arg10 : memref<!tpu.dma_semaphore, #tpu.memory_space<semaphore_mem>>) src(%dma_wait3A_111 : memref<128x128xf32, #tpu.memory_space<hbm>>) dst(%dma_wait3A_108 : memref<128x128xf32, #tpu.memory_space<vmem>>)
      %mul3A_112 = arith.constant 256 : i32
      %mul3A_113 = arith.muli %add3A_75, %mul3A_112 : i32
      %add3A_114 = arith.addi %mul3A_2, %mul3A_113 : i32
      %dma_start3A_115 = arith.constant 0 : i32
      %dma_start3A_116 = tpu.memref_slice %arg4[%add3A_114, %dma_start3A_115] : memref<163840x128xf32, #tpu.memory_space<hbm>> -> memref<256x128xf32, #tpu.memory_space<hbm>>
      %dma_start3A_117 = arith.constant 0 : i32
      %dma_start3A_118 = tpu.memref_slice %arg4[%add3A_114, %dma_start3A_117] : memref<163840x128xf32, #tpu.memory_space<hbm>> -> memref<256x128xf32, #tpu.memory_space<hbm>>
      tpu.enqueue_dma source(%arg8 : memref<256x128xf32, #tpu.memory_space<vmem>>) target(%dma_start3A_118 : memref<256x128xf32, #tpu.memory_space<hbm>>) target_semaphore(%arg11 : memref<!tpu.dma_semaphore, #tpu.memory_space<semaphore_mem>>)
    }
    %scan3A_24 = arith.constant 10 : i32
    %dma_wait3A = arith.constant 0 : i32
    %dma_wait3A_25 = tpu.memref_slice %arg4[%mul3A_2, %dma_wait3A] : memref<163840x128xf32, #tpu.memory_space<hbm>> -> memref<256x128xf32, #tpu.memory_space<hbm>>
    %dma_wait3A_26 = arith.constant 0 : i32
    %dma_wait3A_27 = tpu.memref_slice %arg4[%mul3A_2, %dma_wait3A_26] : memref<163840x128xf32, #tpu.memory_space<hbm>> -> memref<256x128xf32, #tpu.memory_space<hbm>>
    tpu.wait_dma2 semaphore(%arg11 : memref<!tpu.dma_semaphore, #tpu.memory_space<semaphore_mem>>) src(%arg8 : memref<256x128xf32, #tpu.memory_space<vmem>>) dst(%dma_wait3A_27 : memref<256x128xf32, #tpu.memory_space<hbm>>)
    return
  }
}

#map = affine_map<(d0, d1) -> (0)>
#map1 = affine_map<(d0, d1) -> (0, 0)>
module attributes {stable_mosaic.version = 14 : i64} {
  func.func @body(%arg0: i32, %arg1: i32, %arg2: memref<163840xi32, #tpu.memory_space<hbm>>, %arg3: memref<16384x128xf32, #tpu.memory_space<hbm>>, %arg4: memref<163840x128xf32, #tpu.memory_space<hbm>>, %arg5: memref<256xi32, #tpu.memory_space<vmem>>, %arg6: memref<256xi32, #tpu.memory_space<vmem>>, %arg7: memref<256x128xf32, #tpu.memory_space<vmem>>, %arg8: memref<256x128xf32, #tpu.memory_space<vmem>>, %arg9: memref<!tpu.dma_semaphore, #tpu.memory_space<semaphore_mem>>, %arg10: memref<!tpu.dma_semaphore, #tpu.memory_space<semaphore_mem>>, %arg11: memref<!tpu.dma_semaphore, #tpu.memory_space<semaphore_mem>>) attributes {dimension_semantics = [#tpu.dimension_semantics<core_parallel>, #tpu.dimension_semantics<subcore_parallel>], iteration_bounds = array<i64: 2, 16>, scalar_prefetch = 0 : i64, scratch_operands = 7 : i64, tpu.core_type = #tpu.core_type<sc_vector_subcore>, window_params = [{transform_indices = #map}, {transform_indices = #map1}, {transform_indices = #map1}]} {
    %mul3A = arith.constant 2 : i32
    %mul3A_0 = arith.muli %arg1, %mul3A : i32
    %add3A = arith.addi %mul3A_0, %arg0 : i32
    %mul3A_1 = arith.constant 5120 : i32
    %mul3A_2 = arith.muli %add3A, %mul3A_1 : i32
    %add3A_3 = arith.constant 0 : i32
    %add3A_4 = arith.addi %mul3A_2, %add3A_3 : i32
    "tpu.region"() ({
      %run_scoped3A = tpu.sem_alloc : memref<!tpu.dma_semaphore, #tpu.memory_space<semaphore_mem>>
      %dma_start3A_28 = tpu.memref_slice %arg2[%add3A_4] : memref<163840xi32, #tpu.memory_space<hbm>> -> memref<256xi32, #tpu.memory_space<hbm>>
      %dma_start3A_29 = tpu.memref_slice %arg2[%add3A_4] : memref<163840xi32, #tpu.memory_space<hbm>> -> memref<256xi32, #tpu.memory_space<hbm>>
      tpu.enqueue_dma source(%dma_start3A_29 : memref<256xi32, #tpu.memory_space<hbm>>) target(%arg5 : memref<256xi32, #tpu.memory_space<vmem>>) target_semaphore(%run_scoped3A : memref<!tpu.dma_semaphore, #tpu.memory_space<semaphore_mem>>)
      %dma_wait3A_30 = tpu.memref_slice %arg2[%add3A_4] : memref<163840xi32, #tpu.memory_space<hbm>> -> memref<256xi32, #tpu.memory_space<hbm>>
      %dma_wait3A_31 = tpu.memref_slice %arg2[%add3A_4] : memref<163840xi32, #tpu.memory_space<hbm>> -> memref<256xi32, #tpu.memory_space<hbm>>
      tpu.wait_dma2 semaphore(%run_scoped3A : memref<!tpu.dma_semaphore, #tpu.memory_space<semaphore_mem>>) src(%dma_wait3A_31 : memref<256xi32, #tpu.memory_space<hbm>>) dst(%arg5 : memref<256xi32, #tpu.memory_space<vmem>>)
      tpu.yield
    }) : () -> ()
    %dma_start3A = arith.constant 0 : i32
    %dma_start3A_5 = arith.constant 0 : i32
    %dma_start3A_6 = tpu.memref_slice %arg7[%dma_start3A, %dma_start3A_5] : memref<256x128xf32, #tpu.memory_space<vmem>> -> memref<128x128xf32, #tpu.memory_space<vmem>>
    %dma_start3A_7 = arith.constant 0 : i32
    %dma_start3A_8 = tpu.memref_slice %arg5[%dma_start3A_7] : memref<256xi32, #tpu.memory_space<vmem>> -> memref<128xi32, #tpu.memory_space<vmem>>
    %dma_start3A_9 = arith.constant 0 : i32
    %dma_start3A_10 = arith.constant 0 : i32
    %dma_start3A_11 = tpu.memref_slice %arg3[%dma_start3A_9, %dma_start3A_10] : memref<16384x128xf32, #tpu.memory_space<hbm>> -> memref<16384x128xf32, #tpu.memory_space<hbm>>
    tpu.enqueue_indirect_dma source(%dma_start3A_11 : memref<16384x128xf32, #tpu.memory_space<hbm>>) target(%dma_start3A_6 : memref<128x128xf32, #tpu.memory_space<vmem>>) offsets(%dma_start3A_8 : memref<128xi32, #tpu.memory_space<vmem>>) semaphore(%arg9 : memref<!tpu.dma_semaphore, #tpu.memory_space<semaphore_mem>>)
    %dma_start3A_12 = arith.constant 128 : i32
    %dma_start3A_13 = arith.constant 0 : i32
    %dma_start3A_14 = tpu.memref_slice %arg7[%dma_start3A_12, %dma_start3A_13] : memref<256x128xf32, #tpu.memory_space<vmem>> -> memref<128x128xf32, #tpu.memory_space<vmem>>
    %dma_start3A_15 = arith.constant 128 : i32
    %dma_start3A_16 = tpu.memref_slice %arg5[%dma_start3A_15] : memref<256xi32, #tpu.memory_space<vmem>> -> memref<128xi32, #tpu.memory_space<vmem>>
    %dma_start3A_17 = arith.constant 0 : i32
    %dma_start3A_18 = arith.constant 0 : i32
    %dma_start3A_19 = tpu.memref_slice %arg3[%dma_start3A_17, %dma_start3A_18] : memref<16384x128xf32, #tpu.memory_space<hbm>> -> memref<16384x128xf32, #tpu.memory_space<hbm>>
    tpu.enqueue_indirect_dma source(%dma_start3A_19 : memref<16384x128xf32, #tpu.memory_space<hbm>>) target(%dma_start3A_14 : memref<128x128xf32, #tpu.memory_space<vmem>>) offsets(%dma_start3A_16 : memref<128xi32, #tpu.memory_space<vmem>>) semaphore(%arg9 : memref<!tpu.dma_semaphore, #tpu.memory_space<semaphore_mem>>)
    %scan3A = arith.constant 0 : i32
    %scan3A_20 = arith.constant 0 : i32
    %scan3A_21 = arith.constant 10 : i32
    %scan3A_22 = arith.addi %scan3A_20, %scan3A_21 : i32
    %scan3A_23 = arith.constant 1 : i32
    scf.for %scan3A_28 = %scan3A_20 to %scan3A_22 step %scan3A_23  : i32 {
      %mul3A_29 = arith.constant 2 : i32
      %mul3A_30 = arith.muli %mul3A_29, %scan3A_28 : i32
      %add3A_31 = arith.constant 0 : i32
      %add3A_32 = arith.addi %mul3A_30, %add3A_31 : i32
      %ge3A = arith.constant 1 : i32
      %ge3A_33 = arith.cmpi sge, %add3A_32, %ge3A : i32
      %convert_element_type3A = arith.extui %ge3A_33 : i1 to i32
      %cond3A = arith.constant 0 : i32
      %cond3A_34 = arith.cmpi ne, %convert_element_type3A, %cond3A : i32
      scf.if %cond3A_34 {
        %dma_wait3A_119 = arith.constant 0 : i32
        %dma_wait3A_120 = tpu.memref_slice %arg4[%mul3A_2, %dma_wait3A_119] : memref<163840x128xf32, #tpu.memory_space<hbm>> -> memref<256x128xf32, #tpu.memory_space<hbm>>
        %dma_wait3A_121 = arith.constant 0 : i32
        %dma_wait3A_122 = tpu.memref_slice %arg4[%mul3A_2, %dma_wait3A_121] : memref<163840x128xf32, #tpu.memory_space<hbm>> -> memref<256x128xf32, #tpu.memory_space<hbm>>
        tpu.wait_dma2 semaphore(%arg11 : memref<!tpu.dma_semaphore, #tpu.memory_space<semaphore_mem>>) src(%arg8 : memref<256x128xf32, #tpu.memory_space<vmem>>) dst(%dma_wait3A_122 : memref<256x128xf32, #tpu.memory_space<hbm>>)
      } else {
      }
      %add3A_35 = arith.constant 1 : i32
      %add3A_36 = arith.addi %add3A_32, %add3A_35 : i32
      %lt3A = arith.constant 20 : i32
      %lt3A_37 = arith.cmpi slt, %add3A_36, %lt3A : i32
      %convert_element_type3A_38 = arith.extui %lt3A_37 : i1 to i32
      %cond3A_39 = arith.constant 0 : i32
      %cond3A_40 = arith.cmpi ne, %convert_element_type3A_38, %cond3A_39 : i32
      scf.if %cond3A_40 {
        %add3A_119 = arith.constant 1 : i32
        %add3A_120 = arith.addi %add3A_32, %add3A_119 : i32
        %mul3A_121 = arith.constant 256 : i32
        %mul3A_122 = arith.muli %add3A_120, %mul3A_121 : i32
        %add3A_123 = arith.addi %mul3A_2, %mul3A_122 : i32
        "tpu.region"() ({
          %run_scoped3A = tpu.sem_alloc : memref<!tpu.dma_semaphore, #tpu.memory_space<semaphore_mem>>
          %dma_start3A_140 = tpu.memref_slice %arg2[%add3A_123] : memref<163840xi32, #tpu.memory_space<hbm>> -> memref<256xi32, #tpu.memory_space<hbm>>
          %dma_start3A_141 = tpu.memref_slice %arg2[%add3A_123] : memref<163840xi32, #tpu.memory_space<hbm>> -> memref<256xi32, #tpu.memory_space<hbm>>
          tpu.enqueue_dma source(%dma_start3A_141 : memref<256xi32, #tpu.memory_space<hbm>>) target(%arg6 : memref<256xi32, #tpu.memory_space<vmem>>) target_semaphore(%run_scoped3A : memref<!tpu.dma_semaphore, #tpu.memory_space<semaphore_mem>>)
          %dma_wait3A_142 = tpu.memref_slice %arg2[%add3A_123] : memref<163840xi32, #tpu.memory_space<hbm>> -> memref<256xi32, #tpu.memory_space<hbm>>
          %dma_wait3A_143 = tpu.memref_slice %arg2[%add3A_123] : memref<163840xi32, #tpu.memory_space<hbm>> -> memref<256xi32, #tpu.memory_space<hbm>>
          tpu.wait_dma2 semaphore(%run_scoped3A : memref<!tpu.dma_semaphore, #tpu.memory_space<semaphore_mem>>) src(%dma_wait3A_143 : memref<256xi32, #tpu.memory_space<hbm>>) dst(%arg6 : memref<256xi32, #tpu.memory_space<vmem>>)
          tpu.yield
        }) : () -> ()
        %dma_start3A_124 = arith.constant 0 : i32
        %dma_start3A_125 = arith.constant 0 : i32
        %dma_start3A_126 = tpu.memref_slice %arg8[%dma_start3A_124, %dma_start3A_125] : memref<256x128xf32, #tpu.memory_space<vmem>> -> memref<128x128xf32, #tpu.memory_space<vmem>>
        %dma_start3A_127 = arith.constant 0 : i32
        %dma_start3A_128 = tpu.memref_slice %arg6[%dma_start3A_127] : memref<256xi32, #tpu.memory_space<vmem>> -> memref<128xi32, #tpu.memory_space<vmem>>
        %dma_start3A_129 = arith.constant 0 : i32
        %dma_start3A_130 = arith.constant 0 : i32
        %dma_start3A_131 = tpu.memref_slice %arg3[%dma_start3A_129, %dma_start3A_130] : memref<16384x128xf32, #tpu.memory_space<hbm>> -> memref<16384x128xf32, #tpu.memory_space<hbm>>
        tpu.enqueue_indirect_dma source(%dma_start3A_131 : memref<16384x128xf32, #tpu.memory_space<hbm>>) target(%dma_start3A_126 : memref<128x128xf32, #tpu.memory_space<vmem>>) offsets(%dma_start3A_128 : memref<128xi32, #tpu.memory_space<vmem>>) semaphore(%arg10 : memref<!tpu.dma_semaphore, #tpu.memory_space<semaphore_mem>>)
        %dma_start3A_132 = arith.constant 128 : i32
        %dma_start3A_133 = arith.constant 0 : i32
        %dma_start3A_134 = tpu.memref_slice %arg8[%dma_start3A_132, %dma_start3A_133] : memref<256x128xf32, #tpu.memory_space<vmem>> -> memref<128x128xf32, #tpu.memory_space<vmem>>
        %dma_start3A_135 = arith.constant 128 : i32
        %dma_start3A_136 = tpu.memref_slice %arg6[%dma_start3A_135] : memref<256xi32, #tpu.memory_space<vmem>> -> memref<128xi32, #tpu.memory_space<vmem>>
        %dma_start3A_137 = arith.constant 0 : i32
        %dma_start3A_138 = arith.constant 0 : i32
        %dma_start3A_139 = tpu.memref_slice %arg3[%dma_start3A_137, %dma_start3A_138] : memref<16384x128xf32, #tpu.memory_space<hbm>> -> memref<16384x128xf32, #tpu.memory_space<hbm>>
        tpu.enqueue_indirect_dma source(%dma_start3A_139 : memref<16384x128xf32, #tpu.memory_space<hbm>>) target(%dma_start3A_134 : memref<128x128xf32, #tpu.memory_space<vmem>>) offsets(%dma_start3A_136 : memref<128xi32, #tpu.memory_space<vmem>>) semaphore(%arg10 : memref<!tpu.dma_semaphore, #tpu.memory_space<semaphore_mem>>)
      } else {
      }
      %dma_wait3A_41 = arith.constant 0 : i32
      %dma_wait3A_42 = arith.constant 0 : i32
      %dma_wait3A_43 = tpu.memref_slice %arg7[%dma_wait3A_41, %dma_wait3A_42] : memref<256x128xf32, #tpu.memory_space<vmem>> -> memref<128x128xf32, #tpu.memory_space<vmem>>
      %dma_wait3A_44 = arith.constant 0 : i32
      %dma_wait3A_45 = arith.constant 0 : i32
      %dma_wait3A_46 = tpu.memref_slice %arg3[%dma_wait3A_44, %dma_wait3A_45] : memref<16384x128xf32, #tpu.memory_space<hbm>> -> memref<128x128xf32, #tpu.memory_space<hbm>>
      %dma_wait3A_47 = arith.constant 0 : i32
      %dma_wait3A_48 = arith.constant 0 : i32
      %dma_wait3A_49 = tpu.memref_slice %arg7[%dma_wait3A_47, %dma_wait3A_48] : memref<256x128xf32, #tpu.memory_space<vmem>> -> memref<128x128xf32, #tpu.memory_space<vmem>>
      %dma_wait3A_50 = arith.constant 0 : i32
      %dma_wait3A_51 = arith.constant 0 : i32
      %dma_wait3A_52 = tpu.memref_slice %arg3[%dma_wait3A_50, %dma_wait3A_51] : memref<16384x128xf32, #tpu.memory_space<hbm>> -> memref<128x128xf32, #tpu.memory_space<hbm>>
      tpu.wait_dma2 semaphore(%arg9 : memref<!tpu.dma_semaphore, #tpu.memory_space<semaphore_mem>>) src(%dma_wait3A_52 : memref<128x128xf32, #tpu.memory_space<hbm>>) dst(%dma_wait3A_49 : memref<128x128xf32, #tpu.memory_space<vmem>>)
      %dma_wait3A_53 = arith.constant 128 : i32
      %dma_wait3A_54 = arith.constant 0 : i32
      %dma_wait3A_55 = tpu.memref_slice %arg7[%dma_wait3A_53, %dma_wait3A_54] : memref<256x128xf32, #tpu.memory_space<vmem>> -> memref<128x128xf32, #tpu.memory_space<vmem>>
      %dma_wait3A_56 = arith.constant 0 : i32
      %dma_wait3A_57 = arith.constant 0 : i32
      %dma_wait3A_58 = tpu.memref_slice %arg3[%dma_wait3A_56, %dma_wait3A_57] : memref<16384x128xf32, #tpu.memory_space<hbm>> -> memref<128x128xf32, #tpu.memory_space<hbm>>
      %dma_wait3A_59 = arith.constant 128 : i32
      %dma_wait3A_60 = arith.constant 0 : i32
      %dma_wait3A_61 = tpu.memref_slice %arg7[%dma_wait3A_59, %dma_wait3A_60] : memref<256x128xf32, #tpu.memory_space<vmem>> -> memref<128x128xf32, #tpu.memory_space<vmem>>
      %dma_wait3A_62 = arith.constant 0 : i32
      %dma_wait3A_63 = arith.constant 0 : i32
      %dma_wait3A_64 = tpu.memref_slice %arg3[%dma_wait3A_62, %dma_wait3A_63] : memref<16384x128xf32, #tpu.memory_space<hbm>> -> memref<128x128xf32, #tpu.memory_space<hbm>>
      tpu.wait_dma2 semaphore(%arg9 : memref<!tpu.dma_semaphore, #tpu.memory_space<semaphore_mem>>) src(%dma_wait3A_64 : memref<128x128xf32, #tpu.memory_space<hbm>>) dst(%dma_wait3A_61 : memref<128x128xf32, #tpu.memory_space<vmem>>)
      %mul3A_65 = arith.constant 256 : i32
      %mul3A_66 = arith.muli %add3A_32, %mul3A_65 : i32
      %add3A_67 = arith.addi %mul3A_2, %mul3A_66 : i32
      %dma_start3A_68 = arith.constant 0 : i32
      %dma_start3A_69 = tpu.memref_slice %arg4[%add3A_67, %dma_start3A_68] : memref<163840x128xf32, #tpu.memory_space<hbm>> -> memref<256x128xf32, #tpu.memory_space<hbm>>
      %dma_start3A_70 = arith.constant 0 : i32
      %dma_start3A_71 = tpu.memref_slice %arg4[%add3A_67, %dma_start3A_70] : memref<163840x128xf32, #tpu.memory_space<hbm>> -> memref<256x128xf32, #tpu.memory_space<hbm>>
      tpu.enqueue_dma source(%arg7 : memref<256x128xf32, #tpu.memory_space<vmem>>) target(%dma_start3A_71 : memref<256x128xf32, #tpu.memory_space<hbm>>) target_semaphore(%arg11 : memref<!tpu.dma_semaphore, #tpu.memory_space<semaphore_mem>>)
      %mul3A_72 = arith.constant 2 : i32
      %mul3A_73 = arith.muli %mul3A_72, %scan3A_28 : i32
      %add3A_74 = arith.constant 1 : i32
      %add3A_75 = arith.addi %mul3A_73, %add3A_74 : i32
      %ge3A_76 = arith.constant 1 : i32
      %ge3A_77 = arith.cmpi sge, %add3A_75, %ge3A_76 : i32
      %convert_element_type3A_78 = arith.extui %ge3A_77 : i1 to i32
      %cond3A_79 = arith.constant 0 : i32
      %cond3A_80 = arith.cmpi ne, %convert_element_type3A_78, %cond3A_79 : i32
      scf.if %cond3A_80 {
        %dma_wait3A_119 = arith.constant 0 : i32
        %dma_wait3A_120 = tpu.memref_slice %arg4[%mul3A_2, %dma_wait3A_119] : memref<163840x128xf32, #tpu.memory_space<hbm>> -> memref<256x128xf32, #tpu.memory_space<hbm>>
        %dma_wait3A_121 = arith.constant 0 : i32
        %dma_wait3A_122 = tpu.memref_slice %arg4[%mul3A_2, %dma_wait3A_121] : memref<163840x128xf32, #tpu.memory_space<hbm>> -> memref<256x128xf32, #tpu.memory_space<hbm>>
        tpu.wait_dma2 semaphore(%arg11 : memref<!tpu.dma_semaphore, #tpu.memory_space<semaphore_mem>>) src(%arg7 : memref<256x128xf32, #tpu.memory_space<vmem>>) dst(%dma_wait3A_122 : memref<256x128xf32, #tpu.memory_space<hbm>>)
      } else {
      }
      %add3A_81 = arith.constant 1 : i32
      %add3A_82 = arith.addi %add3A_75, %add3A_81 : i32
      %lt3A_83 = arith.constant 20 : i32
      %lt3A_84 = arith.cmpi slt, %add3A_82, %lt3A_83 : i32
      %convert_element_type3A_85 = arith.extui %lt3A_84 : i1 to i32
      %cond3A_86 = arith.constant 0 : i32
      %cond3A_87 = arith.cmpi ne, %convert_element_type3A_85, %cond3A_86 : i32
      scf.if %cond3A_87 {
        %add3A_119 = arith.constant 1 : i32
        %add3A_120 = arith.addi %add3A_75, %add3A_119 : i32
        %mul3A_121 = arith.constant 256 : i32
        %mul3A_122 = arith.muli %add3A_120, %mul3A_121 : i32
        %add3A_123 = arith.addi %mul3A_2, %mul3A_122 : i32
        "tpu.region"() ({
          %run_scoped3A = tpu.sem_alloc : memref<!tpu.dma_semaphore, #tpu.memory_space<semaphore_mem>>
          %dma_start3A_140 = tpu.memref_slice %arg2[%add3A_123] : memref<163840xi32, #tpu.memory_space<hbm>> -> memref<256xi32, #tpu.memory_space<hbm>>
          %dma_start3A_141 = tpu.memref_slice %arg2[%add3A_123] : memref<163840xi32, #tpu.memory_space<hbm>> -> memref<256xi32, #tpu.memory_space<hbm>>
          tpu.enqueue_dma source(%dma_start3A_141 : memref<256xi32, #tpu.memory_space<hbm>>) target(%arg5 : memref<256xi32, #tpu.memory_space<vmem>>) target_semaphore(%run_scoped3A : memref<!tpu.dma_semaphore, #tpu.memory_space<semaphore_mem>>)
          %dma_wait3A_142 = tpu.memref_slice %arg2[%add3A_123] : memref<163840xi32, #tpu.memory_space<hbm>> -> memref<256xi32, #tpu.memory_space<hbm>>
          %dma_wait3A_143 = tpu.memref_slice %arg2[%add3A_123] : memref<163840xi32, #tpu.memory_space<hbm>> -> memref<256xi32, #tpu.memory_space<hbm>>
          tpu.wait_dma2 semaphore(%run_scoped3A : memref<!tpu.dma_semaphore, #tpu.memory_space<semaphore_mem>>) src(%dma_wait3A_143 : memref<256xi32, #tpu.memory_space<hbm>>) dst(%arg5 : memref<256xi32, #tpu.memory_space<vmem>>)
          tpu.yield
        }) : () -> ()
        %dma_start3A_124 = arith.constant 0 : i32
        %dma_start3A_125 = arith.constant 0 : i32
        %dma_start3A_126 = tpu.memref_slice %arg7[%dma_start3A_124, %dma_start3A_125] : memref<256x128xf32, #tpu.memory_space<vmem>> -> memref<128x128xf32, #tpu.memory_space<vmem>>
        %dma_start3A_127 = arith.constant 0 : i32
        %dma_start3A_128 = tpu.memref_slice %arg5[%dma_start3A_127] : memref<256xi32, #tpu.memory_space<vmem>> -> memref<128xi32, #tpu.memory_space<vmem>>
        %dma_start3A_129 = arith.constant 0 : i32
        %dma_start3A_130 = arith.constant 0 : i32
        %dma_start3A_131 = tpu.memref_slice %arg3[%dma_start3A_129, %dma_start3A_130] : memref<16384x128xf32, #tpu.memory_space<hbm>> -> memref<16384x128xf32, #tpu.memory_space<hbm>>
        tpu.enqueue_indirect_dma source(%dma_start3A_131 : memref<16384x128xf32, #tpu.memory_space<hbm>>) target(%dma_start3A_126 : memref<128x128xf32, #tpu.memory_space<vmem>>) offsets(%dma_start3A_128 : memref<128xi32, #tpu.memory_space<vmem>>) semaphore(%arg9 : memref<!tpu.dma_semaphore, #tpu.memory_space<semaphore_mem>>)
        %dma_start3A_132 = arith.constant 128 : i32
        %dma_start3A_133 = arith.constant 0 : i32
        %dma_start3A_134 = tpu.memref_slice %arg7[%dma_start3A_132, %dma_start3A_133] : memref<256x128xf32, #tpu.memory_space<vmem>> -> memref<128x128xf32, #tpu.memory_space<vmem>>
        %dma_start3A_135 = arith.constant 128 : i32
        %dma_start3A_136 = tpu.memref_slice %arg5[%dma_start3A_135] : memref<256xi32, #tpu.memory_space<vmem>> -> memref<128xi32, #tpu.memory_space<vmem>>
        %dma_start3A_137 = arith.constant 0 : i32
        %dma_start3A_138 = arith.constant 0 : i32
        %dma_start3A_139 = tpu.memref_slice %arg3[%dma_start3A_137, %dma_start3A_138] : memref<16384x128xf32, #tpu.memory_space<hbm>> -> memref<16384x128xf32, #tpu.memory_space<hbm>>
        tpu.enqueue_indirect_dma source(%dma_start3A_139 : memref<16384x128xf32, #tpu.memory_space<hbm>>) target(%dma_start3A_134 : memref<128x128xf32, #tpu.memory_space<vmem>>) offsets(%dma_start3A_136 : memref<128xi32, #tpu.memory_space<vmem>>) semaphore(%arg9 : memref<!tpu.dma_semaphore, #tpu.memory_space<semaphore_mem>>)
      } else {
      }
      %dma_wait3A_88 = arith.constant 0 : i32
      %dma_wait3A_89 = arith.constant 0 : i32
      %dma_wait3A_90 = tpu.memref_slice %arg8[%dma_wait3A_88, %dma_wait3A_89] : memref<256x128xf32, #tpu.memory_space<vmem>> -> memref<128x128xf32, #tpu.memory_space<vmem>>
      %dma_wait3A_91 = arith.constant 0 : i32
      %dma_wait3A_92 = arith.constant 0 : i32
      %dma_wait3A_93 = tpu.memref_slice %arg3[%dma_wait3A_91, %dma_wait3A_92] : memref<16384x128xf32, #tpu.memory_space<hbm>> -> memref<128x128xf32, #tpu.memory_space<hbm>>
      %dma_wait3A_94 = arith.constant 0 : i32
      %dma_wait3A_95 = arith.constant 0 : i32
      %dma_wait3A_96 = tpu.memref_slice %arg8[%dma_wait3A_94, %dma_wait3A_95] : memref<256x128xf32, #tpu.memory_space<vmem>> -> memref<128x128xf32, #tpu.memory_space<vmem>>
      %dma_wait3A_97 = arith.constant 0 : i32
      %dma_wait3A_98 = arith.constant 0 : i32
      %dma_wait3A_99 = tpu.memref_slice %arg3[%dma_wait3A_97, %dma_wait3A_98] : memref<16384x128xf32, #tpu.memory_space<hbm>> -> memref<128x128xf32, #tpu.memory_space<hbm>>
      tpu.wait_dma2 semaphore(%arg10 : memref<!tpu.dma_semaphore, #tpu.memory_space<semaphore_mem>>) src(%dma_wait3A_99 : memref<128x128xf32, #tpu.memory_space<hbm>>) dst(%dma_wait3A_96 : memref<128x128xf32, #tpu.memory_space<vmem>>)
      %dma_wait3A_100 = arith.constant 128 : i32
      %dma_wait3A_101 = arith.constant 0 : i32
      %dma_wait3A_102 = tpu.memref_slice %arg8[%dma_wait3A_100, %dma_wait3A_101] : memref<256x128xf32, #tpu.memory_space<vmem>> -> memref<128x128xf32, #tpu.memory_space<vmem>>
      %dma_wait3A_103 = arith.constant 0 : i32
      %dma_wait3A_104 = arith.constant 0 : i32
      %dma_wait3A_105 = tpu.memref_slice %arg3[%dma_wait3A_103, %dma_wait3A_104] : memref<16384x128xf32, #tpu.memory_space<hbm>> -> memref<128x128xf32, #tpu.memory_space<hbm>>
      %dma_wait3A_106 = arith.constant 128 : i32
      %dma_wait3A_107 = arith.constant 0 : i32
      %dma_wait3A_108 = tpu.memref_slice %arg8[%dma_wait3A_106, %dma_wait3A_107] : memref<256x128xf32, #tpu.memory_space<vmem>> -> memref<128x128xf32, #tpu.memory_space<vmem>>
      %dma_wait3A_109 = arith.constant 0 : i32
      %dma_wait3A_110 = arith.constant 0 : i32
      %dma_wait3A_111 = tpu.memref_slice %arg3[%dma_wait3A_109, %dma_wait3A_110] : memref<16384x128xf32, #tpu.memory_space<hbm>> -> memref<128x128xf32, #tpu.memory_space<hbm>>
      tpu.wait_dma2 semaphore(%arg10 : memref<!tpu.dma_semaphore, #tpu.memory_space<semaphore_mem>>) src(%dma_wait3A_111 : memref<128x128xf32, #tpu.memory_space<hbm>>) dst(%dma_wait3A_108 : memref<128x128xf32, #tpu.memory_space<vmem>>)
      %mul3A_112 = arith.constant 256 : i32
      %mul3A_113 = arith.muli %add3A_75, %mul3A_112 : i32
      %add3A_114 = arith.addi %mul3A_2, %mul3A_113 : i32
      %dma_start3A_115 = arith.constant 0 : i32
      %dma_start3A_116 = tpu.memref_slice %arg4[%add3A_114, %dma_start3A_115] : memref<163840x128xf32, #tpu.memory_space<hbm>> -> memref<256x128xf32, #tpu.memory_space<hbm>>
      %dma_start3A_117 = arith.constant 0 : i32
      %dma_start3A_118 = tpu.memref_slice %arg4[%add3A_114, %dma_start3A_117] : memref<163840x128xf32, #tpu.memory_space<hbm>> -> memref<256x128xf32, #tpu.memory_space<hbm>>
      tpu.enqueue_dma source(%arg8 : memref<256x128xf32, #tpu.memory_space<vmem>>) target(%dma_start3A_118 : memref<256x128xf32, #tpu.memory_space<hbm>>) target_semaphore(%arg11 : memref<!tpu.dma_semaphore, #tpu.memory_space<semaphore_mem>>)
    }
    %scan3A_24 = arith.constant 10 : i32
    %dma_wait3A = arith.constant 0 : i32
    %dma_wait3A_25 = tpu.memref_slice %arg4[%mul3A_2, %dma_wait3A] : memref<163840x128xf32, #tpu.memory_space<hbm>> -> memref<256x128xf32, #tpu.memory_space<hbm>>
    %dma_wait3A_26 = arith.constant 0 : i32
    %dma_wait3A_27 = tpu.memref_slice %arg4[%mul3A_2, %dma_wait3A_26] : memref<163840x128xf32, #tpu.memory_space<hbm>> -> memref<256x128xf32, #tpu.memory_space<hbm>>
    tpu.wait_dma2 semaphore(%arg11 : memref<!tpu.dma_semaphore, #tpu.memory_space<semaphore_mem>>) src(%arg8 : memref<256x128xf32, #tpu.memory_space<vmem>>) dst(%dma_wait3A_27 : memref<256x128xf32, #tpu.memory_space<hbm>>)
    return
  }
}

#map = affine_map<(d0, d1) -> (0)>
#map1 = affine_map<(d0, d1) -> (0, 0)>
module attributes {stable_mosaic.version = 14 : i64} {
  func.func @body(%arg0: i32, %arg1: i32, %arg2: memref<163840xi32, #tpu.memory_space<hbm>>, %arg3: memref<16384x128xf32, #tpu.memory_space<hbm>>, %arg4: memref<163840x128xf32, #tpu.memory_space<hbm>>, %arg5: memref<256xi32, #tpu.memory_space<vmem>>, %arg6: memref<256xi32, #tpu.memory_space<vmem>>, %arg7: memref<256x128xf32, #tpu.memory_space<vmem>>, %arg8: memref<256x128xf32, #tpu.memory_space<vmem>>, %arg9: memref<!tpu.dma_semaphore, #tpu.memory_space<semaphore_mem>>, %arg10: memref<!tpu.dma_semaphore, #tpu.memory_space<semaphore_mem>>, %arg11: memref<!tpu.dma_semaphore, #tpu.memory_space<semaphore_mem>>) attributes {dimension_semantics = [#tpu.dimension_semantics<core_parallel>, #tpu.dimension_semantics<subcore_parallel>], iteration_bounds = array<i64: 2, 16>, scalar_prefetch = 0 : i64, scratch_operands = 7 : i64, tpu.core_type = #tpu.core_type<sc_vector_subcore>, window_params = [{transform_indices = #map}, {transform_indices = #map1}, {transform_indices = #map1}]} {
    %mul3A = arith.constant 2 : i32
    %mul3A_0 = arith.muli %arg1, %mul3A : i32
    %add3A = arith.addi %mul3A_0, %arg0 : i32
    %mul3A_1 = arith.constant 5120 : i32
    %mul3A_2 = arith.muli %add3A, %mul3A_1 : i32
    %add3A_3 = arith.constant 0 : i32
    %add3A_4 = arith.addi %mul3A_2, %add3A_3 : i32
    "tpu.region"() ({
      %run_scoped3A = tpu.sem_alloc : memref<!tpu.dma_semaphore, #tpu.memory_space<semaphore_mem>>
      %dma_start3A_28 = tpu.memref_slice %arg2[%add3A_4] : memref<163840xi32, #tpu.memory_space<hbm>> -> memref<256xi32, #tpu.memory_space<hbm>>
      %dma_start3A_29 = tpu.memref_slice %arg2[%add3A_4] : memref<163840xi32, #tpu.memory_space<hbm>> -> memref<256xi32, #tpu.memory_space<hbm>>
      tpu.enqueue_dma source(%dma_start3A_29 : memref<256xi32, #tpu.memory_space<hbm>>) target(%arg5 : memref<256xi32, #tpu.memory_space<vmem>>) target_semaphore(%run_scoped3A : memref<!tpu.dma_semaphore, #tpu.memory_space<semaphore_mem>>)
      %dma_wait3A_30 = tpu.memref_slice %arg2[%add3A_4] : memref<163840xi32, #tpu.memory_space<hbm>> -> memref<256xi32, #tpu.memory_space<hbm>>
      %dma_wait3A_31 = tpu.memref_slice %arg2[%add3A_4] : memref<163840xi32, #tpu.memory_space<hbm>> -> memref<256xi32, #tpu.memory_space<hbm>>
      tpu.wait_dma2 semaphore(%run_scoped3A : memref<!tpu.dma_semaphore, #tpu.memory_space<semaphore_mem>>) src(%dma_wait3A_31 : memref<256xi32, #tpu.memory_space<hbm>>) dst(%arg5 : memref<256xi32, #tpu.memory_space<vmem>>)
      tpu.yield
    }) : () -> ()
    %dma_start3A = arith.constant 0 : i32
    %dma_start3A_5 = arith.constant 0 : i32
    %dma_start3A_6 = tpu.memref_slice %arg7[%dma_start3A, %dma_start3A_5] : memref<256x128xf32, #tpu.memory_space<vmem>> -> memref<128x128xf32, #tpu.memory_space<vmem>>
    %dma_start3A_7 = arith.constant 0 : i32
    %dma_start3A_8 = tpu.memref_slice %arg5[%dma_start3A_7] : memref<256xi32, #tpu.memory_space<vmem>> -> memref<128xi32, #tpu.memory_space<vmem>>
    %dma_start3A_9 = arith.constant 0 : i32
    %dma_start3A_10 = arith.constant 0 : i32
    %dma_start3A_11 = tpu.memref_slice %arg3[%dma_start3A_9, %dma_start3A_10] : memref<16384x128xf32, #tpu.memory_space<hbm>> -> memref<16384x128xf32, #tpu.memory_space<hbm>>
    tpu.enqueue_indirect_dma source(%dma_start3A_11 : memref<16384x128xf32, #tpu.memory_space<hbm>>) target(%dma_start3A_6 : memref<128x128xf32, #tpu.memory_space<vmem>>) offsets(%dma_start3A_8 : memref<128xi32, #tpu.memory_space<vmem>>) semaphore(%arg9 : memref<!tpu.dma_semaphore, #tpu.memory_space<semaphore_mem>>)
    %dma_start3A_12 = arith.constant 128 : i32
    %dma_start3A_13 = arith.constant 0 : i32
    %dma_start3A_14 = tpu.memref_slice %arg7[%dma_start3A_12, %dma_start3A_13] : memref<256x128xf32, #tpu.memory_space<vmem>> -> memref<128x128xf32, #tpu.memory_space<vmem>>
    %dma_start3A_15 = arith.constant 128 : i32
    %dma_start3A_16 = tpu.memref_slice %arg5[%dma_start3A_15] : memref<256xi32, #tpu.memory_space<vmem>> -> memref<128xi32, #tpu.memory_space<vmem>>
    %dma_start3A_17 = arith.constant 0 : i32
    %dma_start3A_18 = arith.constant 0 : i32
    %dma_start3A_19 = tpu.memref_slice %arg3[%dma_start3A_17, %dma_start3A_18] : memref<16384x128xf32, #tpu.memory_space<hbm>> -> memref<16384x128xf32, #tpu.memory_space<hbm>>
    tpu.enqueue_indirect_dma source(%dma_start3A_19 : memref<16384x128xf32, #tpu.memory_space<hbm>>) target(%dma_start3A_14 : memref<128x128xf32, #tpu.memory_space<vmem>>) offsets(%dma_start3A_16 : memref<128xi32, #tpu.memory_space<vmem>>) semaphore(%arg9 : memref<!tpu.dma_semaphore, #tpu.memory_space<semaphore_mem>>)
    %scan3A = arith.constant 0 : i32
    %scan3A_20 = arith.constant 0 : i32
    %scan3A_21 = arith.constant 10 : i32
    %scan3A_22 = arith.addi %scan3A_20, %scan3A_21 : i32
    %scan3A_23 = arith.constant 1 : i32
    scf.for %scan3A_28 = %scan3A_20 to %scan3A_22 step %scan3A_23  : i32 {
      %mul3A_29 = arith.constant 2 : i32
      %mul3A_30 = arith.muli %mul3A_29, %scan3A_28 : i32
      %add3A_31 = arith.constant 0 : i32
      %add3A_32 = arith.addi %mul3A_30, %add3A_31 : i32
      %ge3A = arith.constant 1 : i32
      %ge3A_33 = arith.cmpi sge, %add3A_32, %ge3A : i32
      %convert_element_type3A = arith.extui %ge3A_33 : i1 to i32
      %cond3A = arith.constant 0 : i32
      %cond3A_34 = arith.cmpi ne, %convert_element_type3A, %cond3A : i32
      scf.if %cond3A_34 {
        %dma_wait3A_119 = arith.constant 0 : i32
        %dma_wait3A_120 = tpu.memref_slice %arg4[%mul3A_2, %dma_wait3A_119] : memref<163840x128xf32, #tpu.memory_space<hbm>> -> memref<256x128xf32, #tpu.memory_space<hbm>>
        %dma_wait3A_121 = arith.constant 0 : i32
        %dma_wait3A_122 = tpu.memref_slice %arg4[%mul3A_2, %dma_wait3A_121] : memref<163840x128xf32, #tpu.memory_space<hbm>> -> memref<256x128xf32, #tpu.memory_space<hbm>>
        tpu.wait_dma2 semaphore(%arg11 : memref<!tpu.dma_semaphore, #tpu.memory_space<semaphore_mem>>) src(%arg8 : memref<256x128xf32, #tpu.memory_space<vmem>>) dst(%dma_wait3A_122 : memref<256x128xf32, #tpu.memory_space<hbm>>)
      } else {
      }
      %add3A_35 = arith.constant 1 : i32
      %add3A_36 = arith.addi %add3A_32, %add3A_35 : i32
      %lt3A = arith.constant 20 : i32
      %lt3A_37 = arith.cmpi slt, %add3A_36, %lt3A : i32
      %convert_element_type3A_38 = arith.extui %lt3A_37 : i1 to i32
      %cond3A_39 = arith.constant 0 : i32
      %cond3A_40 = arith.cmpi ne, %convert_element_type3A_38, %cond3A_39 : i32
      scf.if %cond3A_40 {
        %add3A_119 = arith.constant 1 : i32
        %add3A_120 = arith.addi %add3A_32, %add3A_119 : i32
        %mul3A_121 = arith.constant 256 : i32
        %mul3A_122 = arith.muli %add3A_120, %mul3A_121 : i32
        %add3A_123 = arith.addi %mul3A_2, %mul3A_122 : i32
        "tpu.region"() ({
          %run_scoped3A = tpu.sem_alloc : memref<!tpu.dma_semaphore, #tpu.memory_space<semaphore_mem>>
          %dma_start3A_140 = tpu.memref_slice %arg2[%add3A_123] : memref<163840xi32, #tpu.memory_space<hbm>> -> memref<256xi32, #tpu.memory_space<hbm>>
          %dma_start3A_141 = tpu.memref_slice %arg2[%add3A_123] : memref<163840xi32, #tpu.memory_space<hbm>> -> memref<256xi32, #tpu.memory_space<hbm>>
          tpu.enqueue_dma source(%dma_start3A_141 : memref<256xi32, #tpu.memory_space<hbm>>) target(%arg6 : memref<256xi32, #tpu.memory_space<vmem>>) target_semaphore(%run_scoped3A : memref<!tpu.dma_semaphore, #tpu.memory_space<semaphore_mem>>)
          %dma_wait3A_142 = tpu.memref_slice %arg2[%add3A_123] : memref<163840xi32, #tpu.memory_space<hbm>> -> memref<256xi32, #tpu.memory_space<hbm>>
          %dma_wait3A_143 = tpu.memref_slice %arg2[%add3A_123] : memref<163840xi32, #tpu.memory_space<hbm>> -> memref<256xi32, #tpu.memory_space<hbm>>
          tpu.wait_dma2 semaphore(%run_scoped3A : memref<!tpu.dma_semaphore, #tpu.memory_space<semaphore_mem>>) src(%dma_wait3A_143 : memref<256xi32, #tpu.memory_space<hbm>>) dst(%arg6 : memref<256xi32, #tpu.memory_space<vmem>>)
          tpu.yield
        }) : () -> ()
        %dma_start3A_124 = arith.constant 0 : i32
        %dma_start3A_125 = arith.constant 0 : i32
        %dma_start3A_126 = tpu.memref_slice %arg8[%dma_start3A_124, %dma_start3A_125] : memref<256x128xf32, #tpu.memory_space<vmem>> -> memref<128x128xf32, #tpu.memory_space<vmem>>
        %dma_start3A_127 = arith.constant 0 : i32
        %dma_start3A_128 = tpu.memref_slice %arg6[%dma_start3A_127] : memref<256xi32, #tpu.memory_space<vmem>> -> memref<128xi32, #tpu.memory_space<vmem>>
        %dma_start3A_129 = arith.constant 0 : i32
        %dma_start3A_130 = arith.constant 0 : i32
        %dma_start3A_131 = tpu.memref_slice %arg3[%dma_start3A_129, %dma_start3A_130] : memref<16384x128xf32, #tpu.memory_space<hbm>> -> memref<16384x128xf32, #tpu.memory_space<hbm>>
        tpu.enqueue_indirect_dma source(%dma_start3A_131 : memref<16384x128xf32, #tpu.memory_space<hbm>>) target(%dma_start3A_126 : memref<128x128xf32, #tpu.memory_space<vmem>>) offsets(%dma_start3A_128 : memref<128xi32, #tpu.memory_space<vmem>>) semaphore(%arg10 : memref<!tpu.dma_semaphore, #tpu.memory_space<semaphore_mem>>)
        %dma_start3A_132 = arith.constant 128 : i32
        %dma_start3A_133 = arith.constant 0 : i32
        %dma_start3A_134 = tpu.memref_slice %arg8[%dma_start3A_132, %dma_start3A_133] : memref<256x128xf32, #tpu.memory_space<vmem>> -> memref<128x128xf32, #tpu.memory_space<vmem>>
        %dma_start3A_135 = arith.constant 128 : i32
        %dma_start3A_136 = tpu.memref_slice %arg6[%dma_start3A_135] : memref<256xi32, #tpu.memory_space<vmem>> -> memref<128xi32, #tpu.memory_space<vmem>>
        %dma_start3A_137 = arith.constant 0 : i32
        %dma_start3A_138 = arith.constant 0 : i32
        %dma_start3A_139 = tpu.memref_slice %arg3[%dma_start3A_137, %dma_start3A_138] : memref<16384x128xf32, #tpu.memory_space<hbm>> -> memref<16384x128xf32, #tpu.memory_space<hbm>>
        tpu.enqueue_indirect_dma source(%dma_start3A_139 : memref<16384x128xf32, #tpu.memory_space<hbm>>) target(%dma_start3A_134 : memref<128x128xf32, #tpu.memory_space<vmem>>) offsets(%dma_start3A_136 : memref<128xi32, #tpu.memory_space<vmem>>) semaphore(%arg10 : memref<!tpu.dma_semaphore, #tpu.memory_space<semaphore_mem>>)
      } else {
      }
      %dma_wait3A_41 = arith.constant 0 : i32
      %dma_wait3A_42 = arith.constant 0 : i32
      %dma_wait3A_43 = tpu.memref_slice %arg7[%dma_wait3A_41, %dma_wait3A_42] : memref<256x128xf32, #tpu.memory_space<vmem>> -> memref<128x128xf32, #tpu.memory_space<vmem>>
      %dma_wait3A_44 = arith.constant 0 : i32
      %dma_wait3A_45 = arith.constant 0 : i32
      %dma_wait3A_46 = tpu.memref_slice %arg3[%dma_wait3A_44, %dma_wait3A_45] : memref<16384x128xf32, #tpu.memory_space<hbm>> -> memref<128x128xf32, #tpu.memory_space<hbm>>
      %dma_wait3A_47 = arith.constant 0 : i32
      %dma_wait3A_48 = arith.constant 0 : i32
      %dma_wait3A_49 = tpu.memref_slice %arg7[%dma_wait3A_47, %dma_wait3A_48] : memref<256x128xf32, #tpu.memory_space<vmem>> -> memref<128x128xf32, #tpu.memory_space<vmem>>
      %dma_wait3A_50 = arith.constant 0 : i32
      %dma_wait3A_51 = arith.constant 0 : i32
      %dma_wait3A_52 = tpu.memref_slice %arg3[%dma_wait3A_50, %dma_wait3A_51] : memref<16384x128xf32, #tpu.memory_space<hbm>> -> memref<128x128xf32, #tpu.memory_space<hbm>>
      tpu.wait_dma2 semaphore(%arg9 : memref<!tpu.dma_semaphore, #tpu.memory_space<semaphore_mem>>) src(%dma_wait3A_52 : memref<128x128xf32, #tpu.memory_space<hbm>>) dst(%dma_wait3A_49 : memref<128x128xf32, #tpu.memory_space<vmem>>)
      %dma_wait3A_53 = arith.constant 128 : i32
      %dma_wait3A_54 = arith.constant 0 : i32
      %dma_wait3A_55 = tpu.memref_slice %arg7[%dma_wait3A_53, %dma_wait3A_54] : memref<256x128xf32, #tpu.memory_space<vmem>> -> memref<128x128xf32, #tpu.memory_space<vmem>>
      %dma_wait3A_56 = arith.constant 0 : i32
      %dma_wait3A_57 = arith.constant 0 : i32
      %dma_wait3A_58 = tpu.memref_slice %arg3[%dma_wait3A_56, %dma_wait3A_57] : memref<16384x128xf32, #tpu.memory_space<hbm>> -> memref<128x128xf32, #tpu.memory_space<hbm>>
      %dma_wait3A_59 = arith.constant 128 : i32
      %dma_wait3A_60 = arith.constant 0 : i32
      %dma_wait3A_61 = tpu.memref_slice %arg7[%dma_wait3A_59, %dma_wait3A_60] : memref<256x128xf32, #tpu.memory_space<vmem>> -> memref<128x128xf32, #tpu.memory_space<vmem>>
      %dma_wait3A_62 = arith.constant 0 : i32
      %dma_wait3A_63 = arith.constant 0 : i32
      %dma_wait3A_64 = tpu.memref_slice %arg3[%dma_wait3A_62, %dma_wait3A_63] : memref<16384x128xf32, #tpu.memory_space<hbm>> -> memref<128x128xf32, #tpu.memory_space<hbm>>
      tpu.wait_dma2 semaphore(%arg9 : memref<!tpu.dma_semaphore, #tpu.memory_space<semaphore_mem>>) src(%dma_wait3A_64 : memref<128x128xf32, #tpu.memory_space<hbm>>) dst(%dma_wait3A_61 : memref<128x128xf32, #tpu.memory_space<vmem>>)
      %mul3A_65 = arith.constant 256 : i32
      %mul3A_66 = arith.muli %add3A_32, %mul3A_65 : i32
      %add3A_67 = arith.addi %mul3A_2, %mul3A_66 : i32
      %dma_start3A_68 = arith.constant 0 : i32
      %dma_start3A_69 = tpu.memref_slice %arg4[%add3A_67, %dma_start3A_68] : memref<163840x128xf32, #tpu.memory_space<hbm>> -> memref<256x128xf32, #tpu.memory_space<hbm>>
      %dma_start3A_70 = arith.constant 0 : i32
      %dma_start3A_71 = tpu.memref_slice %arg4[%add3A_67, %dma_start3A_70] : memref<163840x128xf32, #tpu.memory_space<hbm>> -> memref<256x128xf32, #tpu.memory_space<hbm>>
      tpu.enqueue_dma source(%arg7 : memref<256x128xf32, #tpu.memory_space<vmem>>) target(%dma_start3A_71 : memref<256x128xf32, #tpu.memory_space<hbm>>) target_semaphore(%arg11 : memref<!tpu.dma_semaphore, #tpu.memory_space<semaphore_mem>>)
      %mul3A_72 = arith.constant 2 : i32
      %mul3A_73 = arith.muli %mul3A_72, %scan3A_28 : i32
      %add3A_74 = arith.constant 1 : i32
      %add3A_75 = arith.addi %mul3A_73, %add3A_74 : i32
      %ge3A_76 = arith.constant 1 : i32
      %ge3A_77 = arith.cmpi sge, %add3A_75, %ge3A_76 : i32
      %convert_element_type3A_78 = arith.extui %ge3A_77 : i1 to i32
      %cond3A_79 = arith.constant 0 : i32
      %cond3A_80 = arith.cmpi ne, %convert_element_type3A_78, %cond3A_79 : i32
      scf.if %cond3A_80 {
        %dma_wait3A_119 = arith.constant 0 : i32
        %dma_wait3A_120 = tpu.memref_slice %arg4[%mul3A_2, %dma_wait3A_119] : memref<163840x128xf32, #tpu.memory_space<hbm>> -> memref<256x128xf32, #tpu.memory_space<hbm>>
        %dma_wait3A_121 = arith.constant 0 : i32
        %dma_wait3A_122 = tpu.memref_slice %arg4[%mul3A_2, %dma_wait3A_121] : memref<163840x128xf32, #tpu.memory_space<hbm>> -> memref<256x128xf32, #tpu.memory_space<hbm>>
        tpu.wait_dma2 semaphore(%arg11 : memref<!tpu.dma_semaphore, #tpu.memory_space<semaphore_mem>>) src(%arg7 : memref<256x128xf32, #tpu.memory_space<vmem>>) dst(%dma_wait3A_122 : memref<256x128xf32, #tpu.memory_space<hbm>>)
      } else {
      }
      %add3A_81 = arith.constant 1 : i32
      %add3A_82 = arith.addi %add3A_75, %add3A_81 : i32
      %lt3A_83 = arith.constant 20 : i32
      %lt3A_84 = arith.cmpi slt, %add3A_82, %lt3A_83 : i32
      %convert_element_type3A_85 = arith.extui %lt3A_84 : i1 to i32
      %cond3A_86 = arith.constant 0 : i32
      %cond3A_87 = arith.cmpi ne, %convert_element_type3A_85, %cond3A_86 : i32
      scf.if %cond3A_87 {
        %add3A_119 = arith.constant 1 : i32
        %add3A_120 = arith.addi %add3A_75, %add3A_119 : i32
        %mul3A_121 = arith.constant 256 : i32
        %mul3A_122 = arith.muli %add3A_120, %mul3A_121 : i32
        %add3A_123 = arith.addi %mul3A_2, %mul3A_122 : i32
        "tpu.region"() ({
          %run_scoped3A = tpu.sem_alloc : memref<!tpu.dma_semaphore, #tpu.memory_space<semaphore_mem>>
          %dma_start3A_140 = tpu.memref_slice %arg2[%add3A_123] : memref<163840xi32, #tpu.memory_space<hbm>> -> memref<256xi32, #tpu.memory_space<hbm>>
          %dma_start3A_141 = tpu.memref_slice %arg2[%add3A_123] : memref<163840xi32, #tpu.memory_space<hbm>> -> memref<256xi32, #tpu.memory_space<hbm>>
          tpu.enqueue_dma source(%dma_start3A_141 : memref<256xi32, #tpu.memory_space<hbm>>) target(%arg5 : memref<256xi32, #tpu.memory_space<vmem>>) target_semaphore(%run_scoped3A : memref<!tpu.dma_semaphore, #tpu.memory_space<semaphore_mem>>)
          %dma_wait3A_142 = tpu.memref_slice %arg2[%add3A_123] : memref<163840xi32, #tpu.memory_space<hbm>> -> memref<256xi32, #tpu.memory_space<hbm>>
          %dma_wait3A_143 = tpu.memref_slice %arg2[%add3A_123] : memref<163840xi32, #tpu.memory_space<hbm>> -> memref<256xi32, #tpu.memory_space<hbm>>
          tpu.wait_dma2 semaphore(%run_scoped3A : memref<!tpu.dma_semaphore, #tpu.memory_space<semaphore_mem>>) src(%dma_wait3A_143 : memref<256xi32, #tpu.memory_space<hbm>>) dst(%arg5 : memref<256xi32, #tpu.memory_space<vmem>>)
          tpu.yield
        }) : () -> ()
        %dma_start3A_124 = arith.constant 0 : i32
        %dma_start3A_125 = arith.constant 0 : i32
        %dma_start3A_126 = tpu.memref_slice %arg7[%dma_start3A_124, %dma_start3A_125] : memref<256x128xf32, #tpu.memory_space<vmem>> -> memref<128x128xf32, #tpu.memory_space<vmem>>
        %dma_start3A_127 = arith.constant 0 : i32
        %dma_start3A_128 = tpu.memref_slice %arg5[%dma_start3A_127] : memref<256xi32, #tpu.memory_space<vmem>> -> memref<128xi32, #tpu.memory_space<vmem>>
        %dma_start3A_129 = arith.constant 0 : i32
        %dma_start3A_130 = arith.constant 0 : i32
        %dma_start3A_131 = tpu.memref_slice %arg3[%dma_start3A_129, %dma_start3A_130] : memref<16384x128xf32, #tpu.memory_space<hbm>> -> memref<16384x128xf32, #tpu.memory_space<hbm>>
        tpu.enqueue_indirect_dma source(%dma_start3A_131 : memref<16384x128xf32, #tpu.memory_space<hbm>>) target(%dma_start3A_126 : memref<128x128xf32, #tpu.memory_space<vmem>>) offsets(%dma_start3A_128 : memref<128xi32, #tpu.memory_space<vmem>>) semaphore(%arg9 : memref<!tpu.dma_semaphore, #tpu.memory_space<semaphore_mem>>)
        %dma_start3A_132 = arith.constant 128 : i32
        %dma_start3A_133 = arith.constant 0 : i32
        %dma_start3A_134 = tpu.memref_slice %arg7[%dma_start3A_132, %dma_start3A_133] : memref<256x128xf32, #tpu.memory_space<vmem>> -> memref<128x128xf32, #tpu.memory_space<vmem>>
        %dma_start3A_135 = arith.constant 128 : i32
        %dma_start3A_136 = tpu.memref_slice %arg5[%dma_start3A_135] : memref<256xi32, #tpu.memory_space<vmem>> -> memref<128xi32, #tpu.memory_space<vmem>>
        %dma_start3A_137 = arith.constant 0 : i32
        %dma_start3A_138 = arith.constant 0 : i32
        %dma_start3A_139 = tpu.memref_slice %arg3[%dma_start3A_137, %dma_start3A_138] : memref<16384x128xf32, #tpu.memory_space<hbm>> -> memref<16384x128xf32, #tpu.memory_space<hbm>>
        tpu.enqueue_indirect_dma source(%dma_start3A_139 : memref<16384x128xf32, #tpu.memory_space<hbm>>) target(%dma_start3A_134 : memref<128x128xf32, #tpu.memory_space<vmem>>) offsets(%dma_start3A_136 : memref<128xi32, #tpu.memory_space<vmem>>) semaphore(%arg9 : memref<!tpu.dma_semaphore, #tpu.memory_space<semaphore_mem>>)
      } else {
      }
      %dma_wait3A_88 = arith.constant 0 : i32
      %dma_wait3A_89 = arith.constant 0 : i32
      %dma_wait3A_90 = tpu.memref_slice %arg8[%dma_wait3A_88, %dma_wait3A_89] : memref<256x128xf32, #tpu.memory_space<vmem>> -> memref<128x128xf32, #tpu.memory_space<vmem>>
      %dma_wait3A_91 = arith.constant 0 : i32
      %dma_wait3A_92 = arith.constant 0 : i32
      %dma_wait3A_93 = tpu.memref_slice %arg3[%dma_wait3A_91, %dma_wait3A_92] : memref<16384x128xf32, #tpu.memory_space<hbm>> -> memref<128x128xf32, #tpu.memory_space<hbm>>
      %dma_wait3A_94 = arith.constant 0 : i32
      %dma_wait3A_95 = arith.constant 0 : i32
      %dma_wait3A_96 = tpu.memref_slice %arg8[%dma_wait3A_94, %dma_wait3A_95] : memref<256x128xf32, #tpu.memory_space<vmem>> -> memref<128x128xf32, #tpu.memory_space<vmem>>
      %dma_wait3A_97 = arith.constant 0 : i32
      %dma_wait3A_98 = arith.constant 0 : i32
      %dma_wait3A_99 = tpu.memref_slice %arg3[%dma_wait3A_97, %dma_wait3A_98] : memref<16384x128xf32, #tpu.memory_space<hbm>> -> memref<128x128xf32, #tpu.memory_space<hbm>>
      tpu.wait_dma2 semaphore(%arg10 : memref<!tpu.dma_semaphore, #tpu.memory_space<semaphore_mem>>) src(%dma_wait3A_99 : memref<128x128xf32, #tpu.memory_space<hbm>>) dst(%dma_wait3A_96 : memref<128x128xf32, #tpu.memory_space<vmem>>)
      %dma_wait3A_100 = arith.constant 128 : i32
      %dma_wait3A_101 = arith.constant 0 : i32
      %dma_wait3A_102 = tpu.memref_slice %arg8[%dma_wait3A_100, %dma_wait3A_101] : memref<256x128xf32, #tpu.memory_space<vmem>> -> memref<128x128xf32, #tpu.memory_space<vmem>>
      %dma_wait3A_103 = arith.constant 0 : i32
      %dma_wait3A_104 = arith.constant 0 : i32
      %dma_wait3A_105 = tpu.memref_slice %arg3[%dma_wait3A_103, %dma_wait3A_104] : memref<16384x128xf32, #tpu.memory_space<hbm>> -> memref<128x128xf32, #tpu.memory_space<hbm>>
      %dma_wait3A_106 = arith.constant 128 : i32
      %dma_wait3A_107 = arith.constant 0 : i32
      %dma_wait3A_108 = tpu.memref_slice %arg8[%dma_wait3A_106, %dma_wait3A_107] : memref<256x128xf32, #tpu.memory_space<vmem>> -> memref<128x128xf32, #tpu.memory_space<vmem>>
      %dma_wait3A_109 = arith.constant 0 : i32
      %dma_wait3A_110 = arith.constant 0 : i32
      %dma_wait3A_111 = tpu.memref_slice %arg3[%dma_wait3A_109, %dma_wait3A_110] : memref<16384x128xf32, #tpu.memory_space<hbm>> -> memref<128x128xf32, #tpu.memory_space<hbm>>
      tpu.wait_dma2 semaphore(%arg10 : memref<!tpu.dma_semaphore, #tpu.memory_space<semaphore_mem>>) src(%dma_wait3A_111 : memref<128x128xf32, #tpu.memory_space<hbm>>) dst(%dma_wait3A_108 : memref<128x128xf32, #tpu.memory_space<vmem>>)
      %mul3A_112 = arith.constant 256 : i32
      %mul3A_113 = arith.muli %add3A_75, %mul3A_112 : i32
      %add3A_114 = arith.addi %mul3A_2, %mul3A_113 : i32
      %dma_start3A_115 = arith.constant 0 : i32
      %dma_start3A_116 = tpu.memref_slice %arg4[%add3A_114, %dma_start3A_115] : memref<163840x128xf32, #tpu.memory_space<hbm>> -> memref<256x128xf32, #tpu.memory_space<hbm>>
      %dma_start3A_117 = arith.constant 0 : i32
      %dma_start3A_118 = tpu.memref_slice %arg4[%add3A_114, %dma_start3A_117] : memref<163840x128xf32, #tpu.memory_space<hbm>> -> memref<256x128xf32, #tpu.memory_space<hbm>>
      tpu.enqueue_dma source(%arg8 : memref<256x128xf32, #tpu.memory_space<vmem>>) target(%dma_start3A_118 : memref<256x128xf32, #tpu.memory_space<hbm>>) target_semaphore(%arg11 : memref<!tpu.dma_semaphore, #tpu.memory_space<semaphore_mem>>)
    }
    %scan3A_24 = arith.constant 10 : i32
    %dma_wait3A = arith.constant 0 : i32
    %dma_wait3A_25 = tpu.memref_slice %arg4[%mul3A_2, %dma_wait3A] : memref<163840x128xf32, #tpu.memory_space<hbm>> -> memref<256x128xf32, #tpu.memory_space<hbm>>
    %dma_wait3A_26 = arith.constant 0 : i32
    %dma_wait3A_27 = tpu.memref_slice %arg4[%mul3A_2, %dma_wait3A_26] : memref<163840x128xf32, #tpu.memory_space<hbm>> -> memref<256x128xf32, #tpu.memory_space<hbm>>
    tpu.wait_dma2 semaphore(%arg11 : memref<!tpu.dma_semaphore, #tpu.memory_space<semaphore_mem>>) src(%arg8 : memref<256x128xf32, #tpu.memory_space<vmem>>) dst(%dma_wait3A_27 : memref<256x128xf32, #tpu.memory_space<hbm>>)
    return
  }
}

#map = affine_map<(d0, d1) -> (0)>
#map1 = affine_map<(d0, d1) -> (0, 0)>
module attributes {stable_mosaic.version = 14 : i64} {
  func.func @body(%arg0: i32, %arg1: i32, %arg2: memref<163840xi32, #tpu.memory_space<hbm>>, %arg3: memref<16384x128xf32, #tpu.memory_space<hbm>>, %arg4: memref<163840x128xf32, #tpu.memory_space<hbm>>, %arg5: memref<256xi32, #tpu.memory_space<vmem>>, %arg6: memref<256xi32, #tpu.memory_space<vmem>>, %arg7: memref<256x128xf32, #tpu.memory_space<vmem>>, %arg8: memref<256x128xf32, #tpu.memory_space<vmem>>, %arg9: memref<!tpu.dma_semaphore, #tpu.memory_space<semaphore_mem>>, %arg10: memref<!tpu.dma_semaphore, #tpu.memory_space<semaphore_mem>>, %arg11: memref<!tpu.dma_semaphore, #tpu.memory_space<semaphore_mem>>) attributes {dimension_semantics = [#tpu.dimension_semantics<core_parallel>, #tpu.dimension_semantics<subcore_parallel>], iteration_bounds = array<i64: 2, 16>, scalar_prefetch = 0 : i64, scratch_operands = 7 : i64, tpu.core_type = #tpu.core_type<sc_vector_subcore>, window_params = [{transform_indices = #map}, {transform_indices = #map1}, {transform_indices = #map1}]} {
    %mul3A = arith.constant 2 : i32
    %mul3A_0 = arith.muli %arg1, %mul3A : i32
    %add3A = arith.addi %mul3A_0, %arg0 : i32
    %mul3A_1 = arith.constant 5120 : i32
    %mul3A_2 = arith.muli %add3A, %mul3A_1 : i32
    %add3A_3 = arith.constant 0 : i32
    %add3A_4 = arith.addi %mul3A_2, %add3A_3 : i32
    "tpu.region"() ({
      %run_scoped3A = tpu.sem_alloc : memref<!tpu.dma_semaphore, #tpu.memory_space<semaphore_mem>>
      %dma_start3A_28 = tpu.memref_slice %arg2[%add3A_4] : memref<163840xi32, #tpu.memory_space<hbm>> -> memref<256xi32, #tpu.memory_space<hbm>>
      %dma_start3A_29 = tpu.memref_slice %arg2[%add3A_4] : memref<163840xi32, #tpu.memory_space<hbm>> -> memref<256xi32, #tpu.memory_space<hbm>>
      tpu.enqueue_dma source(%dma_start3A_29 : memref<256xi32, #tpu.memory_space<hbm>>) target(%arg5 : memref<256xi32, #tpu.memory_space<vmem>>) target_semaphore(%run_scoped3A : memref<!tpu.dma_semaphore, #tpu.memory_space<semaphore_mem>>)
      %dma_wait3A_30 = tpu.memref_slice %arg2[%add3A_4] : memref<163840xi32, #tpu.memory_space<hbm>> -> memref<256xi32, #tpu.memory_space<hbm>>
      %dma_wait3A_31 = tpu.memref_slice %arg2[%add3A_4] : memref<163840xi32, #tpu.memory_space<hbm>> -> memref<256xi32, #tpu.memory_space<hbm>>
      tpu.wait_dma2 semaphore(%run_scoped3A : memref<!tpu.dma_semaphore, #tpu.memory_space<semaphore_mem>>) src(%dma_wait3A_31 : memref<256xi32, #tpu.memory_space<hbm>>) dst(%arg5 : memref<256xi32, #tpu.memory_space<vmem>>)
      tpu.yield
    }) : () -> ()
    %dma_start3A = arith.constant 0 : i32
    %dma_start3A_5 = arith.constant 0 : i32
    %dma_start3A_6 = tpu.memref_slice %arg7[%dma_start3A, %dma_start3A_5] : memref<256x128xf32, #tpu.memory_space<vmem>> -> memref<128x128xf32, #tpu.memory_space<vmem>>
    %dma_start3A_7 = arith.constant 0 : i32
    %dma_start3A_8 = tpu.memref_slice %arg5[%dma_start3A_7] : memref<256xi32, #tpu.memory_space<vmem>> -> memref<128xi32, #tpu.memory_space<vmem>>
    %dma_start3A_9 = arith.constant 0 : i32
    %dma_start3A_10 = arith.constant 0 : i32
    %dma_start3A_11 = tpu.memref_slice %arg3[%dma_start3A_9, %dma_start3A_10] : memref<16384x128xf32, #tpu.memory_space<hbm>> -> memref<16384x128xf32, #tpu.memory_space<hbm>>
    tpu.enqueue_indirect_dma source(%dma_start3A_11 : memref<16384x128xf32, #tpu.memory_space<hbm>>) target(%dma_start3A_6 : memref<128x128xf32, #tpu.memory_space<vmem>>) offsets(%dma_start3A_8 : memref<128xi32, #tpu.memory_space<vmem>>) semaphore(%arg9 : memref<!tpu.dma_semaphore, #tpu.memory_space<semaphore_mem>>)
    %dma_start3A_12 = arith.constant 128 : i32
    %dma_start3A_13 = arith.constant 0 : i32
    %dma_start3A_14 = tpu.memref_slice %arg7[%dma_start3A_12, %dma_start3A_13] : memref<256x128xf32, #tpu.memory_space<vmem>> -> memref<128x128xf32, #tpu.memory_space<vmem>>
    %dma_start3A_15 = arith.constant 128 : i32
    %dma_start3A_16 = tpu.memref_slice %arg5[%dma_start3A_15] : memref<256xi32, #tpu.memory_space<vmem>> -> memref<128xi32, #tpu.memory_space<vmem>>
    %dma_start3A_17 = arith.constant 0 : i32
    %dma_start3A_18 = arith.constant 0 : i32
    %dma_start3A_19 = tpu.memref_slice %arg3[%dma_start3A_17, %dma_start3A_18] : memref<16384x128xf32, #tpu.memory_space<hbm>> -> memref<16384x128xf32, #tpu.memory_space<hbm>>
    tpu.enqueue_indirect_dma source(%dma_start3A_19 : memref<16384x128xf32, #tpu.memory_space<hbm>>) target(%dma_start3A_14 : memref<128x128xf32, #tpu.memory_space<vmem>>) offsets(%dma_start3A_16 : memref<128xi32, #tpu.memory_space<vmem>>) semaphore(%arg9 : memref<!tpu.dma_semaphore, #tpu.memory_space<semaphore_mem>>)
    %scan3A = arith.constant 0 : i32
    %scan3A_20 = arith.constant 0 : i32
    %scan3A_21 = arith.constant 10 : i32
    %scan3A_22 = arith.addi %scan3A_20, %scan3A_21 : i32
    %scan3A_23 = arith.constant 1 : i32
    scf.for %scan3A_28 = %scan3A_20 to %scan3A_22 step %scan3A_23  : i32 {
      %mul3A_29 = arith.constant 2 : i32
      %mul3A_30 = arith.muli %mul3A_29, %scan3A_28 : i32
      %add3A_31 = arith.constant 0 : i32
      %add3A_32 = arith.addi %mul3A_30, %add3A_31 : i32
      %ge3A = arith.constant 1 : i32
      %ge3A_33 = arith.cmpi sge, %add3A_32, %ge3A : i32
      %convert_element_type3A = arith.extui %ge3A_33 : i1 to i32
      %cond3A = arith.constant 0 : i32
      %cond3A_34 = arith.cmpi ne, %convert_element_type3A, %cond3A : i32
      scf.if %cond3A_34 {
        %dma_wait3A_119 = arith.constant 0 : i32
        %dma_wait3A_120 = tpu.memref_slice %arg4[%mul3A_2, %dma_wait3A_119] : memref<163840x128xf32, #tpu.memory_space<hbm>> -> memref<256x128xf32, #tpu.memory_space<hbm>>
        %dma_wait3A_121 = arith.constant 0 : i32
        %dma_wait3A_122 = tpu.memref_slice %arg4[%mul3A_2, %dma_wait3A_121] : memref<163840x128xf32, #tpu.memory_space<hbm>> -> memref<256x128xf32, #tpu.memory_space<hbm>>
        tpu.wait_dma2 semaphore(%arg11 : memref<!tpu.dma_semaphore, #tpu.memory_space<semaphore_mem>>) src(%arg8 : memref<256x128xf32, #tpu.memory_space<vmem>>) dst(%dma_wait3A_122 : memref<256x128xf32, #tpu.memory_space<hbm>>)
      } else {
      }
      %add3A_35 = arith.constant 1 : i32
      %add3A_36 = arith.addi %add3A_32, %add3A_35 : i32
      %lt3A = arith.constant 20 : i32
      %lt3A_37 = arith.cmpi slt, %add3A_36, %lt3A : i32
      %convert_element_type3A_38 = arith.extui %lt3A_37 : i1 to i32
      %cond3A_39 = arith.constant 0 : i32
      %cond3A_40 = arith.cmpi ne, %convert_element_type3A_38, %cond3A_39 : i32
      scf.if %cond3A_40 {
        %add3A_119 = arith.constant 1 : i32
        %add3A_120 = arith.addi %add3A_32, %add3A_119 : i32
        %mul3A_121 = arith.constant 256 : i32
        %mul3A_122 = arith.muli %add3A_120, %mul3A_121 : i32
        %add3A_123 = arith.addi %mul3A_2, %mul3A_122 : i32
        "tpu.region"() ({
          %run_scoped3A = tpu.sem_alloc : memref<!tpu.dma_semaphore, #tpu.memory_space<semaphore_mem>>
          %dma_start3A_140 = tpu.memref_slice %arg2[%add3A_123] : memref<163840xi32, #tpu.memory_space<hbm>> -> memref<256xi32, #tpu.memory_space<hbm>>
          %dma_start3A_141 = tpu.memref_slice %arg2[%add3A_123] : memref<163840xi32, #tpu.memory_space<hbm>> -> memref<256xi32, #tpu.memory_space<hbm>>
          tpu.enqueue_dma source(%dma_start3A_141 : memref<256xi32, #tpu.memory_space<hbm>>) target(%arg6 : memref<256xi32, #tpu.memory_space<vmem>>) target_semaphore(%run_scoped3A : memref<!tpu.dma_semaphore, #tpu.memory_space<semaphore_mem>>)
          %dma_wait3A_142 = tpu.memref_slice %arg2[%add3A_123] : memref<163840xi32, #tpu.memory_space<hbm>> -> memref<256xi32, #tpu.memory_space<hbm>>
          %dma_wait3A_143 = tpu.memref_slice %arg2[%add3A_123] : memref<163840xi32, #tpu.memory_space<hbm>> -> memref<256xi32, #tpu.memory_space<hbm>>
          tpu.wait_dma2 semaphore(%run_scoped3A : memref<!tpu.dma_semaphore, #tpu.memory_space<semaphore_mem>>) src(%dma_wait3A_143 : memref<256xi32, #tpu.memory_space<hbm>>) dst(%arg6 : memref<256xi32, #tpu.memory_space<vmem>>)
          tpu.yield
        }) : () -> ()
        %dma_start3A_124 = arith.constant 0 : i32
        %dma_start3A_125 = arith.constant 0 : i32
        %dma_start3A_126 = tpu.memref_slice %arg8[%dma_start3A_124, %dma_start3A_125] : memref<256x128xf32, #tpu.memory_space<vmem>> -> memref<128x128xf32, #tpu.memory_space<vmem>>
        %dma_start3A_127 = arith.constant 0 : i32
        %dma_start3A_128 = tpu.memref_slice %arg6[%dma_start3A_127] : memref<256xi32, #tpu.memory_space<vmem>> -> memref<128xi32, #tpu.memory_space<vmem>>
        %dma_start3A_129 = arith.constant 0 : i32
        %dma_start3A_130 = arith.constant 0 : i32
        %dma_start3A_131 = tpu.memref_slice %arg3[%dma_start3A_129, %dma_start3A_130] : memref<16384x128xf32, #tpu.memory_space<hbm>> -> memref<16384x128xf32, #tpu.memory_space<hbm>>
        tpu.enqueue_indirect_dma source(%dma_start3A_131 : memref<16384x128xf32, #tpu.memory_space<hbm>>) target(%dma_start3A_126 : memref<128x128xf32, #tpu.memory_space<vmem>>) offsets(%dma_start3A_128 : memref<128xi32, #tpu.memory_space<vmem>>) semaphore(%arg10 : memref<!tpu.dma_semaphore, #tpu.memory_space<semaphore_mem>>)
        %dma_start3A_132 = arith.constant 128 : i32
        %dma_start3A_133 = arith.constant 0 : i32
        %dma_start3A_134 = tpu.memref_slice %arg8[%dma_start3A_132, %dma_start3A_133] : memref<256x128xf32, #tpu.memory_space<vmem>> -> memref<128x128xf32, #tpu.memory_space<vmem>>
        %dma_start3A_135 = arith.constant 128 : i32
        %dma_start3A_136 = tpu.memref_slice %arg6[%dma_start3A_135] : memref<256xi32, #tpu.memory_space<vmem>> -> memref<128xi32, #tpu.memory_space<vmem>>
        %dma_start3A_137 = arith.constant 0 : i32
        %dma_start3A_138 = arith.constant 0 : i32
        %dma_start3A_139 = tpu.memref_slice %arg3[%dma_start3A_137, %dma_start3A_138] : memref<16384x128xf32, #tpu.memory_space<hbm>> -> memref<16384x128xf32, #tpu.memory_space<hbm>>
        tpu.enqueue_indirect_dma source(%dma_start3A_139 : memref<16384x128xf32, #tpu.memory_space<hbm>>) target(%dma_start3A_134 : memref<128x128xf32, #tpu.memory_space<vmem>>) offsets(%dma_start3A_136 : memref<128xi32, #tpu.memory_space<vmem>>) semaphore(%arg10 : memref<!tpu.dma_semaphore, #tpu.memory_space<semaphore_mem>>)
      } else {
      }
      %dma_wait3A_41 = arith.constant 0 : i32
      %dma_wait3A_42 = arith.constant 0 : i32
      %dma_wait3A_43 = tpu.memref_slice %arg7[%dma_wait3A_41, %dma_wait3A_42] : memref<256x128xf32, #tpu.memory_space<vmem>> -> memref<128x128xf32, #tpu.memory_space<vmem>>
      %dma_wait3A_44 = arith.constant 0 : i32
      %dma_wait3A_45 = arith.constant 0 : i32
      %dma_wait3A_46 = tpu.memref_slice %arg3[%dma_wait3A_44, %dma_wait3A_45] : memref<16384x128xf32, #tpu.memory_space<hbm>> -> memref<128x128xf32, #tpu.memory_space<hbm>>
      %dma_wait3A_47 = arith.constant 0 : i32
      %dma_wait3A_48 = arith.constant 0 : i32
      %dma_wait3A_49 = tpu.memref_slice %arg7[%dma_wait3A_47, %dma_wait3A_48] : memref<256x128xf32, #tpu.memory_space<vmem>> -> memref<128x128xf32, #tpu.memory_space<vmem>>
      %dma_wait3A_50 = arith.constant 0 : i32
      %dma_wait3A_51 = arith.constant 0 : i32
      %dma_wait3A_52 = tpu.memref_slice %arg3[%dma_wait3A_50, %dma_wait3A_51] : memref<16384x128xf32, #tpu.memory_space<hbm>> -> memref<128x128xf32, #tpu.memory_space<hbm>>
      tpu.wait_dma2 semaphore(%arg9 : memref<!tpu.dma_semaphore, #tpu.memory_space<semaphore_mem>>) src(%dma_wait3A_52 : memref<128x128xf32, #tpu.memory_space<hbm>>) dst(%dma_wait3A_49 : memref<128x128xf32, #tpu.memory_space<vmem>>)
      %dma_wait3A_53 = arith.constant 128 : i32
      %dma_wait3A_54 = arith.constant 0 : i32
      %dma_wait3A_55 = tpu.memref_slice %arg7[%dma_wait3A_53, %dma_wait3A_54] : memref<256x128xf32, #tpu.memory_space<vmem>> -> memref<128x128xf32, #tpu.memory_space<vmem>>
      %dma_wait3A_56 = arith.constant 0 : i32
      %dma_wait3A_57 = arith.constant 0 : i32
      %dma_wait3A_58 = tpu.memref_slice %arg3[%dma_wait3A_56, %dma_wait3A_57] : memref<16384x128xf32, #tpu.memory_space<hbm>> -> memref<128x128xf32, #tpu.memory_space<hbm>>
      %dma_wait3A_59 = arith.constant 128 : i32
      %dma_wait3A_60 = arith.constant 0 : i32
      %dma_wait3A_61 = tpu.memref_slice %arg7[%dma_wait3A_59, %dma_wait3A_60] : memref<256x128xf32, #tpu.memory_space<vmem>> -> memref<128x128xf32, #tpu.memory_space<vmem>>
      %dma_wait3A_62 = arith.constant 0 : i32
      %dma_wait3A_63 = arith.constant 0 : i32
      %dma_wait3A_64 = tpu.memref_slice %arg3[%dma_wait3A_62, %dma_wait3A_63] : memref<16384x128xf32, #tpu.memory_space<hbm>> -> memref<128x128xf32, #tpu.memory_space<hbm>>
      tpu.wait_dma2 semaphore(%arg9 : memref<!tpu.dma_semaphore, #tpu.memory_space<semaphore_mem>>) src(%dma_wait3A_64 : memref<128x128xf32, #tpu.memory_space<hbm>>) dst(%dma_wait3A_61 : memref<128x128xf32, #tpu.memory_space<vmem>>)
      %mul3A_65 = arith.constant 256 : i32
      %mul3A_66 = arith.muli %add3A_32, %mul3A_65 : i32
      %add3A_67 = arith.addi %mul3A_2, %mul3A_66 : i32
      %dma_start3A_68 = arith.constant 0 : i32
      %dma_start3A_69 = tpu.memref_slice %arg4[%add3A_67, %dma_start3A_68] : memref<163840x128xf32, #tpu.memory_space<hbm>> -> memref<256x128xf32, #tpu.memory_space<hbm>>
      %dma_start3A_70 = arith.constant 0 : i32
      %dma_start3A_71 = tpu.memref_slice %arg4[%add3A_67, %dma_start3A_70] : memref<163840x128xf32, #tpu.memory_space<hbm>> -> memref<256x128xf32, #tpu.memory_space<hbm>>
      tpu.enqueue_dma source(%arg7 : memref<256x128xf32, #tpu.memory_space<vmem>>) target(%dma_start3A_71 : memref<256x128xf32, #tpu.memory_space<hbm>>) target_semaphore(%arg11 : memref<!tpu.dma_semaphore, #tpu.memory_space<semaphore_mem>>)
      %mul3A_72 = arith.constant 2 : i32
      %mul3A_73 = arith.muli %mul3A_72, %scan3A_28 : i32
      %add3A_74 = arith.constant 1 : i32
      %add3A_75 = arith.addi %mul3A_73, %add3A_74 : i32
      %ge3A_76 = arith.constant 1 : i32
      %ge3A_77 = arith.cmpi sge, %add3A_75, %ge3A_76 : i32
      %convert_element_type3A_78 = arith.extui %ge3A_77 : i1 to i32
      %cond3A_79 = arith.constant 0 : i32
      %cond3A_80 = arith.cmpi ne, %convert_element_type3A_78, %cond3A_79 : i32
      scf.if %cond3A_80 {
        %dma_wait3A_119 = arith.constant 0 : i32
        %dma_wait3A_120 = tpu.memref_slice %arg4[%mul3A_2, %dma_wait3A_119] : memref<163840x128xf32, #tpu.memory_space<hbm>> -> memref<256x128xf32, #tpu.memory_space<hbm>>
        %dma_wait3A_121 = arith.constant 0 : i32
        %dma_wait3A_122 = tpu.memref_slice %arg4[%mul3A_2, %dma_wait3A_121] : memref<163840x128xf32, #tpu.memory_space<hbm>> -> memref<256x128xf32, #tpu.memory_space<hbm>>
        tpu.wait_dma2 semaphore(%arg11 : memref<!tpu.dma_semaphore, #tpu.memory_space<semaphore_mem>>) src(%arg7 : memref<256x128xf32, #tpu.memory_space<vmem>>) dst(%dma_wait3A_122 : memref<256x128xf32, #tpu.memory_space<hbm>>)
      } else {
      }
      %add3A_81 = arith.constant 1 : i32
      %add3A_82 = arith.addi %add3A_75, %add3A_81 : i32
      %lt3A_83 = arith.constant 20 : i32
      %lt3A_84 = arith.cmpi slt, %add3A_82, %lt3A_83 : i32
      %convert_element_type3A_85 = arith.extui %lt3A_84 : i1 to i32
      %cond3A_86 = arith.constant 0 : i32
      %cond3A_87 = arith.cmpi ne, %convert_element_type3A_85, %cond3A_86 : i32
      scf.if %cond3A_87 {
        %add3A_119 = arith.constant 1 : i32
        %add3A_120 = arith.addi %add3A_75, %add3A_119 : i32
        %mul3A_121 = arith.constant 256 : i32
        %mul3A_122 = arith.muli %add3A_120, %mul3A_121 : i32
        %add3A_123 = arith.addi %mul3A_2, %mul3A_122 : i32
        "tpu.region"() ({
          %run_scoped3A = tpu.sem_alloc : memref<!tpu.dma_semaphore, #tpu.memory_space<semaphore_mem>>
          %dma_start3A_140 = tpu.memref_slice %arg2[%add3A_123] : memref<163840xi32, #tpu.memory_space<hbm>> -> memref<256xi32, #tpu.memory_space<hbm>>
          %dma_start3A_141 = tpu.memref_slice %arg2[%add3A_123] : memref<163840xi32, #tpu.memory_space<hbm>> -> memref<256xi32, #tpu.memory_space<hbm>>
          tpu.enqueue_dma source(%dma_start3A_141 : memref<256xi32, #tpu.memory_space<hbm>>) target(%arg5 : memref<256xi32, #tpu.memory_space<vmem>>) target_semaphore(%run_scoped3A : memref<!tpu.dma_semaphore, #tpu.memory_space<semaphore_mem>>)
          %dma_wait3A_142 = tpu.memref_slice %arg2[%add3A_123] : memref<163840xi32, #tpu.memory_space<hbm>> -> memref<256xi32, #tpu.memory_space<hbm>>
          %dma_wait3A_143 = tpu.memref_slice %arg2[%add3A_123] : memref<163840xi32, #tpu.memory_space<hbm>> -> memref<256xi32, #tpu.memory_space<hbm>>
          tpu.wait_dma2 semaphore(%run_scoped3A : memref<!tpu.dma_semaphore, #tpu.memory_space<semaphore_mem>>) src(%dma_wait3A_143 : memref<256xi32, #tpu.memory_space<hbm>>) dst(%arg5 : memref<256xi32, #tpu.memory_space<vmem>>)
          tpu.yield
        }) : () -> ()
        %dma_start3A_124 = arith.constant 0 : i32
        %dma_start3A_125 = arith.constant 0 : i32
        %dma_start3A_126 = tpu.memref_slice %arg7[%dma_start3A_124, %dma_start3A_125] : memref<256x128xf32, #tpu.memory_space<vmem>> -> memref<128x128xf32, #tpu.memory_space<vmem>>
        %dma_start3A_127 = arith.constant 0 : i32
        %dma_start3A_128 = tpu.memref_slice %arg5[%dma_start3A_127] : memref<256xi32, #tpu.memory_space<vmem>> -> memref<128xi32, #tpu.memory_space<vmem>>
        %dma_start3A_129 = arith.constant 0 : i32
        %dma_start3A_130 = arith.constant 0 : i32
        %dma_start3A_131 = tpu.memref_slice %arg3[%dma_start3A_129, %dma_start3A_130] : memref<16384x128xf32, #tpu.memory_space<hbm>> -> memref<16384x128xf32, #tpu.memory_space<hbm>>
        tpu.enqueue_indirect_dma source(%dma_start3A_131 : memref<16384x128xf32, #tpu.memory_space<hbm>>) target(%dma_start3A_126 : memref<128x128xf32, #tpu.memory_space<vmem>>) offsets(%dma_start3A_128 : memref<128xi32, #tpu.memory_space<vmem>>) semaphore(%arg9 : memref<!tpu.dma_semaphore, #tpu.memory_space<semaphore_mem>>)
        %dma_start3A_132 = arith.constant 128 : i32
        %dma_start3A_133 = arith.constant 0 : i32
        %dma_start3A_134 = tpu.memref_slice %arg7[%dma_start3A_132, %dma_start3A_133] : memref<256x128xf32, #tpu.memory_space<vmem>> -> memref<128x128xf32, #tpu.memory_space<vmem>>
        %dma_start3A_135 = arith.constant 128 : i32
        %dma_start3A_136 = tpu.memref_slice %arg5[%dma_start3A_135] : memref<256xi32, #tpu.memory_space<vmem>> -> memref<128xi32, #tpu.memory_space<vmem>>
        %dma_start3A_137 = arith.constant 0 : i32
        %dma_start3A_138 = arith.constant 0 : i32
        %dma_start3A_139 = tpu.memref_slice %arg3[%dma_start3A_137, %dma_start3A_138] : memref<16384x128xf32, #tpu.memory_space<hbm>> -> memref<16384x128xf32, #tpu.memory_space<hbm>>
        tpu.enqueue_indirect_dma source(%dma_start3A_139 : memref<16384x128xf32, #tpu.memory_space<hbm>>) target(%dma_start3A_134 : memref<128x128xf32, #tpu.memory_space<vmem>>) offsets(%dma_start3A_136 : memref<128xi32, #tpu.memory_space<vmem>>) semaphore(%arg9 : memref<!tpu.dma_semaphore, #tpu.memory_space<semaphore_mem>>)
      } else {
      }
      %dma_wait3A_88 = arith.constant 0 : i32
      %dma_wait3A_89 = arith.constant 0 : i32
      %dma_wait3A_90 = tpu.memref_slice %arg8[%dma_wait3A_88, %dma_wait3A_89] : memref<256x128xf32, #tpu.memory_space<vmem>> -> memref<128x128xf32, #tpu.memory_space<vmem>>
      %dma_wait3A_91 = arith.constant 0 : i32
      %dma_wait3A_92 = arith.constant 0 : i32
      %dma_wait3A_93 = tpu.memref_slice %arg3[%dma_wait3A_91, %dma_wait3A_92] : memref<16384x128xf32, #tpu.memory_space<hbm>> -> memref<128x128xf32, #tpu.memory_space<hbm>>
      %dma_wait3A_94 = arith.constant 0 : i32
      %dma_wait3A_95 = arith.constant 0 : i32
      %dma_wait3A_96 = tpu.memref_slice %arg8[%dma_wait3A_94, %dma_wait3A_95] : memref<256x128xf32, #tpu.memory_space<vmem>> -> memref<128x128xf32, #tpu.memory_space<vmem>>
      %dma_wait3A_97 = arith.constant 0 : i32
      %dma_wait3A_98 = arith.constant 0 : i32
      %dma_wait3A_99 = tpu.memref_slice %arg3[%dma_wait3A_97, %dma_wait3A_98] : memref<16384x128xf32, #tpu.memory_space<hbm>> -> memref<128x128xf32, #tpu.memory_space<hbm>>
      tpu.wait_dma2 semaphore(%arg10 : memref<!tpu.dma_semaphore, #tpu.memory_space<semaphore_mem>>) src(%dma_wait3A_99 : memref<128x128xf32, #tpu.memory_space<hbm>>) dst(%dma_wait3A_96 : memref<128x128xf32, #tpu.memory_space<vmem>>)
      %dma_wait3A_100 = arith.constant 128 : i32
      %dma_wait3A_101 = arith.constant 0 : i32
      %dma_wait3A_102 = tpu.memref_slice %arg8[%dma_wait3A_100, %dma_wait3A_101] : memref<256x128xf32, #tpu.memory_space<vmem>> -> memref<128x128xf32, #tpu.memory_space<vmem>>
      %dma_wait3A_103 = arith.constant 0 : i32
      %dma_wait3A_104 = arith.constant 0 : i32
      %dma_wait3A_105 = tpu.memref_slice %arg3[%dma_wait3A_103, %dma_wait3A_104] : memref<16384x128xf32, #tpu.memory_space<hbm>> -> memref<128x128xf32, #tpu.memory_space<hbm>>
      %dma_wait3A_106 = arith.constant 128 : i32
      %dma_wait3A_107 = arith.constant 0 : i32
      %dma_wait3A_108 = tpu.memref_slice %arg8[%dma_wait3A_106, %dma_wait3A_107] : memref<256x128xf32, #tpu.memory_space<vmem>> -> memref<128x128xf32, #tpu.memory_space<vmem>>
      %dma_wait3A_109 = arith.constant 0 : i32
      %dma_wait3A_110 = arith.constant 0 : i32
      %dma_wait3A_111 = tpu.memref_slice %arg3[%dma_wait3A_109, %dma_wait3A_110] : memref<16384x128xf32, #tpu.memory_space<hbm>> -> memref<128x128xf32, #tpu.memory_space<hbm>>
      tpu.wait_dma2 semaphore(%arg10 : memref<!tpu.dma_semaphore, #tpu.memory_space<semaphore_mem>>) src(%dma_wait3A_111 : memref<128x128xf32, #tpu.memory_space<hbm>>) dst(%dma_wait3A_108 : memref<128x128xf32, #tpu.memory_space<vmem>>)
      %mul3A_112 = arith.constant 256 : i32
      %mul3A_113 = arith.muli %add3A_75, %mul3A_112 : i32
      %add3A_114 = arith.addi %mul3A_2, %mul3A_113 : i32
      %dma_start3A_115 = arith.constant 0 : i32
      %dma_start3A_116 = tpu.memref_slice %arg4[%add3A_114, %dma_start3A_115] : memref<163840x128xf32, #tpu.memory_space<hbm>> -> memref<256x128xf32, #tpu.memory_space<hbm>>
      %dma_start3A_117 = arith.constant 0 : i32
      %dma_start3A_118 = tpu.memref_slice %arg4[%add3A_114, %dma_start3A_117] : memref<163840x128xf32, #tpu.memory_space<hbm>> -> memref<256x128xf32, #tpu.memory_space<hbm>>
      tpu.enqueue_dma source(%arg8 : memref<256x128xf32, #tpu.memory_space<vmem>>) target(%dma_start3A_118 : memref<256x128xf32, #tpu.memory_space<hbm>>) target_semaphore(%arg11 : memref<!tpu.dma_semaphore, #tpu.memory_space<semaphore_mem>>)
    }
    %scan3A_24 = arith.constant 10 : i32
    %dma_wait3A = arith.constant 0 : i32
    %dma_wait3A_25 = tpu.memref_slice %arg4[%mul3A_2, %dma_wait3A] : memref<163840x128xf32, #tpu.memory_space<hbm>> -> memref<256x128xf32, #tpu.memory_space<hbm>>
    %dma_wait3A_26 = arith.constant 0 : i32
    %dma_wait3A_27 = tpu.memref_slice %arg4[%mul3A_2, %dma_wait3A_26] : memref<163840x128xf32, #tpu.memory_space<hbm>> -> memref<256x128xf32, #tpu.memory_space<hbm>>
    tpu.wait_dma2 semaphore(%arg11 : memref<!tpu.dma_semaphore, #tpu.memory_space<semaphore_mem>>) src(%arg8 : memref<256x128xf32, #tpu.memory_space<vmem>>) dst(%dma_wait3A_27 : memref<256x128xf32, #tpu.memory_space<hbm>>)
    return
  }
}

module attributes {stable_mosaic.version = 14 : i64} {
  func.func @_prep_body(%arg0: i32, %arg1: memref<2048x128xf32, #tpu.memory_space<vmem>>, %arg2: memref<2048x128xf32, #tpu.memory_space<vmem>>) attributes {dimension_semantics = [#tpu.dimension_semantics<arbitrary>], iteration_bounds = array<i64: 8>, scalar_prefetch = 0 : i64, scratch_operands = 0 : i64, tpu.core_type = #tpu.core_type<tc>, window_params = [{transform_indices = @transform_0, window_bounds = array<i64: 2048, 128>}, {transform_indices = @transform_1, window_bounds = array<i64: 2048, 128>}]} {
    %get3A = arith.constant 0 : index
    %get3A_0 = arith.constant 0 : index
    %get3A_1 = vector.load %arg1[%get3A, %get3A_0] : memref<2048x128xf32, #tpu.memory_space<vmem>>, vector<2048x128xf32>
    %slice3A = vector.extract_strided_slice %get3A_1 {offsets = [0, 0], sizes = [2048, 3], strides = [1, 1]} : vector<2048x128xf32> to vector<2048x3xf32>
    %mul3A = arith.mulf %slice3A, %slice3A : vector<2048x3xf32>
    %reduce_sum3A = arith.constant dense<0.000000e+00> : vector<2048xf32>
    %reduce_sum3A_2 = vector.multi_reduction <add>, %mul3A, %reduce_sum3A [1] : vector<2048x3xf32> to vector<2048xf32>
    %broadcast_in_dim3A = vector.shape_cast %reduce_sum3A_2 : vector<2048xf32> to vector<2048x1xf32>
    %broadcast_in_dim3A_3 = arith.constant 0.000000e+00 : f32
    %broadcast_in_dim3A_4 = vector.broadcast %broadcast_in_dim3A_3 : f32 to vector<2048x124xf32>
    %neg3A = arith.constant 0.000000e+00 : f32
    %neg3A_5 = vector.broadcast %neg3A : f32 to vector<2048x1xf32>
    %neg3A_6 = arith.subf %neg3A_5, %broadcast_in_dim3A : vector<2048x1xf32>
    %concatenate3A = tpu.concatenate %slice3A, %neg3A_6, %broadcast_in_dim3A_4 in 1 : vector<2048x3xf32>, vector<2048x1xf32>, vector<2048x124xf32> -> vector<2048x128xf32>
    %swap3A = arith.constant 0 : index
    %swap3A_7 = arith.constant 0 : index
    %swap3A_8 = vector.load %arg2[%swap3A, %swap3A_7] : memref<2048x128xf32, #tpu.memory_space<vmem>>, vector<2048x128xf32>
    tpu.vector_store %arg2[%swap3A, %swap3A_7], %concatenate3A {strides = array<i32>} : memref<2048x128xf32, #tpu.memory_space<vmem>>, vector<2048x128xf32>,
    return
  }
  func.func @transform_0(%arg0: i32) -> (i32, i32) {
    %c0_i32 = arith.constant 0 : i32
    %c0_i32_0 = arith.constant 0 : i32
    return %arg0, %c0_i32 : i32, i32
  }
  func.func @transform_1(%arg0: i32) -> (i32, i32) {
    %c0_i32 = arith.constant 0 : i32
    %c0_i32_0 = arith.constant 0 : i32
    return %arg0, %c0_i32 : i32, i32
  }
}

module attributes {stable_mosaic.version = 14 : i64} {
  func.func @_knn_body(%arg0: i32, %arg1: i32, %arg2: memref<512x128xf32, #tpu.memory_space<vmem>>, %arg3: memref<2048x128xf32, #tpu.memory_space<vmem>>, %arg4: memref<1x1x2048xf32, #tpu.memory_space<vmem>>, %arg5: memref<512x20xi32, #tpu.memory_space<vmem>>) attributes {dimension_semantics = [#tpu.dimension_semantics<arbitrary>, #tpu.dimension_semantics<arbitrary>], iteration_bounds = array<i64: 8, 4>, scalar_prefetch = 0 : i64, scratch_operands = 0 : i64, tpu.core_type = #tpu.core_type<tc>, window_params = [{transform_indices = @transform_0, window_bounds = array<i64: 512, 128>}, {transform_indices = @transform_1, window_bounds = array<i64: 2048, 128>}, {transform_indices = @transform_2, window_bounds = array<i64: 1, 1, 2048>}, {transform_indices = @transform_3, window_bounds = array<i64: 512, 20>}]} {
    %get3A = arith.constant 0 : index
    %get3A_0 = arith.constant 0 : index
    %get3A_1 = vector.load %arg2[%get3A, %get3A_0] : memref<512x128xf32, #tpu.memory_space<vmem>>, vector<512x128xf32>
    %iota3A = tpu.iota {dimensions = array<i32: 1>} : vector<1x128xi32>
    %lt3A = arith.constant 3 : i32
    %lt3A_2 = vector.broadcast %lt3A : i32 to vector<1x128xi32>
    %lt3A_3 = arith.cmpi slt, %iota3A, %lt3A_2 : vector<1x128xi32>
    %jit3A = arith.constant 1.000000e+00 : f32
    %jit3A_4 = arith.constant 0.000000e+00 : f32
    %broadcast_in_dim3A = vector.broadcast %jit3A : f32 to vector<1x128xf32>
    %broadcast_in_dim3A_5 = vector.broadcast %jit3A_4 : f32 to vector<1x128xf32>
    %select_n3A = arith.select %lt3A_3, %broadcast_in_dim3A, %broadcast_in_dim3A_5 : vector<1x128xi1>, vector<1x128xf32>
    %mul3A = vector.broadcast %select_n3A : vector<1x128xf32> to vector<512x128xf32>
    %mul3A_6 = arith.mulf %get3A_1, %mul3A : vector<512x128xf32>
    %get3A_7 = arith.constant 0 : index
    %get3A_8 = arith.constant 0 : index
    %get3A_9 = vector.load %arg3[%get3A_7, %get3A_8] : memref<2048x128xf32, #tpu.memory_space<vmem>>, vector<2048x128xf32>
    %dot_general3A = arith.constant dense<0.000000e+00> : vector<512x2048xf32>
    %dot_general3A_10 = tpu.matmul %mul3A_6, %get3A_9, %dot_general3A {dimension_numbers = #tpu.dot_dimension_numbers<[1], [1], [0], [0], [0, 0, 1, 0], [], []>, transpose_lhs_hint = false} : vector<512x128xf32>, vector<2048x128xf32>, vector<512x2048xf32> -> vector<512x2048xf32>
    %mul3A_11 = arith.constant -2.000000e+00 : f32
    %mul3A_12 = vector.broadcast %mul3A_11 : f32 to vector<512x2048xf32>
    %mul3A_13 = arith.mulf %mul3A_12, %dot_general3A_10 : vector<512x2048xf32>
    %slice3A = vector.extract_strided_slice %get3A_1 {offsets = [0, 3], sizes = [512, 1], strides = [1, 1]} : vector<512x128xf32> to vector<512x1xf32>
    %sub3A = vector.broadcast %slice3A : vector<512x1xf32> to vector<512x2048xf32>
    %sub3A_14 = arith.subf %sub3A, %mul3A_13 : vector<512x2048xf32>
    %get3A_15 = arith.constant 0 : index
    %get3A_16 = arith.constant 0 : index
    %get3A_17 = arith.constant 0 : index
    %get3A_18 = vector.load %arg4[%get3A_15, %get3A_16, %get3A_17] : memref<1x1x2048xf32, #tpu.memory_space<vmem>>, vector<1x1x2048xf32>
    %get3A_19 = vector.shape_cast %get3A_18 : vector<1x1x2048xf32> to vector<1x2048xf32>
    %add3A = vector.broadcast %get3A_19 : vector<1x2048xf32> to vector<512x2048xf32>
    %add3A_20 = arith.addf %sub3A_14, %add3A : vector<512x2048xf32>
    %iota3A_21 = tpu.iota {dimensions = array<i32: 1>} : vector<512x2048xi32>
    %reduce_max3A = arith.constant dense<0xFF800000> : vector<512xf32>
    %reduce_max3A_22 = vector.multi_reduction <maximumf>, %add3A_20, %reduce_max3A [1] : vector<512x2048xf32> to vector<512xf32>
    %broadcast_in_dim3A_23 = vector.shape_cast %reduce_max3A_22 : vector<512xf32> to vector<512x1xf32>
    %eq3A = vector.broadcast %broadcast_in_dim3A_23 : vector<512x1xf32> to vector<512x2048xf32>
    %eq3A_24 = arith.cmpf oeq, %add3A_20, %eq3A : vector<512x2048xf32>
    %jit3A_25 = arith.constant 2048 : i32
    %broadcast_in_dim3A_26 = vector.broadcast %jit3A_25 : i32 to vector<512x2048xi32>
    %select_n3A_27 = arith.select %eq3A_24, %iota3A_21, %broadcast_in_dim3A_26 : vector<512x2048xi1>, vector<512x2048xi32>
    %reduce_min3A = arith.constant dense<2147483647> : vector<512xi32>
    %reduce_min3A_28 = vector.multi_reduction <minsi>, %select_n3A_27, %reduce_min3A [1] : vector<512x2048xi32> to vector<512xi32>
    %broadcast_in_dim3A_29 = vector.shape_cast %reduce_min3A_28 : vector<512xi32> to vector<512x1xi32>
    %eq3A_30 = vector.broadcast %broadcast_in_dim3A_29 : vector<512x1xi32> to vector<512x2048xi32>
    %eq3A_31 = arith.cmpi eq, %select_n3A_27, %eq3A_30 : vector<512x2048xi32>
    %jit3A_32 = arith.constant 0xFF800000 : f32
    %broadcast_in_dim3A_33 = vector.broadcast %jit3A_32 : f32 to vector<512x2048xf32>
    %select_n3A_34 = arith.select %eq3A_31, %broadcast_in_dim3A_33, %add3A_20 : vector<512x2048xi1>, vector<512x2048xf32>
    %reduce_max3A_35 = arith.constant dense<0xFF800000> : vector<512xf32>
    %reduce_max3A_36 = vector.multi_reduction <maximumf>, %select_n3A_34, %reduce_max3A_35 [1] : vector<512x2048xf32> to vector<512xf32>
    %broadcast_in_dim3A_37 = vector.shape_cast %reduce_max3A_36 : vector<512xf32> to vector<512x1xf32>
    %eq3A_38 = vector.broadcast %broadcast_in_dim3A_37 : vector<512x1xf32> to vector<512x2048xf32>
    %eq3A_39 = arith.cmpf oeq, %select_n3A_34, %eq3A_38 : vector<512x2048xf32>
    %jit3A_40 = arith.constant 2048 : i32
    %broadcast_in_dim3A_41 = vector.broadcast %jit3A_40 : i32 to vector<512x2048xi32>
    %select_n3A_42 = arith.select %eq3A_39, %iota3A_21, %broadcast_in_dim3A_41 : vector<512x2048xi1>, vector<512x2048xi32>
    %reduce_min3A_43 = arith.constant dense<2147483647> : vector<512xi32>
    %reduce_min3A_44 = vector.multi_reduction <minsi>, %select_n3A_42, %reduce_min3A_43 [1] : vector<512x2048xi32> to vector<512xi32>
    %broadcast_in_dim3A_45 = vector.shape_cast %reduce_min3A_44 : vector<512xi32> to vector<512x1xi32>
    %eq3A_46 = vector.broadcast %broadcast_in_dim3A_45 : vector<512x1xi32> to vector<512x2048xi32>
    %eq3A_47 = arith.cmpi eq, %select_n3A_42, %eq3A_46 : vector<512x2048xi32>
    %jit3A_48 = arith.constant 0xFF800000 : f32
    %broadcast_in_dim3A_49 = vector.broadcast %jit3A_48 : f32 to vector<512x2048xf32>
    %select_n3A_50 = arith.select %eq3A_47, %broadcast_in_dim3A_49, %select_n3A_34 : vector<512x2048xi1>, vector<512x2048xf32>
    %reduce_max3A_51 = arith.constant dense<0xFF800000> : vector<512xf32>
    %reduce_max3A_52 = vector.multi_reduction <maximumf>, %select_n3A_50, %reduce_max3A_51 [1] : vector<512x2048xf32> to vector<512xf32>
    %broadcast_in_dim3A_53 = vector.shape_cast %reduce_max3A_52 : vector<512xf32> to vector<512x1xf32>
    %eq3A_54 = vector.broadcast %broadcast_in_dim3A_53 : vector<512x1xf32> to vector<512x2048xf32>
    %eq3A_55 = arith.cmpf oeq, %select_n3A_50, %eq3A_54 : vector<512x2048xf32>
    %jit3A_56 = arith.constant 2048 : i32
    %broadcast_in_dim3A_57 = vector.broadcast %jit3A_56 : i32 to vector<512x2048xi32>
    %select_n3A_58 = arith.select %eq3A_55, %iota3A_21, %broadcast_in_dim3A_57 : vector<512x2048xi1>, vector<512x2048xi32>
    %reduce_min3A_59 = arith.constant dense<2147483647> : vector<512xi32>
    %reduce_min3A_60 = vector.multi_reduction <minsi>, %select_n3A_58, %reduce_min3A_59 [1] : vector<512x2048xi32> to vector<512xi32>
    %broadcast_in_dim3A_61 = vector.shape_cast %reduce_min3A_60 : vector<512xi32> to vector<512x1xi32>
    %eq3A_62 = vector.broadcast %broadcast_in_dim3A_61 : vector<512x1xi32> to vector<512x2048xi32>
    %eq3A_63 = arith.cmpi eq, %select_n3A_58, %eq3A_62 : vector<512x2048xi32>
    %jit3A_64 = arith.constant 0xFF800000 : f32
    %broadcast_in_dim3A_65 = vector.broadcast %jit3A_64 : f32 to vector<512x2048xf32>
    %select_n3A_66 = arith.select %eq3A_63, %broadcast_in_dim3A_65, %select_n3A_50 : vector<512x2048xi1>, vector<512x2048xf32>
    %reduce_max3A_67 = arith.constant dense<0xFF800000> : vector<512xf32>
    %reduce_max3A_68 = vector.multi_reduction <maximumf>, %select_n3A_66, %reduce_max3A_67 [1] : vector<512x2048xf32> to vector<512xf32>
    %broadcast_in_dim3A_69 = vector.shape_cast %reduce_max3A_68 : vector<512xf32> to vector<512x1xf32>
    %eq3A_70 = vector.broadcast %broadcast_in_dim3A_69 : vector<512x1xf32> to vector<512x2048xf32>
    %eq3A_71 = arith.cmpf oeq, %select_n3A_66, %eq3A_70 : vector<512x2048xf32>
    %jit3A_72 = arith.constant 2048 : i32
    %broadcast_in_dim3A_73 = vector.broadcast %jit3A_72 : i32 to vector<512x2048xi32>
    %select_n3A_74 = arith.select %eq3A_71, %iota3A_21, %broadcast_in_dim3A_73 : vector<512x2048xi1>, vector<512x2048xi32>
    %reduce_min3A_75 = arith.constant dense<2147483647> : vector<512xi32>
    %reduce_min3A_76 = vector.multi_reduction <minsi>, %select_n3A_74, %reduce_min3A_75 [1] : vector<512x2048xi32> to vector<512xi32>
    %broadcast_in_dim3A_77 = vector.shape_cast %reduce_min3A_76 : vector<512xi32> to vector<512x1xi32>
    %eq3A_78 = vector.broadcast %broadcast_in_dim3A_77 : vector<512x1xi32> to vector<512x2048xi32>
    %eq3A_79 = arith.cmpi eq, %select_n3A_74, %eq3A_78 : vector<512x2048xi32>
    %jit3A_80 = arith.constant 0xFF800000 : f32
    %broadcast_in_dim3A_81 = vector.broadcast %jit3A_80 : f32 to vector<512x2048xf32>
    %select_n3A_82 = arith.select %eq3A_79, %broadcast_in_dim3A_81, %select_n3A_66 : vector<512x2048xi1>, vector<512x2048xf32>
    %reduce_max3A_83 = arith.constant dense<0xFF800000> : vector<512xf32>
    %reduce_max3A_84 = vector.multi_reduction <maximumf>, %select_n3A_82, %reduce_max3A_83 [1] : vector<512x2048xf32> to vector<512xf32>
    %broadcast_in_dim3A_85 = vector.shape_cast %reduce_max3A_84 : vector<512xf32> to vector<512x1xf32>
    %eq3A_86 = vector.broadcast %broadcast_in_dim3A_85 : vector<512x1xf32> to vector<512x2048xf32>
    %eq3A_87 = arith.cmpf oeq, %select_n3A_82, %eq3A_86 : vector<512x2048xf32>
    %jit3A_88 = arith.constant 2048 : i32
    %broadcast_in_dim3A_89 = vector.broadcast %jit3A_88 : i32 to vector<512x2048xi32>
    %select_n3A_90 = arith.select %eq3A_87, %iota3A_21, %broadcast_in_dim3A_89 : vector<512x2048xi1>, vector<512x2048xi32>
    %reduce_min3A_91 = arith.constant dense<2147483647> : vector<512xi32>
    %reduce_min3A_92 = vector.multi_reduction <minsi>, %select_n3A_90, %reduce_min3A_91 [1] : vector<512x2048xi32> to vector<512xi32>
    %broadcast_in_dim3A_93 = vector.shape_cast %reduce_min3A_92 : vector<512xi32> to vector<512x1xi32>
    %eq3A_94 = vector.broadcast %broadcast_in_dim3A_93 : vector<512x1xi32> to vector<512x2048xi32>
    %eq3A_95 = arith.cmpi eq, %select_n3A_90, %eq3A_94 : vector<512x2048xi32>
    %jit3A_96 = arith.constant 0xFF800000 : f32
    %broadcast_in_dim3A_97 = vector.broadcast %jit3A_96 : f32 to vector<512x2048xf32>
    %select_n3A_98 = arith.select %eq3A_95, %broadcast_in_dim3A_97, %select_n3A_82 : vector<512x2048xi1>, vector<512x2048xf32>
    %reduce_max3A_99 = arith.constant dense<0xFF800000> : vector<512xf32>
    %reduce_max3A_100 = vector.multi_reduction <maximumf>, %select_n3A_98, %reduce_max3A_99 [1] : vector<512x2048xf32> to vector<512xf32>
    %broadcast_in_dim3A_101 = vector.shape_cast %reduce_max3A_100 : vector<512xf32> to vector<512x1xf32>
    %eq3A_102 = vector.broadcast %broadcast_in_dim3A_101 : vector<512x1xf32> to vector<512x2048xf32>
    %eq3A_103 = arith.cmpf oeq, %select_n3A_98, %eq3A_102 : vector<512x2048xf32>
    %jit3A_104 = arith.constant 2048 : i32
    %broadcast_in_dim3A_105 = vector.broadcast %jit3A_104 : i32 to vector<512x2048xi32>
    %select_n3A_106 = arith.select %eq3A_103, %iota3A_21, %broadcast_in_dim3A_105 : vector<512x2048xi1>, vector<512x2048xi32>
    %reduce_min3A_107 = arith.constant dense<2147483647> : vector<512xi32>
    %reduce_min3A_108 = vector.multi_reduction <minsi>, %select_n3A_106, %reduce_min3A_107 [1] : vector<512x2048xi32> to vector<512xi32>
    %broadcast_in_dim3A_109 = vector.shape_cast %reduce_min3A_108 : vector<512xi32> to vector<512x1xi32>
    %eq3A_110 = vector.broadcast %broadcast_in_dim3A_109 : vector<512x1xi32> to vector<512x2048xi32>
    %eq3A_111 = arith.cmpi eq, %select_n3A_106, %eq3A_110 : vector<512x2048xi32>
    %jit3A_112 = arith.constant 0xFF800000 : f32
    %broadcast_in_dim3A_113 = vector.broadcast %jit3A_112 : f32 to vector<512x2048xf32>
    %select_n3A_114 = arith.select %eq3A_111, %broadcast_in_dim3A_113, %select_n3A_98 : vector<512x2048xi1>, vector<512x2048xf32>
    %reduce_max3A_115 = arith.constant dense<0xFF800000> : vector<512xf32>
    %reduce_max3A_116 = vector.multi_reduction <maximumf>, %select_n3A_114, %reduce_max3A_115 [1] : vector<512x2048xf32> to vector<512xf32>
    %broadcast_in_dim3A_117 = vector.shape_cast %reduce_max3A_116 : vector<512xf32> to vector<512x1xf32>
    %eq3A_118 = vector.broadcast %broadcast_in_dim3A_117 : vector<512x1xf32> to vector<512x2048xf32>
    %eq3A_119 = arith.cmpf oeq, %select_n3A_114, %eq3A_118 : vector<512x2048xf32>
    %jit3A_120 = arith.constant 2048 : i32
    %broadcast_in_dim3A_121 = vector.broadcast %jit3A_120 : i32 to vector<512x2048xi32>
    %select_n3A_122 = arith.select %eq3A_119, %iota3A_21, %broadcast_in_dim3A_121 : vector<512x2048xi1>, vector<512x2048xi32>
    %reduce_min3A_123 = arith.constant dense<2147483647> : vector<512xi32>
    %reduce_min3A_124 = vector.multi_reduction <minsi>, %select_n3A_122, %reduce_min3A_123 [1] : vector<512x2048xi32> to vector<512xi32>
    %broadcast_in_dim3A_125 = vector.shape_cast %reduce_min3A_124 : vector<512xi32> to vector<512x1xi32>
    %eq3A_126 = vector.broadcast %broadcast_in_dim3A_125 : vector<512x1xi32> to vector<512x2048xi32>
    %eq3A_127 = arith.cmpi eq, %select_n3A_122, %eq3A_126 : vector<512x2048xi32>
    %jit3A_128 = arith.constant 0xFF800000 : f32
    %broadcast_in_dim3A_129 = vector.broadcast %jit3A_128 : f32 to vector<512x2048xf32>
    %select_n3A_130 = arith.select %eq3A_127, %broadcast_in_dim3A_129, %select_n3A_114 : vector<512x2048xi1>, vector<512x2048xf32>
    %reduce_max3A_131 = arith.constant dense<0xFF800000> : vector<512xf32>
    %reduce_max3A_132 = vector.multi_reduction <maximumf>, %select_n3A_130, %reduce_max3A_131 [1] : vector<512x2048xf32> to vector<512xf32>
    %broadcast_in_dim3A_133 = vector.shape_cast %reduce_max3A_132 : vector<512xf32> to vector<512x1xf32>
    %eq3A_134 = vector.broadcast %broadcast_in_dim3A_133 : vector<512x1xf32> to vector<512x2048xf32>
    %eq3A_135 = arith.cmpf oeq, %select_n3A_130, %eq3A_134 : vector<512x2048xf32>
    %jit3A_136 = arith.constant 2048 : i32
    %broadcast_in_dim3A_137 = vector.broadcast %jit3A_136 : i32 to vector<512x2048xi32>
    %select_n3A_138 = arith.select %eq3A_135, %iota3A_21, %broadcast_in_dim3A_137 : vector<512x2048xi1>, vector<512x2048xi32>
    %reduce_min3A_139 = arith.constant dense<2147483647> : vector<512xi32>
    %reduce_min3A_140 = vector.multi_reduction <minsi>, %select_n3A_138, %reduce_min3A_139 [1] : vector<512x2048xi32> to vector<512xi32>
    %broadcast_in_dim3A_141 = vector.shape_cast %reduce_min3A_140 : vector<512xi32> to vector<512x1xi32>
    %eq3A_142 = vector.broadcast %broadcast_in_dim3A_141 : vector<512x1xi32> to vector<512x2048xi32>
    %eq3A_143 = arith.cmpi eq, %select_n3A_138, %eq3A_142 : vector<512x2048xi32>
    %jit3A_144 = arith.constant 0xFF800000 : f32
    %broadcast_in_dim3A_145 = vector.broadcast %jit3A_144 : f32 to vector<512x2048xf32>
    %select_n3A_146 = arith.select %eq3A_143, %broadcast_in_dim3A_145, %select_n3A_130 : vector<512x2048xi1>, vector<512x2048xf32>
    %reduce_max3A_147 = arith.constant dense<0xFF800000> : vector<512xf32>
    %reduce_max3A_148 = vector.multi_reduction <maximumf>, %select_n3A_146, %reduce_max3A_147 [1] : vector<512x2048xf32> to vector<512xf32>
    %broadcast_in_dim3A_149 = vector.shape_cast %reduce_max3A_148 : vector<512xf32> to vector<512x1xf32>
    %eq3A_150 = vector.broadcast %broadcast_in_dim3A_149 : vector<512x1xf32> to vector<512x2048xf32>
    %eq3A_151 = arith.cmpf oeq, %select_n3A_146, %eq3A_150 : vector<512x2048xf32>
    %jit3A_152 = arith.constant 2048 : i32
    %broadcast_in_dim3A_153 = vector.broadcast %jit3A_152 : i32 to vector<512x2048xi32>
    %select_n3A_154 = arith.select %eq3A_151, %iota3A_21, %broadcast_in_dim3A_153 : vector<512x2048xi1>, vector<512x2048xi32>
    %reduce_min3A_155 = arith.constant dense<2147483647> : vector<512xi32>
    %reduce_min3A_156 = vector.multi_reduction <minsi>, %select_n3A_154, %reduce_min3A_155 [1] : vector<512x2048xi32> to vector<512xi32>
    %broadcast_in_dim3A_157 = vector.shape_cast %reduce_min3A_156 : vector<512xi32> to vector<512x1xi32>
    %eq3A_158 = vector.broadcast %broadcast_in_dim3A_157 : vector<512x1xi32> to vector<512x2048xi32>
    %eq3A_159 = arith.cmpi eq, %select_n3A_154, %eq3A_158 : vector<512x2048xi32>
    %jit3A_160 = arith.constant 0xFF800000 : f32
    %broadcast_in_dim3A_161 = vector.broadcast %jit3A_160 : f32 to vector<512x2048xf32>
    %select_n3A_162 = arith.select %eq3A_159, %broadcast_in_dim3A_161, %select_n3A_146 : vector<512x2048xi1>, vector<512x2048xf32>
    %reduce_max3A_163 = arith.constant dense<0xFF800000> : vector<512xf32>
    %reduce_max3A_164 = vector.multi_reduction <maximumf>, %select_n3A_162, %reduce_max3A_163 [1] : vector<512x2048xf32> to vector<512xf32>
    %broadcast_in_dim3A_165 = vector.shape_cast %reduce_max3A_164 : vector<512xf32> to vector<512x1xf32>
    %eq3A_166 = vector.broadcast %broadcast_in_dim3A_165 : vector<512x1xf32> to vector<512x2048xf32>
    %eq3A_167 = arith.cmpf oeq, %select_n3A_162, %eq3A_166 : vector<512x2048xf32>
    %jit3A_168 = arith.constant 2048 : i32
    %broadcast_in_dim3A_169 = vector.broadcast %jit3A_168 : i32 to vector<512x2048xi32>
    %select_n3A_170 = arith.select %eq3A_167, %iota3A_21, %broadcast_in_dim3A_169 : vector<512x2048xi1>, vector<512x2048xi32>
    %reduce_min3A_171 = arith.constant dense<2147483647> : vector<512xi32>
    %reduce_min3A_172 = vector.multi_reduction <minsi>, %select_n3A_170, %reduce_min3A_171 [1] : vector<512x2048xi32> to vector<512xi32>
    %broadcast_in_dim3A_173 = vector.shape_cast %reduce_min3A_172 : vector<512xi32> to vector<512x1xi32>
    %eq3A_174 = vector.broadcast %broadcast_in_dim3A_173 : vector<512x1xi32> to vector<512x2048xi32>
    %eq3A_175 = arith.cmpi eq, %select_n3A_170, %eq3A_174 : vector<512x2048xi32>
    %jit3A_176 = arith.constant 0xFF800000 : f32
    %broadcast_in_dim3A_177 = vector.broadcast %jit3A_176 : f32 to vector<512x2048xf32>
    %select_n3A_178 = arith.select %eq3A_175, %broadcast_in_dim3A_177, %select_n3A_162 : vector<512x2048xi1>, vector<512x2048xf32>
    %reduce_max3A_179 = arith.constant dense<0xFF800000> : vector<512xf32>
    %reduce_max3A_180 = vector.multi_reduction <maximumf>, %select_n3A_178, %reduce_max3A_179 [1] : vector<512x2048xf32> to vector<512xf32>
    %broadcast_in_dim3A_181 = vector.shape_cast %reduce_max3A_180 : vector<512xf32> to vector<512x1xf32>
    %eq3A_182 = vector.broadcast %broadcast_in_dim3A_181 : vector<512x1xf32> to vector<512x2048xf32>
    %eq3A_183 = arith.cmpf oeq, %select_n3A_178, %eq3A_182 : vector<512x2048xf32>
    %jit3A_184 = arith.constant 2048 : i32
    %broadcast_in_dim3A_185 = vector.broadcast %jit3A_184 : i32 to vector<512x2048xi32>
    %select_n3A_186 = arith.select %eq3A_183, %iota3A_21, %broadcast_in_dim3A_185 : vector<512x2048xi1>, vector<512x2048xi32>
    %reduce_min3A_187 = arith.constant dense<2147483647> : vector<512xi32>
    %reduce_min3A_188 = vector.multi_reduction <minsi>, %select_n3A_186, %reduce_min3A_187 [1] : vector<512x2048xi32> to vector<512xi32>
    %broadcast_in_dim3A_189 = vector.shape_cast %reduce_min3A_188 : vector<512xi32> to vector<512x1xi32>
    %eq3A_190 = vector.broadcast %broadcast_in_dim3A_189 : vector<512x1xi32> to vector<512x2048xi32>
    %eq3A_191 = arith.cmpi eq, %select_n3A_186, %eq3A_190 : vector<512x2048xi32>
    %jit3A_192 = arith.constant 0xFF800000 : f32
    %broadcast_in_dim3A_193 = vector.broadcast %jit3A_192 : f32 to vector<512x2048xf32>
    %select_n3A_194 = arith.select %eq3A_191, %broadcast_in_dim3A_193, %select_n3A_178 : vector<512x2048xi1>, vector<512x2048xf32>
    %reduce_max3A_195 = arith.constant dense<0xFF800000> : vector<512xf32>
    %reduce_max3A_196 = vector.multi_reduction <maximumf>, %select_n3A_194, %reduce_max3A_195 [1] : vector<512x2048xf32> to vector<512xf32>
    %broadcast_in_dim3A_197 = vector.shape_cast %reduce_max3A_196 : vector<512xf32> to vector<512x1xf32>
    %eq3A_198 = vector.broadcast %broadcast_in_dim3A_197 : vector<512x1xf32> to vector<512x2048xf32>
    %eq3A_199 = arith.cmpf oeq, %select_n3A_194, %eq3A_198 : vector<512x2048xf32>
    %jit3A_200 = arith.constant 2048 : i32
    %broadcast_in_dim3A_201 = vector.broadcast %jit3A_200 : i32 to vector<512x2048xi32>
    %select_n3A_202 = arith.select %eq3A_199, %iota3A_21, %broadcast_in_dim3A_201 : vector<512x2048xi1>, vector<512x2048xi32>
    %reduce_min3A_203 = arith.constant dense<2147483647> : vector<512xi32>
    %reduce_min3A_204 = vector.multi_reduction <minsi>, %select_n3A_202, %reduce_min3A_203 [1] : vector<512x2048xi32> to vector<512xi32>
    %broadcast_in_dim3A_205 = vector.shape_cast %reduce_min3A_204 : vector<512xi32> to vector<512x1xi32>
    %eq3A_206 = vector.broadcast %broadcast_in_dim3A_205 : vector<512x1xi32> to vector<512x2048xi32>
    %eq3A_207 = arith.cmpi eq, %select_n3A_202, %eq3A_206 : vector<512x2048xi32>
    %jit3A_208 = arith.constant 0xFF800000 : f32
    %broadcast_in_dim3A_209 = vector.broadcast %jit3A_208 : f32 to vector<512x2048xf32>
    %select_n3A_210 = arith.select %eq3A_207, %broadcast_in_dim3A_209, %select_n3A_194 : vector<512x2048xi1>, vector<512x2048xf32>
    %reduce_max3A_211 = arith.constant dense<0xFF800000> : vector<512xf32>
    %reduce_max3A_212 = vector.multi_reduction <maximumf>, %select_n3A_210, %reduce_max3A_211 [1] : vector<512x2048xf32> to vector<512xf32>
    %broadcast_in_dim3A_213 = vector.shape_cast %reduce_max3A_212 : vector<512xf32> to vector<512x1xf32>
    %eq3A_214 = vector.broadcast %broadcast_in_dim3A_213 : vector<512x1xf32> to vector<512x2048xf32>
    %eq3A_215 = arith.cmpf oeq, %select_n3A_210, %eq3A_214 : vector<512x2048xf32>
    %jit3A_216 = arith.constant 2048 : i32
    %broadcast_in_dim3A_217 = vector.broadcast %jit3A_216 : i32 to vector<512x2048xi32>
    %select_n3A_218 = arith.select %eq3A_215, %iota3A_21, %broadcast_in_dim3A_217 : vector<512x2048xi1>, vector<512x2048xi32>
    %reduce_min3A_219 = arith.constant dense<2147483647> : vector<512xi32>
    %reduce_min3A_220 = vector.multi_reduction <minsi>, %select_n3A_218, %reduce_min3A_219 [1] : vector<512x2048xi32> to vector<512xi32>
    %broadcast_in_dim3A_221 = vector.shape_cast %reduce_min3A_220 : vector<512xi32> to vector<512x1xi32>
    %eq3A_222 = vector.broadcast %broadcast_in_dim3A_221 : vector<512x1xi32> to vector<512x2048xi32>
    %eq3A_223 = arith.cmpi eq, %select_n3A_218, %eq3A_222 : vector<512x2048xi32>
    %jit3A_224 = arith.constant 0xFF800000 : f32
    %broadcast_in_dim3A_225 = vector.broadcast %jit3A_224 : f32 to vector<512x2048xf32>
    %select_n3A_226 = arith.select %eq3A_223, %broadcast_in_dim3A_225, %select_n3A_210 : vector<512x2048xi1>, vector<512x2048xf32>
    %reduce_max3A_227 = arith.constant dense<0xFF800000> : vector<512xf32>
    %reduce_max3A_228 = vector.multi_reduction <maximumf>, %select_n3A_226, %reduce_max3A_227 [1] : vector<512x2048xf32> to vector<512xf32>
    %broadcast_in_dim3A_229 = vector.shape_cast %reduce_max3A_228 : vector<512xf32> to vector<512x1xf32>
    %eq3A_230 = vector.broadcast %broadcast_in_dim3A_229 : vector<512x1xf32> to vector<512x2048xf32>
    %eq3A_231 = arith.cmpf oeq, %select_n3A_226, %eq3A_230 : vector<512x2048xf32>
    %jit3A_232 = arith.constant 2048 : i32
    %broadcast_in_dim3A_233 = vector.broadcast %jit3A_232 : i32 to vector<512x2048xi32>
    %select_n3A_234 = arith.select %eq3A_231, %iota3A_21, %broadcast_in_dim3A_233 : vector<512x2048xi1>, vector<512x2048xi32>
    %reduce_min3A_235 = arith.constant dense<2147483647> : vector<512xi32>
    %reduce_min3A_236 = vector.multi_reduction <minsi>, %select_n3A_234, %reduce_min3A_235 [1] : vector<512x2048xi32> to vector<512xi32>
    %broadcast_in_dim3A_237 = vector.shape_cast %reduce_min3A_236 : vector<512xi32> to vector<512x1xi32>
    %eq3A_238 = vector.broadcast %broadcast_in_dim3A_237 : vector<512x1xi32> to vector<512x2048xi32>
    %eq3A_239 = arith.cmpi eq, %select_n3A_234, %eq3A_238 : vector<512x2048xi32>
    %jit3A_240 = arith.constant 0xFF800000 : f32
    %broadcast_in_dim3A_241 = vector.broadcast %jit3A_240 : f32 to vector<512x2048xf32>
    %select_n3A_242 = arith.select %eq3A_239, %broadcast_in_dim3A_241, %select_n3A_226 : vector<512x2048xi1>, vector<512x2048xf32>
    %reduce_max3A_243 = arith.constant dense<0xFF800000> : vector<512xf32>
    %reduce_max3A_244 = vector.multi_reduction <maximumf>, %select_n3A_242, %reduce_max3A_243 [1] : vector<512x2048xf32> to vector<512xf32>
    %broadcast_in_dim3A_245 = vector.shape_cast %reduce_max3A_244 : vector<512xf32> to vector<512x1xf32>
    %eq3A_246 = vector.broadcast %broadcast_in_dim3A_245 : vector<512x1xf32> to vector<512x2048xf32>
    %eq3A_247 = arith.cmpf oeq, %select_n3A_242, %eq3A_246 : vector<512x2048xf32>
    %jit3A_248 = arith.constant 2048 : i32
    %broadcast_in_dim3A_249 = vector.broadcast %jit3A_248 : i32 to vector<512x2048xi32>
    %select_n3A_250 = arith.select %eq3A_247, %iota3A_21, %broadcast_in_dim3A_249 : vector<512x2048xi1>, vector<512x2048xi32>
    %reduce_min3A_251 = arith.constant dense<2147483647> : vector<512xi32>
    %reduce_min3A_252 = vector.multi_reduction <minsi>, %select_n3A_250, %reduce_min3A_251 [1] : vector<512x2048xi32> to vector<512xi32>
    %broadcast_in_dim3A_253 = vector.shape_cast %reduce_min3A_252 : vector<512xi32> to vector<512x1xi32>
    %eq3A_254 = vector.broadcast %broadcast_in_dim3A_253 : vector<512x1xi32> to vector<512x2048xi32>
    %eq3A_255 = arith.cmpi eq, %select_n3A_250, %eq3A_254 : vector<512x2048xi32>
    %jit3A_256 = arith.constant 0xFF800000 : f32
    %broadcast_in_dim3A_257 = vector.broadcast %jit3A_256 : f32 to vector<512x2048xf32>
    %select_n3A_258 = arith.select %eq3A_255, %broadcast_in_dim3A_257, %select_n3A_242 : vector<512x2048xi1>, vector<512x2048xf32>
    %reduce_max3A_259 = arith.constant dense<0xFF800000> : vector<512xf32>
    %reduce_max3A_260 = vector.multi_reduction <maximumf>, %select_n3A_258, %reduce_max3A_259 [1] : vector<512x2048xf32> to vector<512xf32>
    %broadcast_in_dim3A_261 = vector.shape_cast %reduce_max3A_260 : vector<512xf32> to vector<512x1xf32>
    %eq3A_262 = vector.broadcast %broadcast_in_dim3A_261 : vector<512x1xf32> to vector<512x2048xf32>
    %eq3A_263 = arith.cmpf oeq, %select_n3A_258, %eq3A_262 : vector<512x2048xf32>
    %jit3A_264 = arith.constant 2048 : i32
    %broadcast_in_dim3A_265 = vector.broadcast %jit3A_264 : i32 to vector<512x2048xi32>
    %select_n3A_266 = arith.select %eq3A_263, %iota3A_21, %broadcast_in_dim3A_265 : vector<512x2048xi1>, vector<512x2048xi32>
    %reduce_min3A_267 = arith.constant dense<2147483647> : vector<512xi32>
    %reduce_min3A_268 = vector.multi_reduction <minsi>, %select_n3A_266, %reduce_min3A_267 [1] : vector<512x2048xi32> to vector<512xi32>
    %broadcast_in_dim3A_269 = vector.shape_cast %reduce_min3A_268 : vector<512xi32> to vector<512x1xi32>
    %eq3A_270 = vector.broadcast %broadcast_in_dim3A_269 : vector<512x1xi32> to vector<512x2048xi32>
    %eq3A_271 = arith.cmpi eq, %select_n3A_266, %eq3A_270 : vector<512x2048xi32>
    %jit3A_272 = arith.constant 0xFF800000 : f32
    %broadcast_in_dim3A_273 = vector.broadcast %jit3A_272 : f32 to vector<512x2048xf32>
    %select_n3A_274 = arith.select %eq3A_271, %broadcast_in_dim3A_273, %select_n3A_258 : vector<512x2048xi1>, vector<512x2048xf32>
    %reduce_max3A_275 = arith.constant dense<0xFF800000> : vector<512xf32>
    %reduce_max3A_276 = vector.multi_reduction <maximumf>, %select_n3A_274, %reduce_max3A_275 [1] : vector<512x2048xf32> to vector<512xf32>
    %broadcast_in_dim3A_277 = vector.shape_cast %reduce_max3A_276 : vector<512xf32> to vector<512x1xf32>
    %eq3A_278 = vector.broadcast %broadcast_in_dim3A_277 : vector<512x1xf32> to vector<512x2048xf32>
    %eq3A_279 = arith.cmpf oeq, %select_n3A_274, %eq3A_278 : vector<512x2048xf32>
    %jit3A_280 = arith.constant 2048 : i32
    %broadcast_in_dim3A_281 = vector.broadcast %jit3A_280 : i32 to vector<512x2048xi32>
    %select_n3A_282 = arith.select %eq3A_279, %iota3A_21, %broadcast_in_dim3A_281 : vector<512x2048xi1>, vector<512x2048xi32>
    %reduce_min3A_283 = arith.constant dense<2147483647> : vector<512xi32>
    %reduce_min3A_284 = vector.multi_reduction <minsi>, %select_n3A_282, %reduce_min3A_283 [1] : vector<512x2048xi32> to vector<512xi32>
    %broadcast_in_dim3A_285 = vector.shape_cast %reduce_min3A_284 : vector<512xi32> to vector<512x1xi32>
    %eq3A_286 = vector.broadcast %broadcast_in_dim3A_285 : vector<512x1xi32> to vector<512x2048xi32>
    %eq3A_287 = arith.cmpi eq, %select_n3A_282, %eq3A_286 : vector<512x2048xi32>
    %jit3A_288 = arith.constant 0xFF800000 : f32
    %broadcast_in_dim3A_289 = vector.broadcast %jit3A_288 : f32 to vector<512x2048xf32>
    %select_n3A_290 = arith.select %eq3A_287, %broadcast_in_dim3A_289, %select_n3A_274 : vector<512x2048xi1>, vector<512x2048xf32>
    %reduce_max3A_291 = arith.constant dense<0xFF800000> : vector<512xf32>
    %reduce_max3A_292 = vector.multi_reduction <maximumf>, %select_n3A_290, %reduce_max3A_291 [1] : vector<512x2048xf32> to vector<512xf32>
    %broadcast_in_dim3A_293 = vector.shape_cast %reduce_max3A_292 : vector<512xf32> to vector<512x1xf32>
    %eq3A_294 = vector.broadcast %broadcast_in_dim3A_293 : vector<512x1xf32> to vector<512x2048xf32>
    %eq3A_295 = arith.cmpf oeq, %select_n3A_290, %eq3A_294 : vector<512x2048xf32>
    %jit3A_296 = arith.constant 2048 : i32
    %broadcast_in_dim3A_297 = vector.broadcast %jit3A_296 : i32 to vector<512x2048xi32>
    %select_n3A_298 = arith.select %eq3A_295, %iota3A_21, %broadcast_in_dim3A_297 : vector<512x2048xi1>, vector<512x2048xi32>
    %reduce_min3A_299 = arith.constant dense<2147483647> : vector<512xi32>
    %reduce_min3A_300 = vector.multi_reduction <minsi>, %select_n3A_298, %reduce_min3A_299 [1] : vector<512x2048xi32> to vector<512xi32>
    %broadcast_in_dim3A_301 = vector.shape_cast %reduce_min3A_300 : vector<512xi32> to vector<512x1xi32>
    %eq3A_302 = vector.broadcast %broadcast_in_dim3A_301 : vector<512x1xi32> to vector<512x2048xi32>
    %eq3A_303 = arith.cmpi eq, %select_n3A_298, %eq3A_302 : vector<512x2048xi32>
    %jit3A_304 = arith.constant 0xFF800000 : f32
    %broadcast_in_dim3A_305 = vector.broadcast %jit3A_304 : f32 to vector<512x2048xf32>
    %select_n3A_306 = arith.select %eq3A_303, %broadcast_in_dim3A_305, %select_n3A_290 : vector<512x2048xi1>, vector<512x2048xf32>
    %reduce_max3A_307 = arith.constant dense<0xFF800000> : vector<512xf32>
    %reduce_max3A_308 = vector.multi_reduction <maximumf>, %select_n3A_306, %reduce_max3A_307 [1] : vector<512x2048xf32> to vector<512xf32>
    %broadcast_in_dim3A_309 = vector.shape_cast %reduce_max3A_308 : vector<512xf32> to vector<512x1xf32>
    %eq3A_310 = vector.broadcast %broadcast_in_dim3A_309 : vector<512x1xf32> to vector<512x2048xf32>
    %eq3A_311 = arith.cmpf oeq, %select_n3A_306, %eq3A_310 : vector<512x2048xf32>
    %jit3A_312 = arith.constant 2048 : i32
    %broadcast_in_dim3A_313 = vector.broadcast %jit3A_312 : i32 to vector<512x2048xi32>
    %select_n3A_314 = arith.select %eq3A_311, %iota3A_21, %broadcast_in_dim3A_313 : vector<512x2048xi1>, vector<512x2048xi32>
    %reduce_min3A_315 = arith.constant dense<2147483647> : vector<512xi32>
    %reduce_min3A_316 = vector.multi_reduction <minsi>, %select_n3A_314, %reduce_min3A_315 [1] : vector<512x2048xi32> to vector<512xi32>
    %broadcast_in_dim3A_317 = vector.shape_cast %reduce_min3A_316 : vector<512xi32> to vector<512x1xi32>
    %eq3A_318 = vector.broadcast %broadcast_in_dim3A_317 : vector<512x1xi32> to vector<512x2048xi32>
    %eq3A_319 = arith.cmpi eq, %select_n3A_314, %eq3A_318 : vector<512x2048xi32>
    %jit3A_320 = arith.constant 0xFF800000 : f32
    %broadcast_in_dim3A_321 = vector.broadcast %jit3A_320 : f32 to vector<512x2048xf32>
    %select_n3A_322 = arith.select %eq3A_319, %broadcast_in_dim3A_321, %select_n3A_306 : vector<512x2048xi1>, vector<512x2048xf32>
    %reduce_max3A_323 = arith.constant dense<0xFF800000> : vector<512xf32>
    %reduce_max3A_324 = vector.multi_reduction <maximumf>, %select_n3A_322, %reduce_max3A_323 [1] : vector<512x2048xf32> to vector<512xf32>
    %broadcast_in_dim3A_325 = vector.shape_cast %reduce_max3A_324 : vector<512xf32> to vector<512x1xf32>
    %eq3A_326 = vector.broadcast %broadcast_in_dim3A_325 : vector<512x1xf32> to vector<512x2048xf32>
    %eq3A_327 = arith.cmpf oeq, %select_n3A_322, %eq3A_326 : vector<512x2048xf32>
    %jit3A_328 = arith.constant 2048 : i32
    %broadcast_in_dim3A_329 = vector.broadcast %jit3A_328 : i32 to vector<512x2048xi32>
    %select_n3A_330 = arith.select %eq3A_327, %iota3A_21, %broadcast_in_dim3A_329 : vector<512x2048xi1>, vector<512x2048xi32>
    %reduce_min3A_331 = arith.constant dense<2147483647> : vector<512xi32>
    %reduce_min3A_332 = vector.multi_reduction <minsi>, %select_n3A_330, %reduce_min3A_331 [1] : vector<512x2048xi32> to vector<512xi32>
    %broadcast_in_dim3A_333 = vector.shape_cast %reduce_min3A_332 : vector<512xi32> to vector<512x1xi32>
    %concatenate3A = tpu.concatenate %broadcast_in_dim3A_29, %broadcast_in_dim3A_45, %broadcast_in_dim3A_61, %broadcast_in_dim3A_77, %broadcast_in_dim3A_93, %broadcast_in_dim3A_109, %broadcast_in_dim3A_125, %broadcast_in_dim3A_141, %broadcast_in_dim3A_157, %broadcast_in_dim3A_173, %broadcast_in_dim3A_189, %broadcast_in_dim3A_205, %broadcast_in_dim3A_221, %broadcast_in_dim3A_237, %broadcast_in_dim3A_253, %broadcast_in_dim3A_269, %broadcast_in_dim3A_285, %broadcast_in_dim3A_301, %broadcast_in_dim3A_317, %broadcast_in_dim3A_333 in 1 : vector<512x1xi32>, vector<512x1xi32>, vector<512x1xi32>, vector<512x1xi32>, vector<512x1xi32>, vector<512x1xi32>, vector<512x1xi32>, vector<512x1xi32>, vector<512x1xi32>, vector<512x1xi32>, vector<512x1xi32>, vector<512x1xi32>, vector<512x1xi32>, vector<512x1xi32>, vector<512x1xi32>, vector<512x1xi32>, vector<512x1xi32>, vector<512x1xi32>, vector<512x1xi32>, vector<512x1xi32> -> vector<512x20xi32>
    %mul3A_334 = arith.constant 2048 : i32
    %mul3A_335 = arith.muli %arg0, %mul3A_334 : i32
    %add3A_336 = vector.broadcast %mul3A_335 : i32 to vector<512x20xi32>
    %add3A_337 = arith.addi %concatenate3A, %add3A_336 : vector<512x20xi32>
    %swap3A = arith.constant 0 : index
    %swap3A_338 = arith.constant 0 : index
    %swap3A_339 = vector.load %arg5[%swap3A, %swap3A_338] : memref<512x20xi32, #tpu.memory_space<vmem>>, vector<512x20xi32>
    tpu.vector_store %arg5[%swap3A, %swap3A_338], %add3A_337 {strides = array<i32>} : memref<512x20xi32, #tpu.memory_space<vmem>>, vector<512x20xi32>,
    return
  }
  func.func @transform_0(%arg0: i32, %arg1: i32) -> (i32, i32) {
    %mul3A = arith.constant 4 : i32
    %mul3A_0 = arith.muli %arg0, %mul3A : i32
    %add3A = arith.addi %mul3A_0, %arg1 : i32
    %c0_i32 = arith.constant 0 : i32
    %c0_i32_1 = arith.constant 0 : i32
    return %add3A, %c0_i32 : i32, i32
  }
  func.func @transform_1(%arg0: i32, %arg1: i32) -> (i32, i32) {
    %c0_i32 = arith.constant 0 : i32
    %c0_i32_0 = arith.constant 0 : i32
    return %arg0, %c0_i32 : i32, i32
  }
  func.func @transform_2(%arg0: i32, %arg1: i32) -> (i32, i32, i32) {
    %c0_i32 = arith.constant 0 : i32
    %c0_i32_0 = arith.constant 0 : i32
    %c0_i32_1 = arith.constant 0 : i32
    return %arg0, %c0_i32, %c0_i32_0 : i32, i32, i32
  }
  func.func @transform_3(%arg0: i32, %arg1: i32) -> (i32, i32) {
    %mul3A = arith.constant 4 : i32
    %mul3A_0 = arith.muli %arg0, %mul3A : i32
    %add3A = arith.addi %mul3A_0, %arg1 : i32
    %c0_i32 = arith.constant 0 : i32
    %c0_i32_1 = arith.constant 0 : i32
    return %add3A, %c0_i32 : i32, i32
  }
}

module attributes {stable_mosaic.version = 14 : i64} {
  func.func @_ymax_body(%arg0: i32, %arg1: i32, %arg2: memref<4096x128xf32, #tpu.memory_space<vmem>>, %arg3: memref<4096x128xf32, #tpu.memory_space<vmem>>, %arg4: memref<64x16xf32, #tpu.memory_space<vmem>>, %arg5: memref<4096x64xf32, #tpu.memory_space<vmem>>, %arg6: memref<8x64xf32, #tpu.memory_space<vmem>>) attributes {dimension_semantics = [#tpu.dimension_semantics<arbitrary>, #tpu.dimension_semantics<arbitrary>], iteration_bounds = array<i64: 2, 20>, scalar_prefetch = 0 : i64, scratch_operands = 0 : i64, tpu.core_type = #tpu.core_type<tc>, window_params = [{transform_indices = @transform_0, window_bounds = array<i64: 4096, 128>}, {transform_indices = @transform_1, window_bounds = array<i64: 4096, 128>}, {pipeline_mode = #tpu.pipeline_mode<synchronous>, transform_indices = @transform_2, window_bounds = array<i64: 64, 16>}, {transform_indices = @transform_3, window_bounds = array<i64: 4096, 64>}, {pipeline_mode = #tpu.pipeline_mode<synchronous>, transform_indices = @transform_4, window_bounds = array<i64: 8, 64>}]} {
    %get3A = arith.constant 0 : index
    %get3A_0 = arith.constant 0 : index
    %get3A_1 = vector.load %arg2[%get3A, %get3A_0] : memref<4096x128xf32, #tpu.memory_space<vmem>>, vector<4096x128xf32>
    %get3A_2 = arith.constant 0 : index
    %get3A_3 = arith.constant 0 : index
    %get3A_4 = vector.load %arg3[%get3A_2, %get3A_3] : memref<4096x128xf32, #tpu.memory_space<vmem>>, vector<4096x128xf32>
    %slice3A = vector.extract_strided_slice %get3A_1 {offsets = [0, 0], sizes = [4096, 3], strides = [1, 1]} : vector<4096x128xf32> to vector<4096x3xf32>
    %slice3A_5 = vector.extract_strided_slice %get3A_4 {offsets = [0, 0], sizes = [4096, 3], strides = [1, 1]} : vector<4096x128xf32> to vector<4096x3xf32>
    %sub3A = arith.subf %slice3A, %slice3A_5 : vector<4096x3xf32>
    %broadcast_in_dim3A = arith.constant 0.000000e+00 : f32
    %broadcast_in_dim3A_6 = vector.broadcast %broadcast_in_dim3A : f32 to vector<4096x10xf32>
    %concatenate3A = tpu.concatenate %sub3A, %slice3A_5, %broadcast_in_dim3A_6 in 1 : vector<4096x3xf32>, vector<4096x3xf32>, vector<4096x10xf32> -> vector<4096x16xf32>
    %get3A_7 = arith.constant 0 : index
    %get3A_8 = arith.constant 0 : index
    %get3A_9 = vector.load %arg4[%get3A_7, %get3A_8] : memref<64x16xf32, #tpu.memory_space<vmem>>, vector<64x16xf32>
    %dot_general3A = arith.constant dense<0.000000e+00> : vector<4096x64xf32>
    %dot_general3A_10 = tpu.matmul %concatenate3A, %get3A_9, %dot_general3A {dimension_numbers = #tpu.dot_dimension_numbers<[1], [1], [0], [0], [0, 0, 1, 0], [], []>, transpose_lhs_hint = false} : vector<4096x16xf32>, vector<64x16xf32>, vector<4096x64xf32> -> vector<4096x64xf32>
    %reduce_sum3A = arith.constant dense<0.000000e+00> : vector<64xf32>
    %reduce_sum3A_11 = vector.multi_reduction <add>, %dot_general3A_10, %reduce_sum3A [0] : vector<4096x64xf32> to vector<64xf32>
    %broadcast_in_dim3A_12 = vector.shape_cast %reduce_sum3A_11 : vector<64xf32> to vector<1x64xf32>
    %mul3A = arith.mulf %dot_general3A_10, %dot_general3A_10 : vector<4096x64xf32>
    %reduce_sum3A_13 = arith.constant dense<0.000000e+00> : vector<64xf32>
    %reduce_sum3A_14 = vector.multi_reduction <add>, %mul3A, %reduce_sum3A_13 [0] : vector<4096x64xf32> to vector<64xf32>
    %broadcast_in_dim3A_15 = vector.shape_cast %reduce_sum3A_14 : vector<64xf32> to vector<1x64xf32>
    %broadcast_in_dim3A_16 = arith.constant 0.000000e+00 : f32
    %broadcast_in_dim3A_17 = vector.broadcast %broadcast_in_dim3A_16 : f32 to vector<6x64xf32>
    %concatenate3A_18 = tpu.concatenate %broadcast_in_dim3A_12, %broadcast_in_dim3A_15, %broadcast_in_dim3A_17 in 0 : vector<1x64xf32>, vector<1x64xf32>, vector<6x64xf32> -> vector<8x64xf32>
    %eq3A = arith.constant 0 : i32
    %eq3A_19 = arith.cmpi eq, %arg1, %eq3A : i32
    %convert_element_type3A = arith.extui %eq3A_19 : i1 to i32
    %cond3A = arith.constant 0 : i32
    %cond3A_20 = arith.cmpi ne, %convert_element_type3A, %cond3A : i32
    scf.if %cond3A_20 {
      %swap3A_37 = arith.constant 0 : index
      %swap3A_38 = arith.constant 0 : index
      %swap3A_39 = vector.load %arg5[%swap3A_37, %swap3A_38] : memref<4096x64xf32, #tpu.memory_space<vmem>>, vector<4096x64xf32>
      tpu.vector_store %arg5[%swap3A_37, %swap3A_38], %dot_general3A_10 {strides = array<i32>} : memref<4096x64xf32, #tpu.memory_space<vmem>>, vector<4096x64xf32>,
    } else {
    }
    %gt3A = arith.constant 0 : i32
    %gt3A_21 = arith.cmpi sgt, %arg1, %gt3A : i32
    %convert_element_type3A_22 = arith.extui %gt3A_21 : i1 to i32
    %cond3A_23 = arith.constant 0 : i32
    %cond3A_24 = arith.cmpi ne, %convert_element_type3A_22, %cond3A_23 : i32
    scf.if %cond3A_24 {
      %get3A_37 = arith.constant 0 : index
      %get3A_38 = arith.constant 0 : index
      %get3A_39 = vector.load %arg5[%get3A_37, %get3A_38] : memref<4096x64xf32, #tpu.memory_space<vmem>>, vector<4096x64xf32>
      %max3A = arith.maximumf %get3A_39, %dot_general3A_10 : vector<4096x64xf32>
      %swap3A_40 = arith.constant 0 : index
      %swap3A_41 = arith.constant 0 : index
      %swap3A_42 = vector.load %arg5[%swap3A_40, %swap3A_41] : memref<4096x64xf32, #tpu.memory_space<vmem>>, vector<4096x64xf32>
      tpu.vector_store %arg5[%swap3A_40, %swap3A_41], %max3A {strides = array<i32>} : memref<4096x64xf32, #tpu.memory_space<vmem>>, vector<4096x64xf32>,
    } else {
    }
    %eq3A_25 = arith.constant 0 : i32
    %eq3A_26 = arith.cmpi eq, %arg1, %eq3A_25 : i32
    %eq3A_27 = arith.constant 0 : i32
    %eq3A_28 = arith.cmpi eq, %arg0, %eq3A_27 : i32
    %and3A = arith.andi %eq3A_26, %eq3A_28 : i1
    %convert_element_type3A_29 = arith.extui %and3A : i1 to i32
    %cond3A_30 = arith.constant 0 : i32
    %cond3A_31 = arith.cmpi ne, %convert_element_type3A_29, %cond3A_30 : i32
    scf.if %cond3A_31 {
      %broadcast_in_dim3A_37 = arith.constant 0.000000e+00 : f32
      %broadcast_in_dim3A_38 = vector.broadcast %broadcast_in_dim3A_37 : f32 to vector<8x64xf32>
      %swap3A_39 = arith.constant 0 : index
      %swap3A_40 = arith.constant 0 : index
      %swap3A_41 = vector.load %arg6[%swap3A_39, %swap3A_40] : memref<8x64xf32, #tpu.memory_space<vmem>>, vector<8x64xf32>
      tpu.vector_store %arg6[%swap3A_39, %swap3A_40], %broadcast_in_dim3A_38 {strides = array<i32>} : memref<8x64xf32, #tpu.memory_space<vmem>>, vector<8x64xf32>,
    } else {
    }
    %get3A_32 = arith.constant 0 : index
    %get3A_33 = arith.constant 0 : index
    %get3A_34 = vector.load %arg6[%get3A_32, %get3A_33] : memref<8x64xf32, #tpu.memory_space<vmem>>, vector<8x64xf32>
    %add3A = arith.addf %get3A_34, %concatenate3A_18 : vector<8x64xf32>
    %swap3A = arith.constant 0 : index
    %swap3A_35 = arith.constant 0 : index
    %swap3A_36 = vector.load %arg6[%swap3A, %swap3A_35] : memref<8x64xf32, #tpu.memory_space<vmem>>, vector<8x64xf32>
    tpu.vector_store %arg6[%swap3A, %swap3A_35], %add3A {strides = array<i32>} : memref<8x64xf32, #tpu.memory_space<vmem>>, vector<8x64xf32>,
    return
  }
  func.func @transform_0(%arg0: i32, %arg1: i32) -> (i32, i32) {
    %mul3A = arith.constant 2 : i32
    %mul3A_0 = arith.muli %arg1, %mul3A : i32
    %add3A = arith.addi %mul3A_0, %arg0 : i32
    %c0_i32 = arith.constant 0 : i32
    %c0_i32_1 = arith.constant 0 : i32
    return %add3A, %c0_i32 : i32, i32
  }
  func.func @transform_1(%arg0: i32, %arg1: i32) -> (i32, i32) {
    %add3A = arith.constant 2 : i32
    %add3A_0 = arith.addi %add3A, %arg0 : i32
    %c0_i32 = arith.constant 0 : i32
    %c0_i32_1 = arith.constant 0 : i32
    return %add3A_0, %c0_i32 : i32, i32
  }
  func.func @transform_2(%arg0: i32, %arg1: i32) -> (i32, i32) {
    %c0_i32 = arith.constant 0 : i32
    %c0_i32_0 = arith.constant 0 : i32
    %c0_i32_1 = arith.constant 0 : i32
    return %c0_i32, %c0_i32_0 : i32, i32
  }
  func.func @transform_3(%arg0: i32, %arg1: i32) -> (i32, i32) {
    %c0_i32 = arith.constant 0 : i32
    %c0_i32_0 = arith.constant 0 : i32
    return %arg0, %c0_i32 : i32, i32
  }
  func.func @transform_4(%arg0: i32, %arg1: i32) -> (i32, i32) {
    %c0_i32 = arith.constant 0 : i32
    %c0_i32_0 = arith.constant 0 : i32
    %c0_i32_1 = arith.constant 0 : i32
    return %c0_i32, %c0_i32_0 : i32, i32
  }
}

module attributes {stable_mosaic.version = 14 : i64} {
  func.func @_ymax_body(%arg0: i32, %arg1: i32, %arg2: memref<4096x128xf32, #tpu.memory_space<vmem>>, %arg3: memref<4096x128xf32, #tpu.memory_space<vmem>>, %arg4: memref<64x16xf32, #tpu.memory_space<vmem>>, %arg5: memref<4096x64xf32, #tpu.memory_space<vmem>>, %arg6: memref<8x64xf32, #tpu.memory_space<vmem>>) attributes {dimension_semantics = [#tpu.dimension_semantics<arbitrary>, #tpu.dimension_semantics<arbitrary>], iteration_bounds = array<i64: 2, 20>, scalar_prefetch = 0 : i64, scratch_operands = 0 : i64, tpu.core_type = #tpu.core_type<tc>, window_params = [{transform_indices = @transform_0, window_bounds = array<i64: 4096, 128>}, {transform_indices = @transform_1, window_bounds = array<i64: 4096, 128>}, {pipeline_mode = #tpu.pipeline_mode<synchronous>, transform_indices = @transform_2, window_bounds = array<i64: 64, 16>}, {transform_indices = @transform_3, window_bounds = array<i64: 4096, 64>}, {pipeline_mode = #tpu.pipeline_mode<synchronous>, transform_indices = @transform_4, window_bounds = array<i64: 8, 64>}]} {
    %get3A = arith.constant 0 : index
    %get3A_0 = arith.constant 0 : index
    %get3A_1 = vector.load %arg2[%get3A, %get3A_0] : memref<4096x128xf32, #tpu.memory_space<vmem>>, vector<4096x128xf32>
    %get3A_2 = arith.constant 0 : index
    %get3A_3 = arith.constant 0 : index
    %get3A_4 = vector.load %arg3[%get3A_2, %get3A_3] : memref<4096x128xf32, #tpu.memory_space<vmem>>, vector<4096x128xf32>
    %slice3A = vector.extract_strided_slice %get3A_1 {offsets = [0, 0], sizes = [4096, 3], strides = [1, 1]} : vector<4096x128xf32> to vector<4096x3xf32>
    %slice3A_5 = vector.extract_strided_slice %get3A_4 {offsets = [0, 0], sizes = [4096, 3], strides = [1, 1]} : vector<4096x128xf32> to vector<4096x3xf32>
    %sub3A = arith.subf %slice3A, %slice3A_5 : vector<4096x3xf32>
    %broadcast_in_dim3A = arith.constant 0.000000e+00 : f32
    %broadcast_in_dim3A_6 = vector.broadcast %broadcast_in_dim3A : f32 to vector<4096x10xf32>
    %concatenate3A = tpu.concatenate %sub3A, %slice3A_5, %broadcast_in_dim3A_6 in 1 : vector<4096x3xf32>, vector<4096x3xf32>, vector<4096x10xf32> -> vector<4096x16xf32>
    %get3A_7 = arith.constant 0 : index
    %get3A_8 = arith.constant 0 : index
    %get3A_9 = vector.load %arg4[%get3A_7, %get3A_8] : memref<64x16xf32, #tpu.memory_space<vmem>>, vector<64x16xf32>
    %dot_general3A = arith.constant dense<0.000000e+00> : vector<4096x64xf32>
    %dot_general3A_10 = tpu.matmul %concatenate3A, %get3A_9, %dot_general3A {dimension_numbers = #tpu.dot_dimension_numbers<[1], [1], [0], [0], [0, 0, 1, 0], [], []>, transpose_lhs_hint = false} : vector<4096x16xf32>, vector<64x16xf32>, vector<4096x64xf32> -> vector<4096x64xf32>
    %reduce_sum3A = arith.constant dense<0.000000e+00> : vector<64xf32>
    %reduce_sum3A_11 = vector.multi_reduction <add>, %dot_general3A_10, %reduce_sum3A [0] : vector<4096x64xf32> to vector<64xf32>
    %broadcast_in_dim3A_12 = vector.shape_cast %reduce_sum3A_11 : vector<64xf32> to vector<1x64xf32>
    %mul3A = arith.mulf %dot_general3A_10, %dot_general3A_10 : vector<4096x64xf32>
    %reduce_sum3A_13 = arith.constant dense<0.000000e+00> : vector<64xf32>
    %reduce_sum3A_14 = vector.multi_reduction <add>, %mul3A, %reduce_sum3A_13 [0] : vector<4096x64xf32> to vector<64xf32>
    %broadcast_in_dim3A_15 = vector.shape_cast %reduce_sum3A_14 : vector<64xf32> to vector<1x64xf32>
    %broadcast_in_dim3A_16 = arith.constant 0.000000e+00 : f32
    %broadcast_in_dim3A_17 = vector.broadcast %broadcast_in_dim3A_16 : f32 to vector<6x64xf32>
    %concatenate3A_18 = tpu.concatenate %broadcast_in_dim3A_12, %broadcast_in_dim3A_15, %broadcast_in_dim3A_17 in 0 : vector<1x64xf32>, vector<1x64xf32>, vector<6x64xf32> -> vector<8x64xf32>
    %eq3A = arith.constant 0 : i32
    %eq3A_19 = arith.cmpi eq, %arg1, %eq3A : i32
    %convert_element_type3A = arith.extui %eq3A_19 : i1 to i32
    %cond3A = arith.constant 0 : i32
    %cond3A_20 = arith.cmpi ne, %convert_element_type3A, %cond3A : i32
    scf.if %cond3A_20 {
      %swap3A_37 = arith.constant 0 : index
      %swap3A_38 = arith.constant 0 : index
      %swap3A_39 = vector.load %arg5[%swap3A_37, %swap3A_38] : memref<4096x64xf32, #tpu.memory_space<vmem>>, vector<4096x64xf32>
      tpu.vector_store %arg5[%swap3A_37, %swap3A_38], %dot_general3A_10 {strides = array<i32>} : memref<4096x64xf32, #tpu.memory_space<vmem>>, vector<4096x64xf32>,
    } else {
    }
    %gt3A = arith.constant 0 : i32
    %gt3A_21 = arith.cmpi sgt, %arg1, %gt3A : i32
    %convert_element_type3A_22 = arith.extui %gt3A_21 : i1 to i32
    %cond3A_23 = arith.constant 0 : i32
    %cond3A_24 = arith.cmpi ne, %convert_element_type3A_22, %cond3A_23 : i32
    scf.if %cond3A_24 {
      %get3A_37 = arith.constant 0 : index
      %get3A_38 = arith.constant 0 : index
      %get3A_39 = vector.load %arg5[%get3A_37, %get3A_38] : memref<4096x64xf32, #tpu.memory_space<vmem>>, vector<4096x64xf32>
      %max3A = arith.maximumf %get3A_39, %dot_general3A_10 : vector<4096x64xf32>
      %swap3A_40 = arith.constant 0 : index
      %swap3A_41 = arith.constant 0 : index
      %swap3A_42 = vector.load %arg5[%swap3A_40, %swap3A_41] : memref<4096x64xf32, #tpu.memory_space<vmem>>, vector<4096x64xf32>
      tpu.vector_store %arg5[%swap3A_40, %swap3A_41], %max3A {strides = array<i32>} : memref<4096x64xf32, #tpu.memory_space<vmem>>, vector<4096x64xf32>,
    } else {
    }
    %eq3A_25 = arith.constant 0 : i32
    %eq3A_26 = arith.cmpi eq, %arg1, %eq3A_25 : i32
    %eq3A_27 = arith.constant 0 : i32
    %eq3A_28 = arith.cmpi eq, %arg0, %eq3A_27 : i32
    %and3A = arith.andi %eq3A_26, %eq3A_28 : i1
    %convert_element_type3A_29 = arith.extui %and3A : i1 to i32
    %cond3A_30 = arith.constant 0 : i32
    %cond3A_31 = arith.cmpi ne, %convert_element_type3A_29, %cond3A_30 : i32
    scf.if %cond3A_31 {
      %broadcast_in_dim3A_37 = arith.constant 0.000000e+00 : f32
      %broadcast_in_dim3A_38 = vector.broadcast %broadcast_in_dim3A_37 : f32 to vector<8x64xf32>
      %swap3A_39 = arith.constant 0 : index
      %swap3A_40 = arith.constant 0 : index
      %swap3A_41 = vector.load %arg6[%swap3A_39, %swap3A_40] : memref<8x64xf32, #tpu.memory_space<vmem>>, vector<8x64xf32>
      tpu.vector_store %arg6[%swap3A_39, %swap3A_40], %broadcast_in_dim3A_38 {strides = array<i32>} : memref<8x64xf32, #tpu.memory_space<vmem>>, vector<8x64xf32>,
    } else {
    }
    %get3A_32 = arith.constant 0 : index
    %get3A_33 = arith.constant 0 : index
    %get3A_34 = vector.load %arg6[%get3A_32, %get3A_33] : memref<8x64xf32, #tpu.memory_space<vmem>>, vector<8x64xf32>
    %add3A = arith.addf %get3A_34, %concatenate3A_18 : vector<8x64xf32>
    %swap3A = arith.constant 0 : index
    %swap3A_35 = arith.constant 0 : index
    %swap3A_36 = vector.load %arg6[%swap3A, %swap3A_35] : memref<8x64xf32, #tpu.memory_space<vmem>>, vector<8x64xf32>
    tpu.vector_store %arg6[%swap3A, %swap3A_35], %add3A {strides = array<i32>} : memref<8x64xf32, #tpu.memory_space<vmem>>, vector<8x64xf32>,
    return
  }
  func.func @transform_0(%arg0: i32, %arg1: i32) -> (i32, i32) {
    %mul3A = arith.constant 2 : i32
    %mul3A_0 = arith.muli %arg1, %mul3A : i32
    %add3A = arith.addi %mul3A_0, %arg0 : i32
    %c0_i32 = arith.constant 0 : i32
    %c0_i32_1 = arith.constant 0 : i32
    return %add3A, %c0_i32 : i32, i32
  }
  func.func @transform_1(%arg0: i32, %arg1: i32) -> (i32, i32) {
    %add3A = arith.constant 0 : i32
    %add3A_0 = arith.addi %add3A, %arg0 : i32
    %c0_i32 = arith.constant 0 : i32
    %c0_i32_1 = arith.constant 0 : i32
    return %add3A_0, %c0_i32 : i32, i32
  }
  func.func @transform_2(%arg0: i32, %arg1: i32) -> (i32, i32) {
    %c0_i32 = arith.constant 0 : i32
    %c0_i32_0 = arith.constant 0 : i32
    %c0_i32_1 = arith.constant 0 : i32
    return %c0_i32, %c0_i32_0 : i32, i32
  }
  func.func @transform_3(%arg0: i32, %arg1: i32) -> (i32, i32) {
    %c0_i32 = arith.constant 0 : i32
    %c0_i32_0 = arith.constant 0 : i32
    return %arg0, %c0_i32 : i32, i32
  }
  func.func @transform_4(%arg0: i32, %arg1: i32) -> (i32, i32) {
    %c0_i32 = arith.constant 0 : i32
    %c0_i32_0 = arith.constant 0 : i32
    %c0_i32_1 = arith.constant 0 : i32
    return %c0_i32, %c0_i32_0 : i32, i32
  }
}

module attributes {stable_mosaic.version = 14 : i64} {
  func.func @_bnapply_body(%arg0: i32, %arg1: memref<2048x64xf32, #tpu.memory_space<vmem>>, %arg2: memref<8x64xf32, #tpu.memory_space<vmem>>, %arg3: memref<8x64xf32, #tpu.memory_space<vmem>>, %arg4: memref<1x64xf32, #tpu.memory_space<vmem>>, %arg5: memref<1x64xf32, #tpu.memory_space<vmem>>, %arg6: memref<2048x128xf32, #tpu.memory_space<vmem>>, %arg7: memref<2048x128xf32, #tpu.memory_space<vmem>>) attributes {dimension_semantics = [#tpu.dimension_semantics<arbitrary>], iteration_bounds = array<i64: 8>, scalar_prefetch = 0 : i64, scratch_operands = 0 : i64, tpu.core_type = #tpu.core_type<tc>, window_params = [{transform_indices = @transform_0, window_bounds = array<i64: 2048, 64>}, {pipeline_mode = #tpu.pipeline_mode<synchronous>, transform_indices = @transform_1, window_bounds = array<i64: 8, 64>}, {pipeline_mode = #tpu.pipeline_mode<synchronous>, transform_indices = @transform_2, window_bounds = array<i64: 8, 64>}, {pipeline_mode = #tpu.pipeline_mode<synchronous>, transform_indices = @transform_3, window_bounds = array<i64: 1, 64>}, {pipeline_mode = #tpu.pipeline_mode<synchronous>, transform_indices = @transform_4, window_bounds = array<i64: 1, 64>}, {transform_indices = @transform_5, window_bounds = array<i64: 2048, 128>}, {transform_indices = @transform_6, window_bounds = array<i64: 2048, 128>}]} {
    %get3A = arith.constant 0 : index
    %get3A_0 = arith.constant 0 : index
    %get3A_1 = vector.load %arg2[%get3A, %get3A_0] : memref<8x64xf32, #tpu.memory_space<vmem>>, vector<8x64xf32>
    %get3A_2 = arith.constant 0 : index
    %get3A_3 = arith.constant 0 : index
    %get3A_4 = vector.load %arg3[%get3A_2, %get3A_3] : memref<8x64xf32, #tpu.memory_space<vmem>>, vector<8x64xf32>
    %add3A = arith.addf %get3A_1, %get3A_4 : vector<8x64xf32>
    %slice3A = vector.extract_strided_slice %add3A {offsets = [0, 0], sizes = [1, 64], strides = [1, 1]} : vector<8x64xf32> to vector<1x64xf32>
    %mul3A = arith.constant 3.05175786E-6 : f32
    %mul3A_5 = vector.broadcast %mul3A : f32 to vector<1x64xf32>
    %mul3A_6 = arith.mulf %slice3A, %mul3A_5 : vector<1x64xf32>
    %slice3A_7 = vector.extract_strided_slice %add3A {offsets = [1, 0], sizes = [1, 64], strides = [1, 1]} : vector<8x64xf32> to vector<1x64xf32>
    %mul3A_8 = arith.constant 3.05175786E-6 : f32
    %mul3A_9 = vector.broadcast %mul3A_8 : f32 to vector<1x64xf32>
    %mul3A_10 = arith.mulf %slice3A_7, %mul3A_9 : vector<1x64xf32>
    %mul3A_11 = arith.mulf %mul3A_6, %mul3A_6 : vector<1x64xf32>
    %sub3A = arith.subf %mul3A_10, %mul3A_11 : vector<1x64xf32>
    %get3A_12 = arith.constant 0 : index
    %get3A_13 = arith.constant 0 : index
    %get3A_14 = vector.load %arg1[%get3A_12, %get3A_13] : memref<2048x64xf32, #tpu.memory_space<vmem>>, vector<2048x64xf32>
    %sub3A_15 = vector.broadcast %mul3A_6 : vector<1x64xf32> to vector<2048x64xf32>
    %sub3A_16 = arith.subf %get3A_14, %sub3A_15 : vector<2048x64xf32>
    %add3A_17 = arith.constant 9.99999974E-6 : f32
    %add3A_18 = vector.broadcast %add3A_17 : f32 to vector<1x64xf32>
    %add3A_19 = arith.addf %sub3A, %add3A_18 : vector<1x64xf32>
    %sqrt3A = math.sqrt %add3A_19 : vector<1x64xf32>
    %div3A = vector.broadcast %sqrt3A : vector<1x64xf32> to vector<2048x64xf32>
    %div3A_20 = arith.divf %sub3A_16, %div3A : vector<2048x64xf32>
    %get3A_21 = arith.constant 0 : index
    %get3A_22 = arith.constant 0 : index
    %get3A_23 = vector.load %arg4[%get3A_21, %get3A_22] : memref<1x64xf32, #tpu.memory_space<vmem>>, vector<1x64xf32>
    %mul3A_24 = vector.broadcast %get3A_23 : vector<1x64xf32> to vector<2048x64xf32>
    %mul3A_25 = arith.mulf %div3A_20, %mul3A_24 : vector<2048x64xf32>
    %get3A_26 = arith.constant 0 : index
    %get3A_27 = arith.constant 0 : index
    %get3A_28 = vector.load %arg5[%get3A_26, %get3A_27] : memref<1x64xf32, #tpu.memory_space<vmem>>, vector<1x64xf32>
    %add3A_29 = vector.broadcast %get3A_28 : vector<1x64xf32> to vector<2048x64xf32>
    %add3A_30 = arith.addf %mul3A_25, %add3A_29 : vector<2048x64xf32>
    %ge3A = arith.constant 0.000000e+00 : f32
    %ge3A_31 = vector.broadcast %ge3A : f32 to vector<2048x64xf32>
    %ge3A_32 = arith.cmpf oge, %add3A_30, %ge3A_31 : vector<2048x64xf32>
    %mul3A_33 = arith.constant 2.000000e-01 : f32
    %mul3A_34 = vector.broadcast %mul3A_33 : f32 to vector<2048x64xf32>
    %mul3A_35 = arith.mulf %mul3A_34, %add3A_30 : vector<2048x64xf32>
    %select_n3A = arith.select %ge3A_32, %add3A_30, %mul3A_35 : vector<2048x64xi1>, vector<2048x64xf32>
    %broadcast_in_dim3A = arith.constant 0.000000e+00 : f32
    %broadcast_in_dim3A_36 = vector.broadcast %broadcast_in_dim3A : f32 to vector<2048x64xf32>
    %concatenate3A = tpu.concatenate %select_n3A, %broadcast_in_dim3A_36 in 1 : vector<2048x64xf32>, vector<2048x64xf32> -> vector<2048x128xf32>
    %swap3A = arith.constant 0 : index
    %swap3A_37 = arith.constant 0 : index
    %swap3A_38 = vector.load %arg6[%swap3A, %swap3A_37] : memref<2048x128xf32, #tpu.memory_space<vmem>>, vector<2048x128xf32>
    tpu.vector_store %arg6[%swap3A, %swap3A_37], %concatenate3A {strides = array<i32>} : memref<2048x128xf32, #tpu.memory_space<vmem>>, vector<2048x128xf32>,
    %mul3A_39 = arith.mulf %select_n3A, %select_n3A : vector<2048x64xf32>
    %reduce_sum3A = arith.constant dense<0.000000e+00> : vector<2048xf32>
    %reduce_sum3A_40 = vector.multi_reduction <add>, %mul3A_39, %reduce_sum3A [1] : vector<2048x64xf32> to vector<2048xf32>
    %broadcast_in_dim3A_41 = vector.shape_cast %reduce_sum3A_40 : vector<2048xf32> to vector<2048x1xf32>
    %neg3A = arith.constant 0.000000e+00 : f32
    %neg3A_42 = vector.broadcast %neg3A : f32 to vector<2048x1xf32>
    %neg3A_43 = arith.subf %neg3A_42, %broadcast_in_dim3A_41 : vector<2048x1xf32>
    %broadcast_in_dim3A_44 = arith.constant 0.000000e+00 : f32
    %broadcast_in_dim3A_45 = vector.broadcast %broadcast_in_dim3A_44 : f32 to vector<2048x63xf32>
    %concatenate3A_46 = tpu.concatenate %select_n3A, %neg3A_43, %broadcast_in_dim3A_45 in 1 : vector<2048x64xf32>, vector<2048x1xf32>, vector<2048x63xf32> -> vector<2048x128xf32>
    %swap3A_47 = arith.constant 0 : index
    %swap3A_48 = arith.constant 0 : index
    %swap3A_49 = vector.load %arg7[%swap3A_47, %swap3A_48] : memref<2048x128xf32, #tpu.memory_space<vmem>>, vector<2048x128xf32>
    tpu.vector_store %arg7[%swap3A_47, %swap3A_48], %concatenate3A_46 {strides = array<i32>} : memref<2048x128xf32, #tpu.memory_space<vmem>>, vector<2048x128xf32>,
    return
  }
  func.func @transform_0(%arg0: i32) -> (i32, i32) {
    %c0_i32 = arith.constant 0 : i32
    %c0_i32_0 = arith.constant 0 : i32
    return %arg0, %c0_i32 : i32, i32
  }
  func.func @transform_1(%arg0: i32) -> (i32, i32) {
    %c0_i32 = arith.constant 0 : i32
    %c0_i32_0 = arith.constant 0 : i32
    %c0_i32_1 = arith.constant 0 : i32
    return %c0_i32, %c0_i32_0 : i32, i32
  }
  func.func @transform_2(%arg0: i32) -> (i32, i32) {
    %c0_i32 = arith.constant 0 : i32
    %c0_i32_0 = arith.constant 0 : i32
    %c0_i32_1 = arith.constant 0 : i32
    return %c0_i32, %c0_i32_0 : i32, i32
  }
  func.func @transform_3(%arg0: i32) -> (i32, i32) {
    %c0_i32 = arith.constant 0 : i32
    %c0_i32_0 = arith.constant 0 : i32
    %c0_i32_1 = arith.constant 0 : i32
    return %c0_i32, %c0_i32_0 : i32, i32
  }
  func.func @transform_4(%arg0: i32) -> (i32, i32) {
    %c0_i32 = arith.constant 0 : i32
    %c0_i32_0 = arith.constant 0 : i32
    %c0_i32_1 = arith.constant 0 : i32
    return %c0_i32, %c0_i32_0 : i32, i32
  }
  func.func @transform_5(%arg0: i32) -> (i32, i32) {
    %c0_i32 = arith.constant 0 : i32
    %c0_i32_0 = arith.constant 0 : i32
    return %arg0, %c0_i32 : i32, i32
  }
  func.func @transform_6(%arg0: i32) -> (i32, i32) {
    %c0_i32 = arith.constant 0 : i32
    %c0_i32_0 = arith.constant 0 : i32
    return %arg0, %c0_i32 : i32, i32
  }
}

module attributes {stable_mosaic.version = 14 : i64} {
  func.func @_knn_body(%arg0: i32, %arg1: i32, %arg2: memref<512x128xf32, #tpu.memory_space<vmem>>, %arg3: memref<2048x128xf32, #tpu.memory_space<vmem>>, %arg4: memref<1x1x2048xf32, #tpu.memory_space<vmem>>, %arg5: memref<512x20xi32, #tpu.memory_space<vmem>>) attributes {dimension_semantics = [#tpu.dimension_semantics<arbitrary>, #tpu.dimension_semantics<arbitrary>], iteration_bounds = array<i64: 8, 4>, scalar_prefetch = 0 : i64, scratch_operands = 0 : i64, tpu.core_type = #tpu.core_type<tc>, window_params = [{transform_indices = @transform_0, window_bounds = array<i64: 512, 128>}, {transform_indices = @transform_1, window_bounds = array<i64: 2048, 128>}, {transform_indices = @transform_2, window_bounds = array<i64: 1, 1, 2048>}, {transform_indices = @transform_3, window_bounds = array<i64: 512, 20>}]} {
    %get3A = arith.constant 0 : index
    %get3A_0 = arith.constant 0 : index
    %get3A_1 = vector.load %arg2[%get3A, %get3A_0] : memref<512x128xf32, #tpu.memory_space<vmem>>, vector<512x128xf32>
    %iota3A = tpu.iota {dimensions = array<i32: 1>} : vector<1x128xi32>
    %lt3A = arith.constant 64 : i32
    %lt3A_2 = vector.broadcast %lt3A : i32 to vector<1x128xi32>
    %lt3A_3 = arith.cmpi slt, %iota3A, %lt3A_2 : vector<1x128xi32>
    %jit3A = arith.constant 1.000000e+00 : f32
    %jit3A_4 = arith.constant 0.000000e+00 : f32
    %broadcast_in_dim3A = vector.broadcast %jit3A : f32 to vector<1x128xf32>
    %broadcast_in_dim3A_5 = vector.broadcast %jit3A_4 : f32 to vector<1x128xf32>
    %select_n3A = arith.select %lt3A_3, %broadcast_in_dim3A, %broadcast_in_dim3A_5 : vector<1x128xi1>, vector<1x128xf32>
    %mul3A = vector.broadcast %select_n3A : vector<1x128xf32> to vector<512x128xf32>
    %mul3A_6 = arith.mulf %get3A_1, %mul3A : vector<512x128xf32>
    %get3A_7 = arith.constant 0 : index
    %get3A_8 = arith.constant 0 : index
    %get3A_9 = vector.load %arg3[%get3A_7, %get3A_8] : memref<2048x128xf32, #tpu.memory_space<vmem>>, vector<2048x128xf32>
    %dot_general3A = arith.constant dense<0.000000e+00> : vector<512x2048xf32>
    %dot_general3A_10 = tpu.matmul %mul3A_6, %get3A_9, %dot_general3A {dimension_numbers = #tpu.dot_dimension_numbers<[1], [1], [0], [0], [0, 0, 1, 0], [], []>, transpose_lhs_hint = false} : vector<512x128xf32>, vector<2048x128xf32>, vector<512x2048xf32> -> vector<512x2048xf32>
    %mul3A_11 = arith.constant -2.000000e+00 : f32
    %mul3A_12 = vector.broadcast %mul3A_11 : f32 to vector<512x2048xf32>
    %mul3A_13 = arith.mulf %mul3A_12, %dot_general3A_10 : vector<512x2048xf32>
    %slice3A = vector.extract_strided_slice %get3A_1 {offsets = [0, 64], sizes = [512, 1], strides = [1, 1]} : vector<512x128xf32> to vector<512x1xf32>
    %sub3A = vector.broadcast %slice3A : vector<512x1xf32> to vector<512x2048xf32>
    %sub3A_14 = arith.subf %sub3A, %mul3A_13 : vector<512x2048xf32>
    %get3A_15 = arith.constant 0 : index
    %get3A_16 = arith.constant 0 : index
    %get3A_17 = arith.constant 0 : index
    %get3A_18 = vector.load %arg4[%get3A_15, %get3A_16, %get3A_17] : memref<1x1x2048xf32, #tpu.memory_space<vmem>>, vector<1x1x2048xf32>
    %get3A_19 = vector.shape_cast %get3A_18 : vector<1x1x2048xf32> to vector<1x2048xf32>
    %add3A = vector.broadcast %get3A_19 : vector<1x2048xf32> to vector<512x2048xf32>
    %add3A_20 = arith.addf %sub3A_14, %add3A : vector<512x2048xf32>
    %iota3A_21 = tpu.iota {dimensions = array<i32: 1>} : vector<512x2048xi32>
    %reduce_max3A = arith.constant dense<0xFF800000> : vector<512xf32>
    %reduce_max3A_22 = vector.multi_reduction <maximumf>, %add3A_20, %reduce_max3A [1] : vector<512x2048xf32> to vector<512xf32>
    %broadcast_in_dim3A_23 = vector.shape_cast %reduce_max3A_22 : vector<512xf32> to vector<512x1xf32>
    %eq3A = vector.broadcast %broadcast_in_dim3A_23 : vector<512x1xf32> to vector<512x2048xf32>
    %eq3A_24 = arith.cmpf oeq, %add3A_20, %eq3A : vector<512x2048xf32>
    %jit3A_25 = arith.constant 2048 : i32
    %broadcast_in_dim3A_26 = vector.broadcast %jit3A_25 : i32 to vector<512x2048xi32>
    %select_n3A_27 = arith.select %eq3A_24, %iota3A_21, %broadcast_in_dim3A_26 : vector<512x2048xi1>, vector<512x2048xi32>
    %reduce_min3A = arith.constant dense<2147483647> : vector<512xi32>
    %reduce_min3A_28 = vector.multi_reduction <minsi>, %select_n3A_27, %reduce_min3A [1] : vector<512x2048xi32> to vector<512xi32>
    %broadcast_in_dim3A_29 = vector.shape_cast %reduce_min3A_28 : vector<512xi32> to vector<512x1xi32>
    %eq3A_30 = vector.broadcast %broadcast_in_dim3A_29 : vector<512x1xi32> to vector<512x2048xi32>
    %eq3A_31 = arith.cmpi eq, %select_n3A_27, %eq3A_30 : vector<512x2048xi32>
    %jit3A_32 = arith.constant 0xFF800000 : f32
    %broadcast_in_dim3A_33 = vector.broadcast %jit3A_32 : f32 to vector<512x2048xf32>
    %select_n3A_34 = arith.select %eq3A_31, %broadcast_in_dim3A_33, %add3A_20 : vector<512x2048xi1>, vector<512x2048xf32>
    %reduce_max3A_35 = arith.constant dense<0xFF800000> : vector<512xf32>
    %reduce_max3A_36 = vector.multi_reduction <maximumf>, %select_n3A_34, %reduce_max3A_35 [1] : vector<512x2048xf32> to vector<512xf32>
    %broadcast_in_dim3A_37 = vector.shape_cast %reduce_max3A_36 : vector<512xf32> to vector<512x1xf32>
    %eq3A_38 = vector.broadcast %broadcast_in_dim3A_37 : vector<512x1xf32> to vector<512x2048xf32>
    %eq3A_39 = arith.cmpf oeq, %select_n3A_34, %eq3A_38 : vector<512x2048xf32>
    %jit3A_40 = arith.constant 2048 : i32
    %broadcast_in_dim3A_41 = vector.broadcast %jit3A_40 : i32 to vector<512x2048xi32>
    %select_n3A_42 = arith.select %eq3A_39, %iota3A_21, %broadcast_in_dim3A_41 : vector<512x2048xi1>, vector<512x2048xi32>
    %reduce_min3A_43 = arith.constant dense<2147483647> : vector<512xi32>
    %reduce_min3A_44 = vector.multi_reduction <minsi>, %select_n3A_42, %reduce_min3A_43 [1] : vector<512x2048xi32> to vector<512xi32>
    %broadcast_in_dim3A_45 = vector.shape_cast %reduce_min3A_44 : vector<512xi32> to vector<512x1xi32>
    %eq3A_46 = vector.broadcast %broadcast_in_dim3A_45 : vector<512x1xi32> to vector<512x2048xi32>
    %eq3A_47 = arith.cmpi eq, %select_n3A_42, %eq3A_46 : vector<512x2048xi32>
    %jit3A_48 = arith.constant 0xFF800000 : f32
    %broadcast_in_dim3A_49 = vector.broadcast %jit3A_48 : f32 to vector<512x2048xf32>
    %select_n3A_50 = arith.select %eq3A_47, %broadcast_in_dim3A_49, %select_n3A_34 : vector<512x2048xi1>, vector<512x2048xf32>
    %reduce_max3A_51 = arith.constant dense<0xFF800000> : vector<512xf32>
    %reduce_max3A_52 = vector.multi_reduction <maximumf>, %select_n3A_50, %reduce_max3A_51 [1] : vector<512x2048xf32> to vector<512xf32>
    %broadcast_in_dim3A_53 = vector.shape_cast %reduce_max3A_52 : vector<512xf32> to vector<512x1xf32>
    %eq3A_54 = vector.broadcast %broadcast_in_dim3A_53 : vector<512x1xf32> to vector<512x2048xf32>
    %eq3A_55 = arith.cmpf oeq, %select_n3A_50, %eq3A_54 : vector<512x2048xf32>
    %jit3A_56 = arith.constant 2048 : i32
    %broadcast_in_dim3A_57 = vector.broadcast %jit3A_56 : i32 to vector<512x2048xi32>
    %select_n3A_58 = arith.select %eq3A_55, %iota3A_21, %broadcast_in_dim3A_57 : vector<512x2048xi1>, vector<512x2048xi32>
    %reduce_min3A_59 = arith.constant dense<2147483647> : vector<512xi32>
    %reduce_min3A_60 = vector.multi_reduction <minsi>, %select_n3A_58, %reduce_min3A_59 [1] : vector<512x2048xi32> to vector<512xi32>
    %broadcast_in_dim3A_61 = vector.shape_cast %reduce_min3A_60 : vector<512xi32> to vector<512x1xi32>
    %eq3A_62 = vector.broadcast %broadcast_in_dim3A_61 : vector<512x1xi32> to vector<512x2048xi32>
    %eq3A_63 = arith.cmpi eq, %select_n3A_58, %eq3A_62 : vector<512x2048xi32>
    %jit3A_64 = arith.constant 0xFF800000 : f32
    %broadcast_in_dim3A_65 = vector.broadcast %jit3A_64 : f32 to vector<512x2048xf32>
    %select_n3A_66 = arith.select %eq3A_63, %broadcast_in_dim3A_65, %select_n3A_50 : vector<512x2048xi1>, vector<512x2048xf32>
    %reduce_max3A_67 = arith.constant dense<0xFF800000> : vector<512xf32>
    %reduce_max3A_68 = vector.multi_reduction <maximumf>, %select_n3A_66, %reduce_max3A_67 [1] : vector<512x2048xf32> to vector<512xf32>
    %broadcast_in_dim3A_69 = vector.shape_cast %reduce_max3A_68 : vector<512xf32> to vector<512x1xf32>
    %eq3A_70 = vector.broadcast %broadcast_in_dim3A_69 : vector<512x1xf32> to vector<512x2048xf32>
    %eq3A_71 = arith.cmpf oeq, %select_n3A_66, %eq3A_70 : vector<512x2048xf32>
    %jit3A_72 = arith.constant 2048 : i32
    %broadcast_in_dim3A_73 = vector.broadcast %jit3A_72 : i32 to vector<512x2048xi32>
    %select_n3A_74 = arith.select %eq3A_71, %iota3A_21, %broadcast_in_dim3A_73 : vector<512x2048xi1>, vector<512x2048xi32>
    %reduce_min3A_75 = arith.constant dense<2147483647> : vector<512xi32>
    %reduce_min3A_76 = vector.multi_reduction <minsi>, %select_n3A_74, %reduce_min3A_75 [1] : vector<512x2048xi32> to vector<512xi32>
    %broadcast_in_dim3A_77 = vector.shape_cast %reduce_min3A_76 : vector<512xi32> to vector<512x1xi32>
    %eq3A_78 = vector.broadcast %broadcast_in_dim3A_77 : vector<512x1xi32> to vector<512x2048xi32>
    %eq3A_79 = arith.cmpi eq, %select_n3A_74, %eq3A_78 : vector<512x2048xi32>
    %jit3A_80 = arith.constant 0xFF800000 : f32
    %broadcast_in_dim3A_81 = vector.broadcast %jit3A_80 : f32 to vector<512x2048xf32>
    %select_n3A_82 = arith.select %eq3A_79, %broadcast_in_dim3A_81, %select_n3A_66 : vector<512x2048xi1>, vector<512x2048xf32>
    %reduce_max3A_83 = arith.constant dense<0xFF800000> : vector<512xf32>
    %reduce_max3A_84 = vector.multi_reduction <maximumf>, %select_n3A_82, %reduce_max3A_83 [1] : vector<512x2048xf32> to vector<512xf32>
    %broadcast_in_dim3A_85 = vector.shape_cast %reduce_max3A_84 : vector<512xf32> to vector<512x1xf32>
    %eq3A_86 = vector.broadcast %broadcast_in_dim3A_85 : vector<512x1xf32> to vector<512x2048xf32>
    %eq3A_87 = arith.cmpf oeq, %select_n3A_82, %eq3A_86 : vector<512x2048xf32>
    %jit3A_88 = arith.constant 2048 : i32
    %broadcast_in_dim3A_89 = vector.broadcast %jit3A_88 : i32 to vector<512x2048xi32>
    %select_n3A_90 = arith.select %eq3A_87, %iota3A_21, %broadcast_in_dim3A_89 : vector<512x2048xi1>, vector<512x2048xi32>
    %reduce_min3A_91 = arith.constant dense<2147483647> : vector<512xi32>
    %reduce_min3A_92 = vector.multi_reduction <minsi>, %select_n3A_90, %reduce_min3A_91 [1] : vector<512x2048xi32> to vector<512xi32>
    %broadcast_in_dim3A_93 = vector.shape_cast %reduce_min3A_92 : vector<512xi32> to vector<512x1xi32>
    %eq3A_94 = vector.broadcast %broadcast_in_dim3A_93 : vector<512x1xi32> to vector<512x2048xi32>
    %eq3A_95 = arith.cmpi eq, %select_n3A_90, %eq3A_94 : vector<512x2048xi32>
    %jit3A_96 = arith.constant 0xFF800000 : f32
    %broadcast_in_dim3A_97 = vector.broadcast %jit3A_96 : f32 to vector<512x2048xf32>
    %select_n3A_98 = arith.select %eq3A_95, %broadcast_in_dim3A_97, %select_n3A_82 : vector<512x2048xi1>, vector<512x2048xf32>
    %reduce_max3A_99 = arith.constant dense<0xFF800000> : vector<512xf32>
    %reduce_max3A_100 = vector.multi_reduction <maximumf>, %select_n3A_98, %reduce_max3A_99 [1] : vector<512x2048xf32> to vector<512xf32>
    %broadcast_in_dim3A_101 = vector.shape_cast %reduce_max3A_100 : vector<512xf32> to vector<512x1xf32>
    %eq3A_102 = vector.broadcast %broadcast_in_dim3A_101 : vector<512x1xf32> to vector<512x2048xf32>
    %eq3A_103 = arith.cmpf oeq, %select_n3A_98, %eq3A_102 : vector<512x2048xf32>
    %jit3A_104 = arith.constant 2048 : i32
    %broadcast_in_dim3A_105 = vector.broadcast %jit3A_104 : i32 to vector<512x2048xi32>
    %select_n3A_106 = arith.select %eq3A_103, %iota3A_21, %broadcast_in_dim3A_105 : vector<512x2048xi1>, vector<512x2048xi32>
    %reduce_min3A_107 = arith.constant dense<2147483647> : vector<512xi32>
    %reduce_min3A_108 = vector.multi_reduction <minsi>, %select_n3A_106, %reduce_min3A_107 [1] : vector<512x2048xi32> to vector<512xi32>
    %broadcast_in_dim3A_109 = vector.shape_cast %reduce_min3A_108 : vector<512xi32> to vector<512x1xi32>
    %eq3A_110 = vector.broadcast %broadcast_in_dim3A_109 : vector<512x1xi32> to vector<512x2048xi32>
    %eq3A_111 = arith.cmpi eq, %select_n3A_106, %eq3A_110 : vector<512x2048xi32>
    %jit3A_112 = arith.constant 0xFF800000 : f32
    %broadcast_in_dim3A_113 = vector.broadcast %jit3A_112 : f32 to vector<512x2048xf32>
    %select_n3A_114 = arith.select %eq3A_111, %broadcast_in_dim3A_113, %select_n3A_98 : vector<512x2048xi1>, vector<512x2048xf32>
    %reduce_max3A_115 = arith.constant dense<0xFF800000> : vector<512xf32>
    %reduce_max3A_116 = vector.multi_reduction <maximumf>, %select_n3A_114, %reduce_max3A_115 [1] : vector<512x2048xf32> to vector<512xf32>
    %broadcast_in_dim3A_117 = vector.shape_cast %reduce_max3A_116 : vector<512xf32> to vector<512x1xf32>
    %eq3A_118 = vector.broadcast %broadcast_in_dim3A_117 : vector<512x1xf32> to vector<512x2048xf32>
    %eq3A_119 = arith.cmpf oeq, %select_n3A_114, %eq3A_118 : vector<512x2048xf32>
    %jit3A_120 = arith.constant 2048 : i32
    %broadcast_in_dim3A_121 = vector.broadcast %jit3A_120 : i32 to vector<512x2048xi32>
    %select_n3A_122 = arith.select %eq3A_119, %iota3A_21, %broadcast_in_dim3A_121 : vector<512x2048xi1>, vector<512x2048xi32>
    %reduce_min3A_123 = arith.constant dense<2147483647> : vector<512xi32>
    %reduce_min3A_124 = vector.multi_reduction <minsi>, %select_n3A_122, %reduce_min3A_123 [1] : vector<512x2048xi32> to vector<512xi32>
    %broadcast_in_dim3A_125 = vector.shape_cast %reduce_min3A_124 : vector<512xi32> to vector<512x1xi32>
    %eq3A_126 = vector.broadcast %broadcast_in_dim3A_125 : vector<512x1xi32> to vector<512x2048xi32>
    %eq3A_127 = arith.cmpi eq, %select_n3A_122, %eq3A_126 : vector<512x2048xi32>
    %jit3A_128 = arith.constant 0xFF800000 : f32
    %broadcast_in_dim3A_129 = vector.broadcast %jit3A_128 : f32 to vector<512x2048xf32>
    %select_n3A_130 = arith.select %eq3A_127, %broadcast_in_dim3A_129, %select_n3A_114 : vector<512x2048xi1>, vector<512x2048xf32>
    %reduce_max3A_131 = arith.constant dense<0xFF800000> : vector<512xf32>
    %reduce_max3A_132 = vector.multi_reduction <maximumf>, %select_n3A_130, %reduce_max3A_131 [1] : vector<512x2048xf32> to vector<512xf32>
    %broadcast_in_dim3A_133 = vector.shape_cast %reduce_max3A_132 : vector<512xf32> to vector<512x1xf32>
    %eq3A_134 = vector.broadcast %broadcast_in_dim3A_133 : vector<512x1xf32> to vector<512x2048xf32>
    %eq3A_135 = arith.cmpf oeq, %select_n3A_130, %eq3A_134 : vector<512x2048xf32>
    %jit3A_136 = arith.constant 2048 : i32
    %broadcast_in_dim3A_137 = vector.broadcast %jit3A_136 : i32 to vector<512x2048xi32>
    %select_n3A_138 = arith.select %eq3A_135, %iota3A_21, %broadcast_in_dim3A_137 : vector<512x2048xi1>, vector<512x2048xi32>
    %reduce_min3A_139 = arith.constant dense<2147483647> : vector<512xi32>
    %reduce_min3A_140 = vector.multi_reduction <minsi>, %select_n3A_138, %reduce_min3A_139 [1] : vector<512x2048xi32> to vector<512xi32>
    %broadcast_in_dim3A_141 = vector.shape_cast %reduce_min3A_140 : vector<512xi32> to vector<512x1xi32>
    %eq3A_142 = vector.broadcast %broadcast_in_dim3A_141 : vector<512x1xi32> to vector<512x2048xi32>
    %eq3A_143 = arith.cmpi eq, %select_n3A_138, %eq3A_142 : vector<512x2048xi32>
    %jit3A_144 = arith.constant 0xFF800000 : f32
    %broadcast_in_dim3A_145 = vector.broadcast %jit3A_144 : f32 to vector<512x2048xf32>
    %select_n3A_146 = arith.select %eq3A_143, %broadcast_in_dim3A_145, %select_n3A_130 : vector<512x2048xi1>, vector<512x2048xf32>
    %reduce_max3A_147 = arith.constant dense<0xFF800000> : vector<512xf32>
    %reduce_max3A_148 = vector.multi_reduction <maximumf>, %select_n3A_146, %reduce_max3A_147 [1] : vector<512x2048xf32> to vector<512xf32>
    %broadcast_in_dim3A_149 = vector.shape_cast %reduce_max3A_148 : vector<512xf32> to vector<512x1xf32>
    %eq3A_150 = vector.broadcast %broadcast_in_dim3A_149 : vector<512x1xf32> to vector<512x2048xf32>
    %eq3A_151 = arith.cmpf oeq, %select_n3A_146, %eq3A_150 : vector<512x2048xf32>
    %jit3A_152 = arith.constant 2048 : i32
    %broadcast_in_dim3A_153 = vector.broadcast %jit3A_152 : i32 to vector<512x2048xi32>
    %select_n3A_154 = arith.select %eq3A_151, %iota3A_21, %broadcast_in_dim3A_153 : vector<512x2048xi1>, vector<512x2048xi32>
    %reduce_min3A_155 = arith.constant dense<2147483647> : vector<512xi32>
    %reduce_min3A_156 = vector.multi_reduction <minsi>, %select_n3A_154, %reduce_min3A_155 [1] : vector<512x2048xi32> to vector<512xi32>
    %broadcast_in_dim3A_157 = vector.shape_cast %reduce_min3A_156 : vector<512xi32> to vector<512x1xi32>
    %eq3A_158 = vector.broadcast %broadcast_in_dim3A_157 : vector<512x1xi32> to vector<512x2048xi32>
    %eq3A_159 = arith.cmpi eq, %select_n3A_154, %eq3A_158 : vector<512x2048xi32>
    %jit3A_160 = arith.constant 0xFF800000 : f32
    %broadcast_in_dim3A_161 = vector.broadcast %jit3A_160 : f32 to vector<512x2048xf32>
    %select_n3A_162 = arith.select %eq3A_159, %broadcast_in_dim3A_161, %select_n3A_146 : vector<512x2048xi1>, vector<512x2048xf32>
    %reduce_max3A_163 = arith.constant dense<0xFF800000> : vector<512xf32>
    %reduce_max3A_164 = vector.multi_reduction <maximumf>, %select_n3A_162, %reduce_max3A_163 [1] : vector<512x2048xf32> to vector<512xf32>
    %broadcast_in_dim3A_165 = vector.shape_cast %reduce_max3A_164 : vector<512xf32> to vector<512x1xf32>
    %eq3A_166 = vector.broadcast %broadcast_in_dim3A_165 : vector<512x1xf32> to vector<512x2048xf32>
    %eq3A_167 = arith.cmpf oeq, %select_n3A_162, %eq3A_166 : vector<512x2048xf32>
    %jit3A_168 = arith.constant 2048 : i32
    %broadcast_in_dim3A_169 = vector.broadcast %jit3A_168 : i32 to vector<512x2048xi32>
    %select_n3A_170 = arith.select %eq3A_167, %iota3A_21, %broadcast_in_dim3A_169 : vector<512x2048xi1>, vector<512x2048xi32>
    %reduce_min3A_171 = arith.constant dense<2147483647> : vector<512xi32>
    %reduce_min3A_172 = vector.multi_reduction <minsi>, %select_n3A_170, %reduce_min3A_171 [1] : vector<512x2048xi32> to vector<512xi32>
    %broadcast_in_dim3A_173 = vector.shape_cast %reduce_min3A_172 : vector<512xi32> to vector<512x1xi32>
    %eq3A_174 = vector.broadcast %broadcast_in_dim3A_173 : vector<512x1xi32> to vector<512x2048xi32>
    %eq3A_175 = arith.cmpi eq, %select_n3A_170, %eq3A_174 : vector<512x2048xi32>
    %jit3A_176 = arith.constant 0xFF800000 : f32
    %broadcast_in_dim3A_177 = vector.broadcast %jit3A_176 : f32 to vector<512x2048xf32>
    %select_n3A_178 = arith.select %eq3A_175, %broadcast_in_dim3A_177, %select_n3A_162 : vector<512x2048xi1>, vector<512x2048xf32>
    %reduce_max3A_179 = arith.constant dense<0xFF800000> : vector<512xf32>
    %reduce_max3A_180 = vector.multi_reduction <maximumf>, %select_n3A_178, %reduce_max3A_179 [1] : vector<512x2048xf32> to vector<512xf32>
    %broadcast_in_dim3A_181 = vector.shape_cast %reduce_max3A_180 : vector<512xf32> to vector<512x1xf32>
    %eq3A_182 = vector.broadcast %broadcast_in_dim3A_181 : vector<512x1xf32> to vector<512x2048xf32>
    %eq3A_183 = arith.cmpf oeq, %select_n3A_178, %eq3A_182 : vector<512x2048xf32>
    %jit3A_184 = arith.constant 2048 : i32
    %broadcast_in_dim3A_185 = vector.broadcast %jit3A_184 : i32 to vector<512x2048xi32>
    %select_n3A_186 = arith.select %eq3A_183, %iota3A_21, %broadcast_in_dim3A_185 : vector<512x2048xi1>, vector<512x2048xi32>
    %reduce_min3A_187 = arith.constant dense<2147483647> : vector<512xi32>
    %reduce_min3A_188 = vector.multi_reduction <minsi>, %select_n3A_186, %reduce_min3A_187 [1] : vector<512x2048xi32> to vector<512xi32>
    %broadcast_in_dim3A_189 = vector.shape_cast %reduce_min3A_188 : vector<512xi32> to vector<512x1xi32>
    %eq3A_190 = vector.broadcast %broadcast_in_dim3A_189 : vector<512x1xi32> to vector<512x2048xi32>
    %eq3A_191 = arith.cmpi eq, %select_n3A_186, %eq3A_190 : vector<512x2048xi32>
    %jit3A_192 = arith.constant 0xFF800000 : f32
    %broadcast_in_dim3A_193 = vector.broadcast %jit3A_192 : f32 to vector<512x2048xf32>
    %select_n3A_194 = arith.select %eq3A_191, %broadcast_in_dim3A_193, %select_n3A_178 : vector<512x2048xi1>, vector<512x2048xf32>
    %reduce_max3A_195 = arith.constant dense<0xFF800000> : vector<512xf32>
    %reduce_max3A_196 = vector.multi_reduction <maximumf>, %select_n3A_194, %reduce_max3A_195 [1] : vector<512x2048xf32> to vector<512xf32>
    %broadcast_in_dim3A_197 = vector.shape_cast %reduce_max3A_196 : vector<512xf32> to vector<512x1xf32>
    %eq3A_198 = vector.broadcast %broadcast_in_dim3A_197 : vector<512x1xf32> to vector<512x2048xf32>
    %eq3A_199 = arith.cmpf oeq, %select_n3A_194, %eq3A_198 : vector<512x2048xf32>
    %jit3A_200 = arith.constant 2048 : i32
    %broadcast_in_dim3A_201 = vector.broadcast %jit3A_200 : i32 to vector<512x2048xi32>
    %select_n3A_202 = arith.select %eq3A_199, %iota3A_21, %broadcast_in_dim3A_201 : vector<512x2048xi1>, vector<512x2048xi32>
    %reduce_min3A_203 = arith.constant dense<2147483647> : vector<512xi32>
    %reduce_min3A_204 = vector.multi_reduction <minsi>, %select_n3A_202, %reduce_min3A_203 [1] : vector<512x2048xi32> to vector<512xi32>
    %broadcast_in_dim3A_205 = vector.shape_cast %reduce_min3A_204 : vector<512xi32> to vector<512x1xi32>
    %eq3A_206 = vector.broadcast %broadcast_in_dim3A_205 : vector<512x1xi32> to vector<512x2048xi32>
    %eq3A_207 = arith.cmpi eq, %select_n3A_202, %eq3A_206 : vector<512x2048xi32>
    %jit3A_208 = arith.constant 0xFF800000 : f32
    %broadcast_in_dim3A_209 = vector.broadcast %jit3A_208 : f32 to vector<512x2048xf32>
    %select_n3A_210 = arith.select %eq3A_207, %broadcast_in_dim3A_209, %select_n3A_194 : vector<512x2048xi1>, vector<512x2048xf32>
    %reduce_max3A_211 = arith.constant dense<0xFF800000> : vector<512xf32>
    %reduce_max3A_212 = vector.multi_reduction <maximumf>, %select_n3A_210, %reduce_max3A_211 [1] : vector<512x2048xf32> to vector<512xf32>
    %broadcast_in_dim3A_213 = vector.shape_cast %reduce_max3A_212 : vector<512xf32> to vector<512x1xf32>
    %eq3A_214 = vector.broadcast %broadcast_in_dim3A_213 : vector<512x1xf32> to vector<512x2048xf32>
    %eq3A_215 = arith.cmpf oeq, %select_n3A_210, %eq3A_214 : vector<512x2048xf32>
    %jit3A_216 = arith.constant 2048 : i32
    %broadcast_in_dim3A_217 = vector.broadcast %jit3A_216 : i32 to vector<512x2048xi32>
    %select_n3A_218 = arith.select %eq3A_215, %iota3A_21, %broadcast_in_dim3A_217 : vector<512x2048xi1>, vector<512x2048xi32>
    %reduce_min3A_219 = arith.constant dense<2147483647> : vector<512xi32>
    %reduce_min3A_220 = vector.multi_reduction <minsi>, %select_n3A_218, %reduce_min3A_219 [1] : vector<512x2048xi32> to vector<512xi32>
    %broadcast_in_dim3A_221 = vector.shape_cast %reduce_min3A_220 : vector<512xi32> to vector<512x1xi32>
    %eq3A_222 = vector.broadcast %broadcast_in_dim3A_221 : vector<512x1xi32> to vector<512x2048xi32>
    %eq3A_223 = arith.cmpi eq, %select_n3A_218, %eq3A_222 : vector<512x2048xi32>
    %jit3A_224 = arith.constant 0xFF800000 : f32
    %broadcast_in_dim3A_225 = vector.broadcast %jit3A_224 : f32 to vector<512x2048xf32>
    %select_n3A_226 = arith.select %eq3A_223, %broadcast_in_dim3A_225, %select_n3A_210 : vector<512x2048xi1>, vector<512x2048xf32>
    %reduce_max3A_227 = arith.constant dense<0xFF800000> : vector<512xf32>
    %reduce_max3A_228 = vector.multi_reduction <maximumf>, %select_n3A_226, %reduce_max3A_227 [1] : vector<512x2048xf32> to vector<512xf32>
    %broadcast_in_dim3A_229 = vector.shape_cast %reduce_max3A_228 : vector<512xf32> to vector<512x1xf32>
    %eq3A_230 = vector.broadcast %broadcast_in_dim3A_229 : vector<512x1xf32> to vector<512x2048xf32>
    %eq3A_231 = arith.cmpf oeq, %select_n3A_226, %eq3A_230 : vector<512x2048xf32>
    %jit3A_232 = arith.constant 2048 : i32
    %broadcast_in_dim3A_233 = vector.broadcast %jit3A_232 : i32 to vector<512x2048xi32>
    %select_n3A_234 = arith.select %eq3A_231, %iota3A_21, %broadcast_in_dim3A_233 : vector<512x2048xi1>, vector<512x2048xi32>
    %reduce_min3A_235 = arith.constant dense<2147483647> : vector<512xi32>
    %reduce_min3A_236 = vector.multi_reduction <minsi>, %select_n3A_234, %reduce_min3A_235 [1] : vector<512x2048xi32> to vector<512xi32>
    %broadcast_in_dim3A_237 = vector.shape_cast %reduce_min3A_236 : vector<512xi32> to vector<512x1xi32>
    %eq3A_238 = vector.broadcast %broadcast_in_dim3A_237 : vector<512x1xi32> to vector<512x2048xi32>
    %eq3A_239 = arith.cmpi eq, %select_n3A_234, %eq3A_238 : vector<512x2048xi32>
    %jit3A_240 = arith.constant 0xFF800000 : f32
    %broadcast_in_dim3A_241 = vector.broadcast %jit3A_240 : f32 to vector<512x2048xf32>
    %select_n3A_242 = arith.select %eq3A_239, %broadcast_in_dim3A_241, %select_n3A_226 : vector<512x2048xi1>, vector<512x2048xf32>
    %reduce_max3A_243 = arith.constant dense<0xFF800000> : vector<512xf32>
    %reduce_max3A_244 = vector.multi_reduction <maximumf>, %select_n3A_242, %reduce_max3A_243 [1] : vector<512x2048xf32> to vector<512xf32>
    %broadcast_in_dim3A_245 = vector.shape_cast %reduce_max3A_244 : vector<512xf32> to vector<512x1xf32>
    %eq3A_246 = vector.broadcast %broadcast_in_dim3A_245 : vector<512x1xf32> to vector<512x2048xf32>
    %eq3A_247 = arith.cmpf oeq, %select_n3A_242, %eq3A_246 : vector<512x2048xf32>
    %jit3A_248 = arith.constant 2048 : i32
    %broadcast_in_dim3A_249 = vector.broadcast %jit3A_248 : i32 to vector<512x2048xi32>
    %select_n3A_250 = arith.select %eq3A_247, %iota3A_21, %broadcast_in_dim3A_249 : vector<512x2048xi1>, vector<512x2048xi32>
    %reduce_min3A_251 = arith.constant dense<2147483647> : vector<512xi32>
    %reduce_min3A_252 = vector.multi_reduction <minsi>, %select_n3A_250, %reduce_min3A_251 [1] : vector<512x2048xi32> to vector<512xi32>
    %broadcast_in_dim3A_253 = vector.shape_cast %reduce_min3A_252 : vector<512xi32> to vector<512x1xi32>
    %eq3A_254 = vector.broadcast %broadcast_in_dim3A_253 : vector<512x1xi32> to vector<512x2048xi32>
    %eq3A_255 = arith.cmpi eq, %select_n3A_250, %eq3A_254 : vector<512x2048xi32>
    %jit3A_256 = arith.constant 0xFF800000 : f32
    %broadcast_in_dim3A_257 = vector.broadcast %jit3A_256 : f32 to vector<512x2048xf32>
    %select_n3A_258 = arith.select %eq3A_255, %broadcast_in_dim3A_257, %select_n3A_242 : vector<512x2048xi1>, vector<512x2048xf32>
    %reduce_max3A_259 = arith.constant dense<0xFF800000> : vector<512xf32>
    %reduce_max3A_260 = vector.multi_reduction <maximumf>, %select_n3A_258, %reduce_max3A_259 [1] : vector<512x2048xf32> to vector<512xf32>
    %broadcast_in_dim3A_261 = vector.shape_cast %reduce_max3A_260 : vector<512xf32> to vector<512x1xf32>
    %eq3A_262 = vector.broadcast %broadcast_in_dim3A_261 : vector<512x1xf32> to vector<512x2048xf32>
    %eq3A_263 = arith.cmpf oeq, %select_n3A_258, %eq3A_262 : vector<512x2048xf32>
    %jit3A_264 = arith.constant 2048 : i32
    %broadcast_in_dim3A_265 = vector.broadcast %jit3A_264 : i32 to vector<512x2048xi32>
    %select_n3A_266 = arith.select %eq3A_263, %iota3A_21, %broadcast_in_dim3A_265 : vector<512x2048xi1>, vector<512x2048xi32>
    %reduce_min3A_267 = arith.constant dense<2147483647> : vector<512xi32>
    %reduce_min3A_268 = vector.multi_reduction <minsi>, %select_n3A_266, %reduce_min3A_267 [1] : vector<512x2048xi32> to vector<512xi32>
    %broadcast_in_dim3A_269 = vector.shape_cast %reduce_min3A_268 : vector<512xi32> to vector<512x1xi32>
    %eq3A_270 = vector.broadcast %broadcast_in_dim3A_269 : vector<512x1xi32> to vector<512x2048xi32>
    %eq3A_271 = arith.cmpi eq, %select_n3A_266, %eq3A_270 : vector<512x2048xi32>
    %jit3A_272 = arith.constant 0xFF800000 : f32
    %broadcast_in_dim3A_273 = vector.broadcast %jit3A_272 : f32 to vector<512x2048xf32>
    %select_n3A_274 = arith.select %eq3A_271, %broadcast_in_dim3A_273, %select_n3A_258 : vector<512x2048xi1>, vector<512x2048xf32>
    %reduce_max3A_275 = arith.constant dense<0xFF800000> : vector<512xf32>
    %reduce_max3A_276 = vector.multi_reduction <maximumf>, %select_n3A_274, %reduce_max3A_275 [1] : vector<512x2048xf32> to vector<512xf32>
    %broadcast_in_dim3A_277 = vector.shape_cast %reduce_max3A_276 : vector<512xf32> to vector<512x1xf32>
    %eq3A_278 = vector.broadcast %broadcast_in_dim3A_277 : vector<512x1xf32> to vector<512x2048xf32>
    %eq3A_279 = arith.cmpf oeq, %select_n3A_274, %eq3A_278 : vector<512x2048xf32>
    %jit3A_280 = arith.constant 2048 : i32
    %broadcast_in_dim3A_281 = vector.broadcast %jit3A_280 : i32 to vector<512x2048xi32>
    %select_n3A_282 = arith.select %eq3A_279, %iota3A_21, %broadcast_in_dim3A_281 : vector<512x2048xi1>, vector<512x2048xi32>
    %reduce_min3A_283 = arith.constant dense<2147483647> : vector<512xi32>
    %reduce_min3A_284 = vector.multi_reduction <minsi>, %select_n3A_282, %reduce_min3A_283 [1] : vector<512x2048xi32> to vector<512xi32>
    %broadcast_in_dim3A_285 = vector.shape_cast %reduce_min3A_284 : vector<512xi32> to vector<512x1xi32>
    %eq3A_286 = vector.broadcast %broadcast_in_dim3A_285 : vector<512x1xi32> to vector<512x2048xi32>
    %eq3A_287 = arith.cmpi eq, %select_n3A_282, %eq3A_286 : vector<512x2048xi32>
    %jit3A_288 = arith.constant 0xFF800000 : f32
    %broadcast_in_dim3A_289 = vector.broadcast %jit3A_288 : f32 to vector<512x2048xf32>
    %select_n3A_290 = arith.select %eq3A_287, %broadcast_in_dim3A_289, %select_n3A_274 : vector<512x2048xi1>, vector<512x2048xf32>
    %reduce_max3A_291 = arith.constant dense<0xFF800000> : vector<512xf32>
    %reduce_max3A_292 = vector.multi_reduction <maximumf>, %select_n3A_290, %reduce_max3A_291 [1] : vector<512x2048xf32> to vector<512xf32>
    %broadcast_in_dim3A_293 = vector.shape_cast %reduce_max3A_292 : vector<512xf32> to vector<512x1xf32>
    %eq3A_294 = vector.broadcast %broadcast_in_dim3A_293 : vector<512x1xf32> to vector<512x2048xf32>
    %eq3A_295 = arith.cmpf oeq, %select_n3A_290, %eq3A_294 : vector<512x2048xf32>
    %jit3A_296 = arith.constant 2048 : i32
    %broadcast_in_dim3A_297 = vector.broadcast %jit3A_296 : i32 to vector<512x2048xi32>
    %select_n3A_298 = arith.select %eq3A_295, %iota3A_21, %broadcast_in_dim3A_297 : vector<512x2048xi1>, vector<512x2048xi32>
    %reduce_min3A_299 = arith.constant dense<2147483647> : vector<512xi32>
    %reduce_min3A_300 = vector.multi_reduction <minsi>, %select_n3A_298, %reduce_min3A_299 [1] : vector<512x2048xi32> to vector<512xi32>
    %broadcast_in_dim3A_301 = vector.shape_cast %reduce_min3A_300 : vector<512xi32> to vector<512x1xi32>
    %eq3A_302 = vector.broadcast %broadcast_in_dim3A_301 : vector<512x1xi32> to vector<512x2048xi32>
    %eq3A_303 = arith.cmpi eq, %select_n3A_298, %eq3A_302 : vector<512x2048xi32>
    %jit3A_304 = arith.constant 0xFF800000 : f32
    %broadcast_in_dim3A_305 = vector.broadcast %jit3A_304 : f32 to vector<512x2048xf32>
    %select_n3A_306 = arith.select %eq3A_303, %broadcast_in_dim3A_305, %select_n3A_290 : vector<512x2048xi1>, vector<512x2048xf32>
    %reduce_max3A_307 = arith.constant dense<0xFF800000> : vector<512xf32>
    %reduce_max3A_308 = vector.multi_reduction <maximumf>, %select_n3A_306, %reduce_max3A_307 [1] : vector<512x2048xf32> to vector<512xf32>
    %broadcast_in_dim3A_309 = vector.shape_cast %reduce_max3A_308 : vector<512xf32> to vector<512x1xf32>
    %eq3A_310 = vector.broadcast %broadcast_in_dim3A_309 : vector<512x1xf32> to vector<512x2048xf32>
    %eq3A_311 = arith.cmpf oeq, %select_n3A_306, %eq3A_310 : vector<512x2048xf32>
    %jit3A_312 = arith.constant 2048 : i32
    %broadcast_in_dim3A_313 = vector.broadcast %jit3A_312 : i32 to vector<512x2048xi32>
    %select_n3A_314 = arith.select %eq3A_311, %iota3A_21, %broadcast_in_dim3A_313 : vector<512x2048xi1>, vector<512x2048xi32>
    %reduce_min3A_315 = arith.constant dense<2147483647> : vector<512xi32>
    %reduce_min3A_316 = vector.multi_reduction <minsi>, %select_n3A_314, %reduce_min3A_315 [1] : vector<512x2048xi32> to vector<512xi32>
    %broadcast_in_dim3A_317 = vector.shape_cast %reduce_min3A_316 : vector<512xi32> to vector<512x1xi32>
    %eq3A_318 = vector.broadcast %broadcast_in_dim3A_317 : vector<512x1xi32> to vector<512x2048xi32>
    %eq3A_319 = arith.cmpi eq, %select_n3A_314, %eq3A_318 : vector<512x2048xi32>
    %jit3A_320 = arith.constant 0xFF800000 : f32
    %broadcast_in_dim3A_321 = vector.broadcast %jit3A_320 : f32 to vector<512x2048xf32>
    %select_n3A_322 = arith.select %eq3A_319, %broadcast_in_dim3A_321, %select_n3A_306 : vector<512x2048xi1>, vector<512x2048xf32>
    %reduce_max3A_323 = arith.constant dense<0xFF800000> : vector<512xf32>
    %reduce_max3A_324 = vector.multi_reduction <maximumf>, %select_n3A_322, %reduce_max3A_323 [1] : vector<512x2048xf32> to vector<512xf32>
    %broadcast_in_dim3A_325 = vector.shape_cast %reduce_max3A_324 : vector<512xf32> to vector<512x1xf32>
    %eq3A_326 = vector.broadcast %broadcast_in_dim3A_325 : vector<512x1xf32> to vector<512x2048xf32>
    %eq3A_327 = arith.cmpf oeq, %select_n3A_322, %eq3A_326 : vector<512x2048xf32>
    %jit3A_328 = arith.constant 2048 : i32
    %broadcast_in_dim3A_329 = vector.broadcast %jit3A_328 : i32 to vector<512x2048xi32>
    %select_n3A_330 = arith.select %eq3A_327, %iota3A_21, %broadcast_in_dim3A_329 : vector<512x2048xi1>, vector<512x2048xi32>
    %reduce_min3A_331 = arith.constant dense<2147483647> : vector<512xi32>
    %reduce_min3A_332 = vector.multi_reduction <minsi>, %select_n3A_330, %reduce_min3A_331 [1] : vector<512x2048xi32> to vector<512xi32>
    %broadcast_in_dim3A_333 = vector.shape_cast %reduce_min3A_332 : vector<512xi32> to vector<512x1xi32>
    %concatenate3A = tpu.concatenate %broadcast_in_dim3A_29, %broadcast_in_dim3A_45, %broadcast_in_dim3A_61, %broadcast_in_dim3A_77, %broadcast_in_dim3A_93, %broadcast_in_dim3A_109, %broadcast_in_dim3A_125, %broadcast_in_dim3A_141, %broadcast_in_dim3A_157, %broadcast_in_dim3A_173, %broadcast_in_dim3A_189, %broadcast_in_dim3A_205, %broadcast_in_dim3A_221, %broadcast_in_dim3A_237, %broadcast_in_dim3A_253, %broadcast_in_dim3A_269, %broadcast_in_dim3A_285, %broadcast_in_dim3A_301, %broadcast_in_dim3A_317, %broadcast_in_dim3A_333 in 1 : vector<512x1xi32>, vector<512x1xi32>, vector<512x1xi32>, vector<512x1xi32>, vector<512x1xi32>, vector<512x1xi32>, vector<512x1xi32>, vector<512x1xi32>, vector<512x1xi32>, vector<512x1xi32>, vector<512x1xi32>, vector<512x1xi32>, vector<512x1xi32>, vector<512x1xi32>, vector<512x1xi32>, vector<512x1xi32>, vector<512x1xi32>, vector<512x1xi32>, vector<512x1xi32>, vector<512x1xi32> -> vector<512x20xi32>
    %mul3A_334 = arith.constant 2048 : i32
    %mul3A_335 = arith.muli %arg0, %mul3A_334 : i32
    %add3A_336 = vector.broadcast %mul3A_335 : i32 to vector<512x20xi32>
    %add3A_337 = arith.addi %concatenate3A, %add3A_336 : vector<512x20xi32>
    %swap3A = arith.constant 0 : index
    %swap3A_338 = arith.constant 0 : index
    %swap3A_339 = vector.load %arg5[%swap3A, %swap3A_338] : memref<512x20xi32, #tpu.memory_space<vmem>>, vector<512x20xi32>
    tpu.vector_store %arg5[%swap3A, %swap3A_338], %add3A_337 {strides = array<i32>} : memref<512x20xi32, #tpu.memory_space<vmem>>, vector<512x20xi32>,
    return
  }
  func.func @transform_0(%arg0: i32, %arg1: i32) -> (i32, i32) {
    %mul3A = arith.constant 4 : i32
    %mul3A_0 = arith.muli %arg0, %mul3A : i32
    %add3A = arith.addi %mul3A_0, %arg1 : i32
    %c0_i32 = arith.constant 0 : i32
    %c0_i32_1 = arith.constant 0 : i32
    return %add3A, %c0_i32 : i32, i32
  }
  func.func @transform_1(%arg0: i32, %arg1: i32) -> (i32, i32) {
    %c0_i32 = arith.constant 0 : i32
    %c0_i32_0 = arith.constant 0 : i32
    return %arg0, %c0_i32 : i32, i32
  }
  func.func @transform_2(%arg0: i32, %arg1: i32) -> (i32, i32, i32) {
    %c0_i32 = arith.constant 0 : i32
    %c0_i32_0 = arith.constant 0 : i32
    %c0_i32_1 = arith.constant 0 : i32
    return %arg0, %c0_i32, %c0_i32_0 : i32, i32, i32
  }
  func.func @transform_3(%arg0: i32, %arg1: i32) -> (i32, i32) {
    %mul3A = arith.constant 4 : i32
    %mul3A_0 = arith.muli %arg0, %mul3A : i32
    %add3A = arith.addi %mul3A_0, %arg1 : i32
    %c0_i32 = arith.constant 0 : i32
    %c0_i32_1 = arith.constant 0 : i32
    return %add3A, %c0_i32 : i32, i32
  }
}

module attributes {stable_mosaic.version = 14 : i64} {
  func.func @_ymax_body(%arg0: i32, %arg1: i32, %arg2: memref<4096x128xf32, #tpu.memory_space<vmem>>, %arg3: memref<4096x128xf32, #tpu.memory_space<vmem>>, %arg4: memref<64x128xf32, #tpu.memory_space<vmem>>, %arg5: memref<4096x64xf32, #tpu.memory_space<vmem>>, %arg6: memref<8x64xf32, #tpu.memory_space<vmem>>) attributes {dimension_semantics = [#tpu.dimension_semantics<arbitrary>, #tpu.dimension_semantics<arbitrary>], iteration_bounds = array<i64: 2, 20>, scalar_prefetch = 0 : i64, scratch_operands = 0 : i64, tpu.core_type = #tpu.core_type<tc>, window_params = [{transform_indices = @transform_0, window_bounds = array<i64: 4096, 128>}, {transform_indices = @transform_1, window_bounds = array<i64: 4096, 128>}, {pipeline_mode = #tpu.pipeline_mode<synchronous>, transform_indices = @transform_2, window_bounds = array<i64: 64, 128>}, {transform_indices = @transform_3, window_bounds = array<i64: 4096, 64>}, {pipeline_mode = #tpu.pipeline_mode<synchronous>, transform_indices = @transform_4, window_bounds = array<i64: 8, 64>}]} {
    %get3A = arith.constant 0 : index
    %get3A_0 = arith.constant 0 : index
    %get3A_1 = vector.load %arg2[%get3A, %get3A_0] : memref<4096x128xf32, #tpu.memory_space<vmem>>, vector<4096x128xf32>
    %get3A_2 = arith.constant 0 : index
    %get3A_3 = arith.constant 0 : index
    %get3A_4 = vector.load %arg3[%get3A_2, %get3A_3] : memref<4096x128xf32, #tpu.memory_space<vmem>>, vector<4096x128xf32>
    %slice3A = vector.extract_strided_slice %get3A_1 {offsets = [0, 0], sizes = [4096, 64], strides = [1, 1]} : vector<4096x128xf32> to vector<4096x64xf32>
    %slice3A_5 = vector.extract_strided_slice %get3A_4 {offsets = [0, 0], sizes = [4096, 64], strides = [1, 1]} : vector<4096x128xf32> to vector<4096x64xf32>
    %sub3A = arith.subf %slice3A, %slice3A_5 : vector<4096x64xf32>
    %concatenate3A = tpu.concatenate %sub3A, %slice3A_5 in 1 : vector<4096x64xf32>, vector<4096x64xf32> -> vector<4096x128xf32>
    %get3A_6 = arith.constant 0 : index
    %get3A_7 = arith.constant 0 : index
    %get3A_8 = vector.load %arg4[%get3A_6, %get3A_7] : memref<64x128xf32, #tpu.memory_space<vmem>>, vector<64x128xf32>
    %dot_general3A = arith.constant dense<0.000000e+00> : vector<4096x64xf32>
    %dot_general3A_9 = tpu.matmul %concatenate3A, %get3A_8, %dot_general3A {dimension_numbers = #tpu.dot_dimension_numbers<[1], [1], [0], [0], [0, 0, 1, 0], [], []>, transpose_lhs_hint = false} : vector<4096x128xf32>, vector<64x128xf32>, vector<4096x64xf32> -> vector<4096x64xf32>
    %reduce_sum3A = arith.constant dense<0.000000e+00> : vector<64xf32>
    %reduce_sum3A_10 = vector.multi_reduction <add>, %dot_general3A_9, %reduce_sum3A [0] : vector<4096x64xf32> to vector<64xf32>
    %broadcast_in_dim3A = vector.shape_cast %reduce_sum3A_10 : vector<64xf32> to vector<1x64xf32>
    %mul3A = arith.mulf %dot_general3A_9, %dot_general3A_9 : vector<4096x64xf32>
    %reduce_sum3A_11 = arith.constant dense<0.000000e+00> : vector<64xf32>
    %reduce_sum3A_12 = vector.multi_reduction <add>, %mul3A, %reduce_sum3A_11 [0] : vector<4096x64xf32> to vector<64xf32>
    %broadcast_in_dim3A_13 = vector.shape_cast %reduce_sum3A_12 : vector<64xf32> to vector<1x64xf32>
    %broadcast_in_dim3A_14 = arith.constant 0.000000e+00 : f32
    %broadcast_in_dim3A_15 = vector.broadcast %broadcast_in_dim3A_14 : f32 to vector<6x64xf32>
    %concatenate3A_16 = tpu.concatenate %broadcast_in_dim3A, %broadcast_in_dim3A_13, %broadcast_in_dim3A_15 in 0 : vector<1x64xf32>, vector<1x64xf32>, vector<6x64xf32> -> vector<8x64xf32>
    %eq3A = arith.constant 0 : i32
    %eq3A_17 = arith.cmpi eq, %arg1, %eq3A : i32
    %convert_element_type3A = arith.extui %eq3A_17 : i1 to i32
    %cond3A = arith.constant 0 : i32
    %cond3A_18 = arith.cmpi ne, %convert_element_type3A, %cond3A : i32
    scf.if %cond3A_18 {
      %swap3A_35 = arith.constant 0 : index
      %swap3A_36 = arith.constant 0 : index
      %swap3A_37 = vector.load %arg5[%swap3A_35, %swap3A_36] : memref<4096x64xf32, #tpu.memory_space<vmem>>, vector<4096x64xf32>
      tpu.vector_store %arg5[%swap3A_35, %swap3A_36], %dot_general3A_9 {strides = array<i32>} : memref<4096x64xf32, #tpu.memory_space<vmem>>, vector<4096x64xf32>,
    } else {
    }
    %gt3A = arith.constant 0 : i32
    %gt3A_19 = arith.cmpi sgt, %arg1, %gt3A : i32
    %convert_element_type3A_20 = arith.extui %gt3A_19 : i1 to i32
    %cond3A_21 = arith.constant 0 : i32
    %cond3A_22 = arith.cmpi ne, %convert_element_type3A_20, %cond3A_21 : i32
    scf.if %cond3A_22 {
      %get3A_35 = arith.constant 0 : index
      %get3A_36 = arith.constant 0 : index
      %get3A_37 = vector.load %arg5[%get3A_35, %get3A_36] : memref<4096x64xf32, #tpu.memory_space<vmem>>, vector<4096x64xf32>
      %max3A = arith.maximumf %get3A_37, %dot_general3A_9 : vector<4096x64xf32>
      %swap3A_38 = arith.constant 0 : index
      %swap3A_39 = arith.constant 0 : index
      %swap3A_40 = vector.load %arg5[%swap3A_38, %swap3A_39] : memref<4096x64xf32, #tpu.memory_space<vmem>>, vector<4096x64xf32>
      tpu.vector_store %arg5[%swap3A_38, %swap3A_39], %max3A {strides = array<i32>} : memref<4096x64xf32, #tpu.memory_space<vmem>>, vector<4096x64xf32>,
    } else {
    }
    %eq3A_23 = arith.constant 0 : i32
    %eq3A_24 = arith.cmpi eq, %arg1, %eq3A_23 : i32
    %eq3A_25 = arith.constant 0 : i32
    %eq3A_26 = arith.cmpi eq, %arg0, %eq3A_25 : i32
    %and3A = arith.andi %eq3A_24, %eq3A_26 : i1
    %convert_element_type3A_27 = arith.extui %and3A : i1 to i32
    %cond3A_28 = arith.constant 0 : i32
    %cond3A_29 = arith.cmpi ne, %convert_element_type3A_27, %cond3A_28 : i32
    scf.if %cond3A_29 {
      %broadcast_in_dim3A_35 = arith.constant 0.000000e+00 : f32
      %broadcast_in_dim3A_36 = vector.broadcast %broadcast_in_dim3A_35 : f32 to vector<8x64xf32>
      %swap3A_37 = arith.constant 0 : index
      %swap3A_38 = arith.constant 0 : index
      %swap3A_39 = vector.load %arg6[%swap3A_37, %swap3A_38] : memref<8x64xf32, #tpu.memory_space<vmem>>, vector<8x64xf32>
      tpu.vector_store %arg6[%swap3A_37, %swap3A_38], %broadcast_in_dim3A_36 {strides = array<i32>} : memref<8x64xf32, #tpu.memory_space<vmem>>, vector<8x64xf32>,
    } else {
    }
    %get3A_30 = arith.constant 0 : index
    %get3A_31 = arith.constant 0 : index
    %get3A_32 = vector.load %arg6[%get3A_30, %get3A_31] : memref<8x64xf32, #tpu.memory_space<vmem>>, vector<8x64xf32>
    %add3A = arith.addf %get3A_32, %concatenate3A_16 : vector<8x64xf32>
    %swap3A = arith.constant 0 : index
    %swap3A_33 = arith.constant 0 : index
    %swap3A_34 = vector.load %arg6[%swap3A, %swap3A_33] : memref<8x64xf32, #tpu.memory_space<vmem>>, vector<8x64xf32>
    tpu.vector_store %arg6[%swap3A, %swap3A_33], %add3A {strides = array<i32>} : memref<8x64xf32, #tpu.memory_space<vmem>>, vector<8x64xf32>,
    return
  }
  func.func @transform_0(%arg0: i32, %arg1: i32) -> (i32, i32) {
    %mul3A = arith.constant 2 : i32
    %mul3A_0 = arith.muli %arg1, %mul3A : i32
    %add3A = arith.addi %mul3A_0, %arg0 : i32
    %c0_i32 = arith.constant 0 : i32
    %c0_i32_1 = arith.constant 0 : i32
    return %add3A, %c0_i32 : i32, i32
  }
  func.func @transform_1(%arg0: i32, %arg1: i32) -> (i32, i32) {
    %add3A = arith.constant 2 : i32
    %add3A_0 = arith.addi %add3A, %arg0 : i32
    %c0_i32 = arith.constant 0 : i32
    %c0_i32_1 = arith.constant 0 : i32
    return %add3A_0, %c0_i32 : i32, i32
  }
  func.func @transform_2(%arg0: i32, %arg1: i32) -> (i32, i32) {
    %c0_i32 = arith.constant 0 : i32
    %c0_i32_0 = arith.constant 0 : i32
    %c0_i32_1 = arith.constant 0 : i32
    return %c0_i32, %c0_i32_0 : i32, i32
  }
  func.func @transform_3(%arg0: i32, %arg1: i32) -> (i32, i32) {
    %c0_i32 = arith.constant 0 : i32
    %c0_i32_0 = arith.constant 0 : i32
    return %arg0, %c0_i32 : i32, i32
  }
  func.func @transform_4(%arg0: i32, %arg1: i32) -> (i32, i32) {
    %c0_i32 = arith.constant 0 : i32
    %c0_i32_0 = arith.constant 0 : i32
    %c0_i32_1 = arith.constant 0 : i32
    return %c0_i32, %c0_i32_0 : i32, i32
  }
}

module attributes {stable_mosaic.version = 14 : i64} {
  func.func @_ymax_body(%arg0: i32, %arg1: i32, %arg2: memref<4096x128xf32, #tpu.memory_space<vmem>>, %arg3: memref<4096x128xf32, #tpu.memory_space<vmem>>, %arg4: memref<64x128xf32, #tpu.memory_space<vmem>>, %arg5: memref<4096x64xf32, #tpu.memory_space<vmem>>, %arg6: memref<8x64xf32, #tpu.memory_space<vmem>>) attributes {dimension_semantics = [#tpu.dimension_semantics<arbitrary>, #tpu.dimension_semantics<arbitrary>], iteration_bounds = array<i64: 2, 20>, scalar_prefetch = 0 : i64, scratch_operands = 0 : i64, tpu.core_type = #tpu.core_type<tc>, window_params = [{transform_indices = @transform_0, window_bounds = array<i64: 4096, 128>}, {transform_indices = @transform_1, window_bounds = array<i64: 4096, 128>}, {pipeline_mode = #tpu.pipeline_mode<synchronous>, transform_indices = @transform_2, window_bounds = array<i64: 64, 128>}, {transform_indices = @transform_3, window_bounds = array<i64: 4096, 64>}, {pipeline_mode = #tpu.pipeline_mode<synchronous>, transform_indices = @transform_4, window_bounds = array<i64: 8, 64>}]} {
    %get3A = arith.constant 0 : index
    %get3A_0 = arith.constant 0 : index
    %get3A_1 = vector.load %arg2[%get3A, %get3A_0] : memref<4096x128xf32, #tpu.memory_space<vmem>>, vector<4096x128xf32>
    %get3A_2 = arith.constant 0 : index
    %get3A_3 = arith.constant 0 : index
    %get3A_4 = vector.load %arg3[%get3A_2, %get3A_3] : memref<4096x128xf32, #tpu.memory_space<vmem>>, vector<4096x128xf32>
    %slice3A = vector.extract_strided_slice %get3A_1 {offsets = [0, 0], sizes = [4096, 64], strides = [1, 1]} : vector<4096x128xf32> to vector<4096x64xf32>
    %slice3A_5 = vector.extract_strided_slice %get3A_4 {offsets = [0, 0], sizes = [4096, 64], strides = [1, 1]} : vector<4096x128xf32> to vector<4096x64xf32>
    %sub3A = arith.subf %slice3A, %slice3A_5 : vector<4096x64xf32>
    %concatenate3A = tpu.concatenate %sub3A, %slice3A_5 in 1 : vector<4096x64xf32>, vector<4096x64xf32> -> vector<4096x128xf32>
    %get3A_6 = arith.constant 0 : index
    %get3A_7 = arith.constant 0 : index
    %get3A_8 = vector.load %arg4[%get3A_6, %get3A_7] : memref<64x128xf32, #tpu.memory_space<vmem>>, vector<64x128xf32>
    %dot_general3A = arith.constant dense<0.000000e+00> : vector<4096x64xf32>
    %dot_general3A_9 = tpu.matmul %concatenate3A, %get3A_8, %dot_general3A {dimension_numbers = #tpu.dot_dimension_numbers<[1], [1], [0], [0], [0, 0, 1, 0], [], []>, transpose_lhs_hint = false} : vector<4096x128xf32>, vector<64x128xf32>, vector<4096x64xf32> -> vector<4096x64xf32>
    %reduce_sum3A = arith.constant dense<0.000000e+00> : vector<64xf32>
    %reduce_sum3A_10 = vector.multi_reduction <add>, %dot_general3A_9, %reduce_sum3A [0] : vector<4096x64xf32> to vector<64xf32>
    %broadcast_in_dim3A = vector.shape_cast %reduce_sum3A_10 : vector<64xf32> to vector<1x64xf32>
    %mul3A = arith.mulf %dot_general3A_9, %dot_general3A_9 : vector<4096x64xf32>
    %reduce_sum3A_11 = arith.constant dense<0.000000e+00> : vector<64xf32>
    %reduce_sum3A_12 = vector.multi_reduction <add>, %mul3A, %reduce_sum3A_11 [0] : vector<4096x64xf32> to vector<64xf32>
    %broadcast_in_dim3A_13 = vector.shape_cast %reduce_sum3A_12 : vector<64xf32> to vector<1x64xf32>
    %broadcast_in_dim3A_14 = arith.constant 0.000000e+00 : f32
    %broadcast_in_dim3A_15 = vector.broadcast %broadcast_in_dim3A_14 : f32 to vector<6x64xf32>
    %concatenate3A_16 = tpu.concatenate %broadcast_in_dim3A, %broadcast_in_dim3A_13, %broadcast_in_dim3A_15 in 0 : vector<1x64xf32>, vector<1x64xf32>, vector<6x64xf32> -> vector<8x64xf32>
    %eq3A = arith.constant 0 : i32
    %eq3A_17 = arith.cmpi eq, %arg1, %eq3A : i32
    %convert_element_type3A = arith.extui %eq3A_17 : i1 to i32
    %cond3A = arith.constant 0 : i32
    %cond3A_18 = arith.cmpi ne, %convert_element_type3A, %cond3A : i32
    scf.if %cond3A_18 {
      %swap3A_35 = arith.constant 0 : index
      %swap3A_36 = arith.constant 0 : index
      %swap3A_37 = vector.load %arg5[%swap3A_35, %swap3A_36] : memref<4096x64xf32, #tpu.memory_space<vmem>>, vector<4096x64xf32>
      tpu.vector_store %arg5[%swap3A_35, %swap3A_36], %dot_general3A_9 {strides = array<i32>} : memref<4096x64xf32, #tpu.memory_space<vmem>>, vector<4096x64xf32>,
    } else {
    }
    %gt3A = arith.constant 0 : i32
    %gt3A_19 = arith.cmpi sgt, %arg1, %gt3A : i32
    %convert_element_type3A_20 = arith.extui %gt3A_19 : i1 to i32
    %cond3A_21 = arith.constant 0 : i32
    %cond3A_22 = arith.cmpi ne, %convert_element_type3A_20, %cond3A_21 : i32
    scf.if %cond3A_22 {
      %get3A_35 = arith.constant 0 : index
      %get3A_36 = arith.constant 0 : index
      %get3A_37 = vector.load %arg5[%get3A_35, %get3A_36] : memref<4096x64xf32, #tpu.memory_space<vmem>>, vector<4096x64xf32>
      %max3A = arith.maximumf %get3A_37, %dot_general3A_9 : vector<4096x64xf32>
      %swap3A_38 = arith.constant 0 : index
      %swap3A_39 = arith.constant 0 : index
      %swap3A_40 = vector.load %arg5[%swap3A_38, %swap3A_39] : memref<4096x64xf32, #tpu.memory_space<vmem>>, vector<4096x64xf32>
      tpu.vector_store %arg5[%swap3A_38, %swap3A_39], %max3A {strides = array<i32>} : memref<4096x64xf32, #tpu.memory_space<vmem>>, vector<4096x64xf32>,
    } else {
    }
    %eq3A_23 = arith.constant 0 : i32
    %eq3A_24 = arith.cmpi eq, %arg1, %eq3A_23 : i32
    %eq3A_25 = arith.constant 0 : i32
    %eq3A_26 = arith.cmpi eq, %arg0, %eq3A_25 : i32
    %and3A = arith.andi %eq3A_24, %eq3A_26 : i1
    %convert_element_type3A_27 = arith.extui %and3A : i1 to i32
    %cond3A_28 = arith.constant 0 : i32
    %cond3A_29 = arith.cmpi ne, %convert_element_type3A_27, %cond3A_28 : i32
    scf.if %cond3A_29 {
      %broadcast_in_dim3A_35 = arith.constant 0.000000e+00 : f32
      %broadcast_in_dim3A_36 = vector.broadcast %broadcast_in_dim3A_35 : f32 to vector<8x64xf32>
      %swap3A_37 = arith.constant 0 : index
      %swap3A_38 = arith.constant 0 : index
      %swap3A_39 = vector.load %arg6[%swap3A_37, %swap3A_38] : memref<8x64xf32, #tpu.memory_space<vmem>>, vector<8x64xf32>
      tpu.vector_store %arg6[%swap3A_37, %swap3A_38], %broadcast_in_dim3A_36 {strides = array<i32>} : memref<8x64xf32, #tpu.memory_space<vmem>>, vector<8x64xf32>,
    } else {
    }
    %get3A_30 = arith.constant 0 : index
    %get3A_31 = arith.constant 0 : index
    %get3A_32 = vector.load %arg6[%get3A_30, %get3A_31] : memref<8x64xf32, #tpu.memory_space<vmem>>, vector<8x64xf32>
    %add3A = arith.addf %get3A_32, %concatenate3A_16 : vector<8x64xf32>
    %swap3A = arith.constant 0 : index
    %swap3A_33 = arith.constant 0 : index
    %swap3A_34 = vector.load %arg6[%swap3A, %swap3A_33] : memref<8x64xf32, #tpu.memory_space<vmem>>, vector<8x64xf32>
    tpu.vector_store %arg6[%swap3A, %swap3A_33], %add3A {strides = array<i32>} : memref<8x64xf32, #tpu.memory_space<vmem>>, vector<8x64xf32>,
    return
  }
  func.func @transform_0(%arg0: i32, %arg1: i32) -> (i32, i32) {
    %mul3A = arith.constant 2 : i32
    %mul3A_0 = arith.muli %arg1, %mul3A : i32
    %add3A = arith.addi %mul3A_0, %arg0 : i32
    %c0_i32 = arith.constant 0 : i32
    %c0_i32_1 = arith.constant 0 : i32
    return %add3A, %c0_i32 : i32, i32
  }
  func.func @transform_1(%arg0: i32, %arg1: i32) -> (i32, i32) {
    %add3A = arith.constant 0 : i32
    %add3A_0 = arith.addi %add3A, %arg0 : i32
    %c0_i32 = arith.constant 0 : i32
    %c0_i32_1 = arith.constant 0 : i32
    return %add3A_0, %c0_i32 : i32, i32
  }
  func.func @transform_2(%arg0: i32, %arg1: i32) -> (i32, i32) {
    %c0_i32 = arith.constant 0 : i32
    %c0_i32_0 = arith.constant 0 : i32
    %c0_i32_1 = arith.constant 0 : i32
    return %c0_i32, %c0_i32_0 : i32, i32
  }
  func.func @transform_3(%arg0: i32, %arg1: i32) -> (i32, i32) {
    %c0_i32 = arith.constant 0 : i32
    %c0_i32_0 = arith.constant 0 : i32
    return %arg0, %c0_i32 : i32, i32
  }
  func.func @transform_4(%arg0: i32, %arg1: i32) -> (i32, i32) {
    %c0_i32 = arith.constant 0 : i32
    %c0_i32_0 = arith.constant 0 : i32
    %c0_i32_1 = arith.constant 0 : i32
    return %c0_i32, %c0_i32_0 : i32, i32
  }
}

module attributes {stable_mosaic.version = 14 : i64} {
  func.func @_ymax_body(%arg0: i32, %arg1: i32, %arg2: memref<4096x128xf32, #tpu.memory_space<vmem>>, %arg3: memref<4096x128xf32, #tpu.memory_space<vmem>>, %arg4: memref<256x128xf32, #tpu.memory_space<vmem>>, %arg5: memref<4096x256xf32, #tpu.memory_space<vmem>>, %arg6: memref<8x256xf32, #tpu.memory_space<vmem>>) attributes {dimension_semantics = [#tpu.dimension_semantics<arbitrary>, #tpu.dimension_semantics<arbitrary>], iteration_bounds = array<i64: 2, 20>, scalar_prefetch = 0 : i64, scratch_operands = 0 : i64, tpu.core_type = #tpu.core_type<tc>, window_params = [{transform_indices = @transform_0, window_bounds = array<i64: 4096, 128>}, {transform_indices = @transform_1, window_bounds = array<i64: 4096, 128>}, {pipeline_mode = #tpu.pipeline_mode<synchronous>, transform_indices = @transform_2, window_bounds = array<i64: 256, 128>}, {transform_indices = @transform_3, window_bounds = array<i64: 4096, 256>}, {pipeline_mode = #tpu.pipeline_mode<synchronous>, transform_indices = @transform_4, window_bounds = array<i64: 8, 256>}]} {
    %get3A = arith.constant 0 : index
    %get3A_0 = arith.constant 0 : index
    %get3A_1 = vector.load %arg2[%get3A, %get3A_0] : memref<4096x128xf32, #tpu.memory_space<vmem>>, vector<4096x128xf32>
    %get3A_2 = arith.constant 0 : index
    %get3A_3 = arith.constant 0 : index
    %get3A_4 = vector.load %arg3[%get3A_2, %get3A_3] : memref<4096x128xf32, #tpu.memory_space<vmem>>, vector<4096x128xf32>
    %slice3A = vector.extract_strided_slice %get3A_1 {offsets = [0, 0], sizes = [4096, 64], strides = [1, 1]} : vector<4096x128xf32> to vector<4096x64xf32>
    %slice3A_5 = vector.extract_strided_slice %get3A_4 {offsets = [0, 0], sizes = [4096, 64], strides = [1, 1]} : vector<4096x128xf32> to vector<4096x64xf32>
    %sub3A = arith.subf %slice3A, %slice3A_5 : vector<4096x64xf32>
    %concatenate3A = tpu.concatenate %sub3A, %slice3A_5 in 1 : vector<4096x64xf32>, vector<4096x64xf32> -> vector<4096x128xf32>
    %get3A_6 = arith.constant 0 : index
    %get3A_7 = arith.constant 0 : index
    %get3A_8 = vector.load %arg4[%get3A_6, %get3A_7] : memref<256x128xf32, #tpu.memory_space<vmem>>, vector<256x128xf32>
    %dot_general3A = arith.constant dense<0.000000e+00> : vector<4096x256xf32>
    %dot_general3A_9 = tpu.matmul %concatenate3A, %get3A_8, %dot_general3A {dimension_numbers = #tpu.dot_dimension_numbers<[1], [1], [0], [0], [0, 0, 1, 0], [], []>, transpose_lhs_hint = false} : vector<4096x128xf32>, vector<256x128xf32>, vector<4096x256xf32> -> vector<4096x256xf32>
    %reduce_sum3A = arith.constant dense<0.000000e+00> : vector<256xf32>
    %reduce_sum3A_10 = vector.multi_reduction <add>, %dot_general3A_9, %reduce_sum3A [0] : vector<4096x256xf32> to vector<256xf32>
    %broadcast_in_dim3A = vector.shape_cast %reduce_sum3A_10 : vector<256xf32> to vector<1x256xf32>
    %mul3A = arith.mulf %dot_general3A_9, %dot_general3A_9 : vector<4096x256xf32>
    %reduce_sum3A_11 = arith.constant dense<0.000000e+00> : vector<256xf32>
    %reduce_sum3A_12 = vector.multi_reduction <add>, %mul3A, %reduce_sum3A_11 [0] : vector<4096x256xf32> to vector<256xf32>
    %broadcast_in_dim3A_13 = vector.shape_cast %reduce_sum3A_12 : vector<256xf32> to vector<1x256xf32>
    %broadcast_in_dim3A_14 = arith.constant 0.000000e+00 : f32
    %broadcast_in_dim3A_15 = vector.broadcast %broadcast_in_dim3A_14 : f32 to vector<6x256xf32>
    %concatenate3A_16 = tpu.concatenate %broadcast_in_dim3A, %broadcast_in_dim3A_13, %broadcast_in_dim3A_15 in 0 : vector<1x256xf32>, vector<1x256xf32>, vector<6x256xf32> -> vector<8x256xf32>
    %eq3A = arith.constant 0 : i32
    %eq3A_17 = arith.cmpi eq, %arg1, %eq3A : i32
    %convert_element_type3A = arith.extui %eq3A_17 : i1 to i32
    %cond3A = arith.constant 0 : i32
    %cond3A_18 = arith.cmpi ne, %convert_element_type3A, %cond3A : i32
    scf.if %cond3A_18 {
      %swap3A_35 = arith.constant 0 : index
      %swap3A_36 = arith.constant 0 : index
      %swap3A_37 = vector.load %arg5[%swap3A_35, %swap3A_36] : memref<4096x256xf32, #tpu.memory_space<vmem>>, vector<4096x256xf32>
      tpu.vector_store %arg5[%swap3A_35, %swap3A_36], %dot_general3A_9 {strides = array<i32>} : memref<4096x256xf32, #tpu.memory_space<vmem>>, vector<4096x256xf32>,
    } else {
    }
    %gt3A = arith.constant 0 : i32
    %gt3A_19 = arith.cmpi sgt, %arg1, %gt3A : i32
    %convert_element_type3A_20 = arith.extui %gt3A_19 : i1 to i32
    %cond3A_21 = arith.constant 0 : i32
    %cond3A_22 = arith.cmpi ne, %convert_element_type3A_20, %cond3A_21 : i32
    scf.if %cond3A_22 {
      %get3A_35 = arith.constant 0 : index
      %get3A_36 = arith.constant 0 : index
      %get3A_37 = vector.load %arg5[%get3A_35, %get3A_36] : memref<4096x256xf32, #tpu.memory_space<vmem>>, vector<4096x256xf32>
      %max3A = arith.maximumf %get3A_37, %dot_general3A_9 : vector<4096x256xf32>
      %swap3A_38 = arith.constant 0 : index
      %swap3A_39 = arith.constant 0 : index
      %swap3A_40 = vector.load %arg5[%swap3A_38, %swap3A_39] : memref<4096x256xf32, #tpu.memory_space<vmem>>, vector<4096x256xf32>
      tpu.vector_store %arg5[%swap3A_38, %swap3A_39], %max3A {strides = array<i32>} : memref<4096x256xf32, #tpu.memory_space<vmem>>, vector<4096x256xf32>,
    } else {
    }
    %eq3A_23 = arith.constant 0 : i32
    %eq3A_24 = arith.cmpi eq, %arg1, %eq3A_23 : i32
    %eq3A_25 = arith.constant 0 : i32
    %eq3A_26 = arith.cmpi eq, %arg0, %eq3A_25 : i32
    %and3A = arith.andi %eq3A_24, %eq3A_26 : i1
    %convert_element_type3A_27 = arith.extui %and3A : i1 to i32
    %cond3A_28 = arith.constant 0 : i32
    %cond3A_29 = arith.cmpi ne, %convert_element_type3A_27, %cond3A_28 : i32
    scf.if %cond3A_29 {
      %broadcast_in_dim3A_35 = arith.constant 0.000000e+00 : f32
      %broadcast_in_dim3A_36 = vector.broadcast %broadcast_in_dim3A_35 : f32 to vector<8x256xf32>
      %swap3A_37 = arith.constant 0 : index
      %swap3A_38 = arith.constant 0 : index
      %swap3A_39 = vector.load %arg6[%swap3A_37, %swap3A_38] : memref<8x256xf32, #tpu.memory_space<vmem>>, vector<8x256xf32>
      tpu.vector_store %arg6[%swap3A_37, %swap3A_38], %broadcast_in_dim3A_36 {strides = array<i32>} : memref<8x256xf32, #tpu.memory_space<vmem>>, vector<8x256xf32>,
    } else {
    }
    %get3A_30 = arith.constant 0 : index
    %get3A_31 = arith.constant 0 : index
    %get3A_32 = vector.load %arg6[%get3A_30, %get3A_31] : memref<8x256xf32, #tpu.memory_space<vmem>>, vector<8x256xf32>
    %add3A = arith.addf %get3A_32, %concatenate3A_16 : vector<8x256xf32>
    %swap3A = arith.constant 0 : index
    %swap3A_33 = arith.constant 0 : index
    %swap3A_34 = vector.load %arg6[%swap3A, %swap3A_33] : memref<8x256xf32, #tpu.memory_space<vmem>>, vector<8x256xf32>
    tpu.vector_store %arg6[%swap3A, %swap3A_33], %add3A {strides = array<i32>} : memref<8x256xf32, #tpu.memory_space<vmem>>, vector<8x256xf32>,
    return
  }
  func.func @transform_0(%arg0: i32, %arg1: i32) -> (i32, i32) {
    %mul3A = arith.constant 2 : i32
    %mul3A_0 = arith.muli %arg1, %mul3A : i32
    %add3A = arith.addi %mul3A_0, %arg0 : i32
    %c0_i32 = arith.constant 0 : i32
    %c0_i32_1 = arith.constant 0 : i32
    return %add3A, %c0_i32 : i32, i32
  }
  func.func @transform_1(%arg0: i32, %arg1: i32) -> (i32, i32) {
    %add3A = arith.constant 2 : i32
    %add3A_0 = arith.addi %add3A, %arg0 : i32
    %c0_i32 = arith.constant 0 : i32
    %c0_i32_1 = arith.constant 0 : i32
    return %add3A_0, %c0_i32 : i32, i32
  }
  func.func @transform_2(%arg0: i32, %arg1: i32) -> (i32, i32) {
    %c0_i32 = arith.constant 0 : i32
    %c0_i32_0 = arith.constant 0 : i32
    %c0_i32_1 = arith.constant 0 : i32
    return %c0_i32, %c0_i32_0 : i32, i32
  }
  func.func @transform_3(%arg0: i32, %arg1: i32) -> (i32, i32) {
    %c0_i32 = arith.constant 0 : i32
    %c0_i32_0 = arith.constant 0 : i32
    return %arg0, %c0_i32 : i32, i32
  }
  func.func @transform_4(%arg0: i32, %arg1: i32) -> (i32, i32) {
    %c0_i32 = arith.constant 0 : i32
    %c0_i32_0 = arith.constant 0 : i32
    %c0_i32_1 = arith.constant 0 : i32
    return %c0_i32, %c0_i32_0 : i32, i32
  }
}

module attributes {stable_mosaic.version = 14 : i64} {
  func.func @_ymax_body(%arg0: i32, %arg1: i32, %arg2: memref<4096x128xf32, #tpu.memory_space<vmem>>, %arg3: memref<4096x128xf32, #tpu.memory_space<vmem>>, %arg4: memref<256x128xf32, #tpu.memory_space<vmem>>, %arg5: memref<4096x256xf32, #tpu.memory_space<vmem>>, %arg6: memref<8x256xf32, #tpu.memory_space<vmem>>) attributes {dimension_semantics = [#tpu.dimension_semantics<arbitrary>, #tpu.dimension_semantics<arbitrary>], iteration_bounds = array<i64: 2, 20>, scalar_prefetch = 0 : i64, scratch_operands = 0 : i64, tpu.core_type = #tpu.core_type<tc>, window_params = [{transform_indices = @transform_0, window_bounds = array<i64: 4096, 128>}, {transform_indices = @transform_1, window_bounds = array<i64: 4096, 128>}, {pipeline_mode = #tpu.pipeline_mode<synchronous>, transform_indices = @transform_2, window_bounds = array<i64: 256, 128>}, {transform_indices = @transform_3, window_bounds = array<i64: 4096, 256>}, {pipeline_mode = #tpu.pipeline_mode<synchronous>, transform_indices = @transform_4, window_bounds = array<i64: 8, 256>}]} {
    %get3A = arith.constant 0 : index
    %get3A_0 = arith.constant 0 : index
    %get3A_1 = vector.load %arg2[%get3A, %get3A_0] : memref<4096x128xf32, #tpu.memory_space<vmem>>, vector<4096x128xf32>
    %get3A_2 = arith.constant 0 : index
    %get3A_3 = arith.constant 0 : index
    %get3A_4 = vector.load %arg3[%get3A_2, %get3A_3] : memref<4096x128xf32, #tpu.memory_space<vmem>>, vector<4096x128xf32>
    %slice3A = vector.extract_strided_slice %get3A_1 {offsets = [0, 0], sizes = [4096, 64], strides = [1, 1]} : vector<4096x128xf32> to vector<4096x64xf32>
    %slice3A_5 = vector.extract_strided_slice %get3A_4 {offsets = [0, 0], sizes = [4096, 64], strides = [1, 1]} : vector<4096x128xf32> to vector<4096x64xf32>
    %sub3A = arith.subf %slice3A, %slice3A_5 : vector<4096x64xf32>
    %concatenate3A = tpu.concatenate %sub3A, %slice3A_5 in 1 : vector<4096x64xf32>, vector<4096x64xf32> -> vector<4096x128xf32>
    %get3A_6 = arith.constant 0 : index
    %get3A_7 = arith.constant 0 : index
    %get3A_8 = vector.load %arg4[%get3A_6, %get3A_7] : memref<256x128xf32, #tpu.memory_space<vmem>>, vector<256x128xf32>
    %dot_general3A = arith.constant dense<0.000000e+00> : vector<4096x256xf32>
    %dot_general3A_9 = tpu.matmul %concatenate3A, %get3A_8, %dot_general3A {dimension_numbers = #tpu.dot_dimension_numbers<[1], [1], [0], [0], [0, 0, 1, 0], [], []>, transpose_lhs_hint = false} : vector<4096x128xf32>, vector<256x128xf32>, vector<4096x256xf32> -> vector<4096x256xf32>
    %reduce_sum3A = arith.constant dense<0.000000e+00> : vector<256xf32>
    %reduce_sum3A_10 = vector.multi_reduction <add>, %dot_general3A_9, %reduce_sum3A [0] : vector<4096x256xf32> to vector<256xf32>
    %broadcast_in_dim3A = vector.shape_cast %reduce_sum3A_10 : vector<256xf32> to vector<1x256xf32>
    %mul3A = arith.mulf %dot_general3A_9, %dot_general3A_9 : vector<4096x256xf32>
    %reduce_sum3A_11 = arith.constant dense<0.000000e+00> : vector<256xf32>
    %reduce_sum3A_12 = vector.multi_reduction <add>, %mul3A, %reduce_sum3A_11 [0] : vector<4096x256xf32> to vector<256xf32>
    %broadcast_in_dim3A_13 = vector.shape_cast %reduce_sum3A_12 : vector<256xf32> to vector<1x256xf32>
    %broadcast_in_dim3A_14 = arith.constant 0.000000e+00 : f32
    %broadcast_in_dim3A_15 = vector.broadcast %broadcast_in_dim3A_14 : f32 to vector<6x256xf32>
    %concatenate3A_16 = tpu.concatenate %broadcast_in_dim3A, %broadcast_in_dim3A_13, %broadcast_in_dim3A_15 in 0 : vector<1x256xf32>, vector<1x256xf32>, vector<6x256xf32> -> vector<8x256xf32>
    %eq3A = arith.constant 0 : i32
    %eq3A_17 = arith.cmpi eq, %arg1, %eq3A : i32
    %convert_element_type3A = arith.extui %eq3A_17 : i1 to i32
    %cond3A = arith.constant 0 : i32
    %cond3A_18 = arith.cmpi ne, %convert_element_type3A, %cond3A : i32
    scf.if %cond3A_18 {
      %swap3A_35 = arith.constant 0 : index
      %swap3A_36 = arith.constant 0 : index
      %swap3A_37 = vector.load %arg5[%swap3A_35, %swap3A_36] : memref<4096x256xf32, #tpu.memory_space<vmem>>, vector<4096x256xf32>
      tpu.vector_store %arg5[%swap3A_35, %swap3A_36], %dot_general3A_9 {strides = array<i32>} : memref<4096x256xf32, #tpu.memory_space<vmem>>, vector<4096x256xf32>,
    } else {
    }
    %gt3A = arith.constant 0 : i32
    %gt3A_19 = arith.cmpi sgt, %arg1, %gt3A : i32
    %convert_element_type3A_20 = arith.extui %gt3A_19 : i1 to i32
    %cond3A_21 = arith.constant 0 : i32
    %cond3A_22 = arith.cmpi ne, %convert_element_type3A_20, %cond3A_21 : i32
    scf.if %cond3A_22 {
      %get3A_35 = arith.constant 0 : index
      %get3A_36 = arith.constant 0 : index
      %get3A_37 = vector.load %arg5[%get3A_35, %get3A_36] : memref<4096x256xf32, #tpu.memory_space<vmem>>, vector<4096x256xf32>
      %max3A = arith.maximumf %get3A_37, %dot_general3A_9 : vector<4096x256xf32>
      %swap3A_38 = arith.constant 0 : index
      %swap3A_39 = arith.constant 0 : index
      %swap3A_40 = vector.load %arg5[%swap3A_38, %swap3A_39] : memref<4096x256xf32, #tpu.memory_space<vmem>>, vector<4096x256xf32>
      tpu.vector_store %arg5[%swap3A_38, %swap3A_39], %max3A {strides = array<i32>} : memref<4096x256xf32, #tpu.memory_space<vmem>>, vector<4096x256xf32>,
    } else {
    }
    %eq3A_23 = arith.constant 0 : i32
    %eq3A_24 = arith.cmpi eq, %arg1, %eq3A_23 : i32
    %eq3A_25 = arith.constant 0 : i32
    %eq3A_26 = arith.cmpi eq, %arg0, %eq3A_25 : i32
    %and3A = arith.andi %eq3A_24, %eq3A_26 : i1
    %convert_element_type3A_27 = arith.extui %and3A : i1 to i32
    %cond3A_28 = arith.constant 0 : i32
    %cond3A_29 = arith.cmpi ne, %convert_element_type3A_27, %cond3A_28 : i32
    scf.if %cond3A_29 {
      %broadcast_in_dim3A_35 = arith.constant 0.000000e+00 : f32
      %broadcast_in_dim3A_36 = vector.broadcast %broadcast_in_dim3A_35 : f32 to vector<8x256xf32>
      %swap3A_37 = arith.constant 0 : index
      %swap3A_38 = arith.constant 0 : index
      %swap3A_39 = vector.load %arg6[%swap3A_37, %swap3A_38] : memref<8x256xf32, #tpu.memory_space<vmem>>, vector<8x256xf32>
      tpu.vector_store %arg6[%swap3A_37, %swap3A_38], %broadcast_in_dim3A_36 {strides = array<i32>} : memref<8x256xf32, #tpu.memory_space<vmem>>, vector<8x256xf32>,
    } else {
    }
    %get3A_30 = arith.constant 0 : index
    %get3A_31 = arith.constant 0 : index
    %get3A_32 = vector.load %arg6[%get3A_30, %get3A_31] : memref<8x256xf32, #tpu.memory_space<vmem>>, vector<8x256xf32>
    %add3A = arith.addf %get3A_32, %concatenate3A_16 : vector<8x256xf32>
    %swap3A = arith.constant 0 : index
    %swap3A_33 = arith.constant 0 : index
    %swap3A_34 = vector.load %arg6[%swap3A, %swap3A_33] : memref<8x256xf32, #tpu.memory_space<vmem>>, vector<8x256xf32>
    tpu.vector_store %arg6[%swap3A, %swap3A_33], %add3A {strides = array<i32>} : memref<8x256xf32, #tpu.memory_space<vmem>>, vector<8x256xf32>,
    return
  }
  func.func @transform_0(%arg0: i32, %arg1: i32) -> (i32, i32) {
    %mul3A = arith.constant 2 : i32
    %mul3A_0 = arith.muli %arg1, %mul3A : i32
    %add3A = arith.addi %mul3A_0, %arg0 : i32
    %c0_i32 = arith.constant 0 : i32
    %c0_i32_1 = arith.constant 0 : i32
    return %add3A, %c0_i32 : i32, i32
  }
  func.func @transform_1(%arg0: i32, %arg1: i32) -> (i32, i32) {
    %add3A = arith.constant 0 : i32
    %add3A_0 = arith.addi %add3A, %arg0 : i32
    %c0_i32 = arith.constant 0 : i32
    %c0_i32_1 = arith.constant 0 : i32
    return %add3A_0, %c0_i32 : i32, i32
  }
  func.func @transform_2(%arg0: i32, %arg1: i32) -> (i32, i32) {
    %c0_i32 = arith.constant 0 : i32
    %c0_i32_0 = arith.constant 0 : i32
    %c0_i32_1 = arith.constant 0 : i32
    return %c0_i32, %c0_i32_0 : i32, i32
  }
  func.func @transform_3(%arg0: i32, %arg1: i32) -> (i32, i32) {
    %c0_i32 = arith.constant 0 : i32
    %c0_i32_0 = arith.constant 0 : i32
    return %arg0, %c0_i32 : i32, i32
  }
  func.func @transform_4(%arg0: i32, %arg1: i32) -> (i32, i32) {
    %c0_i32 = arith.constant 0 : i32
    %c0_i32_0 = arith.constant 0 : i32
    %c0_i32_1 = arith.constant 0 : i32
    return %c0_i32, %c0_i32_0 : i32, i32
  }
}

module attributes {stable_mosaic.version = 14 : i64} {
  func.func @_bnapply_body(%arg0: i32, %arg1: memref<2048x256xf32, #tpu.memory_space<vmem>>, %arg2: memref<8x256xf32, #tpu.memory_space<vmem>>, %arg3: memref<8x256xf32, #tpu.memory_space<vmem>>, %arg4: memref<1x256xf32, #tpu.memory_space<vmem>>, %arg5: memref<1x256xf32, #tpu.memory_space<vmem>>, %arg6: memref<2048x256xf32, #tpu.memory_space<vmem>>) attributes {dimension_semantics = [#tpu.dimension_semantics<arbitrary>], iteration_bounds = array<i64: 8>, scalar_prefetch = 0 : i64, scratch_operands = 0 : i64, tpu.core_type = #tpu.core_type<tc>, window_params = [{transform_indices = @transform_0, window_bounds = array<i64: 2048, 256>}, {pipeline_mode = #tpu.pipeline_mode<synchronous>, transform_indices = @transform_1, window_bounds = array<i64: 8, 256>}, {pipeline_mode = #tpu.pipeline_mode<synchronous>, transform_indices = @transform_2, window_bounds = array<i64: 8, 256>}, {pipeline_mode = #tpu.pipeline_mode<synchronous>, transform_indices = @transform_3, window_bounds = array<i64: 1, 256>}, {pipeline_mode = #tpu.pipeline_mode<synchronous>, transform_indices = @transform_4, window_bounds = array<i64: 1, 256>}, {transform_indices = @transform_5, window_bounds = array<i64: 2048, 256>}]} {
    %get3A = arith.constant 0 : index
    %get3A_0 = arith.constant 0 : index
    %get3A_1 = vector.load %arg2[%get3A, %get3A_0] : memref<8x256xf32, #tpu.memory_space<vmem>>, vector<8x256xf32>
    %get3A_2 = arith.constant 0 : index
    %get3A_3 = arith.constant 0 : index
    %get3A_4 = vector.load %arg3[%get3A_2, %get3A_3] : memref<8x256xf32, #tpu.memory_space<vmem>>, vector<8x256xf32>
    %add3A = arith.addf %get3A_1, %get3A_4 : vector<8x256xf32>
    %slice3A = vector.extract_strided_slice %add3A {offsets = [0, 0], sizes = [1, 256], strides = [1, 1]} : vector<8x256xf32> to vector<1x256xf32>
    %mul3A = arith.constant 3.05175786E-6 : f32
    %mul3A_5 = vector.broadcast %mul3A : f32 to vector<1x256xf32>
    %mul3A_6 = arith.mulf %slice3A, %mul3A_5 : vector<1x256xf32>
    %slice3A_7 = vector.extract_strided_slice %add3A {offsets = [1, 0], sizes = [1, 256], strides = [1, 1]} : vector<8x256xf32> to vector<1x256xf32>
    %mul3A_8 = arith.constant 3.05175786E-6 : f32
    %mul3A_9 = vector.broadcast %mul3A_8 : f32 to vector<1x256xf32>
    %mul3A_10 = arith.mulf %slice3A_7, %mul3A_9 : vector<1x256xf32>
    %mul3A_11 = arith.mulf %mul3A_6, %mul3A_6 : vector<1x256xf32>
    %sub3A = arith.subf %mul3A_10, %mul3A_11 : vector<1x256xf32>
    %get3A_12 = arith.constant 0 : index
    %get3A_13 = arith.constant 0 : index
    %get3A_14 = vector.load %arg1[%get3A_12, %get3A_13] : memref<2048x256xf32, #tpu.memory_space<vmem>>, vector<2048x256xf32>
    %sub3A_15 = vector.broadcast %mul3A_6 : vector<1x256xf32> to vector<2048x256xf32>
    %sub3A_16 = arith.subf %get3A_14, %sub3A_15 : vector<2048x256xf32>
    %add3A_17 = arith.constant 9.99999974E-6 : f32
    %add3A_18 = vector.broadcast %add3A_17 : f32 to vector<1x256xf32>
    %add3A_19 = arith.addf %sub3A, %add3A_18 : vector<1x256xf32>
    %sqrt3A = math.sqrt %add3A_19 : vector<1x256xf32>
    %div3A = vector.broadcast %sqrt3A : vector<1x256xf32> to vector<2048x256xf32>
    %div3A_20 = arith.divf %sub3A_16, %div3A : vector<2048x256xf32>
    %get3A_21 = arith.constant 0 : index
    %get3A_22 = arith.constant 0 : index
    %get3A_23 = vector.load %arg4[%get3A_21, %get3A_22] : memref<1x256xf32, #tpu.memory_space<vmem>>, vector<1x256xf32>
    %mul3A_24 = vector.broadcast %get3A_23 : vector<1x256xf32> to vector<2048x256xf32>
    %mul3A_25 = arith.mulf %div3A_20, %mul3A_24 : vector<2048x256xf32>
    %get3A_26 = arith.constant 0 : index
    %get3A_27 = arith.constant 0 : index
    %get3A_28 = vector.load %arg5[%get3A_26, %get3A_27] : memref<1x256xf32, #tpu.memory_space<vmem>>, vector<1x256xf32>
    %add3A_29 = vector.broadcast %get3A_28 : vector<1x256xf32> to vector<2048x256xf32>
    %add3A_30 = arith.addf %mul3A_25, %add3A_29 : vector<2048x256xf32>
    %ge3A = arith.constant 0.000000e+00 : f32
    %ge3A_31 = vector.broadcast %ge3A : f32 to vector<2048x256xf32>
    %ge3A_32 = arith.cmpf oge, %add3A_30, %ge3A_31 : vector<2048x256xf32>
    %mul3A_33 = arith.constant 2.000000e-01 : f32
    %mul3A_34 = vector.broadcast %mul3A_33 : f32 to vector<2048x256xf32>
    %mul3A_35 = arith.mulf %mul3A_34, %add3A_30 : vector<2048x256xf32>
    %select_n3A = arith.select %ge3A_32, %add3A_30, %mul3A_35 : vector<2048x256xi1>, vector<2048x256xf32>
    %swap3A = arith.constant 0 : index
    %swap3A_36 = arith.constant 0 : index
    %swap3A_37 = vector.load %arg6[%swap3A, %swap3A_36] : memref<2048x256xf32, #tpu.memory_space<vmem>>, vector<2048x256xf32>
    tpu.vector_store %arg6[%swap3A, %swap3A_36], %select_n3A {strides = array<i32>} : memref<2048x256xf32, #tpu.memory_space<vmem>>, vector<2048x256xf32>,
    return
  }
  func.func @transform_0(%arg0: i32) -> (i32, i32) {
    %c0_i32 = arith.constant 0 : i32
    %c0_i32_0 = arith.constant 0 : i32
    return %arg0, %c0_i32 : i32, i32
  }
  func.func @transform_1(%arg0: i32) -> (i32, i32) {
    %c0_i32 = arith.constant 0 : i32
    %c0_i32_0 = arith.constant 0 : i32
    %c0_i32_1 = arith.constant 0 : i32
    return %c0_i32, %c0_i32_0 : i32, i32
  }
  func.func @transform_2(%arg0: i32) -> (i32, i32) {
    %c0_i32 = arith.constant 0 : i32
    %c0_i32_0 = arith.constant 0 : i32
    %c0_i32_1 = arith.constant 0 : i32
    return %c0_i32, %c0_i32_0 : i32, i32
  }
  func.func @transform_3(%arg0: i32) -> (i32, i32) {
    %c0_i32 = arith.constant 0 : i32
    %c0_i32_0 = arith.constant 0 : i32
    %c0_i32_1 = arith.constant 0 : i32
    return %c0_i32, %c0_i32_0 : i32, i32
  }
  func.func @transform_4(%arg0: i32) -> (i32, i32) {
    %c0_i32 = arith.constant 0 : i32
    %c0_i32_0 = arith.constant 0 : i32
    %c0_i32_1 = arith.constant 0 : i32
    return %c0_i32, %c0_i32_0 : i32, i32
  }
  func.func @transform_5(%arg0: i32) -> (i32, i32) {
    %c0_i32 = arith.constant 0 : i32
    %c0_i32_0 = arith.constant 0 : i32
    return %arg0, %c0_i32 : i32, i32
  }
}

module attributes {stable_mosaic.version = 14 : i64} {
  func.func @_f4_body(%arg0: i32, %arg1: i32, %arg2: memref<512x128xf32, #tpu.memory_space<vmem>>, %arg3: memref<512x128xf32, #tpu.memory_space<vmem>>, %arg4: memref<512x256xf32, #tpu.memory_space<vmem>>, %arg5: memref<512x384xf32, #tpu.memory_space<vmem>>, %arg6: memref<8x512xf32, #tpu.memory_space<vmem>>, %arg7: memref<8x512xf32, #tpu.memory_space<vmem>>) attributes {dimension_semantics = [#tpu.dimension_semantics<arbitrary>, #tpu.dimension_semantics<arbitrary>], iteration_bounds = array<i64: 8, 4>, scalar_prefetch = 0 : i64, scratch_operands = 0 : i64, tpu.core_type = #tpu.core_type<tc>, window_params = [{transform_indices = @transform_0, window_bounds = array<i64: 512, 128>}, {transform_indices = @transform_1, window_bounds = array<i64: 512, 128>}, {transform_indices = @transform_2, window_bounds = array<i64: 512, 256>}, {pipeline_mode = #tpu.pipeline_mode<synchronous>, transform_indices = @transform_3, window_bounds = array<i64: 512, 384>}, {pipeline_mode = #tpu.pipeline_mode<synchronous>, transform_indices = @transform_4, window_bounds = array<i64: 8, 512>}, {pipeline_mode = #tpu.pipeline_mode<synchronous>, transform_indices = @transform_5, window_bounds = array<i64: 8, 512>}]} {
    %get3A = arith.constant 0 : index
    %get3A_0 = arith.constant 0 : index
    %get3A_1 = vector.load %arg2[%get3A, %get3A_0] : memref<512x128xf32, #tpu.memory_space<vmem>>, vector<512x64xf32>
    %get3A_2 = arith.constant 0 : index
    %get3A_3 = arith.constant 0 : index
    %get3A_4 = vector.load %arg3[%get3A_2, %get3A_3] : memref<512x128xf32, #tpu.memory_space<vmem>>, vector<512x64xf32>
    %get3A_5 = arith.constant 0 : index
    %get3A_6 = arith.constant 0 : index
    %get3A_7 = vector.load %arg4[%get3A_5, %get3A_6] : memref<512x256xf32, #tpu.memory_space<vmem>>, vector<512x256xf32>
    %concatenate3A = tpu.concatenate %get3A_1, %get3A_4, %get3A_7 in 1 : vector<512x64xf32>, vector<512x64xf32>, vector<512x256xf32> -> vector<512x384xf32>
    %get3A_8 = arith.constant 0 : index
    %get3A_9 = arith.constant 0 : index
    %get3A_10 = vector.load %arg5[%get3A_8, %get3A_9] : memref<512x384xf32, #tpu.memory_space<vmem>>, vector<512x384xf32>
    %dot_general3A = arith.constant dense<0.000000e+00> : vector<512x512xf32>
    %dot_general3A_11 = tpu.matmul %concatenate3A, %get3A_10, %dot_general3A {dimension_numbers = #tpu.dot_dimension_numbers<[1], [1], [0], [0], [0, 0, 1, 0], [], []>, transpose_lhs_hint = false} : vector<512x384xf32>, vector<512x384xf32>, vector<512x512xf32> -> vector<512x512xf32>
    %reduce_sum3A = arith.constant dense<0.000000e+00> : vector<512xf32>
    %reduce_sum3A_12 = vector.multi_reduction <add>, %dot_general3A_11, %reduce_sum3A [0] : vector<512x512xf32> to vector<512xf32>
    %broadcast_in_dim3A = vector.shape_cast %reduce_sum3A_12 : vector<512xf32> to vector<1x512xf32>
    %mul3A = arith.mulf %dot_general3A_11, %dot_general3A_11 : vector<512x512xf32>
    %reduce_sum3A_13 = arith.constant dense<0.000000e+00> : vector<512xf32>
    %reduce_sum3A_14 = vector.multi_reduction <add>, %mul3A, %reduce_sum3A_13 [0] : vector<512x512xf32> to vector<512xf32>
    %broadcast_in_dim3A_15 = vector.shape_cast %reduce_sum3A_14 : vector<512xf32> to vector<1x512xf32>
    %reduce_max3A = arith.constant dense<0xFF800000> : vector<512xf32>
    %reduce_max3A_16 = vector.multi_reduction <maximumf>, %dot_general3A_11, %reduce_max3A [0] : vector<512x512xf32> to vector<512xf32>
    %broadcast_in_dim3A_17 = vector.shape_cast %reduce_max3A_16 : vector<512xf32> to vector<1x512xf32>
    %eq3A = arith.constant 0 : i32
    %eq3A_18 = arith.cmpi eq, %arg0, %eq3A : i32
    %eq3A_19 = arith.constant 0 : i32
    %eq3A_20 = arith.cmpi eq, %arg1, %eq3A_19 : i32
    %and3A = arith.andi %eq3A_18, %eq3A_20 : i1
    %convert_element_type3A = arith.extui %and3A : i1 to i32
    %cond3A = arith.constant 0 : i32
    %cond3A_21 = arith.cmpi ne, %convert_element_type3A, %cond3A : i32
    scf.if %cond3A_21 {
      %broadcast_in_dim3A_36 = arith.constant 0.000000e+00 : f32
      %broadcast_in_dim3A_37 = vector.broadcast %broadcast_in_dim3A_36 : f32 to vector<8x512xf32>
      %swap3A_38 = arith.constant 0 : index
      %swap3A_39 = arith.constant 0 : index
      %swap3A_40 = vector.load %arg6[%swap3A_38, %swap3A_39] : memref<8x512xf32, #tpu.memory_space<vmem>>, vector<8x512xf32>
      tpu.vector_store %arg6[%swap3A_38, %swap3A_39], %broadcast_in_dim3A_37 {strides = array<i32>} : memref<8x512xf32, #tpu.memory_space<vmem>>, vector<8x512xf32>,
      %broadcast_in_dim3A_41 = arith.constant 0xFF800000 : f32
      %broadcast_in_dim3A_42 = vector.broadcast %broadcast_in_dim3A_41 : f32 to vector<8x512xf32>
      %swap3A_43 = arith.constant 0 : index
      %swap3A_44 = arith.constant 0 : index
      %swap3A_45 = vector.load %arg7[%swap3A_43, %swap3A_44] : memref<8x512xf32, #tpu.memory_space<vmem>>, vector<8x512xf32>
      tpu.vector_store %arg7[%swap3A_43, %swap3A_44], %broadcast_in_dim3A_42 {strides = array<i32>} : memref<8x512xf32, #tpu.memory_space<vmem>>, vector<8x512xf32>,
    } else {
    }
    %get3A_22 = arith.constant 0 : index
    %get3A_23 = arith.constant 0 : index
    %get3A_24 = vector.load %arg6[%get3A_22, %get3A_23] : memref<8x512xf32, #tpu.memory_space<vmem>>, vector<8x512xf32>
    %broadcast_in_dim3A_25 = arith.constant 0.000000e+00 : f32
    %broadcast_in_dim3A_26 = vector.broadcast %broadcast_in_dim3A_25 : f32 to vector<6x512xf32>
    %concatenate3A_27 = tpu.concatenate %broadcast_in_dim3A, %broadcast_in_dim3A_15, %broadcast_in_dim3A_26 in 0 : vector<1x512xf32>, vector<1x512xf32>, vector<6x512xf32> -> vector<8x512xf32>
    %add3A = arith.addf %get3A_24, %concatenate3A_27 : vector<8x512xf32>
    %swap3A = arith.constant 0 : index
    %swap3A_28 = arith.constant 0 : index
    %swap3A_29 = vector.load %arg6[%swap3A, %swap3A_28] : memref<8x512xf32, #tpu.memory_space<vmem>>, vector<8x512xf32>
    tpu.vector_store %arg6[%swap3A, %swap3A_28], %add3A {strides = array<i32>} : memref<8x512xf32, #tpu.memory_space<vmem>>, vector<8x512xf32>,
    %get3A_30 = arith.index_cast %arg0 : i32 to index
    %get3A_31 = arith.constant 0 : index
    %get3A_32 = vector.load %arg7[%get3A_30, %get3A_31] : memref<8x512xf32, #tpu.memory_space<vmem>>, vector<1x512xf32>
    %max3A = arith.maximumf %get3A_32, %broadcast_in_dim3A_17 : vector<1x512xf32>
    %swap3A_33 = arith.index_cast %arg0 : i32 to index
    %swap3A_34 = arith.constant 0 : index
    %swap3A_35 = vector.load %arg7[%swap3A_33, %swap3A_34] : memref<8x512xf32, #tpu.memory_space<vmem>>, vector<1x512xf32>
    tpu.vector_store %arg7[%swap3A_33, %swap3A_34], %max3A {strides = array<i32>} : memref<8x512xf32, #tpu.memory_space<vmem>>, vector<1x512xf32>,
    return
  }
  func.func @transform_0(%arg0: i32, %arg1: i32) -> (i32, i32) {
    %mul3A = arith.constant 4 : i32
    %mul3A_0 = arith.muli %arg0, %mul3A : i32
    %add3A = arith.addi %mul3A_0, %arg1 : i32
    %c0_i32 = arith.constant 0 : i32
    %c0_i32_1 = arith.constant 0 : i32
    return %add3A, %c0_i32 : i32, i32
  }
  func.func @transform_1(%arg0: i32, %arg1: i32) -> (i32, i32) {
    %mul3A = arith.constant 4 : i32
    %mul3A_0 = arith.muli %arg0, %mul3A : i32
    %add3A = arith.addi %mul3A_0, %arg1 : i32
    %c0_i32 = arith.constant 0 : i32
    %c0_i32_1 = arith.constant 0 : i32
    return %add3A, %c0_i32 : i32, i32
  }
  func.func @transform_2(%arg0: i32, %arg1: i32) -> (i32, i32) {
    %mul3A = arith.constant 4 : i32
    %mul3A_0 = arith.muli %arg0, %mul3A : i32
    %add3A = arith.addi %mul3A_0, %arg1 : i32
    %c0_i32 = arith.constant 0 : i32
    %c0_i32_1 = arith.constant 0 : i32
    return %add3A, %c0_i32 : i32, i32
  }
  func.func @transform_3(%arg0: i32, %arg1: i32) -> (i32, i32) {
    %c0_i32 = arith.constant 0 : i32
    %c0_i32_0 = arith.constant 0 : i32
    %c0_i32_1 = arith.constant 0 : i32
    return %c0_i32, %c0_i32_0 : i32, i32
  }
  func.func @transform_4(%arg0: i32, %arg1: i32) -> (i32, i32) {
    %c0_i32 = arith.constant 0 : i32
    %c0_i32_0 = arith.constant 0 : i32
    %c0_i32_1 = arith.constant 0 : i32
    return %c0_i32, %c0_i32_0 : i32, i32
  }
  func.func @transform_5(%arg0: i32, %arg1: i32) -> (i32, i32) {
    %c0_i32 = arith.constant 0 : i32
    %c0_i32_0 = arith.constant 0 : i32
    %c0_i32_1 = arith.constant 0 : i32
    return %c0_i32, %c0_i32_0 : i32, i32
  }
}

module attributes {stable_mosaic.version = 14 : i64} {
  func.func @_f4fin_body(%arg0: memref<8x512xf32, #tpu.memory_space<vmem>>, %arg1: memref<8x512xf32, #tpu.memory_space<vmem>>, %arg2: memref<1x512xf32, #tpu.memory_space<vmem>>, %arg3: memref<1x512xf32, #tpu.memory_space<vmem>>, %arg4: memref<256x512xf32, #tpu.memory_space<vmem>>, %arg5: memref<8x256xf32, #tpu.memory_space<vmem>>) attributes {dimension_semantics = [], scalar_prefetch = 0 : i64, scratch_operands = 0 : i64, tpu.core_type = #tpu.core_type<tc>} {
    %get3A = arith.constant 0 : index
    %get3A_0 = arith.constant 0 : index
    %get3A_1 = vector.load %arg0[%get3A, %get3A_0] : memref<8x512xf32, #tpu.memory_space<vmem>>, vector<1x512xf32>
    %mul3A = arith.constant 6.10351563E-5 : f32
    %mul3A_2 = vector.broadcast %mul3A : f32 to vector<1x512xf32>
    %mul3A_3 = arith.mulf %get3A_1, %mul3A_2 : vector<1x512xf32>
    %get3A_4 = arith.constant 1 : index
    %get3A_5 = arith.constant 0 : index
    %get3A_6 = vector.load %arg0[%get3A_4, %get3A_5] : memref<8x512xf32, #tpu.memory_space<vmem>>, vector<1x512xf32>
    %mul3A_7 = arith.constant 6.10351563E-5 : f32
    %mul3A_8 = vector.broadcast %mul3A_7 : f32 to vector<1x512xf32>
    %mul3A_9 = arith.mulf %get3A_6, %mul3A_8 : vector<1x512xf32>
    %mul3A_10 = arith.mulf %mul3A_3, %mul3A_3 : vector<1x512xf32>
    %sub3A = arith.subf %mul3A_9, %mul3A_10 : vector<1x512xf32>
    %get3A_11 = arith.constant 0 : index
    %get3A_12 = arith.constant 0 : index
    %get3A_13 = vector.load %arg1[%get3A_11, %get3A_12] : memref<8x512xf32, #tpu.memory_space<vmem>>, vector<8x512xf32>
    %sub3A_14 = vector.broadcast %mul3A_3 : vector<1x512xf32> to vector<8x512xf32>
    %sub3A_15 = arith.subf %get3A_13, %sub3A_14 : vector<8x512xf32>
    %add3A = arith.constant 9.99999974E-6 : f32
    %add3A_16 = vector.broadcast %add3A : f32 to vector<1x512xf32>
    %add3A_17 = arith.addf %sub3A, %add3A_16 : vector<1x512xf32>
    %sqrt3A = math.sqrt %add3A_17 : vector<1x512xf32>
    %div3A = vector.broadcast %sqrt3A : vector<1x512xf32> to vector<8x512xf32>
    %div3A_18 = arith.divf %sub3A_15, %div3A : vector<8x512xf32>
    %get3A_19 = arith.constant 0 : index
    %get3A_20 = arith.constant 0 : index
    %get3A_21 = vector.load %arg2[%get3A_19, %get3A_20] : memref<1x512xf32, #tpu.memory_space<vmem>>, vector<1x512xf32>
    %mul3A_22 = vector.broadcast %get3A_21 : vector<1x512xf32> to vector<8x512xf32>
    %mul3A_23 = arith.mulf %div3A_18, %mul3A_22 : vector<8x512xf32>
    %get3A_24 = arith.constant 0 : index
    %get3A_25 = arith.constant 0 : index
    %get3A_26 = vector.load %arg3[%get3A_24, %get3A_25] : memref<1x512xf32, #tpu.memory_space<vmem>>, vector<1x512xf32>
    %add3A_27 = vector.broadcast %get3A_26 : vector<1x512xf32> to vector<8x512xf32>
    %add3A_28 = arith.addf %mul3A_23, %add3A_27 : vector<8x512xf32>
    %ge3A = arith.constant 0.000000e+00 : f32
    %ge3A_29 = vector.broadcast %ge3A : f32 to vector<8x512xf32>
    %ge3A_30 = arith.cmpf oge, %add3A_28, %ge3A_29 : vector<8x512xf32>
    %mul3A_31 = arith.constant 2.000000e-01 : f32
    %mul3A_32 = vector.broadcast %mul3A_31 : f32 to vector<8x512xf32>
    %mul3A_33 = arith.mulf %mul3A_32, %add3A_28 : vector<8x512xf32>
    %select_n3A = arith.select %ge3A_30, %add3A_28, %mul3A_33 : vector<8x512xi1>, vector<8x512xf32>
    %get3A_34 = arith.constant 0 : index
    %get3A_35 = arith.constant 0 : index
    %get3A_36 = vector.load %arg4[%get3A_34, %get3A_35] : memref<256x512xf32, #tpu.memory_space<vmem>>, vector<256x512xf32>
    %dot_general3A = arith.constant dense<0.000000e+00> : vector<8x256xf32>
    %dot_general3A_37 = tpu.matmul %select_n3A, %get3A_36, %dot_general3A {dimension_numbers = #tpu.dot_dimension_numbers<[1], [1], [0], [0], [0, 0, 1, 0], [], []>, transpose_lhs_hint = false} : vector<8x512xf32>, vector<256x512xf32>, vector<8x256xf32> -> vector<8x256xf32>
    %swap3A = arith.constant 0 : index
    %swap3A_38 = arith.constant 0 : index
    %swap3A_39 = vector.load %arg5[%swap3A, %swap3A_38] : memref<8x256xf32, #tpu.memory_space<vmem>>, vector<8x256xf32>
    tpu.vector_store %arg5[%swap3A, %swap3A_38], %dot_general3A_37 {strides = array<i32>} : memref<8x256xf32, #tpu.memory_space<vmem>>, vector<8x256xf32>,
    return
  }
}

</mosaic_0001>

<sc_bundles>
// kernel: kernel.23.cloned.1.call-start
scs
__scs_entry_jumppad:
0x0: {  	(pc) =	sbr.rel $0x88, $3  }
0x1: {  	(tag) =	ssettag $0x0;
	lr =	simm.s32 $0x1  }
0x2: {  	[smem:$0x3F93] =	sst lr;
	_ =	strace $0xD0000000  }
0x3: {  	_ = 	snop  }
0x4: {  	_ = 	snop  }
0x5: {  	_ = 	snop  }
0x6: {  	_ = 	snop  }
0x7: {  	_ = 	snop  }
__scs_overlays_trampoline_lowered:
0x8: {  	[smem:$0x3FA2] =	sst s0  }
0x9: {  	[smem:$0x3FA3] =	sst s1  }
0xa: {  	[smem:$0x3FA4] =	sst s2  }
0xb: {  	[smem:$0x3FA5] =	sst s3  }
0xc: {  	[smem:$0x3FA6] =	sst s4  }
0xd: {  	[smem:$0x3FA7] =	sst s5  }
0xe: {  	[smem:$0x3FA8] =	sst s6  }
0xf: {  	[smem:$0x3FA9] =	sst s7  }
0x10: {  	[smem:$0x3FAA] =	sst s8  }
0x11: {  	[smem:$0x3FAB] =	sst s9;
	s0 =	simm.s32 @!p0 $0x0  }
0x12: {  	s1 =	sld [smem:$0x3F91];
	s0 =	simm.s32 @p0 $0x1  }
0x13: {  	[smem:$0x3FAC] =	sst s0;
	s0 =	simm.s32 @!p1 $0x0  }
0x14: {  	s2 =	sld [smem:$0x3F90];
	s0 =	simm.s32 @p1 $0x1  }
0x15: {  	[smem:$0x3FAD] =	sst s0;
	s0 =	simm.s32 @!p2 $0x0  }
0x16: {  	s3 =	sld [smem:$0x3FDB];
	s0 =	simm.s32 @p2 $0x1  }
0x17: {  	s4 =	simm.s32 $0x1BF5;
	[smem:$0x3FAF] =	sst s0  }
0x18: {  	s0 =	sld [smem:$0x3F92];
	_ =	swait.ge [sflag:s4], $0x0  }
0x19: {  	s7 =	sld [smem:$0x3F93]  }
0x1a: {  	s8 =	sadd.s32 $0xFFFFE003, lr  }
0x1b: {  	s9 =	sadd.s32 $0xFFFFFEF7, lr;
	s5 =	simm.s32 $0xFFFFFFFF;
	p2 =	slt.u32 s8, $0xFFFFF086  }
0x1c: {  	p1 =	slt.u32 s9, $0xF7A;
	s5 =	simm.s32 @!p2 $0x0  }
0x1d: {  	s5 =	simm.s32 @p1 $0x1;
	p0 =	seq.s32 s7, s2  }
0x1e: {  	s7 =	smul.u32 @!p0 $0xF7A, s2;
	p2 =	seq.s32 @!p0 s5, $0x0  }
0x1f: {  	s9 =	smul.u32 $0xF7A, s1;
	s8 =	simm.s32 @!p0 $0x1BF5;
	p2 =	por !p2, p0  }
0x20: {  	[sflag:s8] =	ssyncset.s32 @!p0 $0xFFFFF086;
	s6 =	sadd.s32 @!p0 s3, s7;
	s7 =	simm.s32 @!p0 $0x108  }
0x21: {  	s3 =	sadd.s32 s3, s9;
	s6 =	sadd.s32 @!p0 $0x88, s6;
	s7 =	simm.s32 @p2 $0x1082  }
0x22: {  	[simem:s7], [sflag:s8] =	dma.local @!p0 [hbm:s6], $0xF7A  }
0x23: {  	s9 =	sor.u32 $0xD0000000, s2;
	s6 =	simm.s32 $0x108;
	_ =	swait.ge @!p0 [sflag:s8], $0x0  }
0x24: {  	s3 =	sadd.s32 $0x88, s3;
	s6 =	simm.s32 @!p1 $0x1082;
	[sflag:s4] =	ssyncset.s32 $0xFFFFF086  }
0x25: {  	[simem:s6], [sflag:s4] =	dma.local [hbm:s3], $0xF7A  }
0x26: {  	[smem:$0x3F93] =	sst s1;
	(tag) =	ssettag s2;
	_ =	strace s9  }
0x27: {  	s1 =	sld [smem:$0x3FA3]  }
0x28: {  	s2 =	sld [smem:$0x3FA4]  }
0x29: {  	s4 =	sld [smem:$0x3FA6]  }
0x2a: {  	p0 =	seq.s32 s5, $0x0;
	s5 =	sld [smem:$0x3FA7]  }
0x2b: {  	s6 =	sld [smem:$0x3FA8]  }
0x2c: {  	s7 =	sld [smem:$0x3FA9]  }
0x2d: {  	s3 =	simm.s32 $0x108;
	s8 =	sld [smem:$0x3FAA]  }
0x2e: {  	s3 =	simm.s32 @!p0 $0x1082;
	s9 =	sld [smem:$0x3FAB]  }
0x2f: {  	lr =	sadd.s32 s0, s3;
	s0 =	sld [smem:$0x3FA2]  }
0x30: {  	s3 =	sld [smem:$0x3FA5]  }
0x31: {  	[smem:$0x3FAE] =	sst s10  }
0x32: {  	s10 =	sld [smem:$0x3FAC];
	_ =	sdelay $0x3  }
0x33: {  	p0 =	seq.s32 s10, $0x1;
	s10 =	sld [smem:$0x3FAE];
	_ =	sdelay $0x3  }
0x34: {  	[smem:$0x3FAE] =	sst s10  }
0x35: {  	s10 =	sld [smem:$0x3FAD];
	_ =	sdelay $0x3  }
0x36: {  	p1 =	seq.s32 s10, $0x1;
	s10 =	sld [smem:$0x3FAE];
	_ =	sdelay $0x3  }
0x37: {  	[smem:$0x3FAE] =	sst s10  }
0x38: {  	s10 =	sld [smem:$0x3FAF]  }
0x39: {  	_ = 	snop;
	(pc) =	sbr.ind lr, $3  }
0x3a: {  	_ = 	snop  }
0x3b: {  	_ = 	snop  }
0x3c: {  	p2 =	seq.s32 s10, $0x1;
	s10 =	sld [smem:$0x3FAE]  }
0x3d: {  	_ =	shalt  }
0x3e: {  	_ =	shalt  }
0x3f: {  	_ =	shalt  }
0x40: {  	_ =	shalt  }
0x41: {  	_ =	shalt  }
0x42: {  	_ =	shalt  }
0x43: {  	_ =	shalt  }
0x44: {  	_ =	shalt  }
0x45: {  	_ =	shalt  }
0x46: {  	_ =	shalt  }
0x47: {  	_ =	shalt  }
0x48: {  	_ =	shalt  }
0x49: {  	_ =	shalt  }
0x4a: {  	_ =	shalt  }
0x4b: {  	_ =	shalt  }
0x4c: {  	_ =	shalt  }
0x4d: {  	_ =	shalt  }
0x4e: {  	_ =	shalt  }
0x4f: {  	_ =	shalt  }
0x50: {  	_ =	shalt  }
0x51: {  	_ =	shalt  }
0x52: {  	_ =	shalt  }
0x53: {  	_ =	shalt  }
0x54: {  	_ =	shalt  }
0x55: {  	_ =	shalt  }
0x56: {  	_ =	shalt  }
0x57: {  	_ =	shalt  }
0x58: {  	_ =	shalt  }
0x59: {  	_ =	shalt  }
0x5a: {  	_ =	shalt  }
0x5b: {  	_ =	shalt  }
0x5c: {  	_ =	shalt  }
0x5d: {  	_ =	shalt  }
0x5e: {  	_ =	shalt  }
0x5f: {  	_ =	shalt  }
0x60: {  	_ =	shalt  }
0x61: {  	_ =	shalt  }
0x62: {  	_ =	shalt  }
0x63: {  	_ =	shalt  }
0x64: {  	_ =	shalt  }
0x65: {  	_ =	shalt  }
0x66: {  	_ =	shalt  }
0x67: {  	_ =	shalt  }
0x68: {  	_ =	shalt  }
0x69: {  	_ =	shalt  }
0x6a: {  	_ =	shalt  }
0x6b: {  	_ =	shalt  }
0x6c: {  	_ =	shalt  }
0x6d: {  	_ =	shalt  }
0x6e: {  	_ =	shalt  }
0x6f: {  	_ =	shalt  }
0x70: {  	_ =	shalt  }
0x71: {  	_ =	shalt  }
0x72: {  	_ =	shalt  }
0x73: {  	_ =	shalt  }
0x74: {  	_ =	shalt  }
0x75: {  	_ =	shalt  }
0x76: {  	_ =	shalt  }
0x77: {  	_ =	shalt  }
0x78: {  	_ =	shalt  }
0x79: {  	_ =	shalt  }
0x7a: {  	_ =	shalt  }
0x7b: {  	_ =	shalt  }
0x7c: {  	_ =	shalt  }
0x7d: {  	_ =	shalt  }
0x7e: {  	_ =	shalt  }
0x7f: {  	_ =	shalt  }
0x80: {  	_ =	shalt  }
0x81: {  	_ =	shalt  }
0x82: {  	_ =	shalt  }
0x83: {  	_ =	shalt  }
0x84: {  	_ =	shalt  }
0x85: {  	_ =	shalt  }
0x86: {  	_ =	shalt  }
0x87: {  	_ =	shalt  }
.Lfunc_end0:
.L_simem_size_0:
called_computation_lowered:
.L_overlay_start_0:
0x88: {  	s2 =	sld [smem:$0x3FD9]  }
0x89: {  	s3 =	sld [smem:$0x3FFE];
	_ =	sdelay $0x1  }
0x8a: {  	s1 =	srdreg.scid  }
0x8b: {  	s0 =	sand.u32 $0x1, s1  }
0x8c: {  	s17 =	sshll.u32 s0, $0xA;
	s2 =	sadd.s32 s3, s2  }
0x8d: {  	s2 =	sadd.s32 s2, s17  }
0x8e: {  	[smem:$0x3FBA] =	sst s2  }
0x8f: {  	_ = 	snop  }
0x90: {  	(tm) =	ssettm $0x1  }
0x91: {  	s18 =	sld [smem:$0x3FFB];
	_ =	sdelay $0x3  }
0x92: {  	_ =	strace s18  }
0x93: {  	s2 =	sld [smem:$0x3FFC];
	_ =	sdelay $0x3  }
0x94: {  	_ =	strace s2  }
0x95: {  	s2 =	sld [smem:$0x3FFD];
	_ =	sdelay $0x3  }
0x96: {  	_ =	strace s2  }
0x97: {  	_ =	strace $0x8FFFFFFF  }
0x98: {  	s19 =	sld [smem:$0x3FDB];
	_ =	sdelay $0x1  }
0x99: {  	s20 =	simm.s32 $_scs_section_size  }
0x9a: {  	s4 =	simm.s32 $_size__tile_overlayer_lowered;
	s5 =	simm.s32 $_tile_overlayer_lowered  }
0x9b: {  	s6 =	simm.s32 $0x1BFF;
	s21 =	sshll.u32 s5, $0x1;
	s3 =	sadd.s32 s20, s19  }
0x9c: {  	s22 =	simm.s32 $0x0;
	s4 =	sshll.u32 s4, $0x1;
	s5 =	sadd.s32 s21, s3  }
0x9d: {  	[timem:s22], [sflag:s6] =	dma.local [hbm:s5], s4  }
0x9e: {  	_ =	swait.ge [sflag:s6], s4  }
0x9f: {  	s4 =	ssub.s32 $0x0, s4;
	[sflag:s6] =	ssyncset.done $0x0  }
0xa0: {  	[sflag:s6] =	ssyncadd.s32 s4;
	_ =	sdelay $0x1  }
0xa1: {  	s23 =	simm.s32 $0x1B8B  }
0xa2: {  	_ =	swait.ge [sflag:s23], $0x1  }
0xa3: {  	[sflag:s23] =	ssyncset.done $0x0  }
0xa4: {  	[sflag:s23] =	ssyncadd.s32 $0xFFFFFFFF  }
0xa5: {  	s4 =	sld [smem:$0x0]  }
0xa6: {  	s5 =	sand.u32 $0xFFFFFFFE, s1  }
0xa7: {  	p0 =	sne.s32 s1, s5  }
0xa8: {  	s5 =	sshll.u32 @p0 s5, $0xE  }
0xa9: {  	s5 =	sadd.s32 @p0 $0x11B8D, s5;
	s6 =	sshll.u32 @p0 s4, $0x11  }
0xaa: {  	s5 =	sor.u32 @p0 s6, s5  }
0xab: {  	[sflag:s5] =	ssyncadd.remote.s32 @p0 $0x1;
	_ =	sdelay $0x1  }
0xac: {  	s5 =	simm.s32 @p0 $0x1B8D  }
0xad: {  	_ =	swait.eq @p0 [sflag:s5], $0x1  }
0xae: {  	[sflag:s5] =	ssyncadd.s32 @p0 $0xFFFFFFFF  }
0xaf: {  	s6 =	sshll.u32 @!p0 s1, $0xE  }
0xb0: {  	s6 =	sor.u32 @!p0 $0x4000, s6;
	s5 =	simm.s32 @!p0 $0x1B8D  }
0xb1: {  	s4 =	sshll.u32 @!p0 s4, $0x11;
	s6 =	sadd.s32 @!p0 $0x11B8D, s6;
	_ =	swait.eq @!p0 [sflag:s5], $0x1  }
0xb2: {  	s4 =	sor.u32 @!p0 s4, s6;
	[sflag:s5] =	ssyncadd.s32 @!p0 $0xFFFFFFFF  }
0xb3: {  	s25 =	simm.s32 $0x1B8E;
	s24 =	sld [smem:$0x3FFE];
	[sflag:s4] =	ssyncadd.remote.s32 @!p0 $0x1  }
0xb4: {  	s26 =	simm.s32 $execute0_lowered;
	[smem:$0x3FD2] =	sst s25  }
0xb5: {  	s5 =	sshll.u32 s26, $0x1;
	_ =	strace $0x80000049;
	[dreg:$0x1] =	wrdreg $0xFFFFFFFF  }
0xb6: {  	s28 =	simm.s32 $_size_execute0_lowered;
	s3 =	sadd.s32 s3, s5;
	[dreg:$0x0] =	wrdreg $0x0  }
0xb7: {  	s5 =	sshll.u32 s28, $0x1;
	[dreg:$0x2] =	wrdreg s3  }
0xb8: {  	[dreg:$0x3] =	wrdreg s5  }
0xb9: {  	[dreg:$0x4] =	wrdreg $0xC0  }
0xba: {  	_ =	task [dreg:s22], $0x5FFFF  }
0xbb: {  	[dreg:$0x1] =	wrdreg $0xFFFFFFFF  }
0xbc: {  	[dreg:$0x0] =	wrdreg $0x60  }
0xbd: {  	[dreg:$0x2] =	wrdreg s24  }
0xbe: {  	[dreg:$0x3] =	wrdreg $0x9  }
0xbf: {  	_ =	task.clear_ibuf [dreg:s22], $0x4FFFF;
	_ =	strace $0x90000049  }
0xc0: {  	s29 =	simm.s32 $0x9;
	_ =	strace $0x8000004B  }
0xc1: {  	_ =	swait.ge [sflag:s29], $0x1  }
0xc2: {  	[sflag:s29] =	ssyncadd.s32 $0xFFFFFFFF  }
0xc3: {  	_ =	strace $0x9000004B  }
0xc4: {  	_ =	sfence  }
0xc5: {  	s30 =	sld [smem:$0x0];
	_ =	sdelay $0x2  }
0xc6: {  	s31 =	sshll.u32 s1, $0xD;
	s1 =	sshrl.u32 s1, $0x2  }
0xc7: {  	s4 =	sand.u32 $0x4000, s31;
	s1 =	sadd.s32 s1, s30  }
0xc8: {  	s0 =	sor.u32 s4, s0;
	s1 =	sshll.u32 s1, $0x11  }
0xc9: {  	s0 =	sor.u32 s1, s0  }
0xca: {  	s0 =	sadd.s32 $0x8F2B, s0  }
0xcb: {  	[sflag:s0] =	ssyncadd.remote.s32 $0x1  }
0xcc: {  	_ =	sfence.sel $0xFFFF  }
0xcd: {  	[dreg:$0x0] =	wrdreg $0xFFFFFFFF;
	(pc) =	sbr.abs _section_cstart, $3  }
0xce: {  	[dreg:$0x1] =	wrdreg $0xFFFFFFFF  }
0xcf: {  	_ =	task.clear_ibuf [dreg:s22], $0x2FFFF;
	_ =	strace $0x9FFFFFFF  }
0xd0: {  	(tm) =	ssettm $0x7FFFFFFF  }
0xd1: {  	_ =	shalt  }
tec
execute0_lowered:
.L_overlay_start_1:
0x0: {  	(tag) =	ssettag $0x1  }
0x1: {  	s0 =	rddreg [dreg:$0x0];
	s2 =	simm.s32 $0x0  }
0x2: {  	s1 =	srdreg.scid;
	s12 =	stileid.u32;
	s18 =	simm.s32 $0x80  }
0x3: {  	s19 =	simm.s32 $0x200;
	s20 =	simm.s32 $0x4200;
	s21 =	simm.s32 $0x100  }
0x4: {  	s22 =	simm.s32 $0x8200;
	s23 =	simm.s32 $0x180;
	s28 =	simm.s32 $0x2  }
0x5: {  	s29 =	simm.s32 $0x0;
	[smem:$0x7FF] =	sst s2;
	s10 =	smul.u32 $0x2800, s12  }
0x6: {  	s1 =	sand.u32 $0x1, s1;
	s15 =	sadd.s32 $0x2CB400, s0;
	s16 =	smul.u32 $0x140000, s12  }
0x7: {  	s3 =	sshll.u32 s12, $0x1;
	_ =	strace $0x8000004A;
	s11 =	smul.u32 $0x1400, s1  }
0x8: {  	s4 =	sor.u32 s1, s3;
	s5 =	ssub.s32 $0x2, s1;
	s1 =	smul.u32 $0xA0000, s1  }
0x9: {  	s3 =	sadd.s32 $0x6400, s0;
	s6 =	smul.u32 $0x1400, s4;
	s7 =	sshrl.u32 s5, $0x1  }
0xa: {  	s0 =	sadd.s32 $0x2D0400, s0;
	s8 =	smul.u32 $0xA0000, s4;
	s5 =	ssub.s32 s5, s7  }
0xb: {  	s14 =	sadd.s32 s11, s10;
	s1 =	sadd.s32 s1, s16;
	s24 =	sshrl.u32 s6, $0x3  }
0xc: {  	s9 =	sor.u32 $0x200, s6;
	s5 =	smax.u32 s5, $0x1;
	s25 =	sshrl.u32 s8, $0x3  }
0xd: {  	s31 =	sadd.s32 $0x400, s14;
	s16 =	sor.u32 $0x10000, s1;
	s1 =	sor.u32 $0x18000, s1  }
0xe: {  	s14 =	sor.u32 $0x300, s14;
	s4 =	sadd.s32 s15, s24;
	[dreg:$0x2] =	wrdreg s5  }
0xf: {  	s7 =	sadd.s32 s0, s25;
	s30 =	sshrl.u32 s9, $0x3;
	s13 =	sshrl.u32 s31, $0x3  }
0x10: {  	s16 =	sshrl.u32 s16, $0x3;
	s1 =	sshrl.u32 s1, $0x3;
	s17 =	sshrl.u32 s14, $0x3  }
0x11: {  	s24 =	simm.s32 $0xC200;
	s25 =	simm.s32 $0x1;
	s26 =	sadd.s32 $0x20, s4  }
0x12: {  	s8 =	sadd.s32 s15, s30;
	s9 =	sadd.s32 $0x1000, s7;
	s10 =	sadd.s32 $0x260, s4  }
0x13: {  	s11 =	sadd.s32 $0x12000, s7;
	s12 =	sadd.s32 $0x13000, s7;
	s13 =	sadd.s32 s13, s15  }
0x14: {  	s14 =	sadd.s32 s16, s0;
	s1 =	sadd.s32 s1, s0;
	s16 =	sadd.s32 s17, s15  }
0x15: {  	s17 =	simm.s32 $0x4;
	[dreg:$0x3] =	wrdreg s26;
	s26 =	simm.s32 $0x3  }
.LBB2_1:
0x16: {  	[tilespmem:s2], [sflag:$0x4] =	stream.linear.gather [hbm4b:s4+s2], $0x100, $0x38;
	[tilespmem:$0x10200] =	vst v63  }
0x17: {  	_ =	swait.ge [sflag:s17], $0x100  }
0x18: {  	[sflag:s17] =	ssyncset.done $0x0  }
0x19: {  	[sflag:s17] =	ssyncadd.s32 $0xFFFFFF00  }
0x1a: {  	[tilespmem:s19], [sflag:$0x1] =	stream.indirect.gather [hbm4b:s3+s18], $0x80, s2, s18, $0xb8;
	[tilespmem:$0x10200] =	vst v63  }
0x1b: {  	_ = 	snop  }
0x1c: {  	[tilespmem:s20], [sflag:$0x1] =	stream.indirect.gather [hbm4b:s3+s18], $0x80, s18, s18, $0xb8;
	[tilespmem:$0x10200] =	vst v63  }
0x1d: {  	s0 =	rddreg [dreg:$0x3]  }
0x1e: {  	[tilespmem:s21], [sflag:$0x4] =	stream.linear.gather [hbm4b:s0+s2], $0x100, $0x38;
	[tilespmem:$0x10200] =	vst v63  }
0x1f: {  	_ =	swait.ge [sflag:s17], $0x100  }
0x20: {  	[sflag:s17] =	ssyncset.done $0x0  }
0x21: {  	[sflag:s17] =	ssyncadd.s32 $0xFFFFFF00  }
0x22: {  	[tilespmem:s22], [sflag:$0x2] =	stream.indirect.gather [hbm4b:s3+s18], $0x80, s21, s18, $0xb8;
	[tilespmem:$0x10200] =	vst v63  }
0x23: {  	_ = 	snop  }
0x24: {  	[tilespmem:s24], [sflag:$0x2] =	stream.indirect.gather [hbm4b:s3+s18], $0x80, s23, s18, $0xb8;
	[tilespmem:$0x10200] =	vst v63  }
0x25: {  	_ =	swait.ge [sflag:s25], $0x4000  }
0x26: {  	[sflag:s25] =	ssyncset.done $0x0  }
0x27: {  	[sflag:s25] =	ssyncadd.s32 $0xFFFFC000  }
0x28: {  	_ =	swait.ge [sflag:s25], $0x4000  }
0x29: {  	[sflag:s25] =	ssyncset.done $0x0  }
0x2a: {  	[sflag:s25] =	ssyncadd.s32 $0xFFFFC000  }
0x2b: {  	[hbm4b:s7+s2] =	stream.linear.scatter [tilespmem:s19], [sflag:$0x3], $0x8000, $0x38;
	[tilespmem:$0x10200] =	vst v63  }
0x2c: {  	_ =	swait.ge [sflag:s26], $0x8000  }
0x2d: {  	[sflag:s26] =	ssyncset.done $0x0  }
0x2e: {  	[sflag:s26] =	ssyncadd.s32 $0xFFFF8000  }
0x2f: {  	[tilespmem:s2], [sflag:$0x4] =	stream.linear.gather [hbm4b:s8+s2], $0x100, $0x38;
	[tilespmem:$0x10200] =	vst v63  }
0x30: {  	_ =	swait.ge [sflag:s17], $0x100  }
0x31: {  	[sflag:s17] =	ssyncset.done $0x0  }
0x32: {  	[sflag:s17] =	ssyncadd.s32 $0xFFFFFF00  }
0x33: {  	[tilespmem:s19], [sflag:$0x1] =	stream.indirect.gather [hbm4b:s3+s18], $0x80, s2, s18, $0xb8;
	[tilespmem:$0x10200] =	vst v63  }
0x34: {  	_ = 	snop  }
0x35: {  	[tilespmem:s20], [sflag:$0x1] =	stream.indirect.gather [hbm4b:s3+s18], $0x80, s18, s18, $0xb8;
	[tilespmem:$0x10200] =	vst v63  }
0x36: {  	_ =	swait.ge [sflag:s28], $0x4000  }
0x37: {  	[sflag:s28] =	ssyncset.done $0x0  }
0x38: {  	[sflag:s28] =	ssyncadd.s32 $0xFFFFC000  }
0x39: {  	_ =	swait.ge [sflag:s28], $0x4000  }
0x3a: {  	[sflag:s28] =	ssyncset.done $0x0  }
0x3b: {  	[sflag:s28] =	ssyncadd.s32 $0xFFFFC000  }
0x3c: {  	[hbm4b:s9+s2] =	stream.linear.scatter [tilespmem:s22], [sflag:$0x3], $0x8000, $0x38;
	[tilespmem:$0x10200] =	vst v63  }
0x3d: {  	_ =	swait.ge [sflag:s26], $0x8000  }
0x3e: {  	[sflag:s26] =	ssyncset.done $0x0  }
0x3f: {  	s6 =	sadd.s32 $0x0, s16;
	[sflag:s26] =	ssyncadd.s32 $0xFFFF8000  }
0x40: {  	[tilespmem:s21], [sflag:$0x4] =	stream.linear.gather [hbm4b:s6+s2], $0x100, $0x38;
	[tilespmem:$0x10200] =	vst v63  }
0x41: {  	_ =	swait.ge [sflag:s17], $0x100  }
0x42: {  	[sflag:s17] =	ssyncset.done $0x0  }
0x43: {  	[sflag:s17] =	ssyncadd.s32 $0xFFFFFF00  }
0x44: {  	[tilespmem:s22], [sflag:$0x2] =	stream.indirect.gather [hbm4b:s3+s18], $0x80, s21, s18, $0xb8;
	[tilespmem:$0x10200] =	vst v63  }
0x45: {  	_ = 	snop  }
0x46: {  	[tilespmem:s24], [sflag:$0x2] =	stream.indirect.gather [hbm4b:s3+s18], $0x80, s23, s18, $0xb8;
	[tilespmem:$0x10200] =	vst v63  }
0x47: {  	_ =	swait.ge [sflag:s25], $0x4000  }
0x48: {  	[sflag:s25] =	ssyncset.done $0x0  }
0x49: {  	[sflag:s25] =	ssyncadd.s32 $0xFFFFC000  }
0x4a: {  	_ =	swait.ge [sflag:s25], $0x4000  }
0x4b: {  	[sflag:s25] =	ssyncset.done $0x0  }
0x4c: {  	[sflag:s25] =	ssyncadd.s32 $0xFFFFC000  }
0x4d: {  	[hbm4b:s14+s2] =	stream.linear.scatter [tilespmem:s19], [sflag:$0x3], $0x8000, $0x38;
	[tilespmem:$0x10200] =	vst v63  }
0x4e: {  	_ =	swait.ge [sflag:s26], $0x8000  }
0x4f: {  	[sflag:s26] =	ssyncset.done $0x0  }
0x50: {  	s15 =	sadd.s32 $0x0, s13;
	[sflag:s26] =	ssyncadd.s32 $0xFFFF8000  }
0x51: {  	[tilespmem:s2], [sflag:$0x4] =	stream.linear.gather [hbm4b:s15+s2], $0x100, $0x38;
	[tilespmem:$0x10200] =	vst v63  }
0x52: {  	_ =	swait.ge [sflag:s17], $0x100  }
0x53: {  	[sflag:s17] =	ssyncset.done $0x0  }
0x54: {  	[sflag:s17] =	ssyncadd.s32 $0xFFFFFF00  }
0x55: {  	[tilespmem:s19], [sflag:$0x1] =	stream.indirect.gather [hbm4b:s3+s18], $0x80, s2, s18, $0xb8;
	[tilespmem:$0x10200] =	vst v63  }
0x56: {  	_ = 	snop  }
0x57: {  	[tilespmem:s20], [sflag:$0x1] =	stream.indirect.gather [hbm4b:s3+s18], $0x80, s18, s18, $0xb8;
	[tilespmem:$0x10200] =	vst v63  }
0x58: {  	_ =	swait.ge [sflag:s28], $0x4000  }
0x59: {  	[sflag:s28] =	ssyncset.done $0x0  }
0x5a: {  	[sflag:s28] =	ssyncadd.s32 $0xFFFFC000  }
0x5b: {  	_ =	swait.ge [sflag:s28], $0x4000  }
0x5c: {  	s30 =	simm.s32 $0x40;
	s31 =	sadd.s32 $0x2000, s14;
	[sflag:s28] =	ssyncset.done $0x0  }
0x5d: {  	s0 =	sadd.s32 $0x2000, s1;
	s15 =	smov.u32 s1;
	[sflag:s28] =	ssyncadd.s32 $0xFFFFC000  }
.LBB2_2:
0x5e: {  	[hbm4b:s15+s2] =	stream.linear.scatter [tilespmem:s22], [sflag:$0x3], $0x8000, $0x38;
	[tilespmem:$0x10200] =	vst v63  }
0x5f: {  	s5 =	smov.u32 s30;
	s15 =	smov.u32 s0  }
0x60: {  	p0 =	sne.s32 s30, $0x1C0;
	s30 =	sadd.s32 $0x40, s30;
	_ =	swait.ge [sflag:s26], $0x8000  }
0x61: {  	[sflag:s26] =	ssyncset.done $0x0  }
0x62: {  	s6 =	sadd.s32 s5, s16;
	[sflag:s26] =	ssyncadd.s32 $0xFFFF8000  }
0x63: {  	[tilespmem:s21], [sflag:$0x4] =	stream.linear.gather [hbm4b:s6+s2], $0x100, $0x38;
	[tilespmem:$0x10200] =	vst v63  }
0x64: {  	_ =	swait.ge [sflag:s17], $0x100  }
0x65: {  	[sflag:s17] =	ssyncset.done $0x0  }
0x66: {  	[sflag:s17] =	ssyncadd.s32 $0xFFFFFF00  }
0x67: {  	[tilespmem:s22], [sflag:$0x2] =	stream.indirect.gather [hbm4b:s3+s18], $0x80, s21, s18, $0xb8;
	[tilespmem:$0x10200] =	vst v63  }
0x68: {  	_ = 	snop  }
0x69: {  	[tilespmem:s24], [sflag:$0x2] =	stream.indirect.gather [hbm4b:s3+s18], $0x80, s23, s18, $0xb8;
	[tilespmem:$0x10200] =	vst v63  }
0x6a: {  	_ =	swait.ge [sflag:s25], $0x4000  }
0x6b: {  	[sflag:s25] =	ssyncset.done $0x0  }
0x6c: {  	[sflag:s25] =	ssyncadd.s32 $0xFFFFC000  }
0x6d: {  	_ =	swait.ge [sflag:s25], $0x4000  }
0x6e: {  	[sflag:s25] =	ssyncset.done $0x0  }
0x6f: {  	[sflag:s25] =	ssyncadd.s32 $0xFFFFC000  }
0x70: {  	[hbm4b:s31+s2] =	stream.linear.scatter [tilespmem:s19], [sflag:$0x3], $0x8000, $0x38;
	[tilespmem:$0x10200] =	vst v63  }
0x71: {  	_ =	swait.ge [sflag:s26], $0x8000  }
0x72: {  	[sflag:s26] =	ssyncset.done $0x0  }
0x73: {  	s5 =	sadd.s32 s5, s13;
	[sflag:s26] =	ssyncadd.s32 $0xFFFF8000  }
0x74: {  	[tilespmem:s2], [sflag:$0x4] =	stream.linear.gather [hbm4b:s5+s2], $0x100, $0x38;
	[tilespmem:$0x10200] =	vst v63  }
0x75: {  	_ =	swait.ge [sflag:s17], $0x100  }
0x76: {  	[sflag:s17] =	ssyncset.done $0x0  }
0x77: {  	[sflag:s17] =	ssyncadd.s32 $0xFFFFFF00  }
0x78: {  	[tilespmem:s19], [sflag:$0x1] =	stream.indirect.gather [hbm4b:s3+s18], $0x80, s2, s18, $0xb8;
	[tilespmem:$0x10200] =	vst v63  }
0x79: {  	_ = 	snop  }
0x7a: {  	[tilespmem:s20], [sflag:$0x1] =	stream.indirect.gather [hbm4b:s3+s18], $0x80, s18, s18, $0xb8;
	[tilespmem:$0x10200] =	vst v63  }
0x7b: {  	_ =	swait.ge [sflag:s28], $0x4000  }
.Ltmp0:
0x7c: {  	[sflag:s28] =	ssyncset.done $0x0;
	(pc) =	sbr.rel @p0 .LBB2_2-.Ltmp0, $4  }
0x7d: {  	[sflag:s28] =	ssyncadd.s32 $0xFFFFC000  }
0x7e: {  	_ =	swait.ge [sflag:s28], $0x4000  }
0x7f: {  	[sflag:s28] =	ssyncset.done $0x0  }
0x80: {  	s0 =	sadd.s32 $0x2000, s0;
	s31 =	sadd.s32 $0x2000, s31;
	[sflag:s28] =	ssyncadd.s32 $0xFFFFC000  }
0x81: {  	[hbm4b:s15+s2] =	stream.linear.scatter [tilespmem:s22], [sflag:$0x3], $0x8000, $0x38;
	[tilespmem:$0x10200] =	vst v63  }
0x82: {  	_ =	swait.ge [sflag:s26], $0x8000  }
0x83: {  	[sflag:s26] =	ssyncset.done $0x0  }
0x84: {  	[sflag:s26] =	ssyncadd.s32 $0xFFFF8000  }
0x85: {  	[tilespmem:s21], [sflag:$0x4] =	stream.linear.gather [hbm4b:s10+s2], $0x100, $0x38;
	[tilespmem:$0x10200] =	vst v63  }
0x86: {  	_ =	swait.ge [sflag:s17], $0x100  }
0x87: {  	[sflag:s17] =	ssyncset.done $0x0  }
0x88: {  	[sflag:s17] =	ssyncadd.s32 $0xFFFFFF00  }
0x89: {  	[tilespmem:s22], [sflag:$0x2] =	stream.indirect.gather [hbm4b:s3+s18], $0x80, s21, s18, $0xb8;
	[tilespmem:$0x10200] =	vst v63  }
0x8a: {  	_ = 	snop  }
0x8b: {  	[tilespmem:s24], [sflag:$0x2] =	stream.indirect.gather [hbm4b:s3+s18], $0x80, s23, s18, $0xb8;
	[tilespmem:$0x10200] =	vst v63  }
0x8c: {  	_ =	swait.ge [sflag:s25], $0x4000  }
0x8d: {  	[sflag:s25] =	ssyncset.done $0x0  }
0x8e: {  	[sflag:s25] =	ssyncadd.s32 $0xFFFFC000  }
0x8f: {  	_ =	swait.ge [sflag:s25], $0x4000  }
0x90: {  	[sflag:s25] =	ssyncset.done $0x0  }
0x91: {  	[sflag:s25] =	ssyncadd.s32 $0xFFFFC000  }
0x92: {  	[hbm4b:s11+s2] =	stream.linear.scatter [tilespmem:s19], [sflag:$0x3], $0x8000, $0x38;
	[tilespmem:$0x10200] =	vst v63  }
0x93: {  	_ =	swait.ge [sflag:s26], $0x8000  }
0x94: {  	[sflag:s26] =	ssyncset.done $0x0  }
0x95: {  	[sflag:s26] =	ssyncadd.s32 $0xFFFF8000  }
0x96: {  	_ =	swait.ge [sflag:s28], $0x4000  }
0x97: {  	[sflag:s28] =	ssyncset.done $0x0  }
0x98: {  	[sflag:s28] =	ssyncadd.s32 $0xFFFFC000  }
0x99: {  	_ =	swait.ge [sflag:s28], $0x4000  }
0x9a: {  	[sflag:s28] =	ssyncset.done $0x0  }
0x9b: {  	[sflag:s28] =	ssyncadd.s32 $0xFFFFC000  }
0x9c: {  	[hbm4b:s12+s2] =	stream.linear.scatter [tilespmem:s22], [sflag:$0x3], $0x8000, $0x38;
	[tilespmem:$0x10200] =	vst v63  }
0x9d: {  	_ =	swait.ge [sflag:s26], $0x8000  }
0x9e: {  	s29 =	sadd.s32 $0x1, s29;
	s0 =	rddreg [dreg:$0x2]  }
0x9f: {  	p0 =	sne.s32 s29, s0  }
.Ltmp1:
0xa0: {  	_ = 	snop;
	(pc) =	sbr.rel @p0 .LBB2_1-.Ltmp1, $3  }
0xa1: {  	_ =	sdelay $0x1  }
0xa2: {  	[sflag:s26] =	ssyncset.done $0x0  }
0xa3: {  	[sflag:s26] =	ssyncadd.s32 $0xFFFF8000  }
0xa4: {  	_ =	sfence.sel $0x180000  }
0xa5: {  	[bflag:$0x0] =	sbarrier.arrive $0xFFFF  }
0xa6: {  	_ =	strace $0x9000004A  }
0xa7: {  	s0 =	stileid.u32;
	[bflag:$0x2] =	sbarrier.arrive $0xFFFF  }
0xa8: {  	p0 =	sne.s32 s0, $0x0;
	s0 =	rddreg [dreg:$0x1]  }
0xa9: {  	s0 =	sadd.s32 @!p0 $0x100000, s0  }
0xaa: {  	[sflag:s0] =	ssyncadd.tile.s32 @!p0 $0x1;
	_ =	shalt  }
.Lfunc_end2:
_tile_overlayer_lowered:
.L_overlay_start_2:
0xab: {  	(tag) =	ssettag $0x2  }
0xac: {  	s0 =	rddreg [dreg:$0x0];
	s2 =	stileid.u32  }
0xad: {  	s1 =	rddreg [dreg:$0x1];
	p0 =	sne.s32 s2, $0x0  }
0xae: {  	s3 =	rddreg [dreg:$0x2];
	[bflag:$0x3] =	sbarrier.arrive $0xFFFF;
	s2 =	simm.s32 @!p0 $0x1C04  }
0xaf: {  	[timem:s3], [sflag:s2] =	dma.local @!p0 [hbm:s0], s1  }
0xb0: {  	s0 =	simm.s32 @!p0 $0x4  }
0xb1: {  	_ =	swait.ge @!p0 [sflag:s0], s1  }
0xb2: {  	s1 =	ssub.s32 @!p0 $0x0, s1;
	[sflag:s0] =	ssyncset.done @!p0 $0x0  }
0xb3: {  	[sflag:s0] =	ssyncadd.s32 @!p0 s1  }
0xb4: {  	[bflag:$0x3] =	sbarrier.arrive $0xFFFF  }
0xb5: {  	_ =	shalt  }

// kernel: kernel.26.cloned.1.call-start
scs
__scs_entry_jumppad:
0x0: {  	(pc) =	sbr.rel $0x88, $3  }
0x1: {  	(tag) =	ssettag $0x0;
	lr =	simm.s32 $0x1  }
0x2: {  	[smem:$0x3F93] =	sst lr;
	_ =	strace $0xD0000000  }
0x3: {  	_ = 	snop  }
0x4: {  	_ = 	snop  }
0x5: {  	_ = 	snop  }
0x6: {  	_ = 	snop  }
0x7: {  	_ = 	snop  }
__scs_overlays_trampoline_lowered:
0x8: {  	[smem:$0x3FA2] =	sst s0  }
0x9: {  	[smem:$0x3FA3] =	sst s1  }
0xa: {  	[smem:$0x3FA4] =	sst s2  }
0xb: {  	[smem:$0x3FA5] =	sst s3  }
0xc: {  	[smem:$0x3FA6] =	sst s4  }
0xd: {  	[smem:$0x3FA7] =	sst s5  }
0xe: {  	[smem:$0x3FA8] =	sst s6  }
0xf: {  	[smem:$0x3FA9] =	sst s7  }
0x10: {  	[smem:$0x3FAA] =	sst s8  }
0x11: {  	[smem:$0x3FAB] =	sst s9;
	s0 =	simm.s32 @!p0 $0x0  }
0x12: {  	s1 =	sld [smem:$0x3F91];
	s0 =	simm.s32 @p0 $0x1  }
0x13: {  	[smem:$0x3FAC] =	sst s0;
	s0 =	simm.s32 @!p1 $0x0  }
0x14: {  	s2 =	sld [smem:$0x3F90];
	s0 =	simm.s32 @p1 $0x1  }
0x15: {  	[smem:$0x3FAD] =	sst s0;
	s0 =	simm.s32 @!p2 $0x0  }
0x16: {  	s3 =	sld [smem:$0x3FDB];
	s0 =	simm.s32 @p2 $0x1  }
0x17: {  	s4 =	simm.s32 $0x1BF5;
	[smem:$0x3FAF] =	sst s0  }
0x18: {  	s0 =	sld [smem:$0x3F92];
	_ =	swait.ge [sflag:s4], $0x0  }
0x19: {  	s7 =	sld [smem:$0x3F93]  }
0x1a: {  	s8 =	sadd.s32 $0xFFFFE003, lr  }
0x1b: {  	s9 =	sadd.s32 $0xFFFFFEF7, lr;
	s5 =	simm.s32 $0xFFFFFFFF;
	p2 =	slt.u32 s8, $0xFFFFF086  }
0x1c: {  	p1 =	slt.u32 s9, $0xF7A;
	s5 =	simm.s32 @!p2 $0x0  }
0x1d: {  	s5 =	simm.s32 @p1 $0x1;
	p0 =	seq.s32 s7, s2  }
0x1e: {  	s7 =	smul.u32 @!p0 $0xF7A, s2;
	p2 =	seq.s32 @!p0 s5, $0x0  }
0x1f: {  	s9 =	smul.u32 $0xF7A, s1;
	s8 =	simm.s32 @!p0 $0x1BF5;
	p2 =	por !p2, p0  }
0x20: {  	[sflag:s8] =	ssyncset.s32 @!p0 $0xFFFFF086;
	s6 =	sadd.s32 @!p0 s3, s7;
	s7 =	simm.s32 @!p0 $0x108  }
0x21: {  	s3 =	sadd.s32 s3, s9;
	s6 =	sadd.s32 @!p0 $0x88, s6;
	s7 =	simm.s32 @p2 $0x1082  }
0x22: {  	[simem:s7], [sflag:s8] =	dma.local @!p0 [hbm:s6], $0xF7A  }
0x23: {  	s9 =	sor.u32 $0xD0000000, s2;
	s6 =	simm.s32 $0x108;
	_ =	swait.ge @!p0 [sflag:s8], $0x0  }
0x24: {  	s3 =	sadd.s32 $0x88, s3;
	s6 =	simm.s32 @!p1 $0x1082;
	[sflag:s4] =	ssyncset.s32 $0xFFFFF086  }
0x25: {  	[simem:s6], [sflag:s4] =	dma.local [hbm:s3], $0xF7A  }
0x26: {  	[smem:$0x3F93] =	sst s1;
	(tag) =	ssettag s2;
	_ =	strace s9  }
0x27: {  	s1 =	sld [smem:$0x3FA3]  }
0x28: {  	s2 =	sld [smem:$0x3FA4]  }
0x29: {  	s4 =	sld [smem:$0x3FA6]  }
0x2a: {  	p0 =	seq.s32 s5, $0x0;
	s5 =	sld [smem:$0x3FA7]  }
0x2b: {  	s6 =	sld [smem:$0x3FA8]  }
0x2c: {  	s7 =	sld [smem:$0x3FA9]  }
0x2d: {  	s3 =	simm.s32 $0x108;
	s8 =	sld [smem:$0x3FAA]  }
0x2e: {  	s3 =	simm.s32 @!p0 $0x1082;
	s9 =	sld [smem:$0x3FAB]  }
0x2f: {  	lr =	sadd.s32 s0, s3;
	s0 =	sld [smem:$0x3FA2]  }
0x30: {  	s3 =	sld [smem:$0x3FA5]  }
0x31: {  	[smem:$0x3FAE] =	sst s10  }
0x32: {  	s10 =	sld [smem:$0x3FAC];
	_ =	sdelay $0x3  }
0x33: {  	p0 =	seq.s32 s10, $0x1;
	s10 =	sld [smem:$0x3FAE];
	_ =	sdelay $0x3  }
0x34: {  	[smem:$0x3FAE] =	sst s10  }
0x35: {  	s10 =	sld [smem:$0x3FAD];
	_ =	sdelay $0x3  }
0x36: {  	p1 =	seq.s32 s10, $0x1;
	s10 =	sld [smem:$0x3FAE];
	_ =	sdelay $0x3  }
0x37: {  	[smem:$0x3FAE] =	sst s10  }
0x38: {  	s10 =	sld [smem:$0x3FAF]  }
0x39: {  	_ = 	snop;
	(pc) =	sbr.ind lr, $3  }
0x3a: {  	_ = 	snop  }
0x3b: {  	_ = 	snop  }
0x3c: {  	p2 =	seq.s32 s10, $0x1;
	s10 =	sld [smem:$0x3FAE]  }
0x3d: {  	_ =	shalt  }
0x3e: {  	_ =	shalt  }
0x3f: {  	_ =	shalt  }
0x40: {  	_ =	shalt  }
0x41: {  	_ =	shalt  }
0x42: {  	_ =	shalt  }
0x43: {  	_ =	shalt  }
0x44: {  	_ =	shalt  }
0x45: {  	_ =	shalt  }
0x46: {  	_ =	shalt  }
0x47: {  	_ =	shalt  }
0x48: {  	_ =	shalt  }
0x49: {  	_ =	shalt  }
0x4a: {  	_ =	shalt  }
0x4b: {  	_ =	shalt  }
0x4c: {  	_ =	shalt  }
0x4d: {  	_ =	shalt  }
0x4e: {  	_ =	shalt  }
0x4f: {  	_ =	shalt  }
0x50: {  	_ =	shalt  }
0x51: {  	_ =	shalt  }
0x52: {  	_ =	shalt  }
0x53: {  	_ =	shalt  }
0x54: {  	_ =	shalt  }
0x55: {  	_ =	shalt  }
0x56: {  	_ =	shalt  }
0x57: {  	_ =	shalt  }
0x58: {  	_ =	shalt  }
0x59: {  	_ =	shalt  }
0x5a: {  	_ =	shalt  }
0x5b: {  	_ =	shalt  }
0x5c: {  	_ =	shalt  }
0x5d: {  	_ =	shalt  }
0x5e: {  	_ =	shalt  }
0x5f: {  	_ =	shalt  }
0x60: {  	_ =	shalt  }
0x61: {  	_ =	shalt  }
0x62: {  	_ =	shalt  }
0x63: {  	_ =	shalt  }
0x64: {  	_ =	shalt  }
0x65: {  	_ =	shalt  }
0x66: {  	_ =	shalt  }
0x67: {  	_ =	shalt  }
0x68: {  	_ =	shalt  }
0x69: {  	_ =	shalt  }
0x6a: {  	_ =	shalt  }
0x6b: {  	_ =	shalt  }
0x6c: {  	_ =	shalt  }
0x6d: {  	_ =	shalt  }
0x6e: {  	_ =	shalt  }
0x6f: {  	_ =	shalt  }
0x70: {  	_ =	shalt  }
0x71: {  	_ =	shalt  }
0x72: {  	_ =	shalt  }
0x73: {  	_ =	shalt  }
0x74: {  	_ =	shalt  }
0x75: {  	_ =	shalt  }
0x76: {  	_ =	shalt  }
0x77: {  	_ =	shalt  }
0x78: {  	_ =	shalt  }
0x79: {  	_ =	shalt  }
0x7a: {  	_ =	shalt  }
0x7b: {  	_ =	shalt  }
0x7c: {  	_ =	shalt  }
0x7d: {  	_ =	shalt  }
0x7e: {  	_ =	shalt  }
0x7f: {  	_ =	shalt  }
0x80: {  	_ =	shalt  }
0x81: {  	_ =	shalt  }
0x82: {  	_ =	shalt  }
0x83: {  	_ =	shalt  }
0x84: {  	_ =	shalt  }
0x85: {  	_ =	shalt  }
0x86: {  	_ =	shalt  }
0x87: {  	_ =	shalt  }
.Lfunc_end0:
.L_simem_size_0:
called_computation.1_lowered:
.L_overlay_start_0:
0x88: {  	s2 =	sld [smem:$0x3FD9]  }
0x89: {  	s3 =	sld [smem:$0x3FFE];
	_ =	sdelay $0x1  }
0x8a: {  	s1 =	srdreg.scid  }
0x8b: {  	s0 =	sand.u32 $0x1, s1  }
0x8c: {  	s16 =	sshll.u32 s0, $0xA;
	s2 =	sadd.s32 s3, s2  }
0x8d: {  	s2 =	sadd.s32 s2, s16  }
0x8e: {  	[smem:$0x3FBA] =	sst s2  }
0x8f: {  	_ = 	snop  }
0x90: {  	(tm) =	ssettm $0x1  }
0x91: {  	s17 =	sld [smem:$0x3FFB];
	_ =	sdelay $0x3  }
0x92: {  	_ =	strace s17  }
0x93: {  	s2 =	sld [smem:$0x3FFC];
	_ =	sdelay $0x3  }
0x94: {  	_ =	strace s2  }
0x95: {  	s2 =	sld [smem:$0x3FFD];
	_ =	sdelay $0x3  }
0x96: {  	_ =	strace s2  }
0x97: {  	_ =	strace $0x8FFFFFFF  }
0x98: {  	s18 =	sld [smem:$0x3FDB];
	_ =	sdelay $0x1  }
0x99: {  	s19 =	simm.s32 $_scs_section_size  }
0x9a: {  	s4 =	simm.s32 $_size__tile_overlayer_lowered;
	s5 =	simm.s32 $_tile_overlayer_lowered  }
0x9b: {  	s22 =	simm.s32 $0x1BFF;
	s21 =	sshll.u32 s5, $0x1;
	s2 =	sadd.s32 s19, s18  }
0x9c: {  	s6 =	simm.s32 $0x0;
	s20 =	sshll.u32 s4, $0x1;
	s4 =	sadd.s32 s21, s2  }
0x9d: {  	[timem:s6], [sflag:s22] =	dma.local [hbm:s4], s20  }
0x9e: {  	_ =	swait.ge [sflag:s22], s20  }
0x9f: {  	s3 =	ssub.s32 $0x0, s20;
	[sflag:s22] =	ssyncset.done $0x0  }
0xa0: {  	[sflag:s22] =	ssyncadd.s32 s3;
	_ =	sdelay $0x1  }
0xa1: {  	s23 =	simm.s32 $0x1B8B  }
0xa2: {  	_ =	swait.ge [sflag:s23], $0x1  }
0xa3: {  	[sflag:s23] =	ssyncset.done $0x0  }
0xa4: {  	s25 =	simm.s32 $0x1B8E;
	s24 =	sld [smem:$0x3FFE];
	[sflag:s23] =	ssyncadd.s32 $0xFFFFFFFF  }
0xa5: {  	s26 =	simm.s32 $execute0_lowered;
	[smem:$0x3FD2] =	sst s25  }
0xa6: {  	s4 =	sshll.u32 s26, $0x1;
	_ =	strace $0x80000046;
	[dreg:$0x1] =	wrdreg $0xFFFFFFFF  }
0xa7: {  	s28 =	simm.s32 $_size_execute0_lowered;
	s2 =	sadd.s32 s2, s4;
	[dreg:$0x0] =	wrdreg $0x0  }
0xa8: {  	s4 =	sshll.u32 s28, $0x1;
	[dreg:$0x2] =	wrdreg s2  }
0xa9: {  	[dreg:$0x3] =	wrdreg s4  }
0xaa: {  	[dreg:$0x4] =	wrdreg $0xC0  }
0xab: {  	_ =	task [dreg:s6], $0x5FFFF  }
0xac: {  	[dreg:$0x1] =	wrdreg $0xFFFFFFFF  }
0xad: {  	[dreg:$0x0] =	wrdreg $0x60  }
0xae: {  	[dreg:$0x2] =	wrdreg s24  }
0xaf: {  	[dreg:$0x3] =	wrdreg $0xA  }
0xb0: {  	_ =	task.clear_ibuf [dreg:s6], $0x4FFFF;
	_ =	strace $0x90000046  }
0xb1: {  	s29 =	simm.s32 $0xA;
	_ =	strace $0x80000048  }
0xb2: {  	_ =	swait.ge [sflag:s29], $0x1  }
0xb3: {  	[sflag:s29] =	ssyncadd.s32 $0xFFFFFFFF  }
0xb4: {  	_ =	strace $0x90000048  }
0xb5: {  	_ =	sfence  }
0xb6: {  	s30 =	sld [smem:$0x0];
	_ =	sdelay $0x2  }
0xb7: {  	s31 =	sshll.u32 s1, $0xD;
	s1 =	sshrl.u32 s1, $0x2  }
0xb8: {  	s3 =	sand.u32 $0x4000, s31;
	s1 =	sadd.s32 s1, s30  }
0xb9: {  	s0 =	sor.u32 s3, s0;
	s1 =	sshll.u32 s1, $0x11  }
0xba: {  	s0 =	sor.u32 s1, s0  }
0xbb: {  	s0 =	sadd.s32 $0x8F2B, s0  }
0xbc: {  	[sflag:s0] =	ssyncadd.remote.s32 $0x1  }
0xbd: {  	_ =	sfence.sel $0xFFFF  }
0xbe: {  	[dreg:$0x0] =	wrdreg $0xFFFFFFFF;
	(pc) =	sbr.abs _section_cstart, $3  }
0xbf: {  	[dreg:$0x1] =	wrdreg $0xFFFFFFFF  }
0xc0: {  	_ =	task.clear_ibuf [dreg:s6], $0x2FFFF;
	_ =	strace $0x9FFFFFFF  }
0xc1: {  	(tm) =	ssettm $0x7FFFFFFF  }
tec
execute0_lowered:
.L_overlay_start_1:
0x0: {  	(tag) =	ssettag $0x1  }
0x1: {  	s0 =	rddreg [dreg:$0x0];
	s2 =	simm.s32 $0x0  }
0x2: {  	s1 =	srdreg.scid;
	s12 =	stileid.u32;
	s18 =	simm.s32 $0x80  }
0x3: {  	s19 =	simm.s32 $0x200;
	s20 =	simm.s32 $0x4200;
	s21 =	simm.s32 $0x100  }
0x4: {  	s22 =	simm.s32 $0x8200;
	s23 =	simm.s32 $0x180;
	s28 =	simm.s32 $0x2  }
0x5: {  	s29 =	simm.s32 $0x0;
	[smem:$0x7FF] =	sst s2;
	s10 =	smul.u32 $0x2800, s12  }
0x6: {  	s1 =	sand.u32 $0x1, s1;
	s3 =	sshll.u32 s12, $0x1;
	s16 =	smul.u32 $0x140000, s12  }
0x7: {  	s15 =	sadd.s32 $0x46400, s0;
	_ =	strace $0x80000047;
	s11 =	smul.u32 $0x1400, s1  }
0x8: {  	s4 =	sor.u32 s1, s3;
	s5 =	ssub.s32 $0x2, s1;
	s1 =	smul.u32 $0xA0000, s1  }
0x9: {  	s3 =	sadd.s32 $0x6400, s0;
	s6 =	smul.u32 $0x1400, s4;
	s7 =	sshrl.u32 s5, $0x1  }
0xa: {  	s0 =	sadd.s32 $0x4B400, s0;
	s8 =	smul.u32 $0xA0000, s4;
	s5 =	ssub.s32 s5, s7  }
0xb: {  	s14 =	sadd.s32 s11, s10;
	s1 =	sadd.s32 s1, s16;
	s24 =	sshrl.u32 s6, $0x3  }
0xc: {  	s9 =	sor.u32 $0x200, s6;
	s5 =	smax.u32 s5, $0x1;
	s25 =	sshrl.u32 s8, $0x3  }
0xd: {  	s31 =	sadd.s32 $0x400, s14;
	s16 =	sor.u32 $0x10000, s1;
	s1 =	sor.u32 $0x18000, s1  }
0xe: {  	s14 =	sor.u32 $0x300, s14;
	s4 =	sadd.s32 s15, s24;
	[dreg:$0x2] =	wrdreg s5  }
0xf: {  	s7 =	sadd.s32 s0, s25;
	s30 =	sshrl.u32 s9, $0x3;
	s13 =	sshrl.u32 s31, $0x3  }
0x10: {  	s16 =	sshrl.u32 s16, $0x3;
	s1 =	sshrl.u32 s1, $0x3;
	s17 =	sshrl.u32 s14, $0x3  }
0x11: {  	s24 =	simm.s32 $0xC200;
	s25 =	simm.s32 $0x1;
	s26 =	sadd.s32 $0x20, s4  }
0x12: {  	s8 =	sadd.s32 s15, s30;
	s9 =	sadd.s32 $0x1000, s7;
	s10 =	sadd.s32 $0x260, s4  }
0x13: {  	s11 =	sadd.s32 $0x12000, s7;
	s12 =	sadd.s32 $0x13000, s7;
	s13 =	sadd.s32 s13, s15  }
0x14: {  	s14 =	sadd.s32 s16, s0;
	s1 =	sadd.s32 s1, s0;
	s16 =	sadd.s32 s17, s15  }
0x15: {  	s17 =	simm.s32 $0x4;
	[dreg:$0x3] =	wrdreg s26;
	s26 =	simm.s32 $0x3  }
.LBB2_1:
0x16: {  	[tilespmem:s2], [sflag:$0x4] =	stream.linear.gather [hbm4b:s4+s2], $0x100, $0x38;
	[tilespmem:$0x10200] =	vst v63  }
0x17: {  	_ =	swait.ge [sflag:s17], $0x100  }
0x18: {  	[sflag:s17] =	ssyncset.done $0x0  }
0x19: {  	[sflag:s17] =	ssyncadd.s32 $0xFFFFFF00  }
0x1a: {  	[tilespmem:s19], [sflag:$0x1] =	stream.indirect.gather [hbm4b:s3+s18], $0x80, s2, s18, $0xb8;
	[tilespmem:$0x10200] =	vst v63  }
0x1b: {  	_ = 	snop  }
0x1c: {  	[tilespmem:s20], [sflag:$0x1] =	stream.indirect.gather [hbm4b:s3+s18], $0x80, s18, s18, $0xb8;
	[tilespmem:$0x10200] =	vst v63  }
0x1d: {  	s0 =	rddreg [dreg:$0x3]  }
0x1e: {  	[tilespmem:s21], [sflag:$0x4] =	stream.linear.gather [hbm4b:s0+s2], $0x100, $0x38;
	[tilespmem:$0x10200] =	vst v63  }
0x1f: {  	_ =	swait.ge [sflag:s17], $0x100  }
0x20: {  	[sflag:s17] =	ssyncset.done $0x0  }
0x21: {  	[sflag:s17] =	ssyncadd.s32 $0xFFFFFF00  }
0x22: {  	[tilespmem:s22], [sflag:$0x2] =	stream.indirect.gather [hbm4b:s3+s18], $0x80, s21, s18, $0xb8;
	[tilespmem:$0x10200] =	vst v63  }
0x23: {  	_ = 	snop  }
0x24: {  	[tilespmem:s24], [sflag:$0x2] =	stream.indirect.gather [hbm4b:s3+s18], $0x80, s23, s18, $0xb8;
	[tilespmem:$0x10200] =	vst v63  }
0x25: {  	_ =	swait.ge [sflag:s25], $0x4000  }
0x26: {  	[sflag:s25] =	ssyncset.done $0x0  }
0x27: {  	[sflag:s25] =	ssyncadd.s32 $0xFFFFC000  }
0x28: {  	_ =	swait.ge [sflag:s25], $0x4000  }
0x29: {  	[sflag:s25] =	ssyncset.done $0x0  }
0x2a: {  	[sflag:s25] =	ssyncadd.s32 $0xFFFFC000  }
0x2b: {  	[hbm4b:s7+s2] =	stream.linear.scatter [tilespmem:s19], [sflag:$0x3], $0x8000, $0x38;
	[tilespmem:$0x10200] =	vst v63  }
0x2c: {  	_ =	swait.ge [sflag:s26], $0x8000  }
0x2d: {  	[sflag:s26] =	ssyncset.done $0x0  }
0x2e: {  	[sflag:s26] =	ssyncadd.s32 $0xFFFF8000  }
0x2f: {  	[tilespmem:s2], [sflag:$0x4] =	stream.linear.gather [hbm4b:s8+s2], $0x100, $0x38;
	[tilespmem:$0x10200] =	vst v63  }
0x30: {  	_ =	swait.ge [sflag:s17], $0x100  }
0x31: {  	[sflag:s17] =	ssyncset.done $0x0  }
0x32: {  	[sflag:s17] =	ssyncadd.s32 $0xFFFFFF00  }
0x33: {  	[tilespmem:s19], [sflag:$0x1] =	stream.indirect.gather [hbm4b:s3+s18], $0x80, s2, s18, $0xb8;
	[tilespmem:$0x10200] =	vst v63  }
0x34: {  	_ = 	snop  }
0x35: {  	[tilespmem:s20], [sflag:$0x1] =	stream.indirect.gather [hbm4b:s3+s18], $0x80, s18, s18, $0xb8;
	[tilespmem:$0x10200] =	vst v63  }
0x36: {  	_ =	swait.ge [sflag:s28], $0x4000  }
0x37: {  	[sflag:s28] =	ssyncset.done $0x0  }
0x38: {  	[sflag:s28] =	ssyncadd.s32 $0xFFFFC000  }
0x39: {  	_ =	swait.ge [sflag:s28], $0x4000  }
0x3a: {  	[sflag:s28] =	ssyncset.done $0x0  }
0x3b: {  	[sflag:s28] =	ssyncadd.s32 $0xFFFFC000  }
0x3c: {  	[hbm4b:s9+s2] =	stream.linear.scatter [tilespmem:s22], [sflag:$0x3], $0x8000, $0x38;
	[tilespmem:$0x10200] =	vst v63  }
0x3d: {  	_ =	swait.ge [sflag:s26], $0x8000  }
0x3e: {  	[sflag:s26] =	ssyncset.done $0x0  }
0x3f: {  	s6 =	sadd.s32 $0x0, s16;
	[sflag:s26] =	ssyncadd.s32 $0xFFFF8000  }
0x40: {  	[tilespmem:s21], [sflag:$0x4] =	stream.linear.gather [hbm4b:s6+s2], $0x100, $0x38;
	[tilespmem:$0x10200] =	vst v63  }
0x41: {  	_ =	swait.ge [sflag:s17], $0x100  }
0x42: {  	[sflag:s17] =	ssyncset.done $0x0  }
0x43: {  	[sflag:s17] =	ssyncadd.s32 $0xFFFFFF00  }
0x44: {  	[tilespmem:s22], [sflag:$0x2] =	stream.indirect.gather [hbm4b:s3+s18], $0x80, s21, s18, $0xb8;
	[tilespmem:$0x10200] =	vst v63  }
0x45: {  	_ = 	snop  }
0x46: {  	[tilespmem:s24], [sflag:$0x2] =	stream.indirect.gather [hbm4b:s3+s18], $0x80, s23, s18, $0xb8;
	[tilespmem:$0x10200] =	vst v63  }
0x47: {  	_ =	swait.ge [sflag:s25], $0x4000  }
0x48: {  	[sflag:s25] =	ssyncset.done $0x0  }
0x49: {  	[sflag:s25] =	ssyncadd.s32 $0xFFFFC000  }
0x4a: {  	_ =	swait.ge [sflag:s25], $0x4000  }
0x4b: {  	[sflag:s25] =	ssyncset.done $0x0  }
0x4c: {  	[sflag:s25] =	ssyncadd.s32 $0xFFFFC000  }
0x4d: {  	[hbm4b:s14+s2] =	stream.linear.scatter [tilespmem:s19], [sflag:$0x3], $0x8000, $0x38;
	[tilespmem:$0x10200] =	vst v63  }
0x4e: {  	_ =	swait.ge [sflag:s26], $0x8000  }
0x4f: {  	[sflag:s26] =	ssyncset.done $0x0  }
0x50: {  	s15 =	sadd.s32 $0x0, s13;
	[sflag:s26] =	ssyncadd.s32 $0xFFFF8000  }
0x51: {  	[tilespmem:s2], [sflag:$0x4] =	stream.linear.gather [hbm4b:s15+s2], $0x100, $0x38;
	[tilespmem:$0x10200] =	vst v63  }
0x52: {  	_ =	swait.ge [sflag:s17], $0x100  }
0x53: {  	[sflag:s17] =	ssyncset.done $0x0  }
0x54: {  	[sflag:s17] =	ssyncadd.s32 $0xFFFFFF00  }
0x55: {  	[tilespmem:s19], [sflag:$0x1] =	stream.indirect.gather [hbm4b:s3+s18], $0x80, s2, s18, $0xb8;
	[tilespmem:$0x10200] =	vst v63  }
0x56: {  	_ = 	snop  }
0x57: {  	[tilespmem:s20], [sflag:$0x1] =	stream.indirect.gather [hbm4b:s3+s18], $0x80, s18, s18, $0xb8;
	[tilespmem:$0x10200] =	vst v63  }
0x58: {  	_ =	swait.ge [sflag:s28], $0x4000  }
0x59: {  	[sflag:s28] =	ssyncset.done $0x0  }
0x5a: {  	[sflag:s28] =	ssyncadd.s32 $0xFFFFC000  }
0x5b: {  	_ =	swait.ge [sflag:s28], $0x4000  }
0x5c: {  	s30 =	simm.s32 $0x40;
	s31 =	sadd.s32 $0x2000, s14;
	[sflag:s28] =	ssyncset.done $0x0  }
0x5d: {  	s0 =	sadd.s32 $0x2000, s1;
	s15 =	smov.u32 s1;
	[sflag:s28] =	ssyncadd.s32 $0xFFFFC000  }
.LBB2_2:
0x5e: {  	[hbm4b:s15+s2] =	stream.linear.scatter [tilespmem:s22], [sflag:$0x3], $0x8000, $0x38;
	[tilespmem:$0x10200] =	vst v63  }
0x5f: {  	s5 =	smov.u32 s30;
	s15 =	smov.u32 s0  }
0x60: {  	p0 =	sne.s32 s30, $0x1C0;
	s30 =	sadd.s32 $0x40, s30;
	_ =	swait.ge [sflag:s26], $0x8000  }
0x61: {  	[sflag:s26] =	ssyncset.done $0x0  }
0x62: {  	s6 =	sadd.s32 s5, s16;
	[sflag:s26] =	ssyncadd.s32 $0xFFFF8000  }
0x63: {  	[tilespmem:s21], [sflag:$0x4] =	stream.linear.gather [hbm4b:s6+s2], $0x100, $0x38;
	[tilespmem:$0x10200] =	vst v63  }
0x64: {  	_ =	swait.ge [sflag:s17], $0x100  }
0x65: {  	[sflag:s17] =	ssyncset.done $0x0  }
0x66: {  	[sflag:s17] =	ssyncadd.s32 $0xFFFFFF00  }
0x67: {  	[tilespmem:s22], [sflag:$0x2] =	stream.indirect.gather [hbm4b:s3+s18], $0x80, s21, s18, $0xb8;
	[tilespmem:$0x10200] =	vst v63  }
0x68: {  	_ = 	snop  }
0x69: {  	[tilespmem:s24], [sflag:$0x2] =	stream.indirect.gather [hbm4b:s3+s18], $0x80, s23, s18, $0xb8;
	[tilespmem:$0x10200] =	vst v63  }
0x6a: {  	_ =	swait.ge [sflag:s25], $0x4000  }
0x6b: {  	[sflag:s25] =	ssyncset.done $0x0  }
0x6c: {  	[sflag:s25] =	ssyncadd.s32 $0xFFFFC000  }
0x6d: {  	_ =	swait.ge [sflag:s25], $0x4000  }
0x6e: {  	[sflag:s25] =	ssyncset.done $0x0  }
0x6f: {  	[sflag:s25] =	ssyncadd.s32 $0xFFFFC000  }
0x70: {  	[hbm4b:s31+s2] =	stream.linear.scatter [tilespmem:s19], [sflag:$0x3], $0x8000, $0x38;
	[tilespmem:$0x10200] =	vst v63  }
0x71: {  	_ =	swait.ge [sflag:s26], $0x8000  }
0x72: {  	[sflag:s26] =	ssyncset.done $0x0  }
0x73: {  	s5 =	sadd.s32 s5, s13;
	[sflag:s26] =	ssyncadd.s32 $0xFFFF8000  }
0x74: {  	[tilespmem:s2], [sflag:$0x4] =	stream.linear.gather [hbm4b:s5+s2], $0x100, $0x38;
	[tilespmem:$0x10200] =	vst v63  }
0x75: {  	_ =	swait.ge [sflag:s17], $0x100  }
0x76: {  	[sflag:s17] =	ssyncset.done $0x0  }
0x77: {  	[sflag:s17] =	ssyncadd.s32 $0xFFFFFF00  }
0x78: {  	[tilespmem:s19], [sflag:$0x1] =	stream.indirect.gather [hbm4b:s3+s18], $0x80, s2, s18, $0xb8;
	[tilespmem:$0x10200] =	vst v63  }
0x79: {  	_ = 	snop  }
0x7a: {  	[tilespmem:s20], [sflag:$0x1] =	stream.indirect.gather [hbm4b:s3+s18], $0x80, s18, s18, $0xb8;
	[tilespmem:$0x10200] =	vst v63  }
0x7b: {  	_ =	swait.ge [sflag:s28], $0x4000  }
.Ltmp0:
0x7c: {  	[sflag:s28] =	ssyncset.done $0x0;
	(pc) =	sbr.rel @p0 .LBB2_2-.Ltmp0, $4  }
0x7d: {  	[sflag:s28] =	ssyncadd.s32 $0xFFFFC000  }
0x7e: {  	_ =	swait.ge [sflag:s28], $0x4000  }
0x7f: {  	[sflag:s28] =	ssyncset.done $0x0  }
0x80: {  	s0 =	sadd.s32 $0x2000, s0;
	s31 =	sadd.s32 $0x2000, s31;
	[sflag:s28] =	ssyncadd.s32 $0xFFFFC000  }
0x81: {  	[hbm4b:s15+s2] =	stream.linear.scatter [tilespmem:s22], [sflag:$0x3], $0x8000, $0x38;
	[tilespmem:$0x10200] =	vst v63  }
0x82: {  	_ =	swait.ge [sflag:s26], $0x8000  }
0x83: {  	[sflag:s26] =	ssyncset.done $0x0  }
0x84: {  	[sflag:s26] =	ssyncadd.s32 $0xFFFF8000  }
0x85: {  	[tilespmem:s21], [sflag:$0x4] =	stream.linear.gather [hbm4b:s10+s2], $0x100, $0x38;
	[tilespmem:$0x10200] =	vst v63  }
0x86: {  	_ =	swait.ge [sflag:s17], $0x100  }
0x87: {  	[sflag:s17] =	ssyncset.done $0x0  }
0x88: {  	[sflag:s17] =	ssyncadd.s32 $0xFFFFFF00  }
0x89: {  	[tilespmem:s22], [sflag:$0x2] =	stream.indirect.gather [hbm4b:s3+s18], $0x80, s21, s18, $0xb8;
	[tilespmem:$0x10200] =	vst v63  }
0x8a: {  	_ = 	snop  }
0x8b: {  	[tilespmem:s24], [sflag:$0x2] =	stream.indirect.gather [hbm4b:s3+s18], $0x80, s23, s18, $0xb8;
	[tilespmem:$0x10200] =	vst v63  }
0x8c: {  	_ =	swait.ge [sflag:s25], $0x4000  }
0x8d: {  	[sflag:s25] =	ssyncset.done $0x0  }
0x8e: {  	[sflag:s25] =	ssyncadd.s32 $0xFFFFC000  }
0x8f: {  	_ =	swait.ge [sflag:s25], $0x4000  }
0x90: {  	[sflag:s25] =	ssyncset.done $0x0  }
0x91: {  	[sflag:s25] =	ssyncadd.s32 $0xFFFFC000  }
0x92: {  	[hbm4b:s11+s2] =	stream.linear.scatter [tilespmem:s19], [sflag:$0x3], $0x8000, $0x38;
	[tilespmem:$0x10200] =	vst v63  }
0x93: {  	_ =	swait.ge [sflag:s26], $0x8000  }
0x94: {  	[sflag:s26] =	ssyncset.done $0x0  }
0x95: {  	[sflag:s26] =	ssyncadd.s32 $0xFFFF8000  }
0x96: {  	_ =	swait.ge [sflag:s28], $0x4000  }
0x97: {  	[sflag:s28] =	ssyncset.done $0x0  }
0x98: {  	[sflag:s28] =	ssyncadd.s32 $0xFFFFC000  }
0x99: {  	_ =	swait.ge [sflag:s28], $0x4000  }
0x9a: {  	[sflag:s28] =	ssyncset.done $0x0  }
0x9b: {  	[sflag:s28] =	ssyncadd.s32 $0xFFFFC000  }
0x9c: {  	[hbm4b:s12+s2] =	stream.linear.scatter [tilespmem:s22], [sflag:$0x3], $0x8000, $0x38;
	[tilespmem:$0x10200] =	vst v63  }
0x9d: {  	_ =	swait.ge [sflag:s26], $0x8000  }
0x9e: {  	s29 =	sadd.s32 $0x1, s29;
	s0 =	rddreg [dreg:$0x2]  }
0x9f: {  	p0 =	sne.s32 s29, s0  }
.Ltmp1:
0xa0: {  	_ = 	snop;
	(pc) =	sbr.rel @p0 .LBB2_1-.Ltmp1, $3  }
0xa1: {  	_ =	sdelay $0x1  }
0xa2: {  	[sflag:s26] =	ssyncset.done $0x0  }
0xa3: {  	[sflag:s26] =	ssyncadd.s32 $0xFFFF8000  }
0xa4: {  	_ =	sfence.sel $0x180000  }
0xa5: {  	[bflag:$0x0] =	sbarrier.arrive $0xFFFF  }
0xa6: {  	_ =	strace $0x90000047  }
0xa7: {  	s0 =	stileid.u32;
	[bflag:$0x2] =	sbarrier.arrive $0xFFFF  }
0xa8: {  	p0 =	sne.s32 s0, $0x0;
	s0 =	rddreg [dreg:$0x1]  }
0xa9: {  	s0 =	sadd.s32 @!p0 $0x100000, s0  }
0xaa: {  	[sflag:s0] =	ssyncadd.tile.s32 @!p0 $0x1;
	_ =	shalt  }
.Lfunc_end2:
_tile_overlayer_lowered:
.L_overlay_start_2:
0xab: {  	(tag) =	ssettag $0x2  }
0xac: {  	s0 =	rddreg [dreg:$0x0];
	s2 =	stileid.u32  }
0xad: {  	s1 =	rddreg [dreg:$0x1];
	p0 =	sne.s32 s2, $0x0  }
0xae: {  	s3 =	rddreg [dreg:$0x2];
	[bflag:$0x3] =	sbarrier.arrive $0xFFFF;
	s2 =	simm.s32 @!p0 $0x1C04  }
0xaf: {  	[timem:s3], [sflag:s2] =	dma.local @!p0 [hbm:s0], s1  }
0xb0: {  	s0 =	simm.s32 @!p0 $0x4  }
0xb1: {  	_ =	swait.ge @!p0 [sflag:s0], s1  }
0xb2: {  	s1 =	ssub.s32 @!p0 $0x0, s1;
	[sflag:s0] =	ssyncset.done @!p0 $0x0  }
0xb3: {  	[sflag:s0] =	ssyncadd.s32 @!p0 s1  }
0xb4: {  	[bflag:$0x3] =	sbarrier.arrive $0xFFFF  }
0xb5: {  	_ =	shalt  }

// kernel: kernel.29.cloned.1.call-start
scs
__scs_entry_jumppad:
0x0: {  	(pc) =	sbr.rel $0x88, $3  }
0x1: {  	(tag) =	ssettag $0x0;
	lr =	simm.s32 $0x1  }
0x2: {  	[smem:$0x3F93] =	sst lr;
	_ =	strace $0xD0000000  }
0x3: {  	_ = 	snop  }
0x4: {  	_ = 	snop  }
0x5: {  	_ = 	snop  }
0x6: {  	_ = 	snop  }
0x7: {  	_ = 	snop  }
__scs_overlays_trampoline_lowered:
0x8: {  	[smem:$0x3FA2] =	sst s0  }
0x9: {  	[smem:$0x3FA3] =	sst s1  }
0xa: {  	[smem:$0x3FA4] =	sst s2  }
0xb: {  	[smem:$0x3FA5] =	sst s3  }
0xc: {  	[smem:$0x3FA6] =	sst s4  }
0xd: {  	[smem:$0x3FA7] =	sst s5  }
0xe: {  	[smem:$0x3FA8] =	sst s6  }
0xf: {  	[smem:$0x3FA9] =	sst s7  }
0x10: {  	[smem:$0x3FAA] =	sst s8  }
0x11: {  	[smem:$0x3FAB] =	sst s9;
	s0 =	simm.s32 @!p0 $0x0  }
0x12: {  	s1 =	sld [smem:$0x3F91];
	s0 =	simm.s32 @p0 $0x1  }
0x13: {  	[smem:$0x3FAC] =	sst s0;
	s0 =	simm.s32 @!p1 $0x0  }
0x14: {  	s2 =	sld [smem:$0x3F90];
	s0 =	simm.s32 @p1 $0x1  }
0x15: {  	[smem:$0x3FAD] =	sst s0;
	s0 =	simm.s32 @!p2 $0x0  }
0x16: {  	s3 =	sld [smem:$0x3FDB];
	s0 =	simm.s32 @p2 $0x1  }
0x17: {  	s4 =	simm.s32 $0x1BF5;
	[smem:$0x3FAF] =	sst s0  }
0x18: {  	s0 =	sld [smem:$0x3F92];
	_ =	swait.ge [sflag:s4], $0x0  }
0x19: {  	s7 =	sld [smem:$0x3F93]  }
0x1a: {  	s8 =	sadd.s32 $0xFFFFE003, lr  }
0x1b: {  	s9 =	sadd.s32 $0xFFFFFEF7, lr;
	s5 =	simm.s32 $0xFFFFFFFF;
	p2 =	slt.u32 s8, $0xFFFFF086  }
0x1c: {  	p1 =	slt.u32 s9, $0xF7A;
	s5 =	simm.s32 @!p2 $0x0  }
0x1d: {  	s5 =	simm.s32 @p1 $0x1;
	p0 =	seq.s32 s7, s2  }
0x1e: {  	s7 =	smul.u32 @!p0 $0xF7A, s2;
	p2 =	seq.s32 @!p0 s5, $0x0  }
0x1f: {  	s9 =	smul.u32 $0xF7A, s1;
	s8 =	simm.s32 @!p0 $0x1BF5;
	p2 =	por !p2, p0  }
0x20: {  	[sflag:s8] =	ssyncset.s32 @!p0 $0xFFFFF086;
	s6 =	sadd.s32 @!p0 s3, s7;
	s7 =	simm.s32 @!p0 $0x108  }
0x21: {  	s3 =	sadd.s32 s3, s9;
	s6 =	sadd.s32 @!p0 $0x88, s6;
	s7 =	simm.s32 @p2 $0x1082  }
0x22: {  	[simem:s7], [sflag:s8] =	dma.local @!p0 [hbm:s6], $0xF7A  }
0x23: {  	s9 =	sor.u32 $0xD0000000, s2;
	s6 =	simm.s32 $0x108;
	_ =	swait.ge @!p0 [sflag:s8], $0x0  }
0x24: {  	s3 =	sadd.s32 $0x88, s3;
	s6 =	simm.s32 @!p1 $0x1082;
	[sflag:s4] =	ssyncset.s32 $0xFFFFF086  }
0x25: {  	[simem:s6], [sflag:s4] =	dma.local [hbm:s3], $0xF7A  }
0x26: {  	[smem:$0x3F93] =	sst s1;
	(tag) =	ssettag s2;
	_ =	strace s9  }
0x27: {  	s1 =	sld [smem:$0x3FA3]  }
0x28: {  	s2 =	sld [smem:$0x3FA4]  }
0x29: {  	s4 =	sld [smem:$0x3FA6]  }
0x2a: {  	p0 =	seq.s32 s5, $0x0;
	s5 =	sld [smem:$0x3FA7]  }
0x2b: {  	s6 =	sld [smem:$0x3FA8]  }
0x2c: {  	s7 =	sld [smem:$0x3FA9]  }
0x2d: {  	s3 =	simm.s32 $0x108;
	s8 =	sld [smem:$0x3FAA]  }
0x2e: {  	s3 =	simm.s32 @!p0 $0x1082;
	s9 =	sld [smem:$0x3FAB]  }
0x2f: {  	lr =	sadd.s32 s0, s3;
	s0 =	sld [smem:$0x3FA2]  }
0x30: {  	s3 =	sld [smem:$0x3FA5]  }
0x31: {  	[smem:$0x3FAE] =	sst s10  }
0x32: {  	s10 =	sld [smem:$0x3FAC];
	_ =	sdelay $0x3  }
0x33: {  	p0 =	seq.s32 s10, $0x1;
	s10 =	sld [smem:$0x3FAE];
	_ =	sdelay $0x3  }
0x34: {  	[smem:$0x3FAE] =	sst s10  }
0x35: {  	s10 =	sld [smem:$0x3FAD];
	_ =	sdelay $0x3  }
0x36: {  	p1 =	seq.s32 s10, $0x1;
	s10 =	sld [smem:$0x3FAE];
	_ =	sdelay $0x3  }
0x37: {  	[smem:$0x3FAE] =	sst s10  }
0x38: {  	s10 =	sld [smem:$0x3FAF]  }
0x39: {  	_ = 	snop;
	(pc) =	sbr.ind lr, $3  }
0x3a: {  	_ = 	snop  }
0x3b: {  	_ = 	snop  }
0x3c: {  	p2 =	seq.s32 s10, $0x1;
	s10 =	sld [smem:$0x3FAE]  }
0x3d: {  	_ =	shalt  }
0x3e: {  	_ =	shalt  }
0x3f: {  	_ =	shalt  }
0x40: {  	_ =	shalt  }
0x41: {  	_ =	shalt  }
0x42: {  	_ =	shalt  }
0x43: {  	_ =	shalt  }
0x44: {  	_ =	shalt  }
0x45: {  	_ =	shalt  }
0x46: {  	_ =	shalt  }
0x47: {  	_ =	shalt  }
0x48: {  	_ =	shalt  }
0x49: {  	_ =	shalt  }
0x4a: {  	_ =	shalt  }
0x4b: {  	_ =	shalt  }
0x4c: {  	_ =	shalt  }
0x4d: {  	_ =	shalt  }
0x4e: {  	_ =	shalt  }
0x4f: {  	_ =	shalt  }
0x50: {  	_ =	shalt  }
0x51: {  	_ =	shalt  }
0x52: {  	_ =	shalt  }
0x53: {  	_ =	shalt  }
0x54: {  	_ =	shalt  }
0x55: {  	_ =	shalt  }
0x56: {  	_ =	shalt  }
0x57: {  	_ =	shalt  }
0x58: {  	_ =	shalt  }
0x59: {  	_ =	shalt  }
0x5a: {  	_ =	shalt  }
0x5b: {  	_ =	shalt  }
0x5c: {  	_ =	shalt  }
0x5d: {  	_ =	shalt  }
0x5e: {  	_ =	shalt  }
0x5f: {  	_ =	shalt  }
0x60: {  	_ =	shalt  }
0x61: {  	_ =	shalt  }
0x62: {  	_ =	shalt  }
0x63: {  	_ =	shalt  }
0x64: {  	_ =	shalt  }
0x65: {  	_ =	shalt  }
0x66: {  	_ =	shalt  }
0x67: {  	_ =	shalt  }
0x68: {  	_ =	shalt  }
0x69: {  	_ =	shalt  }
0x6a: {  	_ =	shalt  }
0x6b: {  	_ =	shalt  }
0x6c: {  	_ =	shalt  }
0x6d: {  	_ =	shalt  }
0x6e: {  	_ =	shalt  }
0x6f: {  	_ =	shalt  }
0x70: {  	_ =	shalt  }
0x71: {  	_ =	shalt  }
0x72: {  	_ =	shalt  }
0x73: {  	_ =	shalt  }
0x74: {  	_ =	shalt  }
0x75: {  	_ =	shalt  }
0x76: {  	_ =	shalt  }
0x77: {  	_ =	shalt  }
0x78: {  	_ =	shalt  }
0x79: {  	_ =	shalt  }
0x7a: {  	_ =	shalt  }
0x7b: {  	_ =	shalt  }
0x7c: {  	_ =	shalt  }
0x7d: {  	_ =	shalt  }
0x7e: {  	_ =	shalt  }
0x7f: {  	_ =	shalt  }
0x80: {  	_ =	shalt  }
0x81: {  	_ =	shalt  }
0x82: {  	_ =	shalt  }
0x83: {  	_ =	shalt  }
0x84: {  	_ =	shalt  }
0x85: {  	_ =	shalt  }
0x86: {  	_ =	shalt  }
0x87: {  	_ =	shalt  }
.Lfunc_end0:
.L_simem_size_0:
called_computation.2_lowered:
.L_overlay_start_0:
0x88: {  	s2 =	sld [smem:$0x3FD9]  }
0x89: {  	s3 =	sld [smem:$0x3FFE];
	_ =	sdelay $0x1  }
0x8a: {  	s1 =	srdreg.scid  }
0x8b: {  	s0 =	sand.u32 $0x1, s1  }
0x8c: {  	s17 =	sshll.u32 s0, $0xA;
	s2 =	sadd.s32 s3, s2  }
0x8d: {  	s2 =	sadd.s32 s2, s17  }
0x8e: {  	[smem:$0x3FBA] =	sst s2  }
0x8f: {  	_ = 	snop  }
0x90: {  	(tm) =	ssettm $0x1  }
0x91: {  	s18 =	sld [smem:$0x3FFB];
	_ =	sdelay $0x3  }
0x92: {  	_ =	strace s18  }
0x93: {  	s2 =	sld [smem:$0x3FFC];
	_ =	sdelay $0x3  }
0x94: {  	_ =	strace s2  }
0x95: {  	s2 =	sld [smem:$0x3FFD];
	_ =	sdelay $0x3  }
0x96: {  	_ =	strace s2  }
0x97: {  	_ =	strace $0x8FFFFFFF  }
0x98: {  	s19 =	sld [smem:$0x3FDB];
	_ =	sdelay $0x1  }
0x99: {  	s20 =	simm.s32 $_scs_section_size  }
0x9a: {  	s4 =	simm.s32 $_size__tile_overlayer_lowered;
	s5 =	simm.s32 $_tile_overlayer_lowered  }
0x9b: {  	s6 =	simm.s32 $0x1BFF;
	s21 =	sshll.u32 s5, $0x1;
	s3 =	sadd.s32 s20, s19  }
0x9c: {  	s22 =	simm.s32 $0x0;
	s4 =	sshll.u32 s4, $0x1;
	s5 =	sadd.s32 s21, s3  }
0x9d: {  	[timem:s22], [sflag:s6] =	dma.local [hbm:s5], s4  }
0x9e: {  	_ =	swait.ge [sflag:s6], s4  }
0x9f: {  	s4 =	ssub.s32 $0x0, s4;
	[sflag:s6] =	ssyncset.done $0x0  }
0xa0: {  	[sflag:s6] =	ssyncadd.s32 s4;
	_ =	sdelay $0x1  }
0xa1: {  	s23 =	simm.s32 $0x1B8B  }
0xa2: {  	_ =	swait.ge [sflag:s23], $0x1  }
0xa3: {  	[sflag:s23] =	ssyncset.done $0x0  }
0xa4: {  	[sflag:s23] =	ssyncadd.s32 $0xFFFFFFFF  }
0xa5: {  	s4 =	sld [smem:$0x0]  }
0xa6: {  	s5 =	sand.u32 $0xFFFFFFFE, s1  }
0xa7: {  	p0 =	sne.s32 s1, s5  }
0xa8: {  	s5 =	sshll.u32 @p0 s5, $0xE  }
0xa9: {  	s5 =	sadd.s32 @p0 $0x11B8D, s5;
	s6 =	sshll.u32 @p0 s4, $0x11  }
0xaa: {  	s5 =	sor.u32 @p0 s6, s5  }
0xab: {  	[sflag:s5] =	ssyncadd.remote.s32 @p0 $0x1;
	_ =	sdelay $0x1  }
0xac: {  	s5 =	simm.s32 @p0 $0x1B8D  }
0xad: {  	_ =	swait.eq @p0 [sflag:s5], $0x1  }
0xae: {  	[sflag:s5] =	ssyncadd.s32 @p0 $0xFFFFFFFF  }
0xaf: {  	s6 =	sshll.u32 @!p0 s1, $0xE  }
0xb0: {  	s6 =	sor.u32 @!p0 $0x4000, s6;
	s5 =	simm.s32 @!p0 $0x1B8D  }
0xb1: {  	s4 =	sshll.u32 @!p0 s4, $0x11;
	s6 =	sadd.s32 @!p0 $0x11B8D, s6;
	_ =	swait.eq @!p0 [sflag:s5], $0x1  }
0xb2: {  	s4 =	sor.u32 @!p0 s4, s6;
	[sflag:s5] =	ssyncadd.s32 @!p0 $0xFFFFFFFF  }
0xb3: {  	s25 =	simm.s32 $0x1B8E;
	s24 =	sld [smem:$0x3FFE];
	[sflag:s4] =	ssyncadd.remote.s32 @!p0 $0x1  }
0xb4: {  	s26 =	simm.s32 $execute0_lowered;
	[smem:$0x3FD2] =	sst s25  }
0xb5: {  	s5 =	sshll.u32 s26, $0x1;
	_ =	strace $0x8000004F;
	[dreg:$0x1] =	wrdreg $0xFFFFFFFF  }
0xb6: {  	s28 =	simm.s32 $_size_execute0_lowered;
	s3 =	sadd.s32 s3, s5;
	[dreg:$0x0] =	wrdreg $0x0  }
0xb7: {  	s5 =	sshll.u32 s28, $0x1;
	[dreg:$0x2] =	wrdreg s3  }
0xb8: {  	[dreg:$0x3] =	wrdreg s5  }
0xb9: {  	[dreg:$0x4] =	wrdreg $0xC0  }
0xba: {  	_ =	task [dreg:s22], $0x5FFFF  }
0xbb: {  	[dreg:$0x1] =	wrdreg $0xFFFFFFFF  }
0xbc: {  	[dreg:$0x0] =	wrdreg $0x60  }
0xbd: {  	[dreg:$0x2] =	wrdreg s24  }
0xbe: {  	[dreg:$0x3] =	wrdreg $0x9  }
0xbf: {  	_ =	task.clear_ibuf [dreg:s22], $0x4FFFF;
	_ =	strace $0x9000004F  }
0xc0: {  	s29 =	simm.s32 $0x9;
	_ =	strace $0x80000051  }
0xc1: {  	_ =	swait.ge [sflag:s29], $0x1  }
0xc2: {  	[sflag:s29] =	ssyncadd.s32 $0xFFFFFFFF  }
0xc3: {  	_ =	strace $0x90000051  }
0xc4: {  	_ =	sfence  }
0xc5: {  	s30 =	sld [smem:$0x0];
	_ =	sdelay $0x2  }
0xc6: {  	s31 =	sshll.u32 s1, $0xD;
	s1 =	sshrl.u32 s1, $0x2  }
0xc7: {  	s4 =	sand.u32 $0x4000, s31;
	s1 =	sadd.s32 s1, s30  }
0xc8: {  	s0 =	sor.u32 s4, s0;
	s1 =	sshll.u32 s1, $0x11  }
0xc9: {  	s0 =	sor.u32 s1, s0  }
0xca: {  	s0 =	sadd.s32 $0x8F2B, s0  }
0xcb: {  	[sflag:s0] =	ssyncadd.remote.s32 $0x1  }
0xcc: {  	_ =	sfence.sel $0xFFFF  }
0xcd: {  	[dreg:$0x0] =	wrdreg $0xFFFFFFFF;
	(pc) =	sbr.abs _section_cstart, $3  }
0xce: {  	[dreg:$0x1] =	wrdreg $0xFFFFFFFF  }
0xcf: {  	_ =	task.clear_ibuf [dreg:s22], $0x2FFFF;
	_ =	strace $0x9FFFFFFF  }
0xd0: {  	(tm) =	ssettm $0x7FFFFFFF  }
0xd1: {  	_ =	shalt  }
tec
execute0_lowered:
.L_overlay_start_1:
0x0: {  	(tag) =	ssettag $0x1  }
0x1: {  	s0 =	rddreg [dreg:$0x0];
	s2 =	simm.s32 $0x0  }
0x2: {  	s1 =	srdreg.scid;
	s12 =	stileid.u32;
	s18 =	simm.s32 $0x80  }
0x3: {  	s19 =	simm.s32 $0x200;
	s20 =	simm.s32 $0x4200;
	s21 =	simm.s32 $0x100  }
0x4: {  	s22 =	simm.s32 $0x8200;
	s23 =	simm.s32 $0x180;
	s28 =	simm.s32 $0x2  }
0x5: {  	s29 =	simm.s32 $0x0;
	[smem:$0x7FF] =	sst s2;
	s10 =	smul.u32 $0x2800, s12  }
0x6: {  	s1 =	sand.u32 $0x1, s1;
	s15 =	sadd.s32 $0x2CB400, s0;
	s16 =	smul.u32 $0x140000, s12  }
0x7: {  	s3 =	sshll.u32 s12, $0x1;
	_ =	strace $0x80000050;
	s11 =	smul.u32 $0x1400, s1  }
0x8: {  	s4 =	sor.u32 s1, s3;
	s5 =	ssub.s32 $0x2, s1;
	s1 =	smul.u32 $0xA0000, s1  }
0x9: {  	s3 =	sadd.s32 $0x6400, s0;
	s6 =	smul.u32 $0x1400, s4;
	s7 =	sshrl.u32 s5, $0x1  }
0xa: {  	s0 =	sadd.s32 $0x2D0400, s0;
	s8 =	smul.u32 $0xA0000, s4;
	s5 =	ssub.s32 s5, s7  }
0xb: {  	s14 =	sadd.s32 s11, s10;
	s1 =	sadd.s32 s1, s16;
	s24 =	sshrl.u32 s6, $0x3  }
0xc: {  	s9 =	sor.u32 $0x200, s6;
	s5 =	smax.u32 s5, $0x1;
	s25 =	sshrl.u32 s8, $0x3  }
0xd: {  	s31 =	sadd.s32 $0x400, s14;
	s16 =	sor.u32 $0x10000, s1;
	s1 =	sor.u32 $0x18000, s1  }
0xe: {  	s14 =	sor.u32 $0x300, s14;
	s4 =	sadd.s32 s15, s24;
	[dreg:$0x2] =	wrdreg s5  }
0xf: {  	s7 =	sadd.s32 s0, s25;
	s30 =	sshrl.u32 s9, $0x3;
	s13 =	sshrl.u32 s31, $0x3  }
0x10: {  	s16 =	sshrl.u32 s16, $0x3;
	s1 =	sshrl.u32 s1, $0x3;
	s17 =	sshrl.u32 s14, $0x3  }
0x11: {  	s24 =	simm.s32 $0xC200;
	s25 =	simm.s32 $0x1;
	s26 =	sadd.s32 $0x20, s4  }
0x12: {  	s8 =	sadd.s32 s15, s30;
	s9 =	sadd.s32 $0x1000, s7;
	s10 =	sadd.s32 $0x260, s4  }
0x13: {  	s11 =	sadd.s32 $0x12000, s7;
	s12 =	sadd.s32 $0x13000, s7;
	s13 =	sadd.s32 s13, s15  }
0x14: {  	s14 =	sadd.s32 s16, s0;
	s1 =	sadd.s32 s1, s0;
	s16 =	sadd.s32 s17, s15  }
0x15: {  	s17 =	simm.s32 $0x4;
	[dreg:$0x3] =	wrdreg s26;
	s26 =	simm.s32 $0x3  }
.LBB2_1:
0x16: {  	[tilespmem:s2], [sflag:$0x4] =	stream.linear.gather [hbm4b:s4+s2], $0x100, $0x38;
	[tilespmem:$0x10200] =	vst v63  }
0x17: {  	_ =	swait.ge [sflag:s17], $0x100  }
0x18: {  	[sflag:s17] =	ssyncset.done $0x0  }
0x19: {  	[sflag:s17] =	ssyncadd.s32 $0xFFFFFF00  }
0x1a: {  	[tilespmem:s19], [sflag:$0x1] =	stream.indirect.gather [hbm4b:s3+s18], $0x80, s2, s18, $0xb8;
	[tilespmem:$0x10200] =	vst v63  }
0x1b: {  	_ = 	snop  }
0x1c: {  	[tilespmem:s20], [sflag:$0x1] =	stream.indirect.gather [hbm4b:s3+s18], $0x80, s18, s18, $0xb8;
	[tilespmem:$0x10200] =	vst v63  }
0x1d: {  	s0 =	rddreg [dreg:$0x3]  }
0x1e: {  	[tilespmem:s21], [sflag:$0x4] =	stream.linear.gather [hbm4b:s0+s2], $0x100, $0x38;
	[tilespmem:$0x10200] =	vst v63  }
0x1f: {  	_ =	swait.ge [sflag:s17], $0x100  }
0x20: {  	[sflag:s17] =	ssyncset.done $0x0  }
0x21: {  	[sflag:s17] =	ssyncadd.s32 $0xFFFFFF00  }
0x22: {  	[tilespmem:s22], [sflag:$0x2] =	stream.indirect.gather [hbm4b:s3+s18], $0x80, s21, s18, $0xb8;
	[tilespmem:$0x10200] =	vst v63  }
0x23: {  	_ = 	snop  }
0x24: {  	[tilespmem:s24], [sflag:$0x2] =	stream.indirect.gather [hbm4b:s3+s18], $0x80, s23, s18, $0xb8;
	[tilespmem:$0x10200] =	vst v63  }
0x25: {  	_ =	swait.ge [sflag:s25], $0x4000  }
0x26: {  	[sflag:s25] =	ssyncset.done $0x0  }
0x27: {  	[sflag:s25] =	ssyncadd.s32 $0xFFFFC000  }
0x28: {  	_ =	swait.ge [sflag:s25], $0x4000  }
0x29: {  	[sflag:s25] =	ssyncset.done $0x0  }
0x2a: {  	[sflag:s25] =	ssyncadd.s32 $0xFFFFC000  }
0x2b: {  	[hbm4b:s7+s2] =	stream.linear.scatter [tilespmem:s19], [sflag:$0x3], $0x8000, $0x38;
	[tilespmem:$0x10200] =	vst v63  }
0x2c: {  	_ =	swait.ge [sflag:s26], $0x8000  }
0x2d: {  	[sflag:s26] =	ssyncset.done $0x0  }
0x2e: {  	[sflag:s26] =	ssyncadd.s32 $0xFFFF8000  }
0x2f: {  	[tilespmem:s2], [sflag:$0x4] =	stream.linear.gather [hbm4b:s8+s2], $0x100, $0x38;
	[tilespmem:$0x10200] =	vst v63  }
0x30: {  	_ =	swait.ge [sflag:s17], $0x100  }
0x31: {  	[sflag:s17] =	ssyncset.done $0x0  }
0x32: {  	[sflag:s17] =	ssyncadd.s32 $0xFFFFFF00  }
0x33: {  	[tilespmem:s19], [sflag:$0x1] =	stream.indirect.gather [hbm4b:s3+s18], $0x80, s2, s18, $0xb8;
	[tilespmem:$0x10200] =	vst v63  }
0x34: {  	_ = 	snop  }
0x35: {  	[tilespmem:s20], [sflag:$0x1] =	stream.indirect.gather [hbm4b:s3+s18], $0x80, s18, s18, $0xb8;
	[tilespmem:$0x10200] =	vst v63  }
0x36: {  	_ =	swait.ge [sflag:s28], $0x4000  }
0x37: {  	[sflag:s28] =	ssyncset.done $0x0  }
0x38: {  	[sflag:s28] =	ssyncadd.s32 $0xFFFFC000  }
0x39: {  	_ =	swait.ge [sflag:s28], $0x4000  }
0x3a: {  	[sflag:s28] =	ssyncset.done $0x0  }
0x3b: {  	[sflag:s28] =	ssyncadd.s32 $0xFFFFC000  }
0x3c: {  	[hbm4b:s9+s2] =	stream.linear.scatter [tilespmem:s22], [sflag:$0x3], $0x8000, $0x38;
	[tilespmem:$0x10200] =	vst v63  }
0x3d: {  	_ =	swait.ge [sflag:s26], $0x8000  }
0x3e: {  	[sflag:s26] =	ssyncset.done $0x0  }
0x3f: {  	s6 =	sadd.s32 $0x0, s16;
	[sflag:s26] =	ssyncadd.s32 $0xFFFF8000  }
0x40: {  	[tilespmem:s21], [sflag:$0x4] =	stream.linear.gather [hbm4b:s6+s2], $0x100, $0x38;
	[tilespmem:$0x10200] =	vst v63  }
0x41: {  	_ =	swait.ge [sflag:s17], $0x100  }
0x42: {  	[sflag:s17] =	ssyncset.done $0x0  }
0x43: {  	[sflag:s17] =	ssyncadd.s32 $0xFFFFFF00  }
0x44: {  	[tilespmem:s22], [sflag:$0x2] =	stream.indirect.gather [hbm4b:s3+s18], $0x80, s21, s18, $0xb8;
	[tilespmem:$0x10200] =	vst v63  }
0x45: {  	_ = 	snop  }
0x46: {  	[tilespmem:s24], [sflag:$0x2] =	stream.indirect.gather [hbm4b:s3+s18], $0x80, s23, s18, $0xb8;
	[tilespmem:$0x10200] =	vst v63  }
0x47: {  	_ =	swait.ge [sflag:s25], $0x4000  }
0x48: {  	[sflag:s25] =	ssyncset.done $0x0  }
0x49: {  	[sflag:s25] =	ssyncadd.s32 $0xFFFFC000  }
0x4a: {  	_ =	swait.ge [sflag:s25], $0x4000  }
0x4b: {  	[sflag:s25] =	ssyncset.done $0x0  }
0x4c: {  	[sflag:s25] =	ssyncadd.s32 $0xFFFFC000  }
0x4d: {  	[hbm4b:s14+s2] =	stream.linear.scatter [tilespmem:s19], [sflag:$0x3], $0x8000, $0x38;
	[tilespmem:$0x10200] =	vst v63  }
0x4e: {  	_ =	swait.ge [sflag:s26], $0x8000  }
0x4f: {  	[sflag:s26] =	ssyncset.done $0x0  }
0x50: {  	s15 =	sadd.s32 $0x0, s13;
	[sflag:s26] =	ssyncadd.s32 $0xFFFF8000  }
0x51: {  	[tilespmem:s2], [sflag:$0x4] =	stream.linear.gather [hbm4b:s15+s2], $0x100, $0x38;
	[tilespmem:$0x10200] =	vst v63  }
0x52: {  	_ =	swait.ge [sflag:s17], $0x100  }
0x53: {  	[sflag:s17] =	ssyncset.done $0x0  }
0x54: {  	[sflag:s17] =	ssyncadd.s32 $0xFFFFFF00  }
0x55: {  	[tilespmem:s19], [sflag:$0x1] =	stream.indirect.gather [hbm4b:s3+s18], $0x80, s2, s18, $0xb8;
	[tilespmem:$0x10200] =	vst v63  }
0x56: {  	_ = 	snop  }
0x57: {  	[tilespmem:s20], [sflag:$0x1] =	stream.indirect.gather [hbm4b:s3+s18], $0x80, s18, s18, $0xb8;
	[tilespmem:$0x10200] =	vst v63  }
0x58: {  	_ =	swait.ge [sflag:s28], $0x4000  }
0x59: {  	[sflag:s28] =	ssyncset.done $0x0  }
0x5a: {  	[sflag:s28] =	ssyncadd.s32 $0xFFFFC000  }
0x5b: {  	_ =	swait.ge [sflag:s28], $0x4000  }
0x5c: {  	s30 =	simm.s32 $0x40;
	s31 =	sadd.s32 $0x2000, s14;
	[sflag:s28] =	ssyncset.done $0x0  }
0x5d: {  	s0 =	sadd.s32 $0x2000, s1;
	s15 =	smov.u32 s1;
	[sflag:s28] =	ssyncadd.s32 $0xFFFFC000  }
.LBB2_2:
0x5e: {  	[hbm4b:s15+s2] =	stream.linear.scatter [tilespmem:s22], [sflag:$0x3], $0x8000, $0x38;
	[tilespmem:$0x10200] =	vst v63  }
0x5f: {  	s5 =	smov.u32 s30;
	s15 =	smov.u32 s0  }
0x60: {  	p0 =	sne.s32 s30, $0x1C0;
	s30 =	sadd.s32 $0x40, s30;
	_ =	swait.ge [sflag:s26], $0x8000  }
0x61: {  	[sflag:s26] =	ssyncset.done $0x0  }
0x62: {  	s6 =	sadd.s32 s5, s16;
	[sflag:s26] =	ssyncadd.s32 $0xFFFF8000  }
0x63: {  	[tilespmem:s21], [sflag:$0x4] =	stream.linear.gather [hbm4b:s6+s2], $0x100, $0x38;
	[tilespmem:$0x10200] =	vst v63  }
0x64: {  	_ =	swait.ge [sflag:s17], $0x100  }
0x65: {  	[sflag:s17] =	ssyncset.done $0x0  }
0x66: {  	[sflag:s17] =	ssyncadd.s32 $0xFFFFFF00  }
0x67: {  	[tilespmem:s22], [sflag:$0x2] =	stream.indirect.gather [hbm4b:s3+s18], $0x80, s21, s18, $0xb8;
	[tilespmem:$0x10200] =	vst v63  }
0x68: {  	_ = 	snop  }
0x69: {  	[tilespmem:s24], [sflag:$0x2] =	stream.indirect.gather [hbm4b:s3+s18], $0x80, s23, s18, $0xb8;
	[tilespmem:$0x10200] =	vst v63  }
0x6a: {  	_ =	swait.ge [sflag:s25], $0x4000  }
0x6b: {  	[sflag:s25] =	ssyncset.done $0x0  }
0x6c: {  	[sflag:s25] =	ssyncadd.s32 $0xFFFFC000  }
0x6d: {  	_ =	swait.ge [sflag:s25], $0x4000  }
0x6e: {  	[sflag:s25] =	ssyncset.done $0x0  }
0x6f: {  	[sflag:s25] =	ssyncadd.s32 $0xFFFFC000  }
0x70: {  	[hbm4b:s31+s2] =	stream.linear.scatter [tilespmem:s19], [sflag:$0x3], $0x8000, $0x38;
	[tilespmem:$0x10200] =	vst v63  }
0x71: {  	_ =	swait.ge [sflag:s26], $0x8000  }
0x72: {  	[sflag:s26] =	ssyncset.done $0x0  }
0x73: {  	s5 =	sadd.s32 s5, s13;
	[sflag:s26] =	ssyncadd.s32 $0xFFFF8000  }
0x74: {  	[tilespmem:s2], [sflag:$0x4] =	stream.linear.gather [hbm4b:s5+s2], $0x100, $0x38;
	[tilespmem:$0x10200] =	vst v63  }
0x75: {  	_ =	swait.ge [sflag:s17], $0x100  }
0x76: {  	[sflag:s17] =	ssyncset.done $0x0  }
0x77: {  	[sflag:s17] =	ssyncadd.s32 $0xFFFFFF00  }
0x78: {  	[tilespmem:s19], [sflag:$0x1] =	stream.indirect.gather [hbm4b:s3+s18], $0x80, s2, s18, $0xb8;
	[tilespmem:$0x10200] =	vst v63  }
0x79: {  	_ = 	snop  }
0x7a: {  	[tilespmem:s20], [sflag:$0x1] =	stream.indirect.gather [hbm4b:s3+s18], $0x80, s18, s18, $0xb8;
	[tilespmem:$0x10200] =	vst v63  }
0x7b: {  	_ =	swait.ge [sflag:s28], $0x4000  }
.Ltmp0:
0x7c: {  	[sflag:s28] =	ssyncset.done $0x0;
	(pc) =	sbr.rel @p0 .LBB2_2-.Ltmp0, $4  }
0x7d: {  	[sflag:s28] =	ssyncadd.s32 $0xFFFFC000  }
0x7e: {  	_ =	swait.ge [sflag:s28], $0x4000  }
0x7f: {  	[sflag:s28] =	ssyncset.done $0x0  }
0x80: {  	s0 =	sadd.s32 $0x2000, s0;
	s31 =	sadd.s32 $0x2000, s31;
	[sflag:s28] =	ssyncadd.s32 $0xFFFFC000  }
0x81: {  	[hbm4b:s15+s2] =	stream.linear.scatter [tilespmem:s22], [sflag:$0x3], $0x8000, $0x38;
	[tilespmem:$0x10200] =	vst v63  }
0x82: {  	_ =	swait.ge [sflag:s26], $0x8000  }
0x83: {  	[sflag:s26] =	ssyncset.done $0x0  }
0x84: {  	[sflag:s26] =	ssyncadd.s32 $0xFFFF8000  }
0x85: {  	[tilespmem:s21], [sflag:$0x4] =	stream.linear.gather [hbm4b:s10+s2], $0x100, $0x38;
	[tilespmem:$0x10200] =	vst v63  }
0x86: {  	_ =	swait.ge [sflag:s17], $0x100  }
0x87: {  	[sflag:s17] =	ssyncset.done $0x0  }
0x88: {  	[sflag:s17] =	ssyncadd.s32 $0xFFFFFF00  }
0x89: {  	[tilespmem:s22], [sflag:$0x2] =	stream.indirect.gather [hbm4b:s3+s18], $0x80, s21, s18, $0xb8;
	[tilespmem:$0x10200] =	vst v63  }
0x8a: {  	_ = 	snop  }
0x8b: {  	[tilespmem:s24], [sflag:$0x2] =	stream.indirect.gather [hbm4b:s3+s18], $0x80, s23, s18, $0xb8;
	[tilespmem:$0x10200] =	vst v63  }
0x8c: {  	_ =	swait.ge [sflag:s25], $0x4000  }
0x8d: {  	[sflag:s25] =	ssyncset.done $0x0  }
0x8e: {  	[sflag:s25] =	ssyncadd.s32 $0xFFFFC000  }
0x8f: {  	_ =	swait.ge [sflag:s25], $0x4000  }
0x90: {  	[sflag:s25] =	ssyncset.done $0x0  }
0x91: {  	[sflag:s25] =	ssyncadd.s32 $0xFFFFC000  }
0x92: {  	[hbm4b:s11+s2] =	stream.linear.scatter [tilespmem:s19], [sflag:$0x3], $0x8000, $0x38;
	[tilespmem:$0x10200] =	vst v63  }
0x93: {  	_ =	swait.ge [sflag:s26], $0x8000  }
0x94: {  	[sflag:s26] =	ssyncset.done $0x0  }
0x95: {  	[sflag:s26] =	ssyncadd.s32 $0xFFFF8000  }
0x96: {  	_ =	swait.ge [sflag:s28], $0x4000  }
0x97: {  	[sflag:s28] =	ssyncset.done $0x0  }
0x98: {  	[sflag:s28] =	ssyncadd.s32 $0xFFFFC000  }
0x99: {  	_ =	swait.ge [sflag:s28], $0x4000  }
0x9a: {  	[sflag:s28] =	ssyncset.done $0x0  }
0x9b: {  	[sflag:s28] =	ssyncadd.s32 $0xFFFFC000  }
0x9c: {  	[hbm4b:s12+s2] =	stream.linear.scatter [tilespmem:s22], [sflag:$0x3], $0x8000, $0x38;
	[tilespmem:$0x10200] =	vst v63  }
0x9d: {  	_ =	swait.ge [sflag:s26], $0x8000  }
0x9e: {  	s29 =	sadd.s32 $0x1, s29;
	s0 =	rddreg [dreg:$0x2]  }
0x9f: {  	p0 =	sne.s32 s29, s0  }
.Ltmp1:
0xa0: {  	_ = 	snop;
	(pc) =	sbr.rel @p0 .LBB2_1-.Ltmp1, $3  }
0xa1: {  	_ =	sdelay $0x1  }
0xa2: {  	[sflag:s26] =	ssyncset.done $0x0  }
0xa3: {  	[sflag:s26] =	ssyncadd.s32 $0xFFFF8000  }
0xa4: {  	_ =	sfence.sel $0x180000  }
0xa5: {  	[bflag:$0x0] =	sbarrier.arrive $0xFFFF  }
0xa6: {  	_ =	strace $0x90000050  }
0xa7: {  	s0 =	stileid.u32;
	[bflag:$0x2] =	sbarrier.arrive $0xFFFF  }
0xa8: {  	p0 =	sne.s32 s0, $0x0;
	s0 =	rddreg [dreg:$0x1]  }
0xa9: {  	s0 =	sadd.s32 @!p0 $0x100000, s0  }
0xaa: {  	[sflag:s0] =	ssyncadd.tile.s32 @!p0 $0x1;
	_ =	shalt  }
.Lfunc_end2:
_tile_overlayer_lowered:
.L_overlay_start_2:
0xab: {  	(tag) =	ssettag $0x2  }
0xac: {  	s0 =	rddreg [dreg:$0x0];
	s2 =	stileid.u32  }
0xad: {  	s1 =	rddreg [dreg:$0x1];
	p0 =	sne.s32 s2, $0x0  }
0xae: {  	s3 =	rddreg [dreg:$0x2];
	[bflag:$0x3] =	sbarrier.arrive $0xFFFF;
	s2 =	simm.s32 @!p0 $0x1C04  }
0xaf: {  	[timem:s3], [sflag:s2] =	dma.local @!p0 [hbm:s0], s1  }
0xb0: {  	s0 =	simm.s32 @!p0 $0x4  }
0xb1: {  	_ =	swait.ge @!p0 [sflag:s0], s1  }
0xb2: {  	s1 =	ssub.s32 @!p0 $0x0, s1;
	[sflag:s0] =	ssyncset.done @!p0 $0x0  }
0xb3: {  	[sflag:s0] =	ssyncadd.s32 @!p0 s1  }
0xb4: {  	[bflag:$0x3] =	sbarrier.arrive $0xFFFF  }
0xb5: {  	_ =	shalt  }

// kernel: kernel.32.cloned.1.call-start
scs
__scs_entry_jumppad:
0x0: {  	(pc) =	sbr.rel $0x88, $3  }
0x1: {  	(tag) =	ssettag $0x0;
	lr =	simm.s32 $0x1  }
0x2: {  	[smem:$0x3F93] =	sst lr;
	_ =	strace $0xD0000000  }
0x3: {  	_ = 	snop  }
0x4: {  	_ = 	snop  }
0x5: {  	_ = 	snop  }
0x6: {  	_ = 	snop  }
0x7: {  	_ = 	snop  }
__scs_overlays_trampoline_lowered:
0x8: {  	[smem:$0x3FA2] =	sst s0  }
0x9: {  	[smem:$0x3FA3] =	sst s1  }
0xa: {  	[smem:$0x3FA4] =	sst s2  }
0xb: {  	[smem:$0x3FA5] =	sst s3  }
0xc: {  	[smem:$0x3FA6] =	sst s4  }
0xd: {  	[smem:$0x3FA7] =	sst s5  }
0xe: {  	[smem:$0x3FA8] =	sst s6  }
0xf: {  	[smem:$0x3FA9] =	sst s7  }
0x10: {  	[smem:$0x3FAA] =	sst s8  }
0x11: {  	[smem:$0x3FAB] =	sst s9;
	s0 =	simm.s32 @!p0 $0x0  }
0x12: {  	s1 =	sld [smem:$0x3F91];
	s0 =	simm.s32 @p0 $0x1  }
0x13: {  	[smem:$0x3FAC] =	sst s0;
	s0 =	simm.s32 @!p1 $0x0  }
0x14: {  	s2 =	sld [smem:$0x3F90];
	s0 =	simm.s32 @p1 $0x1  }
0x15: {  	[smem:$0x3FAD] =	sst s0;
	s0 =	simm.s32 @!p2 $0x0  }
0x16: {  	s3 =	sld [smem:$0x3FDB];
	s0 =	simm.s32 @p2 $0x1  }
0x17: {  	s4 =	simm.s32 $0x1BF5;
	[smem:$0x3FAF] =	sst s0  }
0x18: {  	s0 =	sld [smem:$0x3F92];
	_ =	swait.ge [sflag:s4], $0x0  }
0x19: {  	s7 =	sld [smem:$0x3F93]  }
0x1a: {  	s8 =	sadd.s32 $0xFFFFE003, lr  }
0x1b: {  	s9 =	sadd.s32 $0xFFFFFEF7, lr;
	s5 =	simm.s32 $0xFFFFFFFF;
	p2 =	slt.u32 s8, $0xFFFFF086  }
0x1c: {  	p1 =	slt.u32 s9, $0xF7A;
	s5 =	simm.s32 @!p2 $0x0  }
0x1d: {  	s5 =	simm.s32 @p1 $0x1;
	p0 =	seq.s32 s7, s2  }
0x1e: {  	s7 =	smul.u32 @!p0 $0xF7A, s2;
	p2 =	seq.s32 @!p0 s5, $0x0  }
0x1f: {  	s9 =	smul.u32 $0xF7A, s1;
	s8 =	simm.s32 @!p0 $0x1BF5;
	p2 =	por !p2, p0  }
0x20: {  	[sflag:s8] =	ssyncset.s32 @!p0 $0xFFFFF086;
	s6 =	sadd.s32 @!p0 s3, s7;
	s7 =	simm.s32 @!p0 $0x108  }
0x21: {  	s3 =	sadd.s32 s3, s9;
	s6 =	sadd.s32 @!p0 $0x88, s6;
	s7 =	simm.s32 @p2 $0x1082  }
0x22: {  	[simem:s7], [sflag:s8] =	dma.local @!p0 [hbm:s6], $0xF7A  }
0x23: {  	s9 =	sor.u32 $0xD0000000, s2;
	s6 =	simm.s32 $0x108;
	_ =	swait.ge @!p0 [sflag:s8], $0x0  }
0x24: {  	s3 =	sadd.s32 $0x88, s3;
	s6 =	simm.s32 @!p1 $0x1082;
	[sflag:s4] =	ssyncset.s32 $0xFFFFF086  }
0x25: {  	[simem:s6], [sflag:s4] =	dma.local [hbm:s3], $0xF7A  }
0x26: {  	[smem:$0x3F93] =	sst s1;
	(tag) =	ssettag s2;
	_ =	strace s9  }
0x27: {  	s1 =	sld [smem:$0x3FA3]  }
0x28: {  	s2 =	sld [smem:$0x3FA4]  }
0x29: {  	s4 =	sld [smem:$0x3FA6]  }
0x2a: {  	p0 =	seq.s32 s5, $0x0;
	s5 =	sld [smem:$0x3FA7]  }
0x2b: {  	s6 =	sld [smem:$0x3FA8]  }
0x2c: {  	s7 =	sld [smem:$0x3FA9]  }
0x2d: {  	s3 =	simm.s32 $0x108;
	s8 =	sld [smem:$0x3FAA]  }
0x2e: {  	s3 =	simm.s32 @!p0 $0x1082;
	s9 =	sld [smem:$0x3FAB]  }
0x2f: {  	lr =	sadd.s32 s0, s3;
	s0 =	sld [smem:$0x3FA2]  }
0x30: {  	s3 =	sld [smem:$0x3FA5]  }
0x31: {  	[smem:$0x3FAE] =	sst s10  }
0x32: {  	s10 =	sld [smem:$0x3FAC];
	_ =	sdelay $0x3  }
0x33: {  	p0 =	seq.s32 s10, $0x1;
	s10 =	sld [smem:$0x3FAE];
	_ =	sdelay $0x3  }
0x34: {  	[smem:$0x3FAE] =	sst s10  }
0x35: {  	s10 =	sld [smem:$0x3FAD];
	_ =	sdelay $0x3  }
0x36: {  	p1 =	seq.s32 s10, $0x1;
	s10 =	sld [smem:$0x3FAE];
	_ =	sdelay $0x3  }
0x37: {  	[smem:$0x3FAE] =	sst s10  }
0x38: {  	s10 =	sld [smem:$0x3FAF]  }
0x39: {  	_ = 	snop;
	(pc) =	sbr.ind lr, $3  }
0x3a: {  	_ = 	snop  }
0x3b: {  	_ = 	snop  }
0x3c: {  	p2 =	seq.s32 s10, $0x1;
	s10 =	sld [smem:$0x3FAE]  }
0x3d: {  	_ =	shalt  }
0x3e: {  	_ =	shalt  }
0x3f: {  	_ =	shalt  }
0x40: {  	_ =	shalt  }
0x41: {  	_ =	shalt  }
0x42: {  	_ =	shalt  }
0x43: {  	_ =	shalt  }
0x44: {  	_ =	shalt  }
0x45: {  	_ =	shalt  }
0x46: {  	_ =	shalt  }
0x47: {  	_ =	shalt  }
0x48: {  	_ =	shalt  }
0x49: {  	_ =	shalt  }
0x4a: {  	_ =	shalt  }
0x4b: {  	_ =	shalt  }
0x4c: {  	_ =	shalt  }
0x4d: {  	_ =	shalt  }
0x4e: {  	_ =	shalt  }
0x4f: {  	_ =	shalt  }
0x50: {  	_ =	shalt  }
0x51: {  	_ =	shalt  }
0x52: {  	_ =	shalt  }
0x53: {  	_ =	shalt  }
0x54: {  	_ =	shalt  }
0x55: {  	_ =	shalt  }
0x56: {  	_ =	shalt  }
0x57: {  	_ =	shalt  }
0x58: {  	_ =	shalt  }
0x59: {  	_ =	shalt  }
0x5a: {  	_ =	shalt  }
0x5b: {  	_ =	shalt  }
0x5c: {  	_ =	shalt  }
0x5d: {  	_ =	shalt  }
0x5e: {  	_ =	shalt  }
0x5f: {  	_ =	shalt  }
0x60: {  	_ =	shalt  }
0x61: {  	_ =	shalt  }
0x62: {  	_ =	shalt  }
0x63: {  	_ =	shalt  }
0x64: {  	_ =	shalt  }
0x65: {  	_ =	shalt  }
0x66: {  	_ =	shalt  }
0x67: {  	_ =	shalt  }
0x68: {  	_ =	shalt  }
0x69: {  	_ =	shalt  }
0x6a: {  	_ =	shalt  }
0x6b: {  	_ =	shalt  }
0x6c: {  	_ =	shalt  }
0x6d: {  	_ =	shalt  }
0x6e: {  	_ =	shalt  }
0x6f: {  	_ =	shalt  }
0x70: {  	_ =	shalt  }
0x71: {  	_ =	shalt  }
0x72: {  	_ =	shalt  }
0x73: {  	_ =	shalt  }
0x74: {  	_ =	shalt  }
0x75: {  	_ =	shalt  }
0x76: {  	_ =	shalt  }
0x77: {  	_ =	shalt  }
0x78: {  	_ =	shalt  }
0x79: {  	_ =	shalt  }
0x7a: {  	_ =	shalt  }
0x7b: {  	_ =	shalt  }
0x7c: {  	_ =	shalt  }
0x7d: {  	_ =	shalt  }
0x7e: {  	_ =	shalt  }
0x7f: {  	_ =	shalt  }
0x80: {  	_ =	shalt  }
0x81: {  	_ =	shalt  }
0x82: {  	_ =	shalt  }
0x83: {  	_ =	shalt  }
0x84: {  	_ =	shalt  }
0x85: {  	_ =	shalt  }
0x86: {  	_ =	shalt  }
0x87: {  	_ =	shalt  }
.Lfunc_end0:
.L_simem_size_0:
called_computation.3_lowered:
.L_overlay_start_0:
0x88: {  	s2 =	sld [smem:$0x3FD9]  }
0x89: {  	s3 =	sld [smem:$0x3FFE];
	_ =	sdelay $0x1  }
0x8a: {  	s1 =	srdreg.scid  }
0x8b: {  	s0 =	sand.u32 $0x1, s1  }
0x8c: {  	s16 =	sshll.u32 s0, $0xA;
	s2 =	sadd.s32 s3, s2  }
0x8d: {  	s2 =	sadd.s32 s2, s16  }
0x8e: {  	[smem:$0x3FBA] =	sst s2  }
0x8f: {  	_ = 	snop  }
0x90: {  	(tm) =	ssettm $0x1  }
0x91: {  	s17 =	sld [smem:$0x3FFB];
	_ =	sdelay $0x3  }
0x92: {  	_ =	strace s17  }
0x93: {  	s2 =	sld [smem:$0x3FFC];
	_ =	sdelay $0x3  }
0x94: {  	_ =	strace s2  }
0x95: {  	s2 =	sld [smem:$0x3FFD];
	_ =	sdelay $0x3  }
0x96: {  	_ =	strace s2  }
0x97: {  	_ =	strace $0x8FFFFFFF  }
0x98: {  	s18 =	sld [smem:$0x3FDB];
	_ =	sdelay $0x1  }
0x99: {  	s19 =	simm.s32 $_scs_section_size  }
0x9a: {  	s4 =	simm.s32 $_size__tile_overlayer_lowered;
	s5 =	simm.s32 $_tile_overlayer_lowered  }
0x9b: {  	s22 =	simm.s32 $0x1BFF;
	s21 =	sshll.u32 s5, $0x1;
	s2 =	sadd.s32 s19, s18  }
0x9c: {  	s6 =	simm.s32 $0x0;
	s20 =	sshll.u32 s4, $0x1;
	s4 =	sadd.s32 s21, s2  }
0x9d: {  	[timem:s6], [sflag:s22] =	dma.local [hbm:s4], s20  }
0x9e: {  	_ =	swait.ge [sflag:s22], s20  }
0x9f: {  	s3 =	ssub.s32 $0x0, s20;
	[sflag:s22] =	ssyncset.done $0x0  }
0xa0: {  	[sflag:s22] =	ssyncadd.s32 s3;
	_ =	sdelay $0x1  }
0xa1: {  	s23 =	simm.s32 $0x1B8B  }
0xa2: {  	_ =	swait.ge [sflag:s23], $0x1  }
0xa3: {  	[sflag:s23] =	ssyncset.done $0x0  }
0xa4: {  	s25 =	simm.s32 $0x1B8E;
	s24 =	sld [smem:$0x3FFE];
	[sflag:s23] =	ssyncadd.s32 $0xFFFFFFFF  }
0xa5: {  	s26 =	simm.s32 $execute0_lowered;
	[smem:$0x3FD2] =	sst s25  }
0xa6: {  	s4 =	sshll.u32 s26, $0x1;
	_ =	strace $0x8000004C;
	[dreg:$0x1] =	wrdreg $0xFFFFFFFF  }
0xa7: {  	s28 =	simm.s32 $_size_execute0_lowered;
	s2 =	sadd.s32 s2, s4;
	[dreg:$0x0] =	wrdreg $0x0  }
0xa8: {  	s4 =	sshll.u32 s28, $0x1;
	[dreg:$0x2] =	wrdreg s2  }
0xa9: {  	[dreg:$0x3] =	wrdreg s4  }
0xaa: {  	[dreg:$0x4] =	wrdreg $0xC0  }
0xab: {  	_ =	task [dreg:s6], $0x5FFFF  }
0xac: {  	[dreg:$0x1] =	wrdreg $0xFFFFFFFF  }
0xad: {  	[dreg:$0x0] =	wrdreg $0x60  }
0xae: {  	[dreg:$0x2] =	wrdreg s24  }
0xaf: {  	[dreg:$0x3] =	wrdreg $0xA  }
0xb0: {  	_ =	task.clear_ibuf [dreg:s6], $0x4FFFF;
	_ =	strace $0x9000004C  }
0xb1: {  	s29 =	simm.s32 $0xA;
	_ =	strace $0x8000004E  }
0xb2: {  	_ =	swait.ge [sflag:s29], $0x1  }
0xb3: {  	[sflag:s29] =	ssyncadd.s32 $0xFFFFFFFF  }
0xb4: {  	_ =	strace $0x9000004E  }
0xb5: {  	_ =	sfence  }
0xb6: {  	s30 =	sld [smem:$0x0];
	_ =	sdelay $0x2  }
0xb7: {  	s31 =	sshll.u32 s1, $0xD;
	s1 =	sshrl.u32 s1, $0x2  }
0xb8: {  	s3 =	sand.u32 $0x4000, s31;
	s1 =	sadd.s32 s1, s30  }
0xb9: {  	s0 =	sor.u32 s3, s0;
	s1 =	sshll.u32 s1, $0x11  }
0xba: {  	s0 =	sor.u32 s1, s0  }
0xbb: {  	s0 =	sadd.s32 $0x8F2B, s0  }
0xbc: {  	[sflag:s0] =	ssyncadd.remote.s32 $0x1  }
0xbd: {  	_ =	sfence.sel $0xFFFF  }
0xbe: {  	[dreg:$0x0] =	wrdreg $0xFFFFFFFF;
	(pc) =	sbr.abs _section_cstart, $3  }
0xbf: {  	[dreg:$0x1] =	wrdreg $0xFFFFFFFF  }
0xc0: {  	_ =	task.clear_ibuf [dreg:s6], $0x2FFFF;
	_ =	strace $0x9FFFFFFF  }
0xc1: {  	(tm) =	ssettm $0x7FFFFFFF  }
tec
execute0_lowered:
.L_overlay_start_1:
0x0: {  	(tag) =	ssettag $0x1  }
0x1: {  	s0 =	rddreg [dreg:$0x0];
	s2 =	simm.s32 $0x0  }
0x2: {  	s1 =	srdreg.scid;
	s12 =	stileid.u32;
	s18 =	simm.s32 $0x80  }
0x3: {  	s19 =	simm.s32 $0x200;
	s20 =	simm.s32 $0x4200;
	s21 =	simm.s32 $0x100  }
0x4: {  	s22 =	simm.s32 $0x8200;
	s23 =	simm.s32 $0x180;
	s28 =	simm.s32 $0x2  }
0x5: {  	s29 =	simm.s32 $0x0;
	[smem:$0x7FF] =	sst s2;
	s10 =	smul.u32 $0x2800, s12  }
0x6: {  	s1 =	sand.u32 $0x1, s1;
	s3 =	sshll.u32 s12, $0x1;
	s16 =	smul.u32 $0x140000, s12  }
0x7: {  	s15 =	sadd.s32 $0x46400, s0;
	_ =	strace $0x8000004D;
	s11 =	smul.u32 $0x1400, s1  }
0x8: {  	s4 =	sor.u32 s1, s3;
	s5 =	ssub.s32 $0x2, s1;
	s1 =	smul.u32 $0xA0000, s1  }
0x9: {  	s3 =	sadd.s32 $0x6400, s0;
	s6 =	smul.u32 $0x1400, s4;
	s7 =	sshrl.u32 s5, $0x1  }
0xa: {  	s0 =	sadd.s32 $0x4B400, s0;
	s8 =	smul.u32 $0xA0000, s4;
	s5 =	ssub.s32 s5, s7  }
0xb: {  	s14 =	sadd.s32 s11, s10;
	s1 =	sadd.s32 s1, s16;
	s24 =	sshrl.u32 s6, $0x3  }
0xc: {  	s9 =	sor.u32 $0x200, s6;
	s5 =	smax.u32 s5, $0x1;
	s25 =	sshrl.u32 s8, $0x3  }
0xd: {  	s31 =	sadd.s32 $0x400, s14;
	s16 =	sor.u32 $0x10000, s1;
	s1 =	sor.u32 $0x18000, s1  }
0xe: {  	s14 =	sor.u32 $0x300, s14;
	s4 =	sadd.s32 s15, s24;
	[dreg:$0x2] =	wrdreg s5  }
0xf: {  	s7 =	sadd.s32 s0, s25;
	s30 =	sshrl.u32 s9, $0x3;
	s13 =	sshrl.u32 s31, $0x3  }
0x10: {  	s16 =	sshrl.u32 s16, $0x3;
	s1 =	sshrl.u32 s1, $0x3;
	s17 =	sshrl.u32 s14, $0x3  }
0x11: {  	s24 =	simm.s32 $0xC200;
	s25 =	simm.s32 $0x1;
	s26 =	sadd.s32 $0x20, s4  }
0x12: {  	s8 =	sadd.s32 s15, s30;
	s9 =	sadd.s32 $0x1000, s7;
	s10 =	sadd.s32 $0x260, s4  }
0x13: {  	s11 =	sadd.s32 $0x12000, s7;
	s12 =	sadd.s32 $0x13000, s7;
	s13 =	sadd.s32 s13, s15  }
0x14: {  	s14 =	sadd.s32 s16, s0;
	s1 =	sadd.s32 s1, s0;
	s16 =	sadd.s32 s17, s15  }
0x15: {  	s17 =	simm.s32 $0x4;
	[dreg:$0x3] =	wrdreg s26;
	s26 =	simm.s32 $0x3  }
.LBB2_1:
0x16: {  	[tilespmem:s2], [sflag:$0x4] =	stream.linear.gather [hbm4b:s4+s2], $0x100, $0x38;
	[tilespmem:$0x10200] =	vst v63  }
0x17: {  	_ =	swait.ge [sflag:s17], $0x100  }
0x18: {  	[sflag:s17] =	ssyncset.done $0x0  }
0x19: {  	[sflag:s17] =	ssyncadd.s32 $0xFFFFFF00  }
0x1a: {  	[tilespmem:s19], [sflag:$0x1] =	stream.indirect.gather [hbm4b:s3+s18], $0x80, s2, s18, $0xb8;
	[tilespmem:$0x10200] =	vst v63  }
0x1b: {  	_ = 	snop  }
0x1c: {  	[tilespmem:s20], [sflag:$0x1] =	stream.indirect.gather [hbm4b:s3+s18], $0x80, s18, s18, $0xb8;
	[tilespmem:$0x10200] =	vst v63  }
0x1d: {  	s0 =	rddreg [dreg:$0x3]  }
0x1e: {  	[tilespmem:s21], [sflag:$0x4] =	stream.linear.gather [hbm4b:s0+s2], $0x100, $0x38;
	[tilespmem:$0x10200] =	vst v63  }
0x1f: {  	_ =	swait.ge [sflag:s17], $0x100  }
0x20: {  	[sflag:s17] =	ssyncset.done $0x0  }
0x21: {  	[sflag:s17] =	ssyncadd.s32 $0xFFFFFF00  }
0x22: {  	[tilespmem:s22], [sflag:$0x2] =	stream.indirect.gather [hbm4b:s3+s18], $0x80, s21, s18, $0xb8;
	[tilespmem:$0x10200] =	vst v63  }
0x23: {  	_ = 	snop  }
0x24: {  	[tilespmem:s24], [sflag:$0x2] =	stream.indirect.gather [hbm4b:s3+s18], $0x80, s23, s18, $0xb8;
	[tilespmem:$0x10200] =	vst v63  }
0x25: {  	_ =	swait.ge [sflag:s25], $0x4000  }
0x26: {  	[sflag:s25] =	ssyncset.done $0x0  }
0x27: {  	[sflag:s25] =	ssyncadd.s32 $0xFFFFC000  }
0x28: {  	_ =	swait.ge [sflag:s25], $0x4000  }
0x29: {  	[sflag:s25] =	ssyncset.done $0x0  }
0x2a: {  	[sflag:s25] =	ssyncadd.s32 $0xFFFFC000  }
0x2b: {  	[hbm4b:s7+s2] =	stream.linear.scatter [tilespmem:s19], [sflag:$0x3], $0x8000, $0x38;
	[tilespmem:$0x10200] =	vst v63  }
0x2c: {  	_ =	swait.ge [sflag:s26], $0x8000  }
0x2d: {  	[sflag:s26] =	ssyncset.done $0x0  }
0x2e: {  	[sflag:s26] =	ssyncadd.s32 $0xFFFF8000  }
0x2f: {  	[tilespmem:s2], [sflag:$0x4] =	stream.linear.gather [hbm4b:s8+s2], $0x100, $0x38;
	[tilespmem:$0x10200] =	vst v63  }
0x30: {  	_ =	swait.ge [sflag:s17], $0x100  }
0x31: {  	[sflag:s17] =	ssyncset.done $0x0  }
0x32: {  	[sflag:s17] =	ssyncadd.s32 $0xFFFFFF00  }
0x33: {  	[tilespmem:s19], [sflag:$0x1] =	stream.indirect.gather [hbm4b:s3+s18], $0x80, s2, s18, $0xb8;
	[tilespmem:$0x10200] =	vst v63  }
0x34: {  	_ = 	snop  }
0x35: {  	[tilespmem:s20], [sflag:$0x1] =	stream.indirect.gather [hbm4b:s3+s18], $0x80, s18, s18, $0xb8;
	[tilespmem:$0x10200] =	vst v63  }
0x36: {  	_ =	swait.ge [sflag:s28], $0x4000  }
0x37: {  	[sflag:s28] =	ssyncset.done $0x0  }
0x38: {  	[sflag:s28] =	ssyncadd.s32 $0xFFFFC000  }
0x39: {  	_ =	swait.ge [sflag:s28], $0x4000  }
0x3a: {  	[sflag:s28] =	ssyncset.done $0x0  }
0x3b: {  	[sflag:s28] =	ssyncadd.s32 $0xFFFFC000  }
0x3c: {  	[hbm4b:s9+s2] =	stream.linear.scatter [tilespmem:s22], [sflag:$0x3], $0x8000, $0x38;
	[tilespmem:$0x10200] =	vst v63  }
0x3d: {  	_ =	swait.ge [sflag:s26], $0x8000  }
0x3e: {  	[sflag:s26] =	ssyncset.done $0x0  }
0x3f: {  	s6 =	sadd.s32 $0x0, s16;
	[sflag:s26] =	ssyncadd.s32 $0xFFFF8000  }
0x40: {  	[tilespmem:s21], [sflag:$0x4] =	stream.linear.gather [hbm4b:s6+s2], $0x100, $0x38;
	[tilespmem:$0x10200] =	vst v63  }
0x41: {  	_ =	swait.ge [sflag:s17], $0x100  }
0x42: {  	[sflag:s17] =	ssyncset.done $0x0  }
0x43: {  	[sflag:s17] =	ssyncadd.s32 $0xFFFFFF00  }
0x44: {  	[tilespmem:s22], [sflag:$0x2] =	stream.indirect.gather [hbm4b:s3+s18], $0x80, s21, s18, $0xb8;
	[tilespmem:$0x10200] =	vst v63  }
0x45: {  	_ = 	snop  }
0x46: {  	[tilespmem:s24], [sflag:$0x2] =	stream.indirect.gather [hbm4b:s3+s18], $0x80, s23, s18, $0xb8;
	[tilespmem:$0x10200] =	vst v63  }
0x47: {  	_ =	swait.ge [sflag:s25], $0x4000  }
0x48: {  	[sflag:s25] =	ssyncset.done $0x0  }
0x49: {  	[sflag:s25] =	ssyncadd.s32 $0xFFFFC000  }
0x4a: {  	_ =	swait.ge [sflag:s25], $0x4000  }
0x4b: {  	[sflag:s25] =	ssyncset.done $0x0  }
0x4c: {  	[sflag:s25] =	ssyncadd.s32 $0xFFFFC000  }
0x4d: {  	[hbm4b:s14+s2] =	stream.linear.scatter [tilespmem:s19], [sflag:$0x3], $0x8000, $0x38;
	[tilespmem:$0x10200] =	vst v63  }
0x4e: {  	_ =	swait.ge [sflag:s26], $0x8000  }
0x4f: {  	[sflag:s26] =	ssyncset.done $0x0  }
0x50: {  	s15 =	sadd.s32 $0x0, s13;
	[sflag:s26] =	ssyncadd.s32 $0xFFFF8000  }
0x51: {  	[tilespmem:s2], [sflag:$0x4] =	stream.linear.gather [hbm4b:s15+s2], $0x100, $0x38;
	[tilespmem:$0x10200] =	vst v63  }
0x52: {  	_ =	swait.ge [sflag:s17], $0x100  }
0x53: {  	[sflag:s17] =	ssyncset.done $0x0  }
0x54: {  	[sflag:s17] =	ssyncadd.s32 $0xFFFFFF00  }
0x55: {  	[tilespmem:s19], [sflag:$0x1] =	stream.indirect.gather [hbm4b:s3+s18], $0x80, s2, s18, $0xb8;
	[tilespmem:$0x10200] =	vst v63  }
0x56: {  	_ = 	snop  }
0x57: {  	[tilespmem:s20], [sflag:$0x1] =	stream.indirect.gather [hbm4b:s3+s18], $0x80, s18, s18, $0xb8;
	[tilespmem:$0x10200] =	vst v63  }
0x58: {  	_ =	swait.ge [sflag:s28], $0x4000  }
0x59: {  	[sflag:s28] =	ssyncset.done $0x0  }
0x5a: {  	[sflag:s28] =	ssyncadd.s32 $0xFFFFC000  }
0x5b: {  	_ =	swait.ge [sflag:s28], $0x4000  }
0x5c: {  	s30 =	simm.s32 $0x40;
	s31 =	sadd.s32 $0x2000, s14;
	[sflag:s28] =	ssyncset.done $0x0  }
0x5d: {  	s0 =	sadd.s32 $0x2000, s1;
	s15 =	smov.u32 s1;
	[sflag:s28] =	ssyncadd.s32 $0xFFFFC000  }
.LBB2_2:
0x5e: {  	[hbm4b:s15+s2] =	stream.linear.scatter [tilespmem:s22], [sflag:$0x3], $0x8000, $0x38;
	[tilespmem:$0x10200] =	vst v63  }
0x5f: {  	s5 =	smov.u32 s30;
	s15 =	smov.u32 s0  }
0x60: {  	p0 =	sne.s32 s30, $0x1C0;
	s30 =	sadd.s32 $0x40, s30;
	_ =	swait.ge [sflag:s26], $0x8000  }
0x61: {  	[sflag:s26] =	ssyncset.done $0x0  }
0x62: {  	s6 =	sadd.s32 s5, s16;
	[sflag:s26] =	ssyncadd.s32 $0xFFFF8000  }
0x63: {  	[tilespmem:s21], [sflag:$0x4] =	stream.linear.gather [hbm4b:s6+s2], $0x100, $0x38;
	[tilespmem:$0x10200] =	vst v63  }
0x64: {  	_ =	swait.ge [sflag:s17], $0x100  }
0x65: {  	[sflag:s17] =	ssyncset.done $0x0  }
0x66: {  	[sflag:s17] =	ssyncadd.s32 $0xFFFFFF00  }
0x67: {  	[tilespmem:s22], [sflag:$0x2] =	stream.indirect.gather [hbm4b:s3+s18], $0x80, s21, s18, $0xb8;
	[tilespmem:$0x10200] =	vst v63  }
0x68: {  	_ = 	snop  }
0x69: {  	[tilespmem:s24], [sflag:$0x2] =	stream.indirect.gather [hbm4b:s3+s18], $0x80, s23, s18, $0xb8;
	[tilespmem:$0x10200] =	vst v63  }
0x6a: {  	_ =	swait.ge [sflag:s25], $0x4000  }
0x6b: {  	[sflag:s25] =	ssyncset.done $0x0  }
0x6c: {  	[sflag:s25] =	ssyncadd.s32 $0xFFFFC000  }
0x6d: {  	_ =	swait.ge [sflag:s25], $0x4000  }
0x6e: {  	[sflag:s25] =	ssyncset.done $0x0  }
0x6f: {  	[sflag:s25] =	ssyncadd.s32 $0xFFFFC000  }
0x70: {  	[hbm4b:s31+s2] =	stream.linear.scatter [tilespmem:s19], [sflag:$0x3], $0x8000, $0x38;
	[tilespmem:$0x10200] =	vst v63  }
0x71: {  	_ =	swait.ge [sflag:s26], $0x8000  }
0x72: {  	[sflag:s26] =	ssyncset.done $0x0  }
0x73: {  	s5 =	sadd.s32 s5, s13;
	[sflag:s26] =	ssyncadd.s32 $0xFFFF8000  }
0x74: {  	[tilespmem:s2], [sflag:$0x4] =	stream.linear.gather [hbm4b:s5+s2], $0x100, $0x38;
	[tilespmem:$0x10200] =	vst v63  }
0x75: {  	_ =	swait.ge [sflag:s17], $0x100  }
0x76: {  	[sflag:s17] =	ssyncset.done $0x0  }
0x77: {  	[sflag:s17] =	ssyncadd.s32 $0xFFFFFF00  }
0x78: {  	[tilespmem:s19], [sflag:$0x1] =	stream.indirect.gather [hbm4b:s3+s18], $0x80, s2, s18, $0xb8;
	[tilespmem:$0x10200] =	vst v63  }
0x79: {  	_ = 	snop  }
0x7a: {  	[tilespmem:s20], [sflag:$0x1] =	stream.indirect.gather [hbm4b:s3+s18], $0x80, s18, s18, $0xb8;
	[tilespmem:$0x10200] =	vst v63  }
0x7b: {  	_ =	swait.ge [sflag:s28], $0x4000  }
.Ltmp0:
0x7c: {  	[sflag:s28] =	ssyncset.done $0x0;
	(pc) =	sbr.rel @p0 .LBB2_2-.Ltmp0, $4  }
0x7d: {  	[sflag:s28] =	ssyncadd.s32 $0xFFFFC000  }
0x7e: {  	_ =	swait.ge [sflag:s28], $0x4000  }
0x7f: {  	[sflag:s28] =	ssyncset.done $0x0  }
0x80: {  	s0 =	sadd.s32 $0x2000, s0;
	s31 =	sadd.s32 $0x2000, s31;
	[sflag:s28] =	ssyncadd.s32 $0xFFFFC000  }
0x81: {  	[hbm4b:s15+s2] =	stream.linear.scatter [tilespmem:s22], [sflag:$0x3], $0x8000, $0x38;
	[tilespmem:$0x10200] =	vst v63  }
0x82: {  	_ =	swait.ge [sflag:s26], $0x8000  }
0x83: {  	[sflag:s26] =	ssyncset.done $0x0  }
0x84: {  	[sflag:s26] =	ssyncadd.s32 $0xFFFF8000  }
0x85: {  	[tilespmem:s21], [sflag:$0x4] =	stream.linear.gather [hbm4b:s10+s2], $0x100, $0x38;
	[tilespmem:$0x10200] =	vst v63  }
0x86: {  	_ =	swait.ge [sflag:s17], $0x100  }
0x87: {  	[sflag:s17] =	ssyncset.done $0x0  }
0x88: {  	[sflag:s17] =	ssyncadd.s32 $0xFFFFFF00  }
0x89: {  	[tilespmem:s22], [sflag:$0x2] =	stream.indirect.gather [hbm4b:s3+s18], $0x80, s21, s18, $0xb8;
	[tilespmem:$0x10200] =	vst v63  }
0x8a: {  	_ = 	snop  }
0x8b: {  	[tilespmem:s24], [sflag:$0x2] =	stream.indirect.gather [hbm4b:s3+s18], $0x80, s23, s18, $0xb8;
	[tilespmem:$0x10200] =	vst v63  }
0x8c: {  	_ =	swait.ge [sflag:s25], $0x4000  }
0x8d: {  	[sflag:s25] =	ssyncset.done $0x0  }
0x8e: {  	[sflag:s25] =	ssyncadd.s32 $0xFFFFC000  }
0x8f: {  	_ =	swait.ge [sflag:s25], $0x4000  }
0x90: {  	[sflag:s25] =	ssyncset.done $0x0  }
0x91: {  	[sflag:s25] =	ssyncadd.s32 $0xFFFFC000  }
0x92: {  	[hbm4b:s11+s2] =	stream.linear.scatter [tilespmem:s19], [sflag:$0x3], $0x8000, $0x38;
	[tilespmem:$0x10200] =	vst v63  }
0x93: {  	_ =	swait.ge [sflag:s26], $0x8000  }
0x94: {  	[sflag:s26] =	ssyncset.done $0x0  }
0x95: {  	[sflag:s26] =	ssyncadd.s32 $0xFFFF8000  }
0x96: {  	_ =	swait.ge [sflag:s28], $0x4000  }
0x97: {  	[sflag:s28] =	ssyncset.done $0x0  }
0x98: {  	[sflag:s28] =	ssyncadd.s32 $0xFFFFC000  }
0x99: {  	_ =	swait.ge [sflag:s28], $0x4000  }
0x9a: {  	[sflag:s28] =	ssyncset.done $0x0  }
0x9b: {  	[sflag:s28] =	ssyncadd.s32 $0xFFFFC000  }
0x9c: {  	[hbm4b:s12+s2] =	stream.linear.scatter [tilespmem:s22], [sflag:$0x3], $0x8000, $0x38;
	[tilespmem:$0x10200] =	vst v63  }
0x9d: {  	_ =	swait.ge [sflag:s26], $0x8000  }
0x9e: {  	s29 =	sadd.s32 $0x1, s29;
	s0 =	rddreg [dreg:$0x2]  }
0x9f: {  	p0 =	sne.s32 s29, s0  }
.Ltmp1:
0xa0: {  	_ = 	snop;
	(pc) =	sbr.rel @p0 .LBB2_1-.Ltmp1, $3  }
0xa1: {  	_ =	sdelay $0x1  }
0xa2: {  	[sflag:s26] =	ssyncset.done $0x0  }
0xa3: {  	[sflag:s26] =	ssyncadd.s32 $0xFFFF8000  }
0xa4: {  	_ =	sfence.sel $0x180000  }
0xa5: {  	[bflag:$0x0] =	sbarrier.arrive $0xFFFF  }
0xa6: {  	_ =	strace $0x9000004D  }
0xa7: {  	s0 =	stileid.u32;
	[bflag:$0x2] =	sbarrier.arrive $0xFFFF  }
0xa8: {  	p0 =	sne.s32 s0, $0x0;
	s0 =	rddreg [dreg:$0x1]  }
0xa9: {  	s0 =	sadd.s32 @!p0 $0x100000, s0  }
0xaa: {  	[sflag:s0] =	ssyncadd.tile.s32 @!p0 $0x1;
	_ =	shalt  }
.Lfunc_end2:
_tile_overlayer_lowered:
.L_overlay_start_2:
0xab: {  	(tag) =	ssettag $0x2  }
0xac: {  	s0 =	rddreg [dreg:$0x0];
	s2 =	stileid.u32  }
0xad: {  	s1 =	rddreg [dreg:$0x1];
	p0 =	sne.s32 s2, $0x0  }
0xae: {  	s3 =	rddreg [dreg:$0x2];
	[bflag:$0x3] =	sbarrier.arrive $0xFFFF;
	s2 =	simm.s32 @!p0 $0x1C04  }
0xaf: {  	[timem:s3], [sflag:s2] =	dma.local @!p0 [hbm:s0], s1  }
0xb0: {  	s0 =	simm.s32 @!p0 $0x4  }
0xb1: {  	_ =	swait.ge @!p0 [sflag:s0], s1  }
0xb2: {  	s1 =	ssub.s32 @!p0 $0x0, s1;
	[sflag:s0] =	ssyncset.done @!p0 $0x0  }
0xb3: {  	[sflag:s0] =	ssyncadd.s32 @!p0 s1  }
0xb4: {  	[bflag:$0x3] =	sbarrier.arrive $0xFFFF  }
0xb5: {  	_ =	shalt  }

// kernel: kernel.35.cloned.1.call-start
scs
__scs_entry_jumppad:
0x0: {  	(pc) =	sbr.rel $0x88, $3  }
0x1: {  	(tag) =	ssettag $0x0;
	lr =	simm.s32 $0x1  }
0x2: {  	[smem:$0x3F93] =	sst lr;
	_ =	strace $0xD0000000  }
0x3: {  	_ = 	snop  }
0x4: {  	_ = 	snop  }
0x5: {  	_ = 	snop  }
0x6: {  	_ = 	snop  }
0x7: {  	_ = 	snop  }
__scs_overlays_trampoline_lowered:
0x8: {  	[smem:$0x3FA2] =	sst s0  }
0x9: {  	[smem:$0x3FA3] =	sst s1  }
0xa: {  	[smem:$0x3FA4] =	sst s2  }
0xb: {  	[smem:$0x3FA5] =	sst s3  }
0xc: {  	[smem:$0x3FA6] =	sst s4  }
0xd: {  	[smem:$0x3FA7] =	sst s5  }
0xe: {  	[smem:$0x3FA8] =	sst s6  }
0xf: {  	[smem:$0x3FA9] =	sst s7  }
0x10: {  	[smem:$0x3FAA] =	sst s8  }
0x11: {  	[smem:$0x3FAB] =	sst s9;
	s0 =	simm.s32 @!p0 $0x0  }
0x12: {  	s1 =	sld [smem:$0x3F91];
	s0 =	simm.s32 @p0 $0x1  }
0x13: {  	[smem:$0x3FAC] =	sst s0;
	s0 =	simm.s32 @!p1 $0x0  }
0x14: {  	s2 =	sld [smem:$0x3F90];
	s0 =	simm.s32 @p1 $0x1  }
0x15: {  	[smem:$0x3FAD] =	sst s0;
	s0 =	simm.s32 @!p2 $0x0  }
0x16: {  	s3 =	sld [smem:$0x3FDB];
	s0 =	simm.s32 @p2 $0x1  }
0x17: {  	s4 =	simm.s32 $0x1BF5;
	[smem:$0x3FAF] =	sst s0  }
0x18: {  	s0 =	sld [smem:$0x3F92];
	_ =	swait.ge [sflag:s4], $0x0  }
0x19: {  	s7 =	sld [smem:$0x3F93]  }
0x1a: {  	s8 =	sadd.s32 $0xFFFFE003, lr  }
0x1b: {  	s9 =	sadd.s32 $0xFFFFFEF7, lr;
	s5 =	simm.s32 $0xFFFFFFFF;
	p2 =	slt.u32 s8, $0xFFFFF086  }
0x1c: {  	p1 =	slt.u32 s9, $0xF7A;
	s5 =	simm.s32 @!p2 $0x0  }
0x1d: {  	s5 =	simm.s32 @p1 $0x1;
	p0 =	seq.s32 s7, s2  }
0x1e: {  	s7 =	smul.u32 @!p0 $0xF7A, s2;
	p2 =	seq.s32 @!p0 s5, $0x0  }
0x1f: {  	s9 =	smul.u32 $0xF7A, s1;
	s8 =	simm.s32 @!p0 $0x1BF5;
	p2 =	por !p2, p0  }
0x20: {  	[sflag:s8] =	ssyncset.s32 @!p0 $0xFFFFF086;
	s6 =	sadd.s32 @!p0 s3, s7;
	s7 =	simm.s32 @!p0 $0x108  }
0x21: {  	s3 =	sadd.s32 s3, s9;
	s6 =	sadd.s32 @!p0 $0x88, s6;
	s7 =	simm.s32 @p2 $0x1082  }
0x22: {  	[simem:s7], [sflag:s8] =	dma.local @!p0 [hbm:s6], $0xF7A  }
0x23: {  	s9 =	sor.u32 $0xD0000000, s2;
	s6 =	simm.s32 $0x108;
	_ =	swait.ge @!p0 [sflag:s8], $0x0  }
0x24: {  	s3 =	sadd.s32 $0x88, s3;
	s6 =	simm.s32 @!p1 $0x1082;
	[sflag:s4] =	ssyncset.s32 $0xFFFFF086  }
0x25: {  	[simem:s6], [sflag:s4] =	dma.local [hbm:s3], $0xF7A  }
0x26: {  	[smem:$0x3F93] =	sst s1;
	(tag) =	ssettag s2;
	_ =	strace s9  }
0x27: {  	s1 =	sld [smem:$0x3FA3]  }
0x28: {  	s2 =	sld [smem:$0x3FA4]  }
0x29: {  	s4 =	sld [smem:$0x3FA6]  }
0x2a: {  	p0 =	seq.s32 s5, $0x0;
	s5 =	sld [smem:$0x3FA7]  }
0x2b: {  	s6 =	sld [smem:$0x3FA8]  }
0x2c: {  	s7 =	sld [smem:$0x3FA9]  }
0x2d: {  	s3 =	simm.s32 $0x108;
	s8 =	sld [smem:$0x3FAA]  }
0x2e: {  	s3 =	simm.s32 @!p0 $0x1082;
	s9 =	sld [smem:$0x3FAB]  }
0x2f: {  	lr =	sadd.s32 s0, s3;
	s0 =	sld [smem:$0x3FA2]  }
0x30: {  	s3 =	sld [smem:$0x3FA5]  }
0x31: {  	[smem:$0x3FAE] =	sst s10  }
0x32: {  	s10 =	sld [smem:$0x3FAC];
	_ =	sdelay $0x3  }
0x33: {  	p0 =	seq.s32 s10, $0x1;
	s10 =	sld [smem:$0x3FAE];
	_ =	sdelay $0x3  }
0x34: {  	[smem:$0x3FAE] =	sst s10  }
0x35: {  	s10 =	sld [smem:$0x3FAD];
	_ =	sdelay $0x3  }
0x36: {  	p1 =	seq.s32 s10, $0x1;
	s10 =	sld [smem:$0x3FAE];
	_ =	sdelay $0x3  }
0x37: {  	[smem:$0x3FAE] =	sst s10  }
0x38: {  	s10 =	sld [smem:$0x3FAF]  }
0x39: {  	_ = 	snop;
	(pc) =	sbr.ind lr, $3  }
0x3a: {  	_ = 	snop  }
0x3b: {  	_ = 	snop  }
0x3c: {  	p2 =	seq.s32 s10, $0x1;
	s10 =	sld [smem:$0x3FAE]  }
0x3d: {  	_ =	shalt  }
0x3e: {  	_ =	shalt  }
0x3f: {  	_ =	shalt  }
0x40: {  	_ =	shalt  }
0x41: {  	_ =	shalt  }
0x42: {  	_ =	shalt  }
0x43: {  	_ =	shalt  }
0x44: {  	_ =	shalt  }
0x45: {  	_ =	shalt  }
0x46: {  	_ =	shalt  }
0x47: {  	_ =	shalt  }
0x48: {  	_ =	shalt  }
0x49: {  	_ =	shalt  }
0x4a: {  	_ =	shalt  }
0x4b: {  	_ =	shalt  }
0x4c: {  	_ =	shalt  }
0x4d: {  	_ =	shalt  }
0x4e: {  	_ =	shalt  }
0x4f: {  	_ =	shalt  }
0x50: {  	_ =	shalt  }
0x51: {  	_ =	shalt  }
0x52: {  	_ =	shalt  }
0x53: {  	_ =	shalt  }
0x54: {  	_ =	shalt  }
0x55: {  	_ =	shalt  }
0x56: {  	_ =	shalt  }
0x57: {  	_ =	shalt  }
0x58: {  	_ =	shalt  }
0x59: {  	_ =	shalt  }
0x5a: {  	_ =	shalt  }
0x5b: {  	_ =	shalt  }
0x5c: {  	_ =	shalt  }
0x5d: {  	_ =	shalt  }
0x5e: {  	_ =	shalt  }
0x5f: {  	_ =	shalt  }
0x60: {  	_ =	shalt  }
0x61: {  	_ =	shalt  }
0x62: {  	_ =	shalt  }
0x63: {  	_ =	shalt  }
0x64: {  	_ =	shalt  }
0x65: {  	_ =	shalt  }
0x66: {  	_ =	shalt  }
0x67: {  	_ =	shalt  }
0x68: {  	_ =	shalt  }
0x69: {  	_ =	shalt  }
0x6a: {  	_ =	shalt  }
0x6b: {  	_ =	shalt  }
0x6c: {  	_ =	shalt  }
0x6d: {  	_ =	shalt  }
0x6e: {  	_ =	shalt  }
0x6f: {  	_ =	shalt  }
0x70: {  	_ =	shalt  }
0x71: {  	_ =	shalt  }
0x72: {  	_ =	shalt  }
0x73: {  	_ =	shalt  }
0x74: {  	_ =	shalt  }
0x75: {  	_ =	shalt  }
0x76: {  	_ =	shalt  }
0x77: {  	_ =	shalt  }
0x78: {  	_ =	shalt  }
0x79: {  	_ =	shalt  }
0x7a: {  	_ =	shalt  }
0x7b: {  	_ =	shalt  }
0x7c: {  	_ =	shalt  }
0x7d: {  	_ =	shalt  }
0x7e: {  	_ =	shalt  }
0x7f: {  	_ =	shalt  }
0x80: {  	_ =	shalt  }
0x81: {  	_ =	shalt  }
0x82: {  	_ =	shalt  }
0x83: {  	_ =	shalt  }
0x84: {  	_ =	shalt  }
0x85: {  	_ =	shalt  }
0x86: {  	_ =	shalt  }
0x87: {  	_ =	shalt  }
.Lfunc_end0:
.L_simem_size_0:
called_computation.4_lowered:
.L_overlay_start_0:
0x88: {  	s2 =	sld [smem:$0x3FD9]  }
0x89: {  	s3 =	sld [smem:$0x3FFE];
	_ =	sdelay $0x1  }
0x8a: {  	s1 =	srdreg.scid  }
0x8b: {  	s0 =	sand.u32 $0x1, s1  }
0x8c: {  	s17 =	sshll.u32 s0, $0xA;
	s2 =	sadd.s32 s3, s2  }
0x8d: {  	s2 =	sadd.s32 s2, s17  }
0x8e: {  	[smem:$0x3FBA] =	sst s2  }
0x8f: {  	_ = 	snop  }
0x90: {  	(tm) =	ssettm $0x1  }
0x91: {  	s18 =	sld [smem:$0x3FFB];
	_ =	sdelay $0x3  }
0x92: {  	_ =	strace s18  }
0x93: {  	s2 =	sld [smem:$0x3FFC];
	_ =	sdelay $0x3  }
0x94: {  	_ =	strace s2  }
0x95: {  	s2 =	sld [smem:$0x3FFD];
	_ =	sdelay $0x3  }
0x96: {  	_ =	strace s2  }
0x97: {  	_ =	strace $0x8FFFFFFF  }
0x98: {  	s19 =	sld [smem:$0x3FDB];
	_ =	sdelay $0x1  }
0x99: {  	s20 =	simm.s32 $_scs_section_size  }
0x9a: {  	s4 =	simm.s32 $_size__tile_overlayer_lowered;
	s5 =	simm.s32 $_tile_overlayer_lowered  }
0x9b: {  	s6 =	simm.s32 $0x1BFF;
	s21 =	sshll.u32 s5, $0x1;
	s3 =	sadd.s32 s20, s19  }
0x9c: {  	s22 =	simm.s32 $0x0;
	s4 =	sshll.u32 s4, $0x1;
	s5 =	sadd.s32 s21, s3  }
0x9d: {  	[timem:s22], [sflag:s6] =	dma.local [hbm:s5], s4  }
0x9e: {  	_ =	swait.ge [sflag:s6], s4  }
0x9f: {  	s4 =	ssub.s32 $0x0, s4;
	[sflag:s6] =	ssyncset.done $0x0  }
0xa0: {  	[sflag:s6] =	ssyncadd.s32 s4;
	_ =	sdelay $0x1  }
0xa1: {  	s23 =	simm.s32 $0x1B8B  }
0xa2: {  	_ =	swait.ge [sflag:s23], $0x1  }
0xa3: {  	[sflag:s23] =	ssyncset.done $0x0  }
0xa4: {  	[sflag:s23] =	ssyncadd.s32 $0xFFFFFFFF  }
0xa5: {  	s4 =	sld [smem:$0x0]  }
0xa6: {  	s5 =	sand.u32 $0xFFFFFFFE, s1  }
0xa7: {  	p0 =	sne.s32 s1, s5  }
0xa8: {  	s5 =	sshll.u32 @p0 s5, $0xE  }
0xa9: {  	s5 =	sadd.s32 @p0 $0x11B8D, s5;
	s6 =	sshll.u32 @p0 s4, $0x11  }
0xaa: {  	s5 =	sor.u32 @p0 s6, s5  }
0xab: {  	[sflag:s5] =	ssyncadd.remote.s32 @p0 $0x1;
	_ =	sdelay $0x1  }
0xac: {  	s5 =	simm.s32 @p0 $0x1B8D  }
0xad: {  	_ =	swait.eq @p0 [sflag:s5], $0x1  }
0xae: {  	[sflag:s5] =	ssyncadd.s32 @p0 $0xFFFFFFFF  }
0xaf: {  	s6 =	sshll.u32 @!p0 s1, $0xE  }
0xb0: {  	s6 =	sor.u32 @!p0 $0x4000, s6;
	s5 =	simm.s32 @!p0 $0x1B8D  }
0xb1: {  	s4 =	sshll.u32 @!p0 s4, $0x11;
	s6 =	sadd.s32 @!p0 $0x11B8D, s6;
	_ =	swait.eq @!p0 [sflag:s5], $0x1  }
0xb2: {  	s4 =	sor.u32 @!p0 s4, s6;
	[sflag:s5] =	ssyncadd.s32 @!p0 $0xFFFFFFFF  }
0xb3: {  	s25 =	simm.s32 $0x1B8E;
	s24 =	sld [smem:$0x3FFE];
	[sflag:s4] =	ssyncadd.remote.s32 @!p0 $0x1  }
0xb4: {  	s26 =	simm.s32 $execute0_lowered;
	[smem:$0x3FD2] =	sst s25  }
0xb5: {  	s5 =	sshll.u32 s26, $0x1;
	_ =	strace $0x80000055;
	[dreg:$0x1] =	wrdreg $0xFFFFFFFF  }
0xb6: {  	s28 =	simm.s32 $_size_execute0_lowered;
	s3 =	sadd.s32 s3, s5;
	[dreg:$0x0] =	wrdreg $0x0  }
0xb7: {  	s5 =	sshll.u32 s28, $0x1;
	[dreg:$0x2] =	wrdreg s3  }
0xb8: {  	[dreg:$0x3] =	wrdreg s5  }
0xb9: {  	[dreg:$0x4] =	wrdreg $0xC0  }
0xba: {  	_ =	task [dreg:s22], $0x5FFFF  }
0xbb: {  	[dreg:$0x1] =	wrdreg $0xFFFFFFFF  }
0xbc: {  	[dreg:$0x0] =	wrdreg $0x60  }
0xbd: {  	[dreg:$0x2] =	wrdreg s24  }
0xbe: {  	[dreg:$0x3] =	wrdreg $0x9  }
0xbf: {  	_ =	task.clear_ibuf [dreg:s22], $0x4FFFF;
	_ =	strace $0x90000055  }
0xc0: {  	s29 =	simm.s32 $0x9;
	_ =	strace $0x80000057  }
0xc1: {  	_ =	swait.ge [sflag:s29], $0x1  }
0xc2: {  	[sflag:s29] =	ssyncadd.s32 $0xFFFFFFFF  }
0xc3: {  	_ =	strace $0x90000057  }
0xc4: {  	_ =	sfence  }
0xc5: {  	s30 =	sld [smem:$0x0];
	_ =	sdelay $0x2  }
0xc6: {  	s31 =	sshll.u32 s1, $0xD;
	s1 =	sshrl.u32 s1, $0x2  }
0xc7: {  	s4 =	sand.u32 $0x4000, s31;
	s1 =	sadd.s32 s1, s30  }
0xc8: {  	s0 =	sor.u32 s4, s0;
	s1 =	sshll.u32 s1, $0x11  }
0xc9: {  	s0 =	sor.u32 s1, s0  }
0xca: {  	s0 =	sadd.s32 $0x8F2B, s0  }
0xcb: {  	[sflag:s0] =	ssyncadd.remote.s32 $0x1  }
0xcc: {  	_ =	sfence.sel $0xFFFF  }
0xcd: {  	[dreg:$0x0] =	wrdreg $0xFFFFFFFF;
	(pc) =	sbr.abs _section_cstart, $3  }
0xce: {  	[dreg:$0x1] =	wrdreg $0xFFFFFFFF  }
0xcf: {  	_ =	task.clear_ibuf [dreg:s22], $0x2FFFF;
	_ =	strace $0x9FFFFFFF  }
0xd0: {  	(tm) =	ssettm $0x7FFFFFFF  }
0xd1: {  	_ =	shalt  }
tec
execute0_lowered:
.L_overlay_start_1:
0x0: {  	(tag) =	ssettag $0x1  }
0x1: {  	s0 =	rddreg [dreg:$0x0];
	s2 =	simm.s32 $0x0  }
0x2: {  	s1 =	srdreg.scid;
	s12 =	stileid.u32;
	s18 =	simm.s32 $0x80  }
0x3: {  	s19 =	simm.s32 $0x200;
	s20 =	simm.s32 $0x4200;
	s21 =	simm.s32 $0x100  }
0x4: {  	s22 =	simm.s32 $0x8200;
	s23 =	simm.s32 $0x180;
	s28 =	simm.s32 $0x2  }
0x5: {  	s29 =	simm.s32 $0x0;
	[smem:$0x7FF] =	sst s2;
	s10 =	smul.u32 $0x2800, s12  }
0x6: {  	s1 =	sand.u32 $0x1, s1;
	s15 =	sadd.s32 $0x30B400, s0;
	s16 =	smul.u32 $0x140000, s12  }
0x7: {  	s3 =	sshll.u32 s12, $0x1;
	_ =	strace $0x80000056;
	s11 =	smul.u32 $0x1400, s1  }
0x8: {  	s4 =	sor.u32 s1, s3;
	s5 =	ssub.s32 $0x2, s1;
	s1 =	smul.u32 $0xA0000, s1  }
0x9: {  	s3 =	sadd.s32 $0x46400, s0;
	s6 =	smul.u32 $0x1400, s4;
	s7 =	sshrl.u32 s5, $0x1  }
0xa: {  	s0 =	sadd.s32 $0x310400, s0;
	s8 =	smul.u32 $0xA0000, s4;
	s5 =	ssub.s32 s5, s7  }
0xb: {  	s14 =	sadd.s32 s11, s10;
	s1 =	sadd.s32 s1, s16;
	s24 =	sshrl.u32 s6, $0x3  }
0xc: {  	s9 =	sor.u32 $0x200, s6;
	s5 =	smax.u32 s5, $0x1;
	s25 =	sshrl.u32 s8, $0x3  }
0xd: {  	s31 =	sadd.s32 $0x400, s14;
	s16 =	sor.u32 $0x10000, s1;
	s1 =	sor.u32 $0x18000, s1  }
0xe: {  	s14 =	sor.u32 $0x300, s14;
	s4 =	sadd.s32 s15, s24;
	[dreg:$0x2] =	wrdreg s5  }
0xf: {  	s7 =	sadd.s32 s0, s25;
	s30 =	sshrl.u32 s9, $0x3;
	s13 =	sshrl.u32 s31, $0x3  }
0x10: {  	s16 =	sshrl.u32 s16, $0x3;
	s1 =	sshrl.u32 s1, $0x3;
	s17 =	sshrl.u32 s14, $0x3  }
0x11: {  	s24 =	simm.s32 $0xC200;
	s25 =	simm.s32 $0x1;
	s26 =	sadd.s32 $0x20, s4  }
0x12: {  	s8 =	sadd.s32 s15, s30;
	s9 =	sadd.s32 $0x1000, s7;
	s10 =	sadd.s32 $0x260, s4  }
0x13: {  	s11 =	sadd.s32 $0x12000, s7;
	s12 =	sadd.s32 $0x13000, s7;
	s13 =	sadd.s32 s13, s15  }
0x14: {  	s14 =	sadd.s32 s16, s0;
	s1 =	sadd.s32 s1, s0;
	s16 =	sadd.s32 s17, s15  }
0x15: {  	s17 =	simm.s32 $0x4;
	[dreg:$0x3] =	wrdreg s26;
	s26 =	simm.s32 $0x3  }
.LBB2_1:
0x16: {  	[tilespmem:s2], [sflag:$0x4] =	stream.linear.gather [hbm4b:s4+s2], $0x100, $0x38;
	[tilespmem:$0x10200] =	vst v63  }
0x17: {  	_ =	swait.ge [sflag:s17], $0x100  }
0x18: {  	[sflag:s17] =	ssyncset.done $0x0  }
0x19: {  	[sflag:s17] =	ssyncadd.s32 $0xFFFFFF00  }
0x1a: {  	[tilespmem:s19], [sflag:$0x1] =	stream.indirect.gather [hbm4b:s3+s18], $0x80, s2, s18, $0xb8;
	[tilespmem:$0x10200] =	vst v63  }
0x1b: {  	_ = 	snop  }
0x1c: {  	[tilespmem:s20], [sflag:$0x1] =	stream.indirect.gather [hbm4b:s3+s18], $0x80, s18, s18, $0xb8;
	[tilespmem:$0x10200] =	vst v63  }
0x1d: {  	s0 =	rddreg [dreg:$0x3]  }
0x1e: {  	[tilespmem:s21], [sflag:$0x4] =	stream.linear.gather [hbm4b:s0+s2], $0x100, $0x38;
	[tilespmem:$0x10200] =	vst v63  }
0x1f: {  	_ =	swait.ge [sflag:s17], $0x100  }
0x20: {  	[sflag:s17] =	ssyncset.done $0x0  }
0x21: {  	[sflag:s17] =	ssyncadd.s32 $0xFFFFFF00  }
0x22: {  	[tilespmem:s22], [sflag:$0x2] =	stream.indirect.gather [hbm4b:s3+s18], $0x80, s21, s18, $0xb8;
	[tilespmem:$0x10200] =	vst v63  }
0x23: {  	_ = 	snop  }
0x24: {  	[tilespmem:s24], [sflag:$0x2] =	stream.indirect.gather [hbm4b:s3+s18], $0x80, s23, s18, $0xb8;
	[tilespmem:$0x10200] =	vst v63  }
0x25: {  	_ =	swait.ge [sflag:s25], $0x4000  }
0x26: {  	[sflag:s25] =	ssyncset.done $0x0  }
0x27: {  	[sflag:s25] =	ssyncadd.s32 $0xFFFFC000  }
0x28: {  	_ =	swait.ge [sflag:s25], $0x4000  }
0x29: {  	[sflag:s25] =	ssyncset.done $0x0  }
0x2a: {  	[sflag:s25] =	ssyncadd.s32 $0xFFFFC000  }
0x2b: {  	[hbm4b:s7+s2] =	stream.linear.scatter [tilespmem:s19], [sflag:$0x3], $0x8000, $0x38;
	[tilespmem:$0x10200] =	vst v63  }
0x2c: {  	_ =	swait.ge [sflag:s26], $0x8000  }
0x2d: {  	[sflag:s26] =	ssyncset.done $0x0  }
0x2e: {  	[sflag:s26] =	ssyncadd.s32 $0xFFFF8000  }
0x2f: {  	[tilespmem:s2], [sflag:$0x4] =	stream.linear.gather [hbm4b:s8+s2], $0x100, $0x38;
	[tilespmem:$0x10200] =	vst v63  }
0x30: {  	_ =	swait.ge [sflag:s17], $0x100  }
0x31: {  	[sflag:s17] =	ssyncset.done $0x0  }
0x32: {  	[sflag:s17] =	ssyncadd.s32 $0xFFFFFF00  }
0x33: {  	[tilespmem:s19], [sflag:$0x1] =	stream.indirect.gather [hbm4b:s3+s18], $0x80, s2, s18, $0xb8;
	[tilespmem:$0x10200] =	vst v63  }
0x34: {  	_ = 	snop  }
0x35: {  	[tilespmem:s20], [sflag:$0x1] =	stream.indirect.gather [hbm4b:s3+s18], $0x80, s18, s18, $0xb8;
	[tilespmem:$0x10200] =	vst v63  }
0x36: {  	_ =	swait.ge [sflag:s28], $0x4000  }
0x37: {  	[sflag:s28] =	ssyncset.done $0x0  }
0x38: {  	[sflag:s28] =	ssyncadd.s32 $0xFFFFC000  }
0x39: {  	_ =	swait.ge [sflag:s28], $0x4000  }
0x3a: {  	[sflag:s28] =	ssyncset.done $0x0  }
0x3b: {  	[sflag:s28] =	ssyncadd.s32 $0xFFFFC000  }
0x3c: {  	[hbm4b:s9+s2] =	stream.linear.scatter [tilespmem:s22], [sflag:$0x3], $0x8000, $0x38;
	[tilespmem:$0x10200] =	vst v63  }
0x3d: {  	_ =	swait.ge [sflag:s26], $0x8000  }
0x3e: {  	[sflag:s26] =	ssyncset.done $0x0  }
0x3f: {  	s6 =	sadd.s32 $0x0, s16;
	[sflag:s26] =	ssyncadd.s32 $0xFFFF8000  }
0x40: {  	[tilespmem:s21], [sflag:$0x4] =	stream.linear.gather [hbm4b:s6+s2], $0x100, $0x38;
	[tilespmem:$0x10200] =	vst v63  }
0x41: {  	_ =	swait.ge [sflag:s17], $0x100  }
0x42: {  	[sflag:s17] =	ssyncset.done $0x0  }
0x43: {  	[sflag:s17] =	ssyncadd.s32 $0xFFFFFF00  }
0x44: {  	[tilespmem:s22], [sflag:$0x2] =	stream.indirect.gather [hbm4b:s3+s18], $0x80, s21, s18, $0xb8;
	[tilespmem:$0x10200] =	vst v63  }
0x45: {  	_ = 	snop  }
0x46: {  	[tilespmem:s24], [sflag:$0x2] =	stream.indirect.gather [hbm4b:s3+s18], $0x80, s23, s18, $0xb8;
	[tilespmem:$0x10200] =	vst v63  }
0x47: {  	_ =	swait.ge [sflag:s25], $0x4000  }
0x48: {  	[sflag:s25] =	ssyncset.done $0x0  }
0x49: {  	[sflag:s25] =	ssyncadd.s32 $0xFFFFC000  }
0x4a: {  	_ =	swait.ge [sflag:s25], $0x4000  }
0x4b: {  	[sflag:s25] =	ssyncset.done $0x0  }
0x4c: {  	[sflag:s25] =	ssyncadd.s32 $0xFFFFC000  }
0x4d: {  	[hbm4b:s14+s2] =	stream.linear.scatter [tilespmem:s19], [sflag:$0x3], $0x8000, $0x38;
	[tilespmem:$0x10200] =	vst v63  }
0x4e: {  	_ =	swait.ge [sflag:s26], $0x8000  }
0x4f: {  	[sflag:s26] =	ssyncset.done $0x0  }
0x50: {  	s15 =	sadd.s32 $0x0, s13;
	[sflag:s26] =	ssyncadd.s32 $0xFFFF8000  }
0x51: {  	[tilespmem:s2], [sflag:$0x4] =	stream.linear.gather [hbm4b:s15+s2], $0x100, $0x38;
	[tilespmem:$0x10200] =	vst v63  }
0x52: {  	_ =	swait.ge [sflag:s17], $0x100  }
0x53: {  	[sflag:s17] =	ssyncset.done $0x0  }
0x54: {  	[sflag:s17] =	ssyncadd.s32 $0xFFFFFF00  }
0x55: {  	[tilespmem:s19], [sflag:$0x1] =	stream.indirect.gather [hbm4b:s3+s18], $0x80, s2, s18, $0xb8;
	[tilespmem:$0x10200] =	vst v63  }
0x56: {  	_ = 	snop  }
0x57: {  	[tilespmem:s20], [sflag:$0x1] =	stream.indirect.gather [hbm4b:s3+s18], $0x80, s18, s18, $0xb8;
	[tilespmem:$0x10200] =	vst v63  }
0x58: {  	_ =	swait.ge [sflag:s28], $0x4000  }
0x59: {  	[sflag:s28] =	ssyncset.done $0x0  }
0x5a: {  	[sflag:s28] =	ssyncadd.s32 $0xFFFFC000  }
0x5b: {  	_ =	swait.ge [sflag:s28], $0x4000  }
0x5c: {  	s30 =	simm.s32 $0x40;
	s31 =	sadd.s32 $0x2000, s14;
	[sflag:s28] =	ssyncset.done $0x0  }
0x5d: {  	s0 =	sadd.s32 $0x2000, s1;
	s15 =	smov.u32 s1;
	[sflag:s28] =	ssyncadd.s32 $0xFFFFC000  }
.LBB2_2:
0x5e: {  	[hbm4b:s15+s2] =	stream.linear.scatter [tilespmem:s22], [sflag:$0x3], $0x8000, $0x38;
	[tilespmem:$0x10200] =	vst v63  }
0x5f: {  	s5 =	smov.u32 s30;
	s15 =	smov.u32 s0  }
0x60: {  	p0 =	sne.s32 s30, $0x1C0;
	s30 =	sadd.s32 $0x40, s30;
	_ =	swait.ge [sflag:s26], $0x8000  }
0x61: {  	[sflag:s26] =	ssyncset.done $0x0  }
0x62: {  	s6 =	sadd.s32 s5, s16;
	[sflag:s26] =	ssyncadd.s32 $0xFFFF8000  }
0x63: {  	[tilespmem:s21], [sflag:$0x4] =	stream.linear.gather [hbm4b:s6+s2], $0x100, $0x38;
	[tilespmem:$0x10200] =	vst v63  }
0x64: {  	_ =	swait.ge [sflag:s17], $0x100  }
0x65: {  	[sflag:s17] =	ssyncset.done $0x0  }
0x66: {  	[sflag:s17] =	ssyncadd.s32 $0xFFFFFF00  }
0x67: {  	[tilespmem:s22], [sflag:$0x2] =	stream.indirect.gather [hbm4b:s3+s18], $0x80, s21, s18, $0xb8;
	[tilespmem:$0x10200] =	vst v63  }
0x68: {  	_ = 	snop  }
0x69: {  	[tilespmem:s24], [sflag:$0x2] =	stream.indirect.gather [hbm4b:s3+s18], $0x80, s23, s18, $0xb8;
	[tilespmem:$0x10200] =	vst v63  }
0x6a: {  	_ =	swait.ge [sflag:s25], $0x4000  }
0x6b: {  	[sflag:s25] =	ssyncset.done $0x0  }
0x6c: {  	[sflag:s25] =	ssyncadd.s32 $0xFFFFC000  }
0x6d: {  	_ =	swait.ge [sflag:s25], $0x4000  }
0x6e: {  	[sflag:s25] =	ssyncset.done $0x0  }
0x6f: {  	[sflag:s25] =	ssyncadd.s32 $0xFFFFC000  }
0x70: {  	[hbm4b:s31+s2] =	stream.linear.scatter [tilespmem:s19], [sflag:$0x3], $0x8000, $0x38;
	[tilespmem:$0x10200] =	vst v63  }
0x71: {  	_ =	swait.ge [sflag:s26], $0x8000  }
0x72: {  	[sflag:s26] =	ssyncset.done $0x0  }
0x73: {  	s5 =	sadd.s32 s5, s13;
	[sflag:s26] =	ssyncadd.s32 $0xFFFF8000  }
0x74: {  	[tilespmem:s2], [sflag:$0x4] =	stream.linear.gather [hbm4b:s5+s2], $0x100, $0x38;
	[tilespmem:$0x10200] =	vst v63  }
0x75: {  	_ =	swait.ge [sflag:s17], $0x100  }
0x76: {  	[sflag:s17] =	ssyncset.done $0x0  }
0x77: {  	[sflag:s17] =	ssyncadd.s32 $0xFFFFFF00  }
0x78: {  	[tilespmem:s19], [sflag:$0x1] =	stream.indirect.gather [hbm4b:s3+s18], $0x80, s2, s18, $0xb8;
	[tilespmem:$0x10200] =	vst v63  }
0x79: {  	_ = 	snop  }
0x7a: {  	[tilespmem:s20], [sflag:$0x1] =	stream.indirect.gather [hbm4b:s3+s18], $0x80, s18, s18, $0xb8;
	[tilespmem:$0x10200] =	vst v63  }
0x7b: {  	_ =	swait.ge [sflag:s28], $0x4000  }
.Ltmp0:
0x7c: {  	[sflag:s28] =	ssyncset.done $0x0;
	(pc) =	sbr.rel @p0 .LBB2_2-.Ltmp0, $4  }
0x7d: {  	[sflag:s28] =	ssyncadd.s32 $0xFFFFC000  }
0x7e: {  	_ =	swait.ge [sflag:s28], $0x4000  }
0x7f: {  	[sflag:s28] =	ssyncset.done $0x0  }
0x80: {  	s0 =	sadd.s32 $0x2000, s0;
	s31 =	sadd.s32 $0x2000, s31;
	[sflag:s28] =	ssyncadd.s32 $0xFFFFC000  }
0x81: {  	[hbm4b:s15+s2] =	stream.linear.scatter [tilespmem:s22], [sflag:$0x3], $0x8000, $0x38;
	[tilespmem:$0x10200] =	vst v63  }
0x82: {  	_ =	swait.ge [sflag:s26], $0x8000  }
0x83: {  	[sflag:s26] =	ssyncset.done $0x0  }
0x84: {  	[sflag:s26] =	ssyncadd.s32 $0xFFFF8000  }
0x85: {  	[tilespmem:s21], [sflag:$0x4] =	stream.linear.gather [hbm4b:s10+s2], $0x100, $0x38;
	[tilespmem:$0x10200] =	vst v63  }
0x86: {  	_ =	swait.ge [sflag:s17], $0x100  }
0x87: {  	[sflag:s17] =	ssyncset.done $0x0  }
0x88: {  	[sflag:s17] =	ssyncadd.s32 $0xFFFFFF00  }
0x89: {  	[tilespmem:s22], [sflag:$0x2] =	stream.indirect.gather [hbm4b:s3+s18], $0x80, s21, s18, $0xb8;
	[tilespmem:$0x10200] =	vst v63  }
0x8a: {  	_ = 	snop  }
0x8b: {  	[tilespmem:s24], [sflag:$0x2] =	stream.indirect.gather [hbm4b:s3+s18], $0x80, s23, s18, $0xb8;
	[tilespmem:$0x10200] =	vst v63  }
0x8c: {  	_ =	swait.ge [sflag:s25], $0x4000  }
0x8d: {  	[sflag:s25] =	ssyncset.done $0x0  }
0x8e: {  	[sflag:s25] =	ssyncadd.s32 $0xFFFFC000  }
0x8f: {  	_ =	swait.ge [sflag:s25], $0x4000  }
0x90: {  	[sflag:s25] =	ssyncset.done $0x0  }
0x91: {  	[sflag:s25] =	ssyncadd.s32 $0xFFFFC000  }
0x92: {  	[hbm4b:s11+s2] =	stream.linear.scatter [tilespmem:s19], [sflag:$0x3], $0x8000, $0x38;
	[tilespmem:$0x10200] =	vst v63  }
0x93: {  	_ =	swait.ge [sflag:s26], $0x8000  }
0x94: {  	[sflag:s26] =	ssyncset.done $0x0  }
0x95: {  	[sflag:s26] =	ssyncadd.s32 $0xFFFF8000  }
0x96: {  	_ =	swait.ge [sflag:s28], $0x4000  }
0x97: {  	[sflag:s28] =	ssyncset.done $0x0  }
0x98: {  	[sflag:s28] =	ssyncadd.s32 $0xFFFFC000  }
0x99: {  	_ =	swait.ge [sflag:s28], $0x4000  }
0x9a: {  	[sflag:s28] =	ssyncset.done $0x0  }
0x9b: {  	[sflag:s28] =	ssyncadd.s32 $0xFFFFC000  }
0x9c: {  	[hbm4b:s12+s2] =	stream.linear.scatter [tilespmem:s22], [sflag:$0x3], $0x8000, $0x38;
	[tilespmem:$0x10200] =	vst v63  }
0x9d: {  	_ =	swait.ge [sflag:s26], $0x8000  }
0x9e: {  	s29 =	sadd.s32 $0x1, s29;
	s0 =	rddreg [dreg:$0x2]  }
0x9f: {  	p0 =	sne.s32 s29, s0  }
.Ltmp1:
0xa0: {  	_ = 	snop;
	(pc) =	sbr.rel @p0 .LBB2_1-.Ltmp1, $3  }
0xa1: {  	_ =	sdelay $0x1  }
0xa2: {  	[sflag:s26] =	ssyncset.done $0x0  }
0xa3: {  	[sflag:s26] =	ssyncadd.s32 $0xFFFF8000  }
0xa4: {  	_ =	sfence.sel $0x180000  }
0xa5: {  	[bflag:$0x0] =	sbarrier.arrive $0xFFFF  }
0xa6: {  	_ =	strace $0x90000056  }
0xa7: {  	s0 =	stileid.u32;
	[bflag:$0x2] =	sbarrier.arrive $0xFFFF  }
0xa8: {  	p0 =	sne.s32 s0, $0x0;
	s0 =	rddreg [dreg:$0x1]  }
0xa9: {  	s0 =	sadd.s32 @!p0 $0x100000, s0  }
0xaa: {  	[sflag:s0] =	ssyncadd.tile.s32 @!p0 $0x1;
	_ =	shalt  }
.Lfunc_end2:
_tile_overlayer_lowered:
.L_overlay_start_2:
0xab: {  	(tag) =	ssettag $0x2  }
0xac: {  	s0 =	rddreg [dreg:$0x0];
	s2 =	stileid.u32  }
0xad: {  	s1 =	rddreg [dreg:$0x1];
	p0 =	sne.s32 s2, $0x0  }
0xae: {  	s3 =	rddreg [dreg:$0x2];
	[bflag:$0x3] =	sbarrier.arrive $0xFFFF;
	s2 =	simm.s32 @!p0 $0x1C04  }
0xaf: {  	[timem:s3], [sflag:s2] =	dma.local @!p0 [hbm:s0], s1  }
0xb0: {  	s0 =	simm.s32 @!p0 $0x4  }
0xb1: {  	_ =	swait.ge @!p0 [sflag:s0], s1  }
0xb2: {  	s1 =	ssub.s32 @!p0 $0x0, s1;
	[sflag:s0] =	ssyncset.done @!p0 $0x0  }
0xb3: {  	[sflag:s0] =	ssyncadd.s32 @!p0 s1  }
0xb4: {  	[bflag:$0x3] =	sbarrier.arrive $0xFFFF  }
0xb5: {  	_ =	shalt  }

// kernel: kernel.38.cloned.1.call-start
scs
__scs_entry_jumppad:
0x0: {  	(pc) =	sbr.rel $0x88, $3  }
0x1: {  	(tag) =	ssettag $0x0;
	lr =	simm.s32 $0x1  }
0x2: {  	[smem:$0x3F93] =	sst lr;
	_ =	strace $0xD0000000  }
0x3: {  	_ = 	snop  }
0x4: {  	_ = 	snop  }
0x5: {  	_ = 	snop  }
0x6: {  	_ = 	snop  }
0x7: {  	_ = 	snop  }
__scs_overlays_trampoline_lowered:
0x8: {  	[smem:$0x3FA2] =	sst s0  }
0x9: {  	[smem:$0x3FA3] =	sst s1  }
0xa: {  	[smem:$0x3FA4] =	sst s2  }
0xb: {  	[smem:$0x3FA5] =	sst s3  }
0xc: {  	[smem:$0x3FA6] =	sst s4  }
0xd: {  	[smem:$0x3FA7] =	sst s5  }
0xe: {  	[smem:$0x3FA8] =	sst s6  }
0xf: {  	[smem:$0x3FA9] =	sst s7  }
0x10: {  	[smem:$0x3FAA] =	sst s8  }
0x11: {  	[smem:$0x3FAB] =	sst s9;
	s0 =	simm.s32 @!p0 $0x0  }
0x12: {  	s1 =	sld [smem:$0x3F91];
	s0 =	simm.s32 @p0 $0x1  }
0x13: {  	[smem:$0x3FAC] =	sst s0;
	s0 =	simm.s32 @!p1 $0x0  }
0x14: {  	s2 =	sld [smem:$0x3F90];
	s0 =	simm.s32 @p1 $0x1  }
0x15: {  	[smem:$0x3FAD] =	sst s0;
	s0 =	simm.s32 @!p2 $0x0  }
0x16: {  	s3 =	sld [smem:$0x3FDB];
	s0 =	simm.s32 @p2 $0x1  }
0x17: {  	s4 =	simm.s32 $0x1BF5;
	[smem:$0x3FAF] =	sst s0  }
0x18: {  	s0 =	sld [smem:$0x3F92];
	_ =	swait.ge [sflag:s4], $0x0  }
0x19: {  	s7 =	sld [smem:$0x3F93]  }
0x1a: {  	s8 =	sadd.s32 $0xFFFFE003, lr  }
0x1b: {  	s9 =	sadd.s32 $0xFFFFFEF7, lr;
	s5 =	simm.s32 $0xFFFFFFFF;
	p2 =	slt.u32 s8, $0xFFFFF086  }
0x1c: {  	p1 =	slt.u32 s9, $0xF7A;
	s5 =	simm.s32 @!p2 $0x0  }
0x1d: {  	s5 =	simm.s32 @p1 $0x1;
	p0 =	seq.s32 s7, s2  }
0x1e: {  	s7 =	smul.u32 @!p0 $0xF7A, s2;
	p2 =	seq.s32 @!p0 s5, $0x0  }
0x1f: {  	s9 =	smul.u32 $0xF7A, s1;
	s8 =	simm.s32 @!p0 $0x1BF5;
	p2 =	por !p2, p0  }
0x20: {  	[sflag:s8] =	ssyncset.s32 @!p0 $0xFFFFF086;
	s6 =	sadd.s32 @!p0 s3, s7;
	s7 =	simm.s32 @!p0 $0x108  }
0x21: {  	s3 =	sadd.s32 s3, s9;
	s6 =	sadd.s32 @!p0 $0x88, s6;
	s7 =	simm.s32 @p2 $0x1082  }
0x22: {  	[simem:s7], [sflag:s8] =	dma.local @!p0 [hbm:s6], $0xF7A  }
0x23: {  	s9 =	sor.u32 $0xD0000000, s2;
	s6 =	simm.s32 $0x108;
	_ =	swait.ge @!p0 [sflag:s8], $0x0  }
0x24: {  	s3 =	sadd.s32 $0x88, s3;
	s6 =	simm.s32 @!p1 $0x1082;
	[sflag:s4] =	ssyncset.s32 $0xFFFFF086  }
0x25: {  	[simem:s6], [sflag:s4] =	dma.local [hbm:s3], $0xF7A  }
0x26: {  	[smem:$0x3F93] =	sst s1;
	(tag) =	ssettag s2;
	_ =	strace s9  }
0x27: {  	s1 =	sld [smem:$0x3FA3]  }
0x28: {  	s2 =	sld [smem:$0x3FA4]  }
0x29: {  	s4 =	sld [smem:$0x3FA6]  }
0x2a: {  	p0 =	seq.s32 s5, $0x0;
	s5 =	sld [smem:$0x3FA7]  }
0x2b: {  	s6 =	sld [smem:$0x3FA8]  }
0x2c: {  	s7 =	sld [smem:$0x3FA9]  }
0x2d: {  	s3 =	simm.s32 $0x108;
	s8 =	sld [smem:$0x3FAA]  }
0x2e: {  	s3 =	simm.s32 @!p0 $0x1082;
	s9 =	sld [smem:$0x3FAB]  }
0x2f: {  	lr =	sadd.s32 s0, s3;
	s0 =	sld [smem:$0x3FA2]  }
0x30: {  	s3 =	sld [smem:$0x3FA5]  }
0x31: {  	[smem:$0x3FAE] =	sst s10  }
0x32: {  	s10 =	sld [smem:$0x3FAC];
	_ =	sdelay $0x3  }
0x33: {  	p0 =	seq.s32 s10, $0x1;
	s10 =	sld [smem:$0x3FAE];
	_ =	sdelay $0x3  }
0x34: {  	[smem:$0x3FAE] =	sst s10  }
0x35: {  	s10 =	sld [smem:$0x3FAD];
	_ =	sdelay $0x3  }
0x36: {  	p1 =	seq.s32 s10, $0x1;
	s10 =	sld [smem:$0x3FAE];
	_ =	sdelay $0x3  }
0x37: {  	[smem:$0x3FAE] =	sst s10  }
0x38: {  	s10 =	sld [smem:$0x3FAF]  }
0x39: {  	_ = 	snop;
	(pc) =	sbr.ind lr, $3  }
0x3a: {  	_ = 	snop  }
0x3b: {  	_ = 	snop  }
0x3c: {  	p2 =	seq.s32 s10, $0x1;
	s10 =	sld [smem:$0x3FAE]  }
0x3d: {  	_ =	shalt  }
0x3e: {  	_ =	shalt  }
0x3f: {  	_ =	shalt  }
0x40: {  	_ =	shalt  }
0x41: {  	_ =	shalt  }
0x42: {  	_ =	shalt  }
0x43: {  	_ =	shalt  }
0x44: {  	_ =	shalt  }
0x45: {  	_ =	shalt  }
0x46: {  	_ =	shalt  }
0x47: {  	_ =	shalt  }
0x48: {  	_ =	shalt  }
0x49: {  	_ =	shalt  }
0x4a: {  	_ =	shalt  }
0x4b: {  	_ =	shalt  }
0x4c: {  	_ =	shalt  }
0x4d: {  	_ =	shalt  }
0x4e: {  	_ =	shalt  }
0x4f: {  	_ =	shalt  }
0x50: {  	_ =	shalt  }
0x51: {  	_ =	shalt  }
0x52: {  	_ =	shalt  }
0x53: {  	_ =	shalt  }
0x54: {  	_ =	shalt  }
0x55: {  	_ =	shalt  }
0x56: {  	_ =	shalt  }
0x57: {  	_ =	shalt  }
0x58: {  	_ =	shalt  }
0x59: {  	_ =	shalt  }
0x5a: {  	_ =	shalt  }
0x5b: {  	_ =	shalt  }
0x5c: {  	_ =	shalt  }
0x5d: {  	_ =	shalt  }
0x5e: {  	_ =	shalt  }
0x5f: {  	_ =	shalt  }
0x60: {  	_ =	shalt  }
0x61: {  	_ =	shalt  }
0x62: {  	_ =	shalt  }
0x63: {  	_ =	shalt  }
0x64: {  	_ =	shalt  }
0x65: {  	_ =	shalt  }
0x66: {  	_ =	shalt  }
0x67: {  	_ =	shalt  }
0x68: {  	_ =	shalt  }
0x69: {  	_ =	shalt  }
0x6a: {  	_ =	shalt  }
0x6b: {  	_ =	shalt  }
0x6c: {  	_ =	shalt  }
0x6d: {  	_ =	shalt  }
0x6e: {  	_ =	shalt  }
0x6f: {  	_ =	shalt  }
0x70: {  	_ =	shalt  }
0x71: {  	_ =	shalt  }
0x72: {  	_ =	shalt  }
0x73: {  	_ =	shalt  }
0x74: {  	_ =	shalt  }
0x75: {  	_ =	shalt  }
0x76: {  	_ =	shalt  }
0x77: {  	_ =	shalt  }
0x78: {  	_ =	shalt  }
0x79: {  	_ =	shalt  }
0x7a: {  	_ =	shalt  }
0x7b: {  	_ =	shalt  }
0x7c: {  	_ =	shalt  }
0x7d: {  	_ =	shalt  }
0x7e: {  	_ =	shalt  }
0x7f: {  	_ =	shalt  }
0x80: {  	_ =	shalt  }
0x81: {  	_ =	shalt  }
0x82: {  	_ =	shalt  }
0x83: {  	_ =	shalt  }
0x84: {  	_ =	shalt  }
0x85: {  	_ =	shalt  }
0x86: {  	_ =	shalt  }
0x87: {  	_ =	shalt  }
.Lfunc_end0:
.L_simem_size_0:
called_computation.5_lowered:
.L_overlay_start_0:
0x88: {  	s2 =	sld [smem:$0x3FD9]  }
0x89: {  	s3 =	sld [smem:$0x3FFE];
	_ =	sdelay $0x1  }
0x8a: {  	s1 =	srdreg.scid  }
0x8b: {  	s0 =	sand.u32 $0x1, s1  }
0x8c: {  	s16 =	sshll.u32 s0, $0xA;
	s2 =	sadd.s32 s3, s2  }
0x8d: {  	s2 =	sadd.s32 s2, s16  }
0x8e: {  	[smem:$0x3FBA] =	sst s2  }
0x8f: {  	_ = 	snop  }
0x90: {  	(tm) =	ssettm $0x1  }
0x91: {  	s17 =	sld [smem:$0x3FFB];
	_ =	sdelay $0x3  }
0x92: {  	_ =	strace s17  }
0x93: {  	s2 =	sld [smem:$0x3FFC];
	_ =	sdelay $0x3  }
0x94: {  	_ =	strace s2  }
0x95: {  	s2 =	sld [smem:$0x3FFD];
	_ =	sdelay $0x3  }
0x96: {  	_ =	strace s2  }
0x97: {  	_ =	strace $0x8FFFFFFF  }
0x98: {  	s18 =	sld [smem:$0x3FDB];
	_ =	sdelay $0x1  }
0x99: {  	s19 =	simm.s32 $_scs_section_size  }
0x9a: {  	s4 =	simm.s32 $_size__tile_overlayer_lowered;
	s5 =	simm.s32 $_tile_overlayer_lowered  }
0x9b: {  	s22 =	simm.s32 $0x1BFF;
	s21 =	sshll.u32 s5, $0x1;
	s2 =	sadd.s32 s19, s18  }
0x9c: {  	s6 =	simm.s32 $0x0;
	s20 =	sshll.u32 s4, $0x1;
	s4 =	sadd.s32 s21, s2  }
0x9d: {  	[timem:s6], [sflag:s22] =	dma.local [hbm:s4], s20  }
0x9e: {  	_ =	swait.ge [sflag:s22], s20  }
0x9f: {  	s3 =	ssub.s32 $0x0, s20;
	[sflag:s22] =	ssyncset.done $0x0  }
0xa0: {  	[sflag:s22] =	ssyncadd.s32 s3;
	_ =	sdelay $0x1  }
0xa1: {  	s23 =	simm.s32 $0x1B8B  }
0xa2: {  	_ =	swait.ge [sflag:s23], $0x1  }
0xa3: {  	[sflag:s23] =	ssyncset.done $0x0  }
0xa4: {  	s25 =	simm.s32 $0x1B8E;
	s24 =	sld [smem:$0x3FFE];
	[sflag:s23] =	ssyncadd.s32 $0xFFFFFFFF  }
0xa5: {  	s26 =	simm.s32 $execute0_lowered;
	[smem:$0x3FD2] =	sst s25  }
0xa6: {  	s4 =	sshll.u32 s26, $0x1;
	_ =	strace $0x80000052;
	[dreg:$0x1] =	wrdreg $0xFFFFFFFF  }
0xa7: {  	s28 =	simm.s32 $_size_execute0_lowered;
	s2 =	sadd.s32 s2, s4;
	[dreg:$0x0] =	wrdreg $0x0  }
0xa8: {  	s4 =	sshll.u32 s28, $0x1;
	[dreg:$0x2] =	wrdreg s2  }
0xa9: {  	[dreg:$0x3] =	wrdreg s4  }
0xaa: {  	[dreg:$0x4] =	wrdreg $0xC0  }
0xab: {  	_ =	task [dreg:s6], $0x5FFFF  }
0xac: {  	[dreg:$0x1] =	wrdreg $0xFFFFFFFF  }
0xad: {  	[dreg:$0x0] =	wrdreg $0x60  }
0xae: {  	[dreg:$0x2] =	wrdreg s24  }
0xaf: {  	[dreg:$0x3] =	wrdreg $0xA  }
0xb0: {  	_ =	task.clear_ibuf [dreg:s6], $0x4FFFF;
	_ =	strace $0x90000052  }
0xb1: {  	s29 =	simm.s32 $0xA;
	_ =	strace $0x80000054  }
0xb2: {  	_ =	swait.ge [sflag:s29], $0x1  }
0xb3: {  	[sflag:s29] =	ssyncadd.s32 $0xFFFFFFFF  }
0xb4: {  	_ =	strace $0x90000054  }
0xb5: {  	_ =	sfence  }
0xb6: {  	s30 =	sld [smem:$0x0];
	_ =	sdelay $0x2  }
0xb7: {  	s31 =	sshll.u32 s1, $0xD;
	s1 =	sshrl.u32 s1, $0x2  }
0xb8: {  	s3 =	sand.u32 $0x4000, s31;
	s1 =	sadd.s32 s1, s30  }
0xb9: {  	s0 =	sor.u32 s3, s0;
	s1 =	sshll.u32 s1, $0x11  }
0xba: {  	s0 =	sor.u32 s1, s0  }
0xbb: {  	s0 =	sadd.s32 $0x8F2B, s0  }
0xbc: {  	[sflag:s0] =	ssyncadd.remote.s32 $0x1  }
0xbd: {  	_ =	sfence.sel $0xFFFF  }
0xbe: {  	[dreg:$0x0] =	wrdreg $0xFFFFFFFF;
	(pc) =	sbr.abs _section_cstart, $3  }
0xbf: {  	[dreg:$0x1] =	wrdreg $0xFFFFFFFF  }
0xc0: {  	_ =	task.clear_ibuf [dreg:s6], $0x2FFFF;
	_ =	strace $0x9FFFFFFF  }
0xc1: {  	(tm) =	ssettm $0x7FFFFFFF  }
tec
execute0_lowered:
.L_overlay_start_1:
0x0: {  	(tag) =	ssettag $0x1  }
0x1: {  	s0 =	rddreg [dreg:$0x0];
	s2 =	simm.s32 $0x0  }
0x2: {  	s1 =	srdreg.scid;
	s12 =	stileid.u32;
	s18 =	simm.s32 $0x80  }
0x3: {  	s19 =	simm.s32 $0x200;
	s20 =	simm.s32 $0x4200;
	s21 =	simm.s32 $0x100  }
0x4: {  	s22 =	simm.s32 $0x8200;
	s23 =	simm.s32 $0x180;
	s28 =	simm.s32 $0x2  }
0x5: {  	s29 =	simm.s32 $0x0;
	[smem:$0x7FF] =	sst s2;
	s10 =	smul.u32 $0x2800, s12  }
0x6: {  	s1 =	sand.u32 $0x1, s1;
	s3 =	sshll.u32 s12, $0x1;
	s16 =	smul.u32 $0x140000, s12  }
0x7: {  	s15 =	sadd.s32 $0x86400, s0;
	_ =	strace $0x80000053;
	s11 =	smul.u32 $0x1400, s1  }
0x8: {  	s4 =	sor.u32 s1, s3;
	s5 =	ssub.s32 $0x2, s1;
	s1 =	smul.u32 $0xA0000, s1  }
0x9: {  	s3 =	sadd.s32 $0x46400, s0;
	s6 =	smul.u32 $0x1400, s4;
	s7 =	sshrl.u32 s5, $0x1  }
0xa: {  	s0 =	sadd.s32 $0x8B400, s0;
	s8 =	smul.u32 $0xA0000, s4;
	s5 =	ssub.s32 s5, s7  }
0xb: {  	s14 =	sadd.s32 s11, s10;
	s1 =	sadd.s32 s1, s16;
	s24 =	sshrl.u32 s6, $0x3  }
0xc: {  	s9 =	sor.u32 $0x200, s6;
	s5 =	smax.u32 s5, $0x1;
	s25 =	sshrl.u32 s8, $0x3  }
0xd: {  	s31 =	sadd.s32 $0x400, s14;
	s16 =	sor.u32 $0x10000, s1;
	s1 =	sor.u32 $0x18000, s1  }
0xe: {  	s14 =	sor.u32 $0x300, s14;
	s4 =	sadd.s32 s15, s24;
	[dreg:$0x2] =	wrdreg s5  }
0xf: {  	s7 =	sadd.s32 s0, s25;
	s30 =	sshrl.u32 s9, $0x3;
	s13 =	sshrl.u32 s31, $0x3  }
0x10: {  	s16 =	sshrl.u32 s16, $0x3;
	s1 =	sshrl.u32 s1, $0x3;
	s17 =	sshrl.u32 s14, $0x3  }
0x11: {  	s24 =	simm.s32 $0xC200;
	s25 =	simm.s32 $0x1;
	s26 =	sadd.s32 $0x20, s4  }
0x12: {  	s8 =	sadd.s32 s15, s30;
	s9 =	sadd.s32 $0x1000, s7;
	s10 =	sadd.s32 $0x260, s4  }
0x13: {  	s11 =	sadd.s32 $0x12000, s7;
	s12 =	sadd.s32 $0x13000, s7;
	s13 =	sadd.s32 s13, s15  }
0x14: {  	s14 =	sadd.s32 s16, s0;
	s1 =	sadd.s32 s1, s0;
	s16 =	sadd.s32 s17, s15  }
0x15: {  	s17 =	simm.s32 $0x4;
	[dreg:$0x3] =	wrdreg s26;
	s26 =	simm.s32 $0x3  }
.LBB2_1:
0x16: {  	[tilespmem:s2], [sflag:$0x4] =	stream.linear.gather [hbm4b:s4+s2], $0x100, $0x38;
	[tilespmem:$0x10200] =	vst v63  }
0x17: {  	_ =	swait.ge [sflag:s17], $0x100  }
0x18: {  	[sflag:s17] =	ssyncset.done $0x0  }
0x19: {  	[sflag:s17] =	ssyncadd.s32 $0xFFFFFF00  }
0x1a: {  	[tilespmem:s19], [sflag:$0x1] =	stream.indirect.gather [hbm4b:s3+s18], $0x80, s2, s18, $0xb8;
	[tilespmem:$0x10200] =	vst v63  }
0x1b: {  	_ = 	snop  }
0x1c: {  	[tilespmem:s20], [sflag:$0x1] =	stream.indirect.gather [hbm4b:s3+s18], $0x80, s18, s18, $0xb8;
	[tilespmem:$0x10200] =	vst v63  }
0x1d: {  	s0 =	rddreg [dreg:$0x3]  }
0x1e: {  	[tilespmem:s21], [sflag:$0x4] =	stream.linear.gather [hbm4b:s0+s2], $0x100, $0x38;
	[tilespmem:$0x10200] =	vst v63  }
0x1f: {  	_ =	swait.ge [sflag:s17], $0x100  }
0x20: {  	[sflag:s17] =	ssyncset.done $0x0  }
0x21: {  	[sflag:s17] =	ssyncadd.s32 $0xFFFFFF00  }
0x22: {  	[tilespmem:s22], [sflag:$0x2] =	stream.indirect.gather [hbm4b:s3+s18], $0x80, s21, s18, $0xb8;
	[tilespmem:$0x10200] =	vst v63  }
0x23: {  	_ = 	snop  }
0x24: {  	[tilespmem:s24], [sflag:$0x2] =	stream.indirect.gather [hbm4b:s3+s18], $0x80, s23, s18, $0xb8;
	[tilespmem:$0x10200] =	vst v63  }
0x25: {  	_ =	swait.ge [sflag:s25], $0x4000  }
0x26: {  	[sflag:s25] =	ssyncset.done $0x0  }
0x27: {  	[sflag:s25] =	ssyncadd.s32 $0xFFFFC000  }
0x28: {  	_ =	swait.ge [sflag:s25], $0x4000  }
0x29: {  	[sflag:s25] =	ssyncset.done $0x0  }
0x2a: {  	[sflag:s25] =	ssyncadd.s32 $0xFFFFC000  }
0x2b: {  	[hbm4b:s7+s2] =	stream.linear.scatter [tilespmem:s19], [sflag:$0x3], $0x8000, $0x38;
	[tilespmem:$0x10200] =	vst v63  }
0x2c: {  	_ =	swait.ge [sflag:s26], $0x8000  }
0x2d: {  	[sflag:s26] =	ssyncset.done $0x0  }
0x2e: {  	[sflag:s26] =	ssyncadd.s32 $0xFFFF8000  }
0x2f: {  	[tilespmem:s2], [sflag:$0x4] =	stream.linear.gather [hbm4b:s8+s2], $0x100, $0x38;
	[tilespmem:$0x10200] =	vst v63  }
0x30: {  	_ =	swait.ge [sflag:s17], $0x100  }
0x31: {  	[sflag:s17] =	ssyncset.done $0x0  }
0x32: {  	[sflag:s17] =	ssyncadd.s32 $0xFFFFFF00  }
0x33: {  	[tilespmem:s19], [sflag:$0x1] =	stream.indirect.gather [hbm4b:s3+s18], $0x80, s2, s18, $0xb8;
	[tilespmem:$0x10200] =	vst v63  }
0x34: {  	_ = 	snop  }
0x35: {  	[tilespmem:s20], [sflag:$0x1] =	stream.indirect.gather [hbm4b:s3+s18], $0x80, s18, s18, $0xb8;
	[tilespmem:$0x10200] =	vst v63  }
0x36: {  	_ =	swait.ge [sflag:s28], $0x4000  }
0x37: {  	[sflag:s28] =	ssyncset.done $0x0  }
0x38: {  	[sflag:s28] =	ssyncadd.s32 $0xFFFFC000  }
0x39: {  	_ =	swait.ge [sflag:s28], $0x4000  }
0x3a: {  	[sflag:s28] =	ssyncset.done $0x0  }
0x3b: {  	[sflag:s28] =	ssyncadd.s32 $0xFFFFC000  }
0x3c: {  	[hbm4b:s9+s2] =	stream.linear.scatter [tilespmem:s22], [sflag:$0x3], $0x8000, $0x38;
	[tilespmem:$0x10200] =	vst v63  }
0x3d: {  	_ =	swait.ge [sflag:s26], $0x8000  }
0x3e: {  	[sflag:s26] =	ssyncset.done $0x0  }
0x3f: {  	s6 =	sadd.s32 $0x0, s16;
	[sflag:s26] =	ssyncadd.s32 $0xFFFF8000  }
0x40: {  	[tilespmem:s21], [sflag:$0x4] =	stream.linear.gather [hbm4b:s6+s2], $0x100, $0x38;
	[tilespmem:$0x10200] =	vst v63  }
0x41: {  	_ =	swait.ge [sflag:s17], $0x100  }
0x42: {  	[sflag:s17] =	ssyncset.done $0x0  }
0x43: {  	[sflag:s17] =	ssyncadd.s32 $0xFFFFFF00  }
0x44: {  	[tilespmem:s22], [sflag:$0x2] =	stream.indirect.gather [hbm4b:s3+s18], $0x80, s21, s18, $0xb8;
	[tilespmem:$0x10200] =	vst v63  }
0x45: {  	_ = 	snop  }
0x46: {  	[tilespmem:s24], [sflag:$0x2] =	stream.indirect.gather [hbm4b:s3+s18], $0x80, s23, s18, $0xb8;
	[tilespmem:$0x10200] =	vst v63  }
0x47: {  	_ =	swait.ge [sflag:s25], $0x4000  }
0x48: {  	[sflag:s25] =	ssyncset.done $0x0  }
0x49: {  	[sflag:s25] =	ssyncadd.s32 $0xFFFFC000  }
0x4a: {  	_ =	swait.ge [sflag:s25], $0x4000  }
0x4b: {  	[sflag:s25] =	ssyncset.done $0x0  }
0x4c: {  	[sflag:s25] =	ssyncadd.s32 $0xFFFFC000  }
0x4d: {  	[hbm4b:s14+s2] =	stream.linear.scatter [tilespmem:s19], [sflag:$0x3], $0x8000, $0x38;
	[tilespmem:$0x10200] =	vst v63  }
0x4e: {  	_ =	swait.ge [sflag:s26], $0x8000  }
0x4f: {  	[sflag:s26] =	ssyncset.done $0x0  }
0x50: {  	s15 =	sadd.s32 $0x0, s13;
	[sflag:s26] =	ssyncadd.s32 $0xFFFF8000  }
0x51: {  	[tilespmem:s2], [sflag:$0x4] =	stream.linear.gather [hbm4b:s15+s2], $0x100, $0x38;
	[tilespmem:$0x10200] =	vst v63  }
0x52: {  	_ =	swait.ge [sflag:s17], $0x100  }
0x53: {  	[sflag:s17] =	ssyncset.done $0x0  }
0x54: {  	[sflag:s17] =	ssyncadd.s32 $0xFFFFFF00  }
0x55: {  	[tilespmem:s19], [sflag:$0x1] =	stream.indirect.gather [hbm4b:s3+s18], $0x80, s2, s18, $0xb8;
	[tilespmem:$0x10200] =	vst v63  }
0x56: {  	_ = 	snop  }
0x57: {  	[tilespmem:s20], [sflag:$0x1] =	stream.indirect.gather [hbm4b:s3+s18], $0x80, s18, s18, $0xb8;
	[tilespmem:$0x10200] =	vst v63  }
0x58: {  	_ =	swait.ge [sflag:s28], $0x4000  }
0x59: {  	[sflag:s28] =	ssyncset.done $0x0  }
0x5a: {  	[sflag:s28] =	ssyncadd.s32 $0xFFFFC000  }
0x5b: {  	_ =	swait.ge [sflag:s28], $0x4000  }
0x5c: {  	s30 =	simm.s32 $0x40;
	s31 =	sadd.s32 $0x2000, s14;
	[sflag:s28] =	ssyncset.done $0x0  }
0x5d: {  	s0 =	sadd.s32 $0x2000, s1;
	s15 =	smov.u32 s1;
	[sflag:s28] =	ssyncadd.s32 $0xFFFFC000  }
.LBB2_2:
0x5e: {  	[hbm4b:s15+s2] =	stream.linear.scatter [tilespmem:s22], [sflag:$0x3], $0x8000, $0x38;
	[tilespmem:$0x10200] =	vst v63  }
0x5f: {  	s5 =	smov.u32 s30;
	s15 =	smov.u32 s0  }
0x60: {  	p0 =	sne.s32 s30, $0x1C0;
	s30 =	sadd.s32 $0x40, s30;
	_ =	swait.ge [sflag:s26], $0x8000  }
0x61: {  	[sflag:s26] =	ssyncset.done $0x0  }
0x62: {  	s6 =	sadd.s32 s5, s16;
	[sflag:s26] =	ssyncadd.s32 $0xFFFF8000  }
0x63: {  	[tilespmem:s21], [sflag:$0x4] =	stream.linear.gather [hbm4b:s6+s2], $0x100, $0x38;
	[tilespmem:$0x10200] =	vst v63  }
0x64: {  	_ =	swait.ge [sflag:s17], $0x100  }
0x65: {  	[sflag:s17] =	ssyncset.done $0x0  }
0x66: {  	[sflag:s17] =	ssyncadd.s32 $0xFFFFFF00  }
0x67: {  	[tilespmem:s22], [sflag:$0x2] =	stream.indirect.gather [hbm4b:s3+s18], $0x80, s21, s18, $0xb8;
	[tilespmem:$0x10200] =	vst v63  }
0x68: {  	_ = 	snop  }
0x69: {  	[tilespmem:s24], [sflag:$0x2] =	stream.indirect.gather [hbm4b:s3+s18], $0x80, s23, s18, $0xb8;
	[tilespmem:$0x10200] =	vst v63  }
0x6a: {  	_ =	swait.ge [sflag:s25], $0x4000  }
0x6b: {  	[sflag:s25] =	ssyncset.done $0x0  }
0x6c: {  	[sflag:s25] =	ssyncadd.s32 $0xFFFFC000  }
0x6d: {  	_ =	swait.ge [sflag:s25], $0x4000  }
0x6e: {  	[sflag:s25] =	ssyncset.done $0x0  }
0x6f: {  	[sflag:s25] =	ssyncadd.s32 $0xFFFFC000  }
0x70: {  	[hbm4b:s31+s2] =	stream.linear.scatter [tilespmem:s19], [sflag:$0x3], $0x8000, $0x38;
	[tilespmem:$0x10200] =	vst v63  }
0x71: {  	_ =	swait.ge [sflag:s26], $0x8000  }
0x72: {  	[sflag:s26] =	ssyncset.done $0x0  }
0x73: {  	s5 =	sadd.s32 s5, s13;
	[sflag:s26] =	ssyncadd.s32 $0xFFFF8000  }
0x74: {  	[tilespmem:s2], [sflag:$0x4] =	stream.linear.gather [hbm4b:s5+s2], $0x100, $0x38;
	[tilespmem:$0x10200] =	vst v63  }
0x75: {  	_ =	swait.ge [sflag:s17], $0x100  }
0x76: {  	[sflag:s17] =	ssyncset.done $0x0  }
0x77: {  	[sflag:s17] =	ssyncadd.s32 $0xFFFFFF00  }
0x78: {  	[tilespmem:s19], [sflag:$0x1] =	stream.indirect.gather [hbm4b:s3+s18], $0x80, s2, s18, $0xb8;
	[tilespmem:$0x10200] =	vst v63  }
0x79: {  	_ = 	snop  }
0x7a: {  	[tilespmem:s20], [sflag:$0x1] =	stream.indirect.gather [hbm4b:s3+s18], $0x80, s18, s18, $0xb8;
	[tilespmem:$0x10200] =	vst v63  }
0x7b: {  	_ =	swait.ge [sflag:s28], $0x4000  }
.Ltmp0:
0x7c: {  	[sflag:s28] =	ssyncset.done $0x0;
	(pc) =	sbr.rel @p0 .LBB2_2-.Ltmp0, $4  }
0x7d: {  	[sflag:s28] =	ssyncadd.s32 $0xFFFFC000  }
0x7e: {  	_ =	swait.ge [sflag:s28], $0x4000  }
0x7f: {  	[sflag:s28] =	ssyncset.done $0x0  }
0x80: {  	s0 =	sadd.s32 $0x2000, s0;
	s31 =	sadd.s32 $0x2000, s31;
	[sflag:s28] =	ssyncadd.s32 $0xFFFFC000  }
0x81: {  	[hbm4b:s15+s2] =	stream.linear.scatter [tilespmem:s22], [sflag:$0x3], $0x8000, $0x38;
	[tilespmem:$0x10200] =	vst v63  }
0x82: {  	_ =	swait.ge [sflag:s26], $0x8000  }
0x83: {  	[sflag:s26] =	ssyncset.done $0x0  }
0x84: {  	[sflag:s26] =	ssyncadd.s32 $0xFFFF8000  }
0x85: {  	[tilespmem:s21], [sflag:$0x4] =	stream.linear.gather [hbm4b:s10+s2], $0x100, $0x38;
	[tilespmem:$0x10200] =	vst v63  }
0x86: {  	_ =	swait.ge [sflag:s17], $0x100  }
0x87: {  	[sflag:s17] =	ssyncset.done $0x0  }
0x88: {  	[sflag:s17] =	ssyncadd.s32 $0xFFFFFF00  }
0x89: {  	[tilespmem:s22], [sflag:$0x2] =	stream.indirect.gather [hbm4b:s3+s18], $0x80, s21, s18, $0xb8;
	[tilespmem:$0x10200] =	vst v63  }
0x8a: {  	_ = 	snop  }
0x8b: {  	[tilespmem:s24], [sflag:$0x2] =	stream.indirect.gather [hbm4b:s3+s18], $0x80, s23, s18, $0xb8;
	[tilespmem:$0x10200] =	vst v63  }
0x8c: {  	_ =	swait.ge [sflag:s25], $0x4000  }
0x8d: {  	[sflag:s25] =	ssyncset.done $0x0  }
0x8e: {  	[sflag:s25] =	ssyncadd.s32 $0xFFFFC000  }
0x8f: {  	_ =	swait.ge [sflag:s25], $0x4000  }
0x90: {  	[sflag:s25] =	ssyncset.done $0x0  }
0x91: {  	[sflag:s25] =	ssyncadd.s32 $0xFFFFC000  }
0x92: {  	[hbm4b:s11+s2] =	stream.linear.scatter [tilespmem:s19], [sflag:$0x3], $0x8000, $0x38;
	[tilespmem:$0x10200] =	vst v63  }
0x93: {  	_ =	swait.ge [sflag:s26], $0x8000  }
0x94: {  	[sflag:s26] =	ssyncset.done $0x0  }
0x95: {  	[sflag:s26] =	ssyncadd.s32 $0xFFFF8000  }
0x96: {  	_ =	swait.ge [sflag:s28], $0x4000  }
0x97: {  	[sflag:s28] =	ssyncset.done $0x0  }
0x98: {  	[sflag:s28] =	ssyncadd.s32 $0xFFFFC000  }
0x99: {  	_ =	swait.ge [sflag:s28], $0x4000  }
0x9a: {  	[sflag:s28] =	ssyncset.done $0x0  }
0x9b: {  	[sflag:s28] =	ssyncadd.s32 $0xFFFFC000  }
0x9c: {  	[hbm4b:s12+s2] =	stream.linear.scatter [tilespmem:s22], [sflag:$0x3], $0x8000, $0x38;
	[tilespmem:$0x10200] =	vst v63  }
0x9d: {  	_ =	swait.ge [sflag:s26], $0x8000  }
0x9e: {  	s29 =	sadd.s32 $0x1, s29;
	s0 =	rddreg [dreg:$0x2]  }
0x9f: {  	p0 =	sne.s32 s29, s0  }
.Ltmp1:
0xa0: {  	_ = 	snop;
	(pc) =	sbr.rel @p0 .LBB2_1-.Ltmp1, $3  }
0xa1: {  	_ =	sdelay $0x1  }
0xa2: {  	[sflag:s26] =	ssyncset.done $0x0  }
0xa3: {  	[sflag:s26] =	ssyncadd.s32 $0xFFFF8000  }
0xa4: {  	_ =	sfence.sel $0x180000  }
0xa5: {  	[bflag:$0x0] =	sbarrier.arrive $0xFFFF  }
0xa6: {  	_ =	strace $0x90000053  }
0xa7: {  	s0 =	stileid.u32;
	[bflag:$0x2] =	sbarrier.arrive $0xFFFF  }
0xa8: {  	p0 =	sne.s32 s0, $0x0;
	s0 =	rddreg [dreg:$0x1]  }
0xa9: {  	s0 =	sadd.s32 @!p0 $0x100000, s0  }
0xaa: {  	[sflag:s0] =	ssyncadd.tile.s32 @!p0 $0x1;
	_ =	shalt  }
.Lfunc_end2:
_tile_overlayer_lowered:
.L_overlay_start_2:
0xab: {  	(tag) =	ssettag $0x2  }
0xac: {  	s0 =	rddreg [dreg:$0x0];
	s2 =	stileid.u32  }
0xad: {  	s1 =	rddreg [dreg:$0x1];
	p0 =	sne.s32 s2, $0x0  }
0xae: {  	s3 =	rddreg [dreg:$0x2];
	[bflag:$0x3] =	sbarrier.arrive $0xFFFF;
	s2 =	simm.s32 @!p0 $0x1C04  }
0xaf: {  	[timem:s3], [sflag:s2] =	dma.local @!p0 [hbm:s0], s1  }
0xb0: {  	s0 =	simm.s32 @!p0 $0x4  }
0xb1: {  	_ =	swait.ge @!p0 [sflag:s0], s1  }
0xb2: {  	s1 =	ssub.s32 @!p0 $0x0, s1;
	[sflag:s0] =	ssyncset.done @!p0 $0x0  }
0xb3: {  	[sflag:s0] =	ssyncadd.s32 @!p0 s1  }
0xb4: {  	[bflag:$0x3] =	sbarrier.arrive $0xFFFF  }
0xb5: {  	_ =	shalt  }

</sc_bundles>
